<compile_context>
chip_gen: v7x
topology: tpu7x:2x2x1
jax: 0.10.2.dev20260603
libtpu: 0.0.44.dev20260713+nightly
codegen_flags: <defaults>
</compile_context>

<pallas_src>
import functools

import jax
import jax.numpy as jnp
from jax import lax
from jax.experimental import pallas as pl
from jax.experimental.pallas import tpu as pltpu
from jax.experimental.pallas import tpu_sc as plsc


def _make_gather(V, D, B):
    info = plsc.get_sparse_core_info()
    NC, NS = info.num_cores, info.num_subcores
    NW = NC * NS
    assert B % (8 * NW) == 0 and V % 8 == 0
    b_per_w = B // NW
    mesh = plsc.VectorSubcoreMesh(core_axis_name="c", subcore_axis_name="s")

    @functools.partial(
        pl.kernel,
        mesh=mesh,
        out_type=jax.ShapeDtypeStruct((B, D), jnp.float32),
        scratch_types=[
            pltpu.VMEM((b_per_w,), jnp.int32),
            pltpu.VMEM((b_per_w, D), jnp.float32),
            pltpu.SemaphoreType.DMA,
            pltpu.SemaphoreType.DMA,
            pltpu.SemaphoreType.DMA,
            pltpu.SemaphoreType.DMA,
        ],
    )
    def gather_kernel(y_hbm, table_hbm, out_hbm, y_v, rows_v, *sems):
        wid = lax.axis_index("s") * NC + lax.axis_index("c")
        base = wid * b_per_w
        pltpu.sync_copy(y_hbm.at[pl.ds(base, b_per_w)], y_v)

        n_chunks = len(sems)
        C = b_per_w // n_chunks

        for c in range(n_chunks):
            @pl.loop(0, C // 16, unroll=2)
            def _(k, c=c):
                vec = y_v[pl.ds(c * C + k * 16, 16)]
                t = vec >> 3
                s = vec & 7
                for j in range(16):
                    pltpu.async_copy(
                        table_hbm.at[t[j], s[j]],
                        rows_v.at[c * C + k * 16 + j],
                        sems[c],
                    )

        for c in range(n_chunks):
            rows_c = rows_v.at[pl.ds(c * C, C)]
            dst = out_hbm.at[pl.ds(base + c * C, C)]
            pltpu.make_async_copy(dst, rows_c, sems[c]).wait()
            pltpu.sync_copy(rows_c, dst)

    return gather_kernel


@jax.jit
def kernel(y, table):
    B, = y.shape
    V, D = table.shape
    table3 = table.reshape(V // 8, 8, D)
    return _make_gather(V, D, B)(y.astype(jnp.int32), table3)

# --- scband reference (transcript-rebuilt; emitter-appended) ---
"""Pipeline reference for scband-label-embedding-26499948216747 (READ-ONLY COPY).

The authoritative reference and input builder live on the scoring server;
editing this copy changes nothing except your own understanding.
"""

import jax, jax.numpy as jnp
import numpy as np

NUM_CLASSES = 1000000
EMBED_DIM = 64
BATCH = 16384

def setup_inputs(seed: int = 0) -> dict:
    key = jax.random.key(seed)
    k1, k2 = jax.random.split(key)
    y = jax.random.randint(k1, (BATCH,), 0, NUM_CLASSES, dtype=jnp.int64 if jax.config.jax_enable_x64 else jnp.int32)
    table = jax.random.normal(k2, (NUM_CLASSES, EMBED_DIM), dtype=jnp.float32)
    return {"y": y, "table": table}

def reference(y, table):
    # nn.Embedding forward: gather rows of the embedding table
    return jnp.take(table, y, axis=0)

if __name__ == "__main__":
    import jax
    _d = setup_inputs()
    print(jax.jit(kernel)(*tuple(_d.values())))

</pallas_src>

<mosaic_0001>
#map = affine_map<(d0, d1) -> (0)>
#map1 = affine_map<(d0, d1) -> (0, 0, 0)>
#map2 = affine_map<(d0, d1) -> (0, 0)>
module attributes {stable_mosaic.version = 14 : i64} {
  func.func @gather_kernel(%arg0: i32, %arg1: i32, %arg2: memref<16384xi32, #tpu.memory_space<hbm>>, %arg3: memref<125000x8x64xf32, #tpu.memory_space<hbm>>, %arg4: memref<16384x64xf32, #tpu.memory_space<hbm>>, %arg5: memref<512xi32, #tpu.memory_space<vmem>>, %arg6: memref<512x64xf32, #tpu.memory_space<vmem>>, %arg7: memref<!tpu.dma_semaphore, #tpu.memory_space<semaphore_mem>>, %arg8: memref<!tpu.dma_semaphore, #tpu.memory_space<semaphore_mem>>, %arg9: memref<!tpu.dma_semaphore, #tpu.memory_space<semaphore_mem>>, %arg10: memref<!tpu.dma_semaphore, #tpu.memory_space<semaphore_mem>>) attributes {dimension_semantics = [#tpu.dimension_semantics<core_parallel>, #tpu.dimension_semantics<subcore_parallel>], iteration_bounds = array<i64: 2, 16>, scalar_prefetch = 0 : i64, scratch_operands = 6 : i64, tpu.core_type = #tpu.core_type<sc_vector_subcore>, window_params = [{transform_indices = #map}, {transform_indices = #map1}, {transform_indices = #map2}]} {
    %mul3A = arith.constant 2 : i32
    %mul3A_0 = arith.muli %arg1, %mul3A : i32
    %add3A = arith.addi %mul3A_0, %arg0 : i32
    %mul3A_1 = arith.constant 512 : i32
    %mul3A_2 = arith.muli %add3A, %mul3A_1 : i32
    "tpu.region"() ({
      %run_scoped3A = tpu.sem_alloc : memref<!tpu.dma_semaphore, #tpu.memory_space<semaphore_mem>>
      %dma_start3A = tpu.memref_slice %arg2[%mul3A_2] : memref<16384xi32, #tpu.memory_space<hbm>> -> memref<512xi32, #tpu.memory_space<hbm>>
      %dma_start3A_69 = tpu.memref_slice %arg2[%mul3A_2] : memref<16384xi32, #tpu.memory_space<hbm>> -> memref<512xi32, #tpu.memory_space<hbm>>
      tpu.enqueue_dma source(%dma_start3A_69 : memref<512xi32, #tpu.memory_space<hbm>>) target(%arg5 : memref<512xi32, #tpu.memory_space<vmem>>) target_semaphore(%run_scoped3A : memref<!tpu.dma_semaphore, #tpu.memory_space<semaphore_mem>>)
      %dma_wait3A_70 = tpu.memref_slice %arg2[%mul3A_2] : memref<16384xi32, #tpu.memory_space<hbm>> -> memref<512xi32, #tpu.memory_space<hbm>>
      %dma_wait3A_71 = tpu.memref_slice %arg2[%mul3A_2] : memref<16384xi32, #tpu.memory_space<hbm>> -> memref<512xi32, #tpu.memory_space<hbm>>
      tpu.wait_dma2 semaphore(%run_scoped3A : memref<!tpu.dma_semaphore, #tpu.memory_space<semaphore_mem>>) src(%dma_wait3A_71 : memref<512xi32, #tpu.memory_space<hbm>>) dst(%arg5 : memref<512xi32, #tpu.memory_space<vmem>>)
      tpu.yield
    }) : () -> ()
    %scan3A = arith.constant 0 : i32
    %scan3A_3 = arith.constant 8 : i32
    %scan3A_4 = arith.addi %scan3A, %scan3A_3 : i32
    %scan3A_5 = arith.constant 2 : i32
    scf.for %scan3A_69 = %scan3A to %scan3A_4 step %scan3A_5  : i32 {
      %mul3A_70 = arith.constant 1 : i32
      %mul3A_71 = arith.muli %scan3A_69, %mul3A_70 : i32
      %add3A_72 = arith.constant 0 : i32
      %add3A_73 = arith.addi %add3A_72, %mul3A_71 : i32
      %mul3A_74 = arith.constant 16 : i32
      %mul3A_75 = arith.muli %add3A_73, %mul3A_74 : i32
      %add3A_76 = arith.constant 0 : i32
      %add3A_77 = arith.addi %add3A_76, %mul3A_75 : i32
      %get3A = arith.index_cast %add3A_77 : i32 to index
      %get3A_78 = tpu.vector_load %arg5[%get3A] {strides = array<i32>} : memref<512xi32, #tpu.memory_space<vmem>>, vector<16xi32>,
      %get3A_79 = vector.shape_cast %get3A_78 : vector<16xi32> to vector<16xi32>
      %shift_right_arithmetic3A = arith.constant 3 : i32
      %shift_right_arithmetic3A_80 = vector.broadcast %shift_right_arithmetic3A : i32 to vector<16xi32>
      %shift_right_arithmetic3A_81 = arith.shrsi %get3A_79, %shift_right_arithmetic3A_80 : vector<16xi32>
      %and3A = arith.constant 7 : i32
      %and3A_82 = vector.broadcast %and3A : i32 to vector<16xi32>
      %and3A_83 = arith.andi %get3A_79, %and3A_82 : vector<16xi32>
      %slice3A = vector.extract_strided_slice %shift_right_arithmetic3A_81 {offsets = [0], sizes = [1], strides = [1]} : vector<16xi32> to vector<1xi32>
      %squeeze3A = vector.extract %slice3A[0] : i32 from vector<1xi32>
      %slice3A_84 = vector.extract_strided_slice %and3A_83 {offsets = [0], sizes = [1], strides = [1]} : vector<16xi32> to vector<1xi32>
      %squeeze3A_85 = vector.extract %slice3A_84[0] : i32 from vector<1xi32>
      %mul3A_86 = arith.constant 16 : i32
      %mul3A_87 = arith.muli %add3A_73, %mul3A_86 : i32
      %add3A_88 = arith.constant 0 : i32
      %add3A_89 = arith.addi %add3A_88, %mul3A_87 : i32
      %add3A_90 = arith.constant 0 : i32
      %add3A_91 = arith.addi %add3A_89, %add3A_90 : i32
      %dma_start3A = arith.constant 0 : i32
      %dma_start3A_92 = tpu.memref_slice %arg6[%add3A_91, %dma_start3A] : memref<512x64xf32, #tpu.memory_space<vmem>> -> memref<1x64xf32, #tpu.memory_space<vmem>>
      %dma_start3A_93 = tpu.memref_squeeze %dma_start3A_92 : memref<1x64xf32, #tpu.memory_space<vmem>> -> memref<64xf32, #tpu.memory_space<vmem>>
      %dma_start3A_94 = arith.constant 0 : i32
      %dma_start3A_95 = tpu.memref_slice %arg3[%squeeze3A, %squeeze3A_85, %dma_start3A_94] : memref<125000x8x64xf32, #tpu.memory_space<hbm>> -> memref<1x1x64xf32, #tpu.memory_space<hbm>>
      %dma_start3A_96 = tpu.memref_squeeze %dma_start3A_95 : memref<1x1x64xf32, #tpu.memory_space<hbm>> -> memref<64xf32, #tpu.memory_space<hbm>>
      %dma_start3A_97 = arith.constant 0 : i32
      %dma_start3A_98 = tpu.memref_slice %arg6[%add3A_91, %dma_start3A_97] : memref<512x64xf32, #tpu.memory_space<vmem>> -> memref<1x64xf32, #tpu.memory_space<vmem>>
      %dma_start3A_99 = tpu.memref_squeeze %dma_start3A_98 : memref<1x64xf32, #tpu.memory_space<vmem>> -> memref<64xf32, #tpu.memory_space<vmem>>
      %dma_start3A_100 = arith.constant 0 : i32
      %dma_start3A_101 = tpu.memref_slice %arg3[%squeeze3A, %squeeze3A_85, %dma_start3A_100] : memref<125000x8x64xf32, #tpu.memory_space<hbm>> -> memref<1x1x64xf32, #tpu.memory_space<hbm>>
      %dma_start3A_102 = tpu.memref_squeeze %dma_start3A_101 : memref<1x1x64xf32, #tpu.memory_space<hbm>> -> memref<64xf32, #tpu.memory_space<hbm>>
      tpu.enqueue_dma source(%dma_start3A_102 : memref<64xf32, #tpu.memory_space<hbm>>) target(%dma_start3A_99 : memref<64xf32, #tpu.memory_space<vmem>>) target_semaphore(%arg7 : memref<!tpu.dma_semaphore, #tpu.memory_space<semaphore_mem>>)
      %slice3A_103 = vector.extract_strided_slice %shift_right_arithmetic3A_81 {offsets = [1], sizes = [1], strides = [1]} : vector<16xi32> to vector<1xi32>
      %squeeze3A_104 = vector.extract %slice3A_103[0] : i32 from vector<1xi32>
      %slice3A_105 = vector.extract_strided_slice %and3A_83 {offsets = [1], sizes = [1], strides = [1]} : vector<16xi32> to vector<1xi32>
      %squeeze3A_106 = vector.extract %slice3A_105[0] : i32 from vector<1xi32>
      %mul3A_107 = arith.constant 16 : i32
      %mul3A_108 = arith.muli %add3A_73, %mul3A_107 : i32
      %add3A_109 = arith.constant 0 : i32
      %add3A_110 = arith.addi %add3A_109, %mul3A_108 : i32
      %add3A_111 = arith.constant 1 : i32
      %add3A_112 = arith.addi %add3A_110, %add3A_111 : i32
      %dma_start3A_113 = arith.constant 0 : i32
      %dma_start3A_114 = tpu.memref_slice %arg6[%add3A_112, %dma_start3A_113] : memref<512x64xf32, #tpu.memory_space<vmem>> -> memref<1x64xf32, #tpu.memory_space<vmem>>
      %dma_start3A_115 = tpu.memref_squeeze %dma_start3A_114 : memref<1x64xf32, #tpu.memory_space<vmem>> -> memref<64xf32, #tpu.memory_space<vmem>>
      %dma_start3A_116 = arith.constant 0 : i32
      %dma_start3A_117 = tpu.memref_slice %arg3[%squeeze3A_104, %squeeze3A_106, %dma_start3A_116] : memref<125000x8x64xf32, #tpu.memory_space<hbm>> -> memref<1x1x64xf32, #tpu.memory_space<hbm>>
      %dma_start3A_118 = tpu.memref_squeeze %dma_start3A_117 : memref<1x1x64xf32, #tpu.memory_space<hbm>> -> memref<64xf32, #tpu.memory_space<hbm>>
      %dma_start3A_119 = arith.constant 0 : i32
      %dma_start3A_120 = tpu.memref_slice %arg6[%add3A_112, %dma_start3A_119] : memref<512x64xf32, #tpu.memory_space<vmem>> -> memref<1x64xf32, #tpu.memory_space<vmem>>
      %dma_start3A_121 = tpu.memref_squeeze %dma_start3A_120 : memref<1x64xf32, #tpu.memory_space<vmem>> -> memref<64xf32, #tpu.memory_space<vmem>>
      %dma_start3A_122 = arith.constant 0 : i32
      %dma_start3A_123 = tpu.memref_slice %arg3[%squeeze3A_104, %squeeze3A_106, %dma_start3A_122] : memref<125000x8x64xf32, #tpu.memory_space<hbm>> -> memref<1x1x64xf32, #tpu.memory_space<hbm>>
      %dma_start3A_124 = tpu.memref_squeeze %dma_start3A_123 : memref<1x1x64xf32, #tpu.memory_space<hbm>> -> memref<64xf32, #tpu.memory_space<hbm>>
      tpu.enqueue_dma source(%dma_start3A_124 : memref<64xf32, #tpu.memory_space<hbm>>) target(%dma_start3A_121 : memref<64xf32, #tpu.memory_space<vmem>>) target_semaphore(%arg7 : memref<!tpu.dma_semaphore, #tpu.memory_space<semaphore_mem>>)
      %slice3A_125 = vector.extract_strided_slice %shift_right_arithmetic3A_81 {offsets = [2], sizes = [1], strides = [1]} : vector<16xi32> to vector<1xi32>
      %squeeze3A_126 = vector.extract %slice3A_125[0] : i32 from vector<1xi32>
      %slice3A_127 = vector.extract_strided_slice %and3A_83 {offsets = [2], sizes = [1], strides = [1]} : vector<16xi32> to vector<1xi32>
      %squeeze3A_128 = vector.extract %slice3A_127[0] : i32 from vector<1xi32>
      %mul3A_129 = arith.constant 16 : i32
      %mul3A_130 = arith.muli %add3A_73, %mul3A_129 : i32
      %add3A_131 = arith.constant 0 : i32
      %add3A_132 = arith.addi %add3A_131, %mul3A_130 : i32
      %add3A_133 = arith.constant 2 : i32
      %add3A_134 = arith.addi %add3A_132, %add3A_133 : i32
      %dma_start3A_135 = arith.constant 0 : i32
      %dma_start3A_136 = tpu.memref_slice %arg6[%add3A_134, %dma_start3A_135] : memref<512x64xf32, #tpu.memory_space<vmem>> -> memref<1x64xf32, #tpu.memory_space<vmem>>
      %dma_start3A_137 = tpu.memref_squeeze %dma_start3A_136 : memref<1x64xf32, #tpu.memory_space<vmem>> -> memref<64xf32, #tpu.memory_space<vmem>>
      %dma_start3A_138 = arith.constant 0 : i32
      %dma_start3A_139 = tpu.memref_slice %arg3[%squeeze3A_126, %squeeze3A_128, %dma_start3A_138] : memref<125000x8x64xf32, #tpu.memory_space<hbm>> -> memref<1x1x64xf32, #tpu.memory_space<hbm>>
      %dma_start3A_140 = tpu.memref_squeeze %dma_start3A_139 : memref<1x1x64xf32, #tpu.memory_space<hbm>> -> memref<64xf32, #tpu.memory_space<hbm>>
      %dma_start3A_141 = arith.constant 0 : i32
      %dma_start3A_142 = tpu.memref_slice %arg6[%add3A_134, %dma_start3A_141] : memref<512x64xf32, #tpu.memory_space<vmem>> -> memref<1x64xf32, #tpu.memory_space<vmem>>
      %dma_start3A_143 = tpu.memref_squeeze %dma_start3A_142 : memref<1x64xf32, #tpu.memory_space<vmem>> -> memref<64xf32, #tpu.memory_space<vmem>>
      %dma_start3A_144 = arith.constant 0 : i32
      %dma_start3A_145 = tpu.memref_slice %arg3[%squeeze3A_126, %squeeze3A_128, %dma_start3A_144] : memref<125000x8x64xf32, #tpu.memory_space<hbm>> -> memref<1x1x64xf32, #tpu.memory_space<hbm>>
      %dma_start3A_146 = tpu.memref_squeeze %dma_start3A_145 : memref<1x1x64xf32, #tpu.memory_space<hbm>> -> memref<64xf32, #tpu.memory_space<hbm>>
      tpu.enqueue_dma source(%dma_start3A_146 : memref<64xf32, #tpu.memory_space<hbm>>) target(%dma_start3A_143 : memref<64xf32, #tpu.memory_space<vmem>>) target_semaphore(%arg7 : memref<!tpu.dma_semaphore, #tpu.memory_space<semaphore_mem>>)
      %slice3A_147 = vector.extract_strided_slice %shift_right_arithmetic3A_81 {offsets = [3], sizes = [1], strides = [1]} : vector<16xi32> to vector<1xi32>
      %squeeze3A_148 = vector.extract %slice3A_147[0] : i32 from vector<1xi32>
      %slice3A_149 = vector.extract_strided_slice %and3A_83 {offsets = [3], sizes = [1], strides = [1]} : vector<16xi32> to vector<1xi32>
      %squeeze3A_150 = vector.extract %slice3A_149[0] : i32 from vector<1xi32>
      %mul3A_151 = arith.constant 16 : i32
      %mul3A_152 = arith.muli %add3A_73, %mul3A_151 : i32
      %add3A_153 = arith.constant 0 : i32
      %add3A_154 = arith.addi %add3A_153, %mul3A_152 : i32
      %add3A_155 = arith.constant 3 : i32
      %add3A_156 = arith.addi %add3A_154, %add3A_155 : i32
      %dma_start3A_157 = arith.constant 0 : i32
      %dma_start3A_158 = tpu.memref_slice %arg6[%add3A_156, %dma_start3A_157] : memref<512x64xf32, #tpu.memory_space<vmem>> -> memref<1x64xf32, #tpu.memory_space<vmem>>
      %dma_start3A_159 = tpu.memref_squeeze %dma_start3A_158 : memref<1x64xf32, #tpu.memory_space<vmem>> -> memref<64xf32, #tpu.memory_space<vmem>>
      %dma_start3A_160 = arith.constant 0 : i32
      %dma_start3A_161 = tpu.memref_slice %arg3[%squeeze3A_148, %squeeze3A_150, %dma_start3A_160] : memref<125000x8x64xf32, #tpu.memory_space<hbm>> -> memref<1x1x64xf32, #tpu.memory_space<hbm>>
      %dma_start3A_162 = tpu.memref_squeeze %dma_start3A_161 : memref<1x1x64xf32, #tpu.memory_space<hbm>> -> memref<64xf32, #tpu.memory_space<hbm>>
      %dma_start3A_163 = arith.constant 0 : i32
      %dma_start3A_164 = tpu.memref_slice %arg6[%add3A_156, %dma_start3A_163] : memref<512x64xf32, #tpu.memory_space<vmem>> -> memref<1x64xf32, #tpu.memory_space<vmem>>
      %dma_start3A_165 = tpu.memref_squeeze %dma_start3A_164 : memref<1x64xf32, #tpu.memory_space<vmem>> -> memref<64xf32, #tpu.memory_space<vmem>>
      %dma_start3A_166 = arith.constant 0 : i32
      %dma_start3A_167 = tpu.memref_slice %arg3[%squeeze3A_148, %squeeze3A_150, %dma_start3A_166] : memref<125000x8x64xf32, #tpu.memory_space<hbm>> -> memref<1x1x64xf32, #tpu.memory_space<hbm>>
      %dma_start3A_168 = tpu.memref_squeeze %dma_start3A_167 : memref<1x1x64xf32, #tpu.memory_space<hbm>> -> memref<64xf32, #tpu.memory_space<hbm>>
      tpu.enqueue_dma source(%dma_start3A_168 : memref<64xf32, #tpu.memory_space<hbm>>) target(%dma_start3A_165 : memref<64xf32, #tpu.memory_space<vmem>>) target_semaphore(%arg7 : memref<!tpu.dma_semaphore, #tpu.memory_space<semaphore_mem>>)
      %slice3A_169 = vector.extract_strided_slice %shift_right_arithmetic3A_81 {offsets = [4], sizes = [1], strides = [1]} : vector<16xi32> to vector<1xi32>
      %squeeze3A_170 = vector.extract %slice3A_169[0] : i32 from vector<1xi32>
      %slice3A_171 = vector.extract_strided_slice %and3A_83 {offsets = [4], sizes = [1], strides = [1]} : vector<16xi32> to vector<1xi32>
      %squeeze3A_172 = vector.extract %slice3A_171[0] : i32 from vector<1xi32>
      %mul3A_173 = arith.constant 16 : i32
      %mul3A_174 = arith.muli %add3A_73, %mul3A_173 : i32
      %add3A_175 = arith.constant 0 : i32
      %add3A_176 = arith.addi %add3A_175, %mul3A_174 : i32
      %add3A_177 = arith.constant 4 : i32
      %add3A_178 = arith.addi %add3A_176, %add3A_177 : i32
      %dma_start3A_179 = arith.constant 0 : i32
      %dma_start3A_180 = tpu.memref_slice %arg6[%add3A_178, %dma_start3A_179] : memref<512x64xf32, #tpu.memory_space<vmem>> -> memref<1x64xf32, #tpu.memory_space<vmem>>
      %dma_start3A_181 = tpu.memref_squeeze %dma_start3A_180 : memref<1x64xf32, #tpu.memory_space<vmem>> -> memref<64xf32, #tpu.memory_space<vmem>>
      %dma_start3A_182 = arith.constant 0 : i32
      %dma_start3A_183 = tpu.memref_slice %arg3[%squeeze3A_170, %squeeze3A_172, %dma_start3A_182] : memref<125000x8x64xf32, #tpu.memory_space<hbm>> -> memref<1x1x64xf32, #tpu.memory_space<hbm>>
      %dma_start3A_184 = tpu.memref_squeeze %dma_start3A_183 : memref<1x1x64xf32, #tpu.memory_space<hbm>> -> memref<64xf32, #tpu.memory_space<hbm>>
      %dma_start3A_185 = arith.constant 0 : i32
      %dma_start3A_186 = tpu.memref_slice %arg6[%add3A_178, %dma_start3A_185] : memref<512x64xf32, #tpu.memory_space<vmem>> -> memref<1x64xf32, #tpu.memory_space<vmem>>
      %dma_start3A_187 = tpu.memref_squeeze %dma_start3A_186 : memref<1x64xf32, #tpu.memory_space<vmem>> -> memref<64xf32, #tpu.memory_space<vmem>>
      %dma_start3A_188 = arith.constant 0 : i32
      %dma_start3A_189 = tpu.memref_slice %arg3[%squeeze3A_170, %squeeze3A_172, %dma_start3A_188] : memref<125000x8x64xf32, #tpu.memory_space<hbm>> -> memref<1x1x64xf32, #tpu.memory_space<hbm>>
      %dma_start3A_190 = tpu.memref_squeeze %dma_start3A_189 : memref<1x1x64xf32, #tpu.memory_space<hbm>> -> memref<64xf32, #tpu.memory_space<hbm>>
      tpu.enqueue_dma source(%dma_start3A_190 : memref<64xf32, #tpu.memory_space<hbm>>) target(%dma_start3A_187 : memref<64xf32, #tpu.memory_space<vmem>>) target_semaphore(%arg7 : memref<!tpu.dma_semaphore, #tpu.memory_space<semaphore_mem>>)
      %slice3A_191 = vector.extract_strided_slice %shift_right_arithmetic3A_81 {offsets = [5], sizes = [1], strides = [1]} : vector<16xi32> to vector<1xi32>
      %squeeze3A_192 = vector.extract %slice3A_191[0] : i32 from vector<1xi32>
      %slice3A_193 = vector.extract_strided_slice %and3A_83 {offsets = [5], sizes = [1], strides = [1]} : vector<16xi32> to vector<1xi32>
      %squeeze3A_194 = vector.extract %slice3A_193[0] : i32 from vector<1xi32>
      %mul3A_195 = arith.constant 16 : i32
      %mul3A_196 = arith.muli %add3A_73, %mul3A_195 : i32
      %add3A_197 = arith.constant 0 : i32
      %add3A_198 = arith.addi %add3A_197, %mul3A_196 : i32
      %add3A_199 = arith.constant 5 : i32
      %add3A_200 = arith.addi %add3A_198, %add3A_199 : i32
      %dma_start3A_201 = arith.constant 0 : i32
      %dma_start3A_202 = tpu.memref_slice %arg6[%add3A_200, %dma_start3A_201] : memref<512x64xf32, #tpu.memory_space<vmem>> -> memref<1x64xf32, #tpu.memory_space<vmem>>
      %dma_start3A_203 = tpu.memref_squeeze %dma_start3A_202 : memref<1x64xf32, #tpu.memory_space<vmem>> -> memref<64xf32, #tpu.memory_space<vmem>>
      %dma_start3A_204 = arith.constant 0 : i32
      %dma_start3A_205 = tpu.memref_slice %arg3[%squeeze3A_192, %squeeze3A_194, %dma_start3A_204] : memref<125000x8x64xf32, #tpu.memory_space<hbm>> -> memref<1x1x64xf32, #tpu.memory_space<hbm>>
      %dma_start3A_206 = tpu.memref_squeeze %dma_start3A_205 : memref<1x1x64xf32, #tpu.memory_space<hbm>> -> memref<64xf32, #tpu.memory_space<hbm>>
      %dma_start3A_207 = arith.constant 0 : i32
      %dma_start3A_208 = tpu.memref_slice %arg6[%add3A_200, %dma_start3A_207] : memref<512x64xf32, #tpu.memory_space<vmem>> -> memref<1x64xf32, #tpu.memory_space<vmem>>
      %dma_start3A_209 = tpu.memref_squeeze %dma_start3A_208 : memref<1x64xf32, #tpu.memory_space<vmem>> -> memref<64xf32, #tpu.memory_space<vmem>>
      %dma_start3A_210 = arith.constant 0 : i32
      %dma_start3A_211 = tpu.memref_slice %arg3[%squeeze3A_192, %squeeze3A_194, %dma_start3A_210] : memref<125000x8x64xf32, #tpu.memory_space<hbm>> -> memref<1x1x64xf32, #tpu.memory_space<hbm>>
      %dma_start3A_212 = tpu.memref_squeeze %dma_start3A_211 : memref<1x1x64xf32, #tpu.memory_space<hbm>> -> memref<64xf32, #tpu.memory_space<hbm>>
      tpu.enqueue_dma source(%dma_start3A_212 : memref<64xf32, #tpu.memory_space<hbm>>) target(%dma_start3A_209 : memref<64xf32, #tpu.memory_space<vmem>>) target_semaphore(%arg7 : memref<!tpu.dma_semaphore, #tpu.memory_space<semaphore_mem>>)
      %slice3A_213 = vector.extract_strided_slice %shift_right_arithmetic3A_81 {offsets = [6], sizes = [1], strides = [1]} : vector<16xi32> to vector<1xi32>
      %squeeze3A_214 = vector.extract %slice3A_213[0] : i32 from vector<1xi32>
      %slice3A_215 = vector.extract_strided_slice %and3A_83 {offsets = [6], sizes = [1], strides = [1]} : vector<16xi32> to vector<1xi32>
      %squeeze3A_216 = vector.extract %slice3A_215[0] : i32 from vector<1xi32>
      %mul3A_217 = arith.constant 16 : i32
      %mul3A_218 = arith.muli %add3A_73, %mul3A_217 : i32
      %add3A_219 = arith.constant 0 : i32
      %add3A_220 = arith.addi %add3A_219, %mul3A_218 : i32
      %add3A_221 = arith.constant 6 : i32
      %add3A_222 = arith.addi %add3A_220, %add3A_221 : i32
      %dma_start3A_223 = arith.constant 0 : i32
      %dma_start3A_224 = tpu.memref_slice %arg6[%add3A_222, %dma_start3A_223] : memref<512x64xf32, #tpu.memory_space<vmem>> -> memref<1x64xf32, #tpu.memory_space<vmem>>
      %dma_start3A_225 = tpu.memref_squeeze %dma_start3A_224 : memref<1x64xf32, #tpu.memory_space<vmem>> -> memref<64xf32, #tpu.memory_space<vmem>>
      %dma_start3A_226 = arith.constant 0 : i32
      %dma_start3A_227 = tpu.memref_slice %arg3[%squeeze3A_214, %squeeze3A_216, %dma_start3A_226] : memref<125000x8x64xf32, #tpu.memory_space<hbm>> -> memref<1x1x64xf32, #tpu.memory_space<hbm>>
      %dma_start3A_228 = tpu.memref_squeeze %dma_start3A_227 : memref<1x1x64xf32, #tpu.memory_space<hbm>> -> memref<64xf32, #tpu.memory_space<hbm>>
      %dma_start3A_229 = arith.constant 0 : i32
      %dma_start3A_230 = tpu.memref_slice %arg6[%add3A_222, %dma_start3A_229] : memref<512x64xf32, #tpu.memory_space<vmem>> -> memref<1x64xf32, #tpu.memory_space<vmem>>
      %dma_start3A_231 = tpu.memref_squeeze %dma_start3A_230 : memref<1x64xf32, #tpu.memory_space<vmem>> -> memref<64xf32, #tpu.memory_space<vmem>>
      %dma_start3A_232 = arith.constant 0 : i32
      %dma_start3A_233 = tpu.memref_slice %arg3[%squeeze3A_214, %squeeze3A_216, %dma_start3A_232] : memref<125000x8x64xf32, #tpu.memory_space<hbm>> -> memref<1x1x64xf32, #tpu.memory_space<hbm>>
      %dma_start3A_234 = tpu.memref_squeeze %dma_start3A_233 : memref<1x1x64xf32, #tpu.memory_space<hbm>> -> memref<64xf32, #tpu.memory_space<hbm>>
      tpu.enqueue_dma source(%dma_start3A_234 : memref<64xf32, #tpu.memory_space<hbm>>) target(%dma_start3A_231 : memref<64xf32, #tpu.memory_space<vmem>>) target_semaphore(%arg7 : memref<!tpu.dma_semaphore, #tpu.memory_space<semaphore_mem>>)
      %slice3A_235 = vector.extract_strided_slice %shift_right_arithmetic3A_81 {offsets = [7], sizes = [1], strides = [1]} : vector<16xi32> to vector<1xi32>
      %squeeze3A_236 = vector.extract %slice3A_235[0] : i32 from vector<1xi32>
      %slice3A_237 = vector.extract_strided_slice %and3A_83 {offsets = [7], sizes = [1], strides = [1]} : vector<16xi32> to vector<1xi32>
      %squeeze3A_238 = vector.extract %slice3A_237[0] : i32 from vector<1xi32>
      %mul3A_239 = arith.constant 16 : i32
      %mul3A_240 = arith.muli %add3A_73, %mul3A_239 : i32
      %add3A_241 = arith.constant 0 : i32
      %add3A_242 = arith.addi %add3A_241, %mul3A_240 : i32
      %add3A_243 = arith.constant 7 : i32
      %add3A_244 = arith.addi %add3A_242, %add3A_243 : i32
      %dma_start3A_245 = arith.constant 0 : i32
      %dma_start3A_246 = tpu.memref_slice %arg6[%add3A_244, %dma_start3A_245] : memref<512x64xf32, #tpu.memory_space<vmem>> -> memref<1x64xf32, #tpu.memory_space<vmem>>
      %dma_start3A_247 = tpu.memref_squeeze %dma_start3A_246 : memref<1x64xf32, #tpu.memory_space<vmem>> -> memref<64xf32, #tpu.memory_space<vmem>>
      %dma_start3A_248 = arith.constant 0 : i32
      %dma_start3A_249 = tpu.memref_slice %arg3[%squeeze3A_236, %squeeze3A_238, %dma_start3A_248] : memref<125000x8x64xf32, #tpu.memory_space<hbm>> -> memref<1x1x64xf32, #tpu.memory_space<hbm>>
      %dma_start3A_250 = tpu.memref_squeeze %dma_start3A_249 : memref<1x1x64xf32, #tpu.memory_space<hbm>> -> memref<64xf32, #tpu.memory_space<hbm>>
      %dma_start3A_251 = arith.constant 0 : i32
      %dma_start3A_252 = tpu.memref_slice %arg6[%add3A_244, %dma_start3A_251] : memref<512x64xf32, #tpu.memory_space<vmem>> -> memref<1x64xf32, #tpu.memory_space<vmem>>
      %dma_start3A_253 = tpu.memref_squeeze %dma_start3A_252 : memref<1x64xf32, #tpu.memory_space<vmem>> -> memref<64xf32, #tpu.memory_space<vmem>>
      %dma_start3A_254 = arith.constant 0 : i32
      %dma_start3A_255 = tpu.memref_slice %arg3[%squeeze3A_236, %squeeze3A_238, %dma_start3A_254] : memref<125000x8x64xf32, #tpu.memory_space<hbm>> -> memref<1x1x64xf32, #tpu.memory_space<hbm>>
      %dma_start3A_256 = tpu.memref_squeeze %dma_start3A_255 : memref<1x1x64xf32, #tpu.memory_space<hbm>> -> memref<64xf32, #tpu.memory_space<hbm>>
      tpu.enqueue_dma source(%dma_start3A_256 : memref<64xf32, #tpu.memory_space<hbm>>) target(%dma_start3A_253 : memref<64xf32, #tpu.memory_space<vmem>>) target_semaphore(%arg7 : memref<!tpu.dma_semaphore, #tpu.memory_space<semaphore_mem>>)
      %slice3A_257 = vector.extract_strided_slice %shift_right_arithmetic3A_81 {offsets = [8], sizes = [1], strides = [1]} : vector<16xi32> to vector<1xi32>
      %squeeze3A_258 = vector.extract %slice3A_257[0] : i32 from vector<1xi32>
      %slice3A_259 = vector.extract_strided_slice %and3A_83 {offsets = [8], sizes = [1], strides = [1]} : vector<16xi32> to vector<1xi32>
      %squeeze3A_260 = vector.extract %slice3A_259[0] : i32 from vector<1xi32>
      %mul3A_261 = arith.constant 16 : i32
      %mul3A_262 = arith.muli %add3A_73, %mul3A_261 : i32
      %add3A_263 = arith.constant 0 : i32
      %add3A_264 = arith.addi %add3A_263, %mul3A_262 : i32
      %add3A_265 = arith.constant 8 : i32
      %add3A_266 = arith.addi %add3A_264, %add3A_265 : i32
      %dma_start3A_267 = arith.constant 0 : i32
      %dma_start3A_268 = tpu.memref_slice %arg6[%add3A_266, %dma_start3A_267] : memref<512x64xf32, #tpu.memory_space<vmem>> -> memref<1x64xf32, #tpu.memory_space<vmem>>
      %dma_start3A_269 = tpu.memref_squeeze %dma_start3A_268 : memref<1x64xf32, #tpu.memory_space<vmem>> -> memref<64xf32, #tpu.memory_space<vmem>>
      %dma_start3A_270 = arith.constant 0 : i32
      %dma_start3A_271 = tpu.memref_slice %arg3[%squeeze3A_258, %squeeze3A_260, %dma_start3A_270] : memref<125000x8x64xf32, #tpu.memory_space<hbm>> -> memref<1x1x64xf32, #tpu.memory_space<hbm>>
      %dma_start3A_272 = tpu.memref_squeeze %dma_start3A_271 : memref<1x1x64xf32, #tpu.memory_space<hbm>> -> memref<64xf32, #tpu.memory_space<hbm>>
      %dma_start3A_273 = arith.constant 0 : i32
      %dma_start3A_274 = tpu.memref_slice %arg6[%add3A_266, %dma_start3A_273] : memref<512x64xf32, #tpu.memory_space<vmem>> -> memref<1x64xf32, #tpu.memory_space<vmem>>
      %dma_start3A_275 = tpu.memref_squeeze %dma_start3A_274 : memref<1x64xf32, #tpu.memory_space<vmem>> -> memref<64xf32, #tpu.memory_space<vmem>>
      %dma_start3A_276 = arith.constant 0 : i32
      %dma_start3A_277 = tpu.memref_slice %arg3[%squeeze3A_258, %squeeze3A_260, %dma_start3A_276] : memref<125000x8x64xf32, #tpu.memory_space<hbm>> -> memref<1x1x64xf32, #tpu.memory_space<hbm>>
      %dma_start3A_278 = tpu.memref_squeeze %dma_start3A_277 : memref<1x1x64xf32, #tpu.memory_space<hbm>> -> memref<64xf32, #tpu.memory_space<hbm>>
      tpu.enqueue_dma source(%dma_start3A_278 : memref<64xf32, #tpu.memory_space<hbm>>) target(%dma_start3A_275 : memref<64xf32, #tpu.memory_space<vmem>>) target_semaphore(%arg7 : memref<!tpu.dma_semaphore, #tpu.memory_space<semaphore_mem>>)
      %slice3A_279 = vector.extract_strided_slice %shift_right_arithmetic3A_81 {offsets = [9], sizes = [1], strides = [1]} : vector<16xi32> to vector<1xi32>
      %squeeze3A_280 = vector.extract %slice3A_279[0] : i32 from vector<1xi32>
      %slice3A_281 = vector.extract_strided_slice %and3A_83 {offsets = [9], sizes = [1], strides = [1]} : vector<16xi32> to vector<1xi32>
      %squeeze3A_282 = vector.extract %slice3A_281[0] : i32 from vector<1xi32>
      %mul3A_283 = arith.constant 16 : i32
      %mul3A_284 = arith.muli %add3A_73, %mul3A_283 : i32
      %add3A_285 = arith.constant 0 : i32
      %add3A_286 = arith.addi %add3A_285, %mul3A_284 : i32
      %add3A_287 = arith.constant 9 : i32
      %add3A_288 = arith.addi %add3A_286, %add3A_287 : i32
      %dma_start3A_289 = arith.constant 0 : i32
      %dma_start3A_290 = tpu.memref_slice %arg6[%add3A_288, %dma_start3A_289] : memref<512x64xf32, #tpu.memory_space<vmem>> -> memref<1x64xf32, #tpu.memory_space<vmem>>
      %dma_start3A_291 = tpu.memref_squeeze %dma_start3A_290 : memref<1x64xf32, #tpu.memory_space<vmem>> -> memref<64xf32, #tpu.memory_space<vmem>>
      %dma_start3A_292 = arith.constant 0 : i32
      %dma_start3A_293 = tpu.memref_slice %arg3[%squeeze3A_280, %squeeze3A_282, %dma_start3A_292] : memref<125000x8x64xf32, #tpu.memory_space<hbm>> -> memref<1x1x64xf32, #tpu.memory_space<hbm>>
      %dma_start3A_294 = tpu.memref_squeeze %dma_start3A_293 : memref<1x1x64xf32, #tpu.memory_space<hbm>> -> memref<64xf32, #tpu.memory_space<hbm>>
      %dma_start3A_295 = arith.constant 0 : i32
      %dma_start3A_296 = tpu.memref_slice %arg6[%add3A_288, %dma_start3A_295] : memref<512x64xf32, #tpu.memory_space<vmem>> -> memref<1x64xf32, #tpu.memory_space<vmem>>
      %dma_start3A_297 = tpu.memref_squeeze %dma_start3A_296 : memref<1x64xf32, #tpu.memory_space<vmem>> -> memref<64xf32, #tpu.memory_space<vmem>>
      %dma_start3A_298 = arith.constant 0 : i32
      %dma_start3A_299 = tpu.memref_slice %arg3[%squeeze3A_280, %squeeze3A_282, %dma_start3A_298] : memref<125000x8x64xf32, #tpu.memory_space<hbm>> -> memref<1x1x64xf32, #tpu.memory_space<hbm>>
      %dma_start3A_300 = tpu.memref_squeeze %dma_start3A_299 : memref<1x1x64xf32, #tpu.memory_space<hbm>> -> memref<64xf32, #tpu.memory_space<hbm>>
      tpu.enqueue_dma source(%dma_start3A_300 : memref<64xf32, #tpu.memory_space<hbm>>) target(%dma_start3A_297 : memref<64xf32, #tpu.memory_space<vmem>>) target_semaphore(%arg7 : memref<!tpu.dma_semaphore, #tpu.memory_space<semaphore_mem>>)
      %slice3A_301 = vector.extract_strided_slice %shift_right_arithmetic3A_81 {offsets = [10], sizes = [1], strides = [1]} : vector<16xi32> to vector<1xi32>
      %squeeze3A_302 = vector.extract %slice3A_301[0] : i32 from vector<1xi32>
      %slice3A_303 = vector.extract_strided_slice %and3A_83 {offsets = [10], sizes = [1], strides = [1]} : vector<16xi32> to vector<1xi32>
      %squeeze3A_304 = vector.extract %slice3A_303[0] : i32 from vector<1xi32>
      %mul3A_305 = arith.constant 16 : i32
      %mul3A_306 = arith.muli %add3A_73, %mul3A_305 : i32
      %add3A_307 = arith.constant 0 : i32
      %add3A_308 = arith.addi %add3A_307, %mul3A_306 : i32
      %add3A_309 = arith.constant 10 : i32
      %add3A_310 = arith.addi %add3A_308, %add3A_309 : i32
      %dma_start3A_311 = arith.constant 0 : i32
      %dma_start3A_312 = tpu.memref_slice %arg6[%add3A_310, %dma_start3A_311] : memref<512x64xf32, #tpu.memory_space<vmem>> -> memref<1x64xf32, #tpu.memory_space<vmem>>
      %dma_start3A_313 = tpu.memref_squeeze %dma_start3A_312 : memref<1x64xf32, #tpu.memory_space<vmem>> -> memref<64xf32, #tpu.memory_space<vmem>>
      %dma_start3A_314 = arith.constant 0 : i32
      %dma_start3A_315 = tpu.memref_slice %arg3[%squeeze3A_302, %squeeze3A_304, %dma_start3A_314] : memref<125000x8x64xf32, #tpu.memory_space<hbm>> -> memref<1x1x64xf32, #tpu.memory_space<hbm>>
      %dma_start3A_316 = tpu.memref_squeeze %dma_start3A_315 : memref<1x1x64xf32, #tpu.memory_space<hbm>> -> memref<64xf32, #tpu.memory_space<hbm>>
      %dma_start3A_317 = arith.constant 0 : i32
      %dma_start3A_318 = tpu.memref_slice %arg6[%add3A_310, %dma_start3A_317] : memref<512x64xf32, #tpu.memory_space<vmem>> -> memref<1x64xf32, #tpu.memory_space<vmem>>
      %dma_start3A_319 = tpu.memref_squeeze %dma_start3A_318 : memref<1x64xf32, #tpu.memory_space<vmem>> -> memref<64xf32, #tpu.memory_space<vmem>>
      %dma_start3A_320 = arith.constant 0 : i32
      %dma_start3A_321 = tpu.memref_slice %arg3[%squeeze3A_302, %squeeze3A_304, %dma_start3A_320] : memref<125000x8x64xf32, #tpu.memory_space<hbm>> -> memref<1x1x64xf32, #tpu.memory_space<hbm>>
      %dma_start3A_322 = tpu.memref_squeeze %dma_start3A_321 : memref<1x1x64xf32, #tpu.memory_space<hbm>> -> memref<64xf32, #tpu.memory_space<hbm>>
      tpu.enqueue_dma source(%dma_start3A_322 : memref<64xf32, #tpu.memory_space<hbm>>) target(%dma_start3A_319 : memref<64xf32, #tpu.memory_space<vmem>>) target_semaphore(%arg7 : memref<!tpu.dma_semaphore, #tpu.memory_space<semaphore_mem>>)
      %slice3A_323 = vector.extract_strided_slice %shift_right_arithmetic3A_81 {offsets = [11], sizes = [1], strides = [1]} : vector<16xi32> to vector<1xi32>
      %squeeze3A_324 = vector.extract %slice3A_323[0] : i32 from vector<1xi32>
      %slice3A_325 = vector.extract_strided_slice %and3A_83 {offsets = [11], sizes = [1], strides = [1]} : vector<16xi32> to vector<1xi32>
      %squeeze3A_326 = vector.extract %slice3A_325[0] : i32 from vector<1xi32>
      %mul3A_327 = arith.constant 16 : i32
      %mul3A_328 = arith.muli %add3A_73, %mul3A_327 : i32
      %add3A_329 = arith.constant 0 : i32
      %add3A_330 = arith.addi %add3A_329, %mul3A_328 : i32
      %add3A_331 = arith.constant 11 : i32
      %add3A_332 = arith.addi %add3A_330, %add3A_331 : i32
      %dma_start3A_333 = arith.constant 0 : i32
      %dma_start3A_334 = tpu.memref_slice %arg6[%add3A_332, %dma_start3A_333] : memref<512x64xf32, #tpu.memory_space<vmem>> -> memref<1x64xf32, #tpu.memory_space<vmem>>
      %dma_start3A_335 = tpu.memref_squeeze %dma_start3A_334 : memref<1x64xf32, #tpu.memory_space<vmem>> -> memref<64xf32, #tpu.memory_space<vmem>>
      %dma_start3A_336 = arith.constant 0 : i32
      %dma_start3A_337 = tpu.memref_slice %arg3[%squeeze3A_324, %squeeze3A_326, %dma_start3A_336] : memref<125000x8x64xf32, #tpu.memory_space<hbm>> -> memref<1x1x64xf32, #tpu.memory_space<hbm>>
      %dma_start3A_338 = tpu.memref_squeeze %dma_start3A_337 : memref<1x1x64xf32, #tpu.memory_space<hbm>> -> memref<64xf32, #tpu.memory_space<hbm>>
      %dma_start3A_339 = arith.constant 0 : i32
      %dma_start3A_340 = tpu.memref_slice %arg6[%add3A_332, %dma_start3A_339] : memref<512x64xf32, #tpu.memory_space<vmem>> -> memref<1x64xf32, #tpu.memory_space<vmem>>
      %dma_start3A_341 = tpu.memref_squeeze %dma_start3A_340 : memref<1x64xf32, #tpu.memory_space<vmem>> -> memref<64xf32, #tpu.memory_space<vmem>>
      %dma_start3A_342 = arith.constant 0 : i32
      %dma_start3A_343 = tpu.memref_slice %arg3[%squeeze3A_324, %squeeze3A_326, %dma_start3A_342] : memref<125000x8x64xf32, #tpu.memory_space<hbm>> -> memref<1x1x64xf32, #tpu.memory_space<hbm>>
      %dma_start3A_344 = tpu.memref_squeeze %dma_start3A_343 : memref<1x1x64xf32, #tpu.memory_space<hbm>> -> memref<64xf32, #tpu.memory_space<hbm>>
      tpu.enqueue_dma source(%dma_start3A_344 : memref<64xf32, #tpu.memory_space<hbm>>) target(%dma_start3A_341 : memref<64xf32, #tpu.memory_space<vmem>>) target_semaphore(%arg7 : memref<!tpu.dma_semaphore, #tpu.memory_space<semaphore_mem>>)
      %slice3A_345 = vector.extract_strided_slice %shift_right_arithmetic3A_81 {offsets = [12], sizes = [1], strides = [1]} : vector<16xi32> to vector<1xi32>
      %squeeze3A_346 = vector.extract %slice3A_345[0] : i32 from vector<1xi32>
      %slice3A_347 = vector.extract_strided_slice %and3A_83 {offsets = [12], sizes = [1], strides = [1]} : vector<16xi32> to vector<1xi32>
      %squeeze3A_348 = vector.extract %slice3A_347[0] : i32 from vector<1xi32>
      %mul3A_349 = arith.constant 16 : i32
      %mul3A_350 = arith.muli %add3A_73, %mul3A_349 : i32
      %add3A_351 = arith.constant 0 : i32
      %add3A_352 = arith.addi %add3A_351, %mul3A_350 : i32
      %add3A_353 = arith.constant 12 : i32
      %add3A_354 = arith.addi %add3A_352, %add3A_353 : i32
      %dma_start3A_355 = arith.constant 0 : i32
      %dma_start3A_356 = tpu.memref_slice %arg6[%add3A_354, %dma_start3A_355] : memref<512x64xf32, #tpu.memory_space<vmem>> -> memref<1x64xf32, #tpu.memory_space<vmem>>
      %dma_start3A_357 = tpu.memref_squeeze %dma_start3A_356 : memref<1x64xf32, #tpu.memory_space<vmem>> -> memref<64xf32, #tpu.memory_space<vmem>>
      %dma_start3A_358 = arith.constant 0 : i32
      %dma_start3A_359 = tpu.memref_slice %arg3[%squeeze3A_346, %squeeze3A_348, %dma_start3A_358] : memref<125000x8x64xf32, #tpu.memory_space<hbm>> -> memref<1x1x64xf32, #tpu.memory_space<hbm>>
      %dma_start3A_360 = tpu.memref_squeeze %dma_start3A_359 : memref<1x1x64xf32, #tpu.memory_space<hbm>> -> memref<64xf32, #tpu.memory_space<hbm>>
      %dma_start3A_361 = arith.constant 0 : i32
      %dma_start3A_362 = tpu.memref_slice %arg6[%add3A_354, %dma_start3A_361] : memref<512x64xf32, #tpu.memory_space<vmem>> -> memref<1x64xf32, #tpu.memory_space<vmem>>
      %dma_start3A_363 = tpu.memref_squeeze %dma_start3A_362 : memref<1x64xf32, #tpu.memory_space<vmem>> -> memref<64xf32, #tpu.memory_space<vmem>>
      %dma_start3A_364 = arith.constant 0 : i32
      %dma_start3A_365 = tpu.memref_slice %arg3[%squeeze3A_346, %squeeze3A_348, %dma_start3A_364] : memref<125000x8x64xf32, #tpu.memory_space<hbm>> -> memref<1x1x64xf32, #tpu.memory_space<hbm>>
      %dma_start3A_366 = tpu.memref_squeeze %dma_start3A_365 : memref<1x1x64xf32, #tpu.memory_space<hbm>> -> memref<64xf32, #tpu.memory_space<hbm>>
      tpu.enqueue_dma source(%dma_start3A_366 : memref<64xf32, #tpu.memory_space<hbm>>) target(%dma_start3A_363 : memref<64xf32, #tpu.memory_space<vmem>>) target_semaphore(%arg7 : memref<!tpu.dma_semaphore, #tpu.memory_space<semaphore_mem>>)
      %slice3A_367 = vector.extract_strided_slice %shift_right_arithmetic3A_81 {offsets = [13], sizes = [1], strides = [1]} : vector<16xi32> to vector<1xi32>
      %squeeze3A_368 = vector.extract %slice3A_367[0] : i32 from vector<1xi32>
      %slice3A_369 = vector.extract_strided_slice %and3A_83 {offsets = [13], sizes = [1], strides = [1]} : vector<16xi32> to vector<1xi32>
      %squeeze3A_370 = vector.extract %slice3A_369[0] : i32 from vector<1xi32>
      %mul3A_371 = arith.constant 16 : i32
      %mul3A_372 = arith.muli %add3A_73, %mul3A_371 : i32
      %add3A_373 = arith.constant 0 : i32
      %add3A_374 = arith.addi %add3A_373, %mul3A_372 : i32
      %add3A_375 = arith.constant 13 : i32
      %add3A_376 = arith.addi %add3A_374, %add3A_375 : i32
      %dma_start3A_377 = arith.constant 0 : i32
      %dma_start3A_378 = tpu.memref_slice %arg6[%add3A_376, %dma_start3A_377] : memref<512x64xf32, #tpu.memory_space<vmem>> -> memref<1x64xf32, #tpu.memory_space<vmem>>
      %dma_start3A_379 = tpu.memref_squeeze %dma_start3A_378 : memref<1x64xf32, #tpu.memory_space<vmem>> -> memref<64xf32, #tpu.memory_space<vmem>>
      %dma_start3A_380 = arith.constant 0 : i32
      %dma_start3A_381 = tpu.memref_slice %arg3[%squeeze3A_368, %squeeze3A_370, %dma_start3A_380] : memref<125000x8x64xf32, #tpu.memory_space<hbm>> -> memref<1x1x64xf32, #tpu.memory_space<hbm>>
      %dma_start3A_382 = tpu.memref_squeeze %dma_start3A_381 : memref<1x1x64xf32, #tpu.memory_space<hbm>> -> memref<64xf32, #tpu.memory_space<hbm>>
      %dma_start3A_383 = arith.constant 0 : i32
      %dma_start3A_384 = tpu.memref_slice %arg6[%add3A_376, %dma_start3A_383] : memref<512x64xf32, #tpu.memory_space<vmem>> -> memref<1x64xf32, #tpu.memory_space<vmem>>
      %dma_start3A_385 = tpu.memref_squeeze %dma_start3A_384 : memref<1x64xf32, #tpu.memory_space<vmem>> -> memref<64xf32, #tpu.memory_space<vmem>>
      %dma_start3A_386 = arith.constant 0 : i32
      %dma_start3A_387 = tpu.memref_slice %arg3[%squeeze3A_368, %squeeze3A_370, %dma_start3A_386] : memref<125000x8x64xf32, #tpu.memory_space<hbm>> -> memref<1x1x64xf32, #tpu.memory_space<hbm>>
      %dma_start3A_388 = tpu.memref_squeeze %dma_start3A_387 : memref<1x1x64xf32, #tpu.memory_space<hbm>> -> memref<64xf32, #tpu.memory_space<hbm>>
      tpu.enqueue_dma source(%dma_start3A_388 : memref<64xf32, #tpu.memory_space<hbm>>) target(%dma_start3A_385 : memref<64xf32, #tpu.memory_space<vmem>>) target_semaphore(%arg7 : memref<!tpu.dma_semaphore, #tpu.memory_space<semaphore_mem>>)
      %slice3A_389 = vector.extract_strided_slice %shift_right_arithmetic3A_81 {offsets = [14], sizes = [1], strides = [1]} : vector<16xi32> to vector<1xi32>
      %squeeze3A_390 = vector.extract %slice3A_389[0] : i32 from vector<1xi32>
      %slice3A_391 = vector.extract_strided_slice %and3A_83 {offsets = [14], sizes = [1], strides = [1]} : vector<16xi32> to vector<1xi32>
      %squeeze3A_392 = vector.extract %slice3A_391[0] : i32 from vector<1xi32>
      %mul3A_393 = arith.constant 16 : i32
      %mul3A_394 = arith.muli %add3A_73, %mul3A_393 : i32
      %add3A_395 = arith.constant 0 : i32
      %add3A_396 = arith.addi %add3A_395, %mul3A_394 : i32
      %add3A_397 = arith.constant 14 : i32
      %add3A_398 = arith.addi %add3A_396, %add3A_397 : i32
      %dma_start3A_399 = arith.constant 0 : i32
      %dma_start3A_400 = tpu.memref_slice %arg6[%add3A_398, %dma_start3A_399] : memref<512x64xf32, #tpu.memory_space<vmem>> -> memref<1x64xf32, #tpu.memory_space<vmem>>
      %dma_start3A_401 = tpu.memref_squeeze %dma_start3A_400 : memref<1x64xf32, #tpu.memory_space<vmem>> -> memref<64xf32, #tpu.memory_space<vmem>>
      %dma_start3A_402 = arith.constant 0 : i32
      %dma_start3A_403 = tpu.memref_slice %arg3[%squeeze3A_390, %squeeze3A_392, %dma_start3A_402] : memref<125000x8x64xf32, #tpu.memory_space<hbm>> -> memref<1x1x64xf32, #tpu.memory_space<hbm>>
      %dma_start3A_404 = tpu.memref_squeeze %dma_start3A_403 : memref<1x1x64xf32, #tpu.memory_space<hbm>> -> memref<64xf32, #tpu.memory_space<hbm>>
      %dma_start3A_405 = arith.constant 0 : i32
      %dma_start3A_406 = tpu.memref_slice %arg6[%add3A_398, %dma_start3A_405] : memref<512x64xf32, #tpu.memory_space<vmem>> -> memref<1x64xf32, #tpu.memory_space<vmem>>
      %dma_start3A_407 = tpu.memref_squeeze %dma_start3A_406 : memref<1x64xf32, #tpu.memory_space<vmem>> -> memref<64xf32, #tpu.memory_space<vmem>>
      %dma_start3A_408 = arith.constant 0 : i32
      %dma_start3A_409 = tpu.memref_slice %arg3[%squeeze3A_390, %squeeze3A_392, %dma_start3A_408] : memref<125000x8x64xf32, #tpu.memory_space<hbm>> -> memref<1x1x64xf32, #tpu.memory_space<hbm>>
      %dma_start3A_410 = tpu.memref_squeeze %dma_start3A_409 : memref<1x1x64xf32, #tpu.memory_space<hbm>> -> memref<64xf32, #tpu.memory_space<hbm>>
      tpu.enqueue_dma source(%dma_start3A_410 : memref<64xf32, #tpu.memory_space<hbm>>) target(%dma_start3A_407 : memref<64xf32, #tpu.memory_space<vmem>>) target_semaphore(%arg7 : memref<!tpu.dma_semaphore, #tpu.memory_space<semaphore_mem>>)
      %slice3A_411 = vector.extract_strided_slice %shift_right_arithmetic3A_81 {offsets = [15], sizes = [1], strides = [1]} : vector<16xi32> to vector<1xi32>
      %squeeze3A_412 = vector.extract %slice3A_411[0] : i32 from vector<1xi32>
      %slice3A_413 = vector.extract_strided_slice %and3A_83 {offsets = [15], sizes = [1], strides = [1]} : vector<16xi32> to vector<1xi32>
      %squeeze3A_414 = vector.extract %slice3A_413[0] : i32 from vector<1xi32>
      %mul3A_415 = arith.constant 16 : i32
      %mul3A_416 = arith.muli %add3A_73, %mul3A_415 : i32
      %add3A_417 = arith.constant 0 : i32
      %add3A_418 = arith.addi %add3A_417, %mul3A_416 : i32
      %add3A_419 = arith.constant 15 : i32
      %add3A_420 = arith.addi %add3A_418, %add3A_419 : i32
      %dma_start3A_421 = arith.constant 0 : i32
      %dma_start3A_422 = tpu.memref_slice %arg6[%add3A_420, %dma_start3A_421] : memref<512x64xf32, #tpu.memory_space<vmem>> -> memref<1x64xf32, #tpu.memory_space<vmem>>
      %dma_start3A_423 = tpu.memref_squeeze %dma_start3A_422 : memref<1x64xf32, #tpu.memory_space<vmem>> -> memref<64xf32, #tpu.memory_space<vmem>>
      %dma_start3A_424 = arith.constant 0 : i32
      %dma_start3A_425 = tpu.memref_slice %arg3[%squeeze3A_412, %squeeze3A_414, %dma_start3A_424] : memref<125000x8x64xf32, #tpu.memory_space<hbm>> -> memref<1x1x64xf32, #tpu.memory_space<hbm>>
      %dma_start3A_426 = tpu.memref_squeeze %dma_start3A_425 : memref<1x1x64xf32, #tpu.memory_space<hbm>> -> memref<64xf32, #tpu.memory_space<hbm>>
      %dma_start3A_427 = arith.constant 0 : i32
      %dma_start3A_428 = tpu.memref_slice %arg6[%add3A_420, %dma_start3A_427] : memref<512x64xf32, #tpu.memory_space<vmem>> -> memref<1x64xf32, #tpu.memory_space<vmem>>
      %dma_start3A_429 = tpu.memref_squeeze %dma_start3A_428 : memref<1x64xf32, #tpu.memory_space<vmem>> -> memref<64xf32, #tpu.memory_space<vmem>>
      %dma_start3A_430 = arith.constant 0 : i32
      %dma_start3A_431 = tpu.memref_slice %arg3[%squeeze3A_412, %squeeze3A_414, %dma_start3A_430] : memref<125000x8x64xf32, #tpu.memory_space<hbm>> -> memref<1x1x64xf32, #tpu.memory_space<hbm>>
      %dma_start3A_432 = tpu.memref_squeeze %dma_start3A_431 : memref<1x1x64xf32, #tpu.memory_space<hbm>> -> memref<64xf32, #tpu.memory_space<hbm>>
      tpu.enqueue_dma source(%dma_start3A_432 : memref<64xf32, #tpu.memory_space<hbm>>) target(%dma_start3A_429 : memref<64xf32, #tpu.memory_space<vmem>>) target_semaphore(%arg7 : memref<!tpu.dma_semaphore, #tpu.memory_space<semaphore_mem>>)
      %scan3A_433 = arith.constant 1 : i32
      %scan3A_434 = arith.addi %scan3A_69, %scan3A_433 : i32
      %mul3A_435 = arith.constant 1 : i32
      %mul3A_436 = arith.muli %scan3A_434, %mul3A_435 : i32
      %add3A_437 = arith.constant 0 : i32
      %add3A_438 = arith.addi %add3A_437, %mul3A_436 : i32
      %mul3A_439 = arith.constant 16 : i32
      %mul3A_440 = arith.muli %add3A_438, %mul3A_439 : i32
      %add3A_441 = arith.constant 0 : i32
      %add3A_442 = arith.addi %add3A_441, %mul3A_440 : i32
      %get3A_443 = arith.index_cast %add3A_442 : i32 to index
      %get3A_444 = tpu.vector_load %arg5[%get3A_443] {strides = array<i32>} : memref<512xi32, #tpu.memory_space<vmem>>, vector<16xi32>,
      %get3A_445 = vector.shape_cast %get3A_444 : vector<16xi32> to vector<16xi32>
      %shift_right_arithmetic3A_446 = arith.constant 3 : i32
      %shift_right_arithmetic3A_447 = vector.broadcast %shift_right_arithmetic3A_446 : i32 to vector<16xi32>
      %shift_right_arithmetic3A_448 = arith.shrsi %get3A_445, %shift_right_arithmetic3A_447 : vector<16xi32>
      %and3A_449 = arith.constant 7 : i32
      %and3A_450 = vector.broadcast %and3A_449 : i32 to vector<16xi32>
      %and3A_451 = arith.andi %get3A_445, %and3A_450 : vector<16xi32>
      %slice3A_452 = vector.extract_strided_slice %shift_right_arithmetic3A_448 {offsets = [0], sizes = [1], strides = [1]} : vector<16xi32> to vector<1xi32>
      %squeeze3A_453 = vector.extract %slice3A_452[0] : i32 from vector<1xi32>
      %slice3A_454 = vector.extract_strided_slice %and3A_451 {offsets = [0], sizes = [1], strides = [1]} : vector<16xi32> to vector<1xi32>
      %squeeze3A_455 = vector.extract %slice3A_454[0] : i32 from vector<1xi32>
      %mul3A_456 = arith.constant 16 : i32
      %mul3A_457 = arith.muli %add3A_438, %mul3A_456 : i32
      %add3A_458 = arith.constant 0 : i32
      %add3A_459 = arith.addi %add3A_458, %mul3A_457 : i32
      %add3A_460 = arith.constant 0 : i32
      %add3A_461 = arith.addi %add3A_459, %add3A_460 : i32
      %dma_start3A_462 = arith.constant 0 : i32
      %dma_start3A_463 = tpu.memref_slice %arg6[%add3A_461, %dma_start3A_462] : memref<512x64xf32, #tpu.memory_space<vmem>> -> memref<1x64xf32, #tpu.memory_space<vmem>>
      %dma_start3A_464 = tpu.memref_squeeze %dma_start3A_463 : memref<1x64xf32, #tpu.memory_space<vmem>> -> memref<64xf32, #tpu.memory_space<vmem>>
      %dma_start3A_465 = arith.constant 0 : i32
      %dma_start3A_466 = tpu.memref_slice %arg3[%squeeze3A_453, %squeeze3A_455, %dma_start3A_465] : memref<125000x8x64xf32, #tpu.memory_space<hbm>> -> memref<1x1x64xf32, #tpu.memory_space<hbm>>
      %dma_start3A_467 = tpu.memref_squeeze %dma_start3A_466 : memref<1x1x64xf32, #tpu.memory_space<hbm>> -> memref<64xf32, #tpu.memory_space<hbm>>
      %dma_start3A_468 = arith.constant 0 : i32
      %dma_start3A_469 = tpu.memref_slice %arg6[%add3A_461, %dma_start3A_468] : memref<512x64xf32, #tpu.memory_space<vmem>> -> memref<1x64xf32, #tpu.memory_space<vmem>>
      %dma_start3A_470 = tpu.memref_squeeze %dma_start3A_469 : memref<1x64xf32, #tpu.memory_space<vmem>> -> memref<64xf32, #tpu.memory_space<vmem>>
      %dma_start3A_471 = arith.constant 0 : i32
      %dma_start3A_472 = tpu.memref_slice %arg3[%squeeze3A_453, %squeeze3A_455, %dma_start3A_471] : memref<125000x8x64xf32, #tpu.memory_space<hbm>> -> memref<1x1x64xf32, #tpu.memory_space<hbm>>
      %dma_start3A_473 = tpu.memref_squeeze %dma_start3A_472 : memref<1x1x64xf32, #tpu.memory_space<hbm>> -> memref<64xf32, #tpu.memory_space<hbm>>
      tpu.enqueue_dma source(%dma_start3A_473 : memref<64xf32, #tpu.memory_space<hbm>>) target(%dma_start3A_470 : memref<64xf32, #tpu.memory_space<vmem>>) target_semaphore(%arg7 : memref<!tpu.dma_semaphore, #tpu.memory_space<semaphore_mem>>)
      %slice3A_474 = vector.extract_strided_slice %shift_right_arithmetic3A_448 {offsets = [1], sizes = [1], strides = [1]} : vector<16xi32> to vector<1xi32>
      %squeeze3A_475 = vector.extract %slice3A_474[0] : i32 from vector<1xi32>
      %slice3A_476 = vector.extract_strided_slice %and3A_451 {offsets = [1], sizes = [1], strides = [1]} : vector<16xi32> to vector<1xi32>
      %squeeze3A_477 = vector.extract %slice3A_476[0] : i32 from vector<1xi32>
      %mul3A_478 = arith.constant 16 : i32
      %mul3A_479 = arith.muli %add3A_438, %mul3A_478 : i32
      %add3A_480 = arith.constant 0 : i32
      %add3A_481 = arith.addi %add3A_480, %mul3A_479 : i32
      %add3A_482 = arith.constant 1 : i32
      %add3A_483 = arith.addi %add3A_481, %add3A_482 : i32
      %dma_start3A_484 = arith.constant 0 : i32
      %dma_start3A_485 = tpu.memref_slice %arg6[%add3A_483, %dma_start3A_484] : memref<512x64xf32, #tpu.memory_space<vmem>> -> memref<1x64xf32, #tpu.memory_space<vmem>>
      %dma_start3A_486 = tpu.memref_squeeze %dma_start3A_485 : memref<1x64xf32, #tpu.memory_space<vmem>> -> memref<64xf32, #tpu.memory_space<vmem>>
      %dma_start3A_487 = arith.constant 0 : i32
      %dma_start3A_488 = tpu.memref_slice %arg3[%squeeze3A_475, %squeeze3A_477, %dma_start3A_487] : memref<125000x8x64xf32, #tpu.memory_space<hbm>> -> memref<1x1x64xf32, #tpu.memory_space<hbm>>
      %dma_start3A_489 = tpu.memref_squeeze %dma_start3A_488 : memref<1x1x64xf32, #tpu.memory_space<hbm>> -> memref<64xf32, #tpu.memory_space<hbm>>
      %dma_start3A_490 = arith.constant 0 : i32
      %dma_start3A_491 = tpu.memref_slice %arg6[%add3A_483, %dma_start3A_490] : memref<512x64xf32, #tpu.memory_space<vmem>> -> memref<1x64xf32, #tpu.memory_space<vmem>>
      %dma_start3A_492 = tpu.memref_squeeze %dma_start3A_491 : memref<1x64xf32, #tpu.memory_space<vmem>> -> memref<64xf32, #tpu.memory_space<vmem>>
      %dma_start3A_493 = arith.constant 0 : i32
      %dma_start3A_494 = tpu.memref_slice %arg3[%squeeze3A_475, %squeeze3A_477, %dma_start3A_493] : memref<125000x8x64xf32, #tpu.memory_space<hbm>> -> memref<1x1x64xf32, #tpu.memory_space<hbm>>
      %dma_start3A_495 = tpu.memref_squeeze %dma_start3A_494 : memref<1x1x64xf32, #tpu.memory_space<hbm>> -> memref<64xf32, #tpu.memory_space<hbm>>
      tpu.enqueue_dma source(%dma_start3A_495 : memref<64xf32, #tpu.memory_space<hbm>>) target(%dma_start3A_492 : memref<64xf32, #tpu.memory_space<vmem>>) target_semaphore(%arg7 : memref<!tpu.dma_semaphore, #tpu.memory_space<semaphore_mem>>)
      %slice3A_496 = vector.extract_strided_slice %shift_right_arithmetic3A_448 {offsets = [2], sizes = [1], strides = [1]} : vector<16xi32> to vector<1xi32>
      %squeeze3A_497 = vector.extract %slice3A_496[0] : i32 from vector<1xi32>
      %slice3A_498 = vector.extract_strided_slice %and3A_451 {offsets = [2], sizes = [1], strides = [1]} : vector<16xi32> to vector<1xi32>
      %squeeze3A_499 = vector.extract %slice3A_498[0] : i32 from vector<1xi32>
      %mul3A_500 = arith.constant 16 : i32
      %mul3A_501 = arith.muli %add3A_438, %mul3A_500 : i32
      %add3A_502 = arith.constant 0 : i32
      %add3A_503 = arith.addi %add3A_502, %mul3A_501 : i32
      %add3A_504 = arith.constant 2 : i32
      %add3A_505 = arith.addi %add3A_503, %add3A_504 : i32
      %dma_start3A_506 = arith.constant 0 : i32
      %dma_start3A_507 = tpu.memref_slice %arg6[%add3A_505, %dma_start3A_506] : memref<512x64xf32, #tpu.memory_space<vmem>> -> memref<1x64xf32, #tpu.memory_space<vmem>>
      %dma_start3A_508 = tpu.memref_squeeze %dma_start3A_507 : memref<1x64xf32, #tpu.memory_space<vmem>> -> memref<64xf32, #tpu.memory_space<vmem>>
      %dma_start3A_509 = arith.constant 0 : i32
      %dma_start3A_510 = tpu.memref_slice %arg3[%squeeze3A_497, %squeeze3A_499, %dma_start3A_509] : memref<125000x8x64xf32, #tpu.memory_space<hbm>> -> memref<1x1x64xf32, #tpu.memory_space<hbm>>
      %dma_start3A_511 = tpu.memref_squeeze %dma_start3A_510 : memref<1x1x64xf32, #tpu.memory_space<hbm>> -> memref<64xf32, #tpu.memory_space<hbm>>
      %dma_start3A_512 = arith.constant 0 : i32
      %dma_start3A_513 = tpu.memref_slice %arg6[%add3A_505, %dma_start3A_512] : memref<512x64xf32, #tpu.memory_space<vmem>> -> memref<1x64xf32, #tpu.memory_space<vmem>>
      %dma_start3A_514 = tpu.memref_squeeze %dma_start3A_513 : memref<1x64xf32, #tpu.memory_space<vmem>> -> memref<64xf32, #tpu.memory_space<vmem>>
      %dma_start3A_515 = arith.constant 0 : i32
      %dma_start3A_516 = tpu.memref_slice %arg3[%squeeze3A_497, %squeeze3A_499, %dma_start3A_515] : memref<125000x8x64xf32, #tpu.memory_space<hbm>> -> memref<1x1x64xf32, #tpu.memory_space<hbm>>
      %dma_start3A_517 = tpu.memref_squeeze %dma_start3A_516 : memref<1x1x64xf32, #tpu.memory_space<hbm>> -> memref<64xf32, #tpu.memory_space<hbm>>
      tpu.enqueue_dma source(%dma_start3A_517 : memref<64xf32, #tpu.memory_space<hbm>>) target(%dma_start3A_514 : memref<64xf32, #tpu.memory_space<vmem>>) target_semaphore(%arg7 : memref<!tpu.dma_semaphore, #tpu.memory_space<semaphore_mem>>)
      %slice3A_518 = vector.extract_strided_slice %shift_right_arithmetic3A_448 {offsets = [3], sizes = [1], strides = [1]} : vector<16xi32> to vector<1xi32>
      %squeeze3A_519 = vector.extract %slice3A_518[0] : i32 from vector<1xi32>
      %slice3A_520 = vector.extract_strided_slice %and3A_451 {offsets = [3], sizes = [1], strides = [1]} : vector<16xi32> to vector<1xi32>
      %squeeze3A_521 = vector.extract %slice3A_520[0] : i32 from vector<1xi32>
      %mul3A_522 = arith.constant 16 : i32
      %mul3A_523 = arith.muli %add3A_438, %mul3A_522 : i32
      %add3A_524 = arith.constant 0 : i32
      %add3A_525 = arith.addi %add3A_524, %mul3A_523 : i32
      %add3A_526 = arith.constant 3 : i32
      %add3A_527 = arith.addi %add3A_525, %add3A_526 : i32
      %dma_start3A_528 = arith.constant 0 : i32
      %dma_start3A_529 = tpu.memref_slice %arg6[%add3A_527, %dma_start3A_528] : memref<512x64xf32, #tpu.memory_space<vmem>> -> memref<1x64xf32, #tpu.memory_space<vmem>>
      %dma_start3A_530 = tpu.memref_squeeze %dma_start3A_529 : memref<1x64xf32, #tpu.memory_space<vmem>> -> memref<64xf32, #tpu.memory_space<vmem>>
      %dma_start3A_531 = arith.constant 0 : i32
      %dma_start3A_532 = tpu.memref_slice %arg3[%squeeze3A_519, %squeeze3A_521, %dma_start3A_531] : memref<125000x8x64xf32, #tpu.memory_space<hbm>> -> memref<1x1x64xf32, #tpu.memory_space<hbm>>
      %dma_start3A_533 = tpu.memref_squeeze %dma_start3A_532 : memref<1x1x64xf32, #tpu.memory_space<hbm>> -> memref<64xf32, #tpu.memory_space<hbm>>
      %dma_start3A_534 = arith.constant 0 : i32
      %dma_start3A_535 = tpu.memref_slice %arg6[%add3A_527, %dma_start3A_534] : memref<512x64xf32, #tpu.memory_space<vmem>> -> memref<1x64xf32, #tpu.memory_space<vmem>>
      %dma_start3A_536 = tpu.memref_squeeze %dma_start3A_535 : memref<1x64xf32, #tpu.memory_space<vmem>> -> memref<64xf32, #tpu.memory_space<vmem>>
      %dma_start3A_537 = arith.constant 0 : i32
      %dma_start3A_538 = tpu.memref_slice %arg3[%squeeze3A_519, %squeeze3A_521, %dma_start3A_537] : memref<125000x8x64xf32, #tpu.memory_space<hbm>> -> memref<1x1x64xf32, #tpu.memory_space<hbm>>
      %dma_start3A_539 = tpu.memref_squeeze %dma_start3A_538 : memref<1x1x64xf32, #tpu.memory_space<hbm>> -> memref<64xf32, #tpu.memory_space<hbm>>
      tpu.enqueue_dma source(%dma_start3A_539 : memref<64xf32, #tpu.memory_space<hbm>>) target(%dma_start3A_536 : memref<64xf32, #tpu.memory_space<vmem>>) target_semaphore(%arg7 : memref<!tpu.dma_semaphore, #tpu.memory_space<semaphore_mem>>)
      %slice3A_540 = vector.extract_strided_slice %shift_right_arithmetic3A_448 {offsets = [4], sizes = [1], strides = [1]} : vector<16xi32> to vector<1xi32>
      %squeeze3A_541 = vector.extract %slice3A_540[0] : i32 from vector<1xi32>
      %slice3A_542 = vector.extract_strided_slice %and3A_451 {offsets = [4], sizes = [1], strides = [1]} : vector<16xi32> to vector<1xi32>
      %squeeze3A_543 = vector.extract %slice3A_542[0] : i32 from vector<1xi32>
      %mul3A_544 = arith.constant 16 : i32
      %mul3A_545 = arith.muli %add3A_438, %mul3A_544 : i32
      %add3A_546 = arith.constant 0 : i32
      %add3A_547 = arith.addi %add3A_546, %mul3A_545 : i32
      %add3A_548 = arith.constant 4 : i32
      %add3A_549 = arith.addi %add3A_547, %add3A_548 : i32
      %dma_start3A_550 = arith.constant 0 : i32
      %dma_start3A_551 = tpu.memref_slice %arg6[%add3A_549, %dma_start3A_550] : memref<512x64xf32, #tpu.memory_space<vmem>> -> memref<1x64xf32, #tpu.memory_space<vmem>>
      %dma_start3A_552 = tpu.memref_squeeze %dma_start3A_551 : memref<1x64xf32, #tpu.memory_space<vmem>> -> memref<64xf32, #tpu.memory_space<vmem>>
      %dma_start3A_553 = arith.constant 0 : i32
      %dma_start3A_554 = tpu.memref_slice %arg3[%squeeze3A_541, %squeeze3A_543, %dma_start3A_553] : memref<125000x8x64xf32, #tpu.memory_space<hbm>> -> memref<1x1x64xf32, #tpu.memory_space<hbm>>
      %dma_start3A_555 = tpu.memref_squeeze %dma_start3A_554 : memref<1x1x64xf32, #tpu.memory_space<hbm>> -> memref<64xf32, #tpu.memory_space<hbm>>
      %dma_start3A_556 = arith.constant 0 : i32
      %dma_start3A_557 = tpu.memref_slice %arg6[%add3A_549, %dma_start3A_556] : memref<512x64xf32, #tpu.memory_space<vmem>> -> memref<1x64xf32, #tpu.memory_space<vmem>>
      %dma_start3A_558 = tpu.memref_squeeze %dma_start3A_557 : memref<1x64xf32, #tpu.memory_space<vmem>> -> memref<64xf32, #tpu.memory_space<vmem>>
      %dma_start3A_559 = arith.constant 0 : i32
      %dma_start3A_560 = tpu.memref_slice %arg3[%squeeze3A_541, %squeeze3A_543, %dma_start3A_559] : memref<125000x8x64xf32, #tpu.memory_space<hbm>> -> memref<1x1x64xf32, #tpu.memory_space<hbm>>
      %dma_start3A_561 = tpu.memref_squeeze %dma_start3A_560 : memref<1x1x64xf32, #tpu.memory_space<hbm>> -> memref<64xf32, #tpu.memory_space<hbm>>
      tpu.enqueue_dma source(%dma_start3A_561 : memref<64xf32, #tpu.memory_space<hbm>>) target(%dma_start3A_558 : memref<64xf32, #tpu.memory_space<vmem>>) target_semaphore(%arg7 : memref<!tpu.dma_semaphore, #tpu.memory_space<semaphore_mem>>)
      %slice3A_562 = vector.extract_strided_slice %shift_right_arithmetic3A_448 {offsets = [5], sizes = [1], strides = [1]} : vector<16xi32> to vector<1xi32>
      %squeeze3A_563 = vector.extract %slice3A_562[0] : i32 from vector<1xi32>
      %slice3A_564 = vector.extract_strided_slice %and3A_451 {offsets = [5], sizes = [1], strides = [1]} : vector<16xi32> to vector<1xi32>
      %squeeze3A_565 = vector.extract %slice3A_564[0] : i32 from vector<1xi32>
      %mul3A_566 = arith.constant 16 : i32
      %mul3A_567 = arith.muli %add3A_438, %mul3A_566 : i32
      %add3A_568 = arith.constant 0 : i32
      %add3A_569 = arith.addi %add3A_568, %mul3A_567 : i32
      %add3A_570 = arith.constant 5 : i32
      %add3A_571 = arith.addi %add3A_569, %add3A_570 : i32
      %dma_start3A_572 = arith.constant 0 : i32
      %dma_start3A_573 = tpu.memref_slice %arg6[%add3A_571, %dma_start3A_572] : memref<512x64xf32, #tpu.memory_space<vmem>> -> memref<1x64xf32, #tpu.memory_space<vmem>>
      %dma_start3A_574 = tpu.memref_squeeze %dma_start3A_573 : memref<1x64xf32, #tpu.memory_space<vmem>> -> memref<64xf32, #tpu.memory_space<vmem>>
      %dma_start3A_575 = arith.constant 0 : i32
      %dma_start3A_576 = tpu.memref_slice %arg3[%squeeze3A_563, %squeeze3A_565, %dma_start3A_575] : memref<125000x8x64xf32, #tpu.memory_space<hbm>> -> memref<1x1x64xf32, #tpu.memory_space<hbm>>
      %dma_start3A_577 = tpu.memref_squeeze %dma_start3A_576 : memref<1x1x64xf32, #tpu.memory_space<hbm>> -> memref<64xf32, #tpu.memory_space<hbm>>
      %dma_start3A_578 = arith.constant 0 : i32
      %dma_start3A_579 = tpu.memref_slice %arg6[%add3A_571, %dma_start3A_578] : memref<512x64xf32, #tpu.memory_space<vmem>> -> memref<1x64xf32, #tpu.memory_space<vmem>>
      %dma_start3A_580 = tpu.memref_squeeze %dma_start3A_579 : memref<1x64xf32, #tpu.memory_space<vmem>> -> memref<64xf32, #tpu.memory_space<vmem>>
      %dma_start3A_581 = arith.constant 0 : i32
      %dma_start3A_582 = tpu.memref_slice %arg3[%squeeze3A_563, %squeeze3A_565, %dma_start3A_581] : memref<125000x8x64xf32, #tpu.memory_space<hbm>> -> memref<1x1x64xf32, #tpu.memory_space<hbm>>
      %dma_start3A_583 = tpu.memref_squeeze %dma_start3A_582 : memref<1x1x64xf32, #tpu.memory_space<hbm>> -> memref<64xf32, #tpu.memory_space<hbm>>
      tpu.enqueue_dma source(%dma_start3A_583 : memref<64xf32, #tpu.memory_space<hbm>>) target(%dma_start3A_580 : memref<64xf32, #tpu.memory_space<vmem>>) target_semaphore(%arg7 : memref<!tpu.dma_semaphore, #tpu.memory_space<semaphore_mem>>)
      %slice3A_584 = vector.extract_strided_slice %shift_right_arithmetic3A_448 {offsets = [6], sizes = [1], strides = [1]} : vector<16xi32> to vector<1xi32>
      %squeeze3A_585 = vector.extract %slice3A_584[0] : i32 from vector<1xi32>
      %slice3A_586 = vector.extract_strided_slice %and3A_451 {offsets = [6], sizes = [1], strides = [1]} : vector<16xi32> to vector<1xi32>
      %squeeze3A_587 = vector.extract %slice3A_586[0] : i32 from vector<1xi32>
      %mul3A_588 = arith.constant 16 : i32
      %mul3A_589 = arith.muli %add3A_438, %mul3A_588 : i32
      %add3A_590 = arith.constant 0 : i32
      %add3A_591 = arith.addi %add3A_590, %mul3A_589 : i32
      %add3A_592 = arith.constant 6 : i32
      %add3A_593 = arith.addi %add3A_591, %add3A_592 : i32
      %dma_start3A_594 = arith.constant 0 : i32
      %dma_start3A_595 = tpu.memref_slice %arg6[%add3A_593, %dma_start3A_594] : memref<512x64xf32, #tpu.memory_space<vmem>> -> memref<1x64xf32, #tpu.memory_space<vmem>>
      %dma_start3A_596 = tpu.memref_squeeze %dma_start3A_595 : memref<1x64xf32, #tpu.memory_space<vmem>> -> memref<64xf32, #tpu.memory_space<vmem>>
      %dma_start3A_597 = arith.constant 0 : i32
      %dma_start3A_598 = tpu.memref_slice %arg3[%squeeze3A_585, %squeeze3A_587, %dma_start3A_597] : memref<125000x8x64xf32, #tpu.memory_space<hbm>> -> memref<1x1x64xf32, #tpu.memory_space<hbm>>
      %dma_start3A_599 = tpu.memref_squeeze %dma_start3A_598 : memref<1x1x64xf32, #tpu.memory_space<hbm>> -> memref<64xf32, #tpu.memory_space<hbm>>
      %dma_start3A_600 = arith.constant 0 : i32
      %dma_start3A_601 = tpu.memref_slice %arg6[%add3A_593, %dma_start3A_600] : memref<512x64xf32, #tpu.memory_space<vmem>> -> memref<1x64xf32, #tpu.memory_space<vmem>>
      %dma_start3A_602 = tpu.memref_squeeze %dma_start3A_601 : memref<1x64xf32, #tpu.memory_space<vmem>> -> memref<64xf32, #tpu.memory_space<vmem>>
      %dma_start3A_603 = arith.constant 0 : i32
      %dma_start3A_604 = tpu.memref_slice %arg3[%squeeze3A_585, %squeeze3A_587, %dma_start3A_603] : memref<125000x8x64xf32, #tpu.memory_space<hbm>> -> memref<1x1x64xf32, #tpu.memory_space<hbm>>
      %dma_start3A_605 = tpu.memref_squeeze %dma_start3A_604 : memref<1x1x64xf32, #tpu.memory_space<hbm>> -> memref<64xf32, #tpu.memory_space<hbm>>
      tpu.enqueue_dma source(%dma_start3A_605 : memref<64xf32, #tpu.memory_space<hbm>>) target(%dma_start3A_602 : memref<64xf32, #tpu.memory_space<vmem>>) target_semaphore(%arg7 : memref<!tpu.dma_semaphore, #tpu.memory_space<semaphore_mem>>)
      %slice3A_606 = vector.extract_strided_slice %shift_right_arithmetic3A_448 {offsets = [7], sizes = [1], strides = [1]} : vector<16xi32> to vector<1xi32>
      %squeeze3A_607 = vector.extract %slice3A_606[0] : i32 from vector<1xi32>
      %slice3A_608 = vector.extract_strided_slice %and3A_451 {offsets = [7], sizes = [1], strides = [1]} : vector<16xi32> to vector<1xi32>
      %squeeze3A_609 = vector.extract %slice3A_608[0] : i32 from vector<1xi32>
      %mul3A_610 = arith.constant 16 : i32
      %mul3A_611 = arith.muli %add3A_438, %mul3A_610 : i32
      %add3A_612 = arith.constant 0 : i32
      %add3A_613 = arith.addi %add3A_612, %mul3A_611 : i32
      %add3A_614 = arith.constant 7 : i32
      %add3A_615 = arith.addi %add3A_613, %add3A_614 : i32
      %dma_start3A_616 = arith.constant 0 : i32
      %dma_start3A_617 = tpu.memref_slice %arg6[%add3A_615, %dma_start3A_616] : memref<512x64xf32, #tpu.memory_space<vmem>> -> memref<1x64xf32, #tpu.memory_space<vmem>>
      %dma_start3A_618 = tpu.memref_squeeze %dma_start3A_617 : memref<1x64xf32, #tpu.memory_space<vmem>> -> memref<64xf32, #tpu.memory_space<vmem>>
      %dma_start3A_619 = arith.constant 0 : i32
      %dma_start3A_620 = tpu.memref_slice %arg3[%squeeze3A_607, %squeeze3A_609, %dma_start3A_619] : memref<125000x8x64xf32, #tpu.memory_space<hbm>> -> memref<1x1x64xf32, #tpu.memory_space<hbm>>
      %dma_start3A_621 = tpu.memref_squeeze %dma_start3A_620 : memref<1x1x64xf32, #tpu.memory_space<hbm>> -> memref<64xf32, #tpu.memory_space<hbm>>
      %dma_start3A_622 = arith.constant 0 : i32
      %dma_start3A_623 = tpu.memref_slice %arg6[%add3A_615, %dma_start3A_622] : memref<512x64xf32, #tpu.memory_space<vmem>> -> memref<1x64xf32, #tpu.memory_space<vmem>>
      %dma_start3A_624 = tpu.memref_squeeze %dma_start3A_623 : memref<1x64xf32, #tpu.memory_space<vmem>> -> memref<64xf32, #tpu.memory_space<vmem>>
      %dma_start3A_625 = arith.constant 0 : i32
      %dma_start3A_626 = tpu.memref_slice %arg3[%squeeze3A_607, %squeeze3A_609, %dma_start3A_625] : memref<125000x8x64xf32, #tpu.memory_space<hbm>> -> memref<1x1x64xf32, #tpu.memory_space<hbm>>
      %dma_start3A_627 = tpu.memref_squeeze %dma_start3A_626 : memref<1x1x64xf32, #tpu.memory_space<hbm>> -> memref<64xf32, #tpu.memory_space<hbm>>
      tpu.enqueue_dma source(%dma_start3A_627 : memref<64xf32, #tpu.memory_space<hbm>>) target(%dma_start3A_624 : memref<64xf32, #tpu.memory_space<vmem>>) target_semaphore(%arg7 : memref<!tpu.dma_semaphore, #tpu.memory_space<semaphore_mem>>)
      %slice3A_628 = vector.extract_strided_slice %shift_right_arithmetic3A_448 {offsets = [8], sizes = [1], strides = [1]} : vector<16xi32> to vector<1xi32>
      %squeeze3A_629 = vector.extract %slice3A_628[0] : i32 from vector<1xi32>
      %slice3A_630 = vector.extract_strided_slice %and3A_451 {offsets = [8], sizes = [1], strides = [1]} : vector<16xi32> to vector<1xi32>
      %squeeze3A_631 = vector.extract %slice3A_630[0] : i32 from vector<1xi32>
      %mul3A_632 = arith.constant 16 : i32
      %mul3A_633 = arith.muli %add3A_438, %mul3A_632 : i32
      %add3A_634 = arith.constant 0 : i32
      %add3A_635 = arith.addi %add3A_634, %mul3A_633 : i32
      %add3A_636 = arith.constant 8 : i32
      %add3A_637 = arith.addi %add3A_635, %add3A_636 : i32
      %dma_start3A_638 = arith.constant 0 : i32
      %dma_start3A_639 = tpu.memref_slice %arg6[%add3A_637, %dma_start3A_638] : memref<512x64xf32, #tpu.memory_space<vmem>> -> memref<1x64xf32, #tpu.memory_space<vmem>>
      %dma_start3A_640 = tpu.memref_squeeze %dma_start3A_639 : memref<1x64xf32, #tpu.memory_space<vmem>> -> memref<64xf32, #tpu.memory_space<vmem>>
      %dma_start3A_641 = arith.constant 0 : i32
      %dma_start3A_642 = tpu.memref_slice %arg3[%squeeze3A_629, %squeeze3A_631, %dma_start3A_641] : memref<125000x8x64xf32, #tpu.memory_space<hbm>> -> memref<1x1x64xf32, #tpu.memory_space<hbm>>
      %dma_start3A_643 = tpu.memref_squeeze %dma_start3A_642 : memref<1x1x64xf32, #tpu.memory_space<hbm>> -> memref<64xf32, #tpu.memory_space<hbm>>
      %dma_start3A_644 = arith.constant 0 : i32
      %dma_start3A_645 = tpu.memref_slice %arg6[%add3A_637, %dma_start3A_644] : memref<512x64xf32, #tpu.memory_space<vmem>> -> memref<1x64xf32, #tpu.memory_space<vmem>>
      %dma_start3A_646 = tpu.memref_squeeze %dma_start3A_645 : memref<1x64xf32, #tpu.memory_space<vmem>> -> memref<64xf32, #tpu.memory_space<vmem>>
      %dma_start3A_647 = arith.constant 0 : i32
      %dma_start3A_648 = tpu.memref_slice %arg3[%squeeze3A_629, %squeeze3A_631, %dma_start3A_647] : memref<125000x8x64xf32, #tpu.memory_space<hbm>> -> memref<1x1x64xf32, #tpu.memory_space<hbm>>
      %dma_start3A_649 = tpu.memref_squeeze %dma_start3A_648 : memref<1x1x64xf32, #tpu.memory_space<hbm>> -> memref<64xf32, #tpu.memory_space<hbm>>
      tpu.enqueue_dma source(%dma_start3A_649 : memref<64xf32, #tpu.memory_space<hbm>>) target(%dma_start3A_646 : memref<64xf32, #tpu.memory_space<vmem>>) target_semaphore(%arg7 : memref<!tpu.dma_semaphore, #tpu.memory_space<semaphore_mem>>)
      %slice3A_650 = vector.extract_strided_slice %shift_right_arithmetic3A_448 {offsets = [9], sizes = [1], strides = [1]} : vector<16xi32> to vector<1xi32>
      %squeeze3A_651 = vector.extract %slice3A_650[0] : i32 from vector<1xi32>
      %slice3A_652 = vector.extract_strided_slice %and3A_451 {offsets = [9], sizes = [1], strides = [1]} : vector<16xi32> to vector<1xi32>
      %squeeze3A_653 = vector.extract %slice3A_652[0] : i32 from vector<1xi32>
      %mul3A_654 = arith.constant 16 : i32
      %mul3A_655 = arith.muli %add3A_438, %mul3A_654 : i32
      %add3A_656 = arith.constant 0 : i32
      %add3A_657 = arith.addi %add3A_656, %mul3A_655 : i32
      %add3A_658 = arith.constant 9 : i32
      %add3A_659 = arith.addi %add3A_657, %add3A_658 : i32
      %dma_start3A_660 = arith.constant 0 : i32
      %dma_start3A_661 = tpu.memref_slice %arg6[%add3A_659, %dma_start3A_660] : memref<512x64xf32, #tpu.memory_space<vmem>> -> memref<1x64xf32, #tpu.memory_space<vmem>>
      %dma_start3A_662 = tpu.memref_squeeze %dma_start3A_661 : memref<1x64xf32, #tpu.memory_space<vmem>> -> memref<64xf32, #tpu.memory_space<vmem>>
      %dma_start3A_663 = arith.constant 0 : i32
      %dma_start3A_664 = tpu.memref_slice %arg3[%squeeze3A_651, %squeeze3A_653, %dma_start3A_663] : memref<125000x8x64xf32, #tpu.memory_space<hbm>> -> memref<1x1x64xf32, #tpu.memory_space<hbm>>
      %dma_start3A_665 = tpu.memref_squeeze %dma_start3A_664 : memref<1x1x64xf32, #tpu.memory_space<hbm>> -> memref<64xf32, #tpu.memory_space<hbm>>
      %dma_start3A_666 = arith.constant 0 : i32
      %dma_start3A_667 = tpu.memref_slice %arg6[%add3A_659, %dma_start3A_666] : memref<512x64xf32, #tpu.memory_space<vmem>> -> memref<1x64xf32, #tpu.memory_space<vmem>>
      %dma_start3A_668 = tpu.memref_squeeze %dma_start3A_667 : memref<1x64xf32, #tpu.memory_space<vmem>> -> memref<64xf32, #tpu.memory_space<vmem>>
      %dma_start3A_669 = arith.constant 0 : i32
      %dma_start3A_670 = tpu.memref_slice %arg3[%squeeze3A_651, %squeeze3A_653, %dma_start3A_669] : memref<125000x8x64xf32, #tpu.memory_space<hbm>> -> memref<1x1x64xf32, #tpu.memory_space<hbm>>
      %dma_start3A_671 = tpu.memref_squeeze %dma_start3A_670 : memref<1x1x64xf32, #tpu.memory_space<hbm>> -> memref<64xf32, #tpu.memory_space<hbm>>
      tpu.enqueue_dma source(%dma_start3A_671 : memref<64xf32, #tpu.memory_space<hbm>>) target(%dma_start3A_668 : memref<64xf32, #tpu.memory_space<vmem>>) target_semaphore(%arg7 : memref<!tpu.dma_semaphore, #tpu.memory_space<semaphore_mem>>)
      %slice3A_672 = vector.extract_strided_slice %shift_right_arithmetic3A_448 {offsets = [10], sizes = [1], strides = [1]} : vector<16xi32> to vector<1xi32>
      %squeeze3A_673 = vector.extract %slice3A_672[0] : i32 from vector<1xi32>
      %slice3A_674 = vector.extract_strided_slice %and3A_451 {offsets = [10], sizes = [1], strides = [1]} : vector<16xi32> to vector<1xi32>
      %squeeze3A_675 = vector.extract %slice3A_674[0] : i32 from vector<1xi32>
      %mul3A_676 = arith.constant 16 : i32
      %mul3A_677 = arith.muli %add3A_438, %mul3A_676 : i32
      %add3A_678 = arith.constant 0 : i32
      %add3A_679 = arith.addi %add3A_678, %mul3A_677 : i32
      %add3A_680 = arith.constant 10 : i32
      %add3A_681 = arith.addi %add3A_679, %add3A_680 : i32
      %dma_start3A_682 = arith.constant 0 : i32
      %dma_start3A_683 = tpu.memref_slice %arg6[%add3A_681, %dma_start3A_682] : memref<512x64xf32, #tpu.memory_space<vmem>> -> memref<1x64xf32, #tpu.memory_space<vmem>>
      %dma_start3A_684 = tpu.memref_squeeze %dma_start3A_683 : memref<1x64xf32, #tpu.memory_space<vmem>> -> memref<64xf32, #tpu.memory_space<vmem>>
      %dma_start3A_685 = arith.constant 0 : i32
      %dma_start3A_686 = tpu.memref_slice %arg3[%squeeze3A_673, %squeeze3A_675, %dma_start3A_685] : memref<125000x8x64xf32, #tpu.memory_space<hbm>> -> memref<1x1x64xf32, #tpu.memory_space<hbm>>
      %dma_start3A_687 = tpu.memref_squeeze %dma_start3A_686 : memref<1x1x64xf32, #tpu.memory_space<hbm>> -> memref<64xf32, #tpu.memory_space<hbm>>
      %dma_start3A_688 = arith.constant 0 : i32
      %dma_start3A_689 = tpu.memref_slice %arg6[%add3A_681, %dma_start3A_688] : memref<512x64xf32, #tpu.memory_space<vmem>> -> memref<1x64xf32, #tpu.memory_space<vmem>>
      %dma_start3A_690 = tpu.memref_squeeze %dma_start3A_689 : memref<1x64xf32, #tpu.memory_space<vmem>> -> memref<64xf32, #tpu.memory_space<vmem>>
      %dma_start3A_691 = arith.constant 0 : i32
      %dma_start3A_692 = tpu.memref_slice %arg3[%squeeze3A_673, %squeeze3A_675, %dma_start3A_691] : memref<125000x8x64xf32, #tpu.memory_space<hbm>> -> memref<1x1x64xf32, #tpu.memory_space<hbm>>
      %dma_start3A_693 = tpu.memref_squeeze %dma_start3A_692 : memref<1x1x64xf32, #tpu.memory_space<hbm>> -> memref<64xf32, #tpu.memory_space<hbm>>
      tpu.enqueue_dma source(%dma_start3A_693 : memref<64xf32, #tpu.memory_space<hbm>>) target(%dma_start3A_690 : memref<64xf32, #tpu.memory_space<vmem>>) target_semaphore(%arg7 : memref<!tpu.dma_semaphore, #tpu.memory_space<semaphore_mem>>)
      %slice3A_694 = vector.extract_strided_slice %shift_right_arithmetic3A_448 {offsets = [11], sizes = [1], strides = [1]} : vector<16xi32> to vector<1xi32>
      %squeeze3A_695 = vector.extract %slice3A_694[0] : i32 from vector<1xi32>
      %slice3A_696 = vector.extract_strided_slice %and3A_451 {offsets = [11], sizes = [1], strides = [1]} : vector<16xi32> to vector<1xi32>
      %squeeze3A_697 = vector.extract %slice3A_696[0] : i32 from vector<1xi32>
      %mul3A_698 = arith.constant 16 : i32
      %mul3A_699 = arith.muli %add3A_438, %mul3A_698 : i32
      %add3A_700 = arith.constant 0 : i32
      %add3A_701 = arith.addi %add3A_700, %mul3A_699 : i32
      %add3A_702 = arith.constant 11 : i32
      %add3A_703 = arith.addi %add3A_701, %add3A_702 : i32
      %dma_start3A_704 = arith.constant 0 : i32
      %dma_start3A_705 = tpu.memref_slice %arg6[%add3A_703, %dma_start3A_704] : memref<512x64xf32, #tpu.memory_space<vmem>> -> memref<1x64xf32, #tpu.memory_space<vmem>>
      %dma_start3A_706 = tpu.memref_squeeze %dma_start3A_705 : memref<1x64xf32, #tpu.memory_space<vmem>> -> memref<64xf32, #tpu.memory_space<vmem>>
      %dma_start3A_707 = arith.constant 0 : i32
      %dma_start3A_708 = tpu.memref_slice %arg3[%squeeze3A_695, %squeeze3A_697, %dma_start3A_707] : memref<125000x8x64xf32, #tpu.memory_space<hbm>> -> memref<1x1x64xf32, #tpu.memory_space<hbm>>
      %dma_start3A_709 = tpu.memref_squeeze %dma_start3A_708 : memref<1x1x64xf32, #tpu.memory_space<hbm>> -> memref<64xf32, #tpu.memory_space<hbm>>
      %dma_start3A_710 = arith.constant 0 : i32
      %dma_start3A_711 = tpu.memref_slice %arg6[%add3A_703, %dma_start3A_710] : memref<512x64xf32, #tpu.memory_space<vmem>> -> memref<1x64xf32, #tpu.memory_space<vmem>>
      %dma_start3A_712 = tpu.memref_squeeze %dma_start3A_711 : memref<1x64xf32, #tpu.memory_space<vmem>> -> memref<64xf32, #tpu.memory_space<vmem>>
      %dma_start3A_713 = arith.constant 0 : i32
      %dma_start3A_714 = tpu.memref_slice %arg3[%squeeze3A_695, %squeeze3A_697, %dma_start3A_713] : memref<125000x8x64xf32, #tpu.memory_space<hbm>> -> memref<1x1x64xf32, #tpu.memory_space<hbm>>
      %dma_start3A_715 = tpu.memref_squeeze %dma_start3A_714 : memref<1x1x64xf32, #tpu.memory_space<hbm>> -> memref<64xf32, #tpu.memory_space<hbm>>
      tpu.enqueue_dma source(%dma_start3A_715 : memref<64xf32, #tpu.memory_space<hbm>>) target(%dma_start3A_712 : memref<64xf32, #tpu.memory_space<vmem>>) target_semaphore(%arg7 : memref<!tpu.dma_semaphore, #tpu.memory_space<semaphore_mem>>)
      %slice3A_716 = vector.extract_strided_slice %shift_right_arithmetic3A_448 {offsets = [12], sizes = [1], strides = [1]} : vector<16xi32> to vector<1xi32>
      %squeeze3A_717 = vector.extract %slice3A_716[0] : i32 from vector<1xi32>
      %slice3A_718 = vector.extract_strided_slice %and3A_451 {offsets = [12], sizes = [1], strides = [1]} : vector<16xi32> to vector<1xi32>
      %squeeze3A_719 = vector.extract %slice3A_718[0] : i32 from vector<1xi32>
      %mul3A_720 = arith.constant 16 : i32
      %mul3A_721 = arith.muli %add3A_438, %mul3A_720 : i32
      %add3A_722 = arith.constant 0 : i32
      %add3A_723 = arith.addi %add3A_722, %mul3A_721 : i32
      %add3A_724 = arith.constant 12 : i32
      %add3A_725 = arith.addi %add3A_723, %add3A_724 : i32
      %dma_start3A_726 = arith.constant 0 : i32
      %dma_start3A_727 = tpu.memref_slice %arg6[%add3A_725, %dma_start3A_726] : memref<512x64xf32, #tpu.memory_space<vmem>> -> memref<1x64xf32, #tpu.memory_space<vmem>>
      %dma_start3A_728 = tpu.memref_squeeze %dma_start3A_727 : memref<1x64xf32, #tpu.memory_space<vmem>> -> memref<64xf32, #tpu.memory_space<vmem>>
      %dma_start3A_729 = arith.constant 0 : i32
      %dma_start3A_730 = tpu.memref_slice %arg3[%squeeze3A_717, %squeeze3A_719, %dma_start3A_729] : memref<125000x8x64xf32, #tpu.memory_space<hbm>> -> memref<1x1x64xf32, #tpu.memory_space<hbm>>
      %dma_start3A_731 = tpu.memref_squeeze %dma_start3A_730 : memref<1x1x64xf32, #tpu.memory_space<hbm>> -> memref<64xf32, #tpu.memory_space<hbm>>
      %dma_start3A_732 = arith.constant 0 : i32
      %dma_start3A_733 = tpu.memref_slice %arg6[%add3A_725, %dma_start3A_732] : memref<512x64xf32, #tpu.memory_space<vmem>> -> memref<1x64xf32, #tpu.memory_space<vmem>>
      %dma_start3A_734 = tpu.memref_squeeze %dma_start3A_733 : memref<1x64xf32, #tpu.memory_space<vmem>> -> memref<64xf32, #tpu.memory_space<vmem>>
      %dma_start3A_735 = arith.constant 0 : i32
      %dma_start3A_736 = tpu.memref_slice %arg3[%squeeze3A_717, %squeeze3A_719, %dma_start3A_735] : memref<125000x8x64xf32, #tpu.memory_space<hbm>> -> memref<1x1x64xf32, #tpu.memory_space<hbm>>
      %dma_start3A_737 = tpu.memref_squeeze %dma_start3A_736 : memref<1x1x64xf32, #tpu.memory_space<hbm>> -> memref<64xf32, #tpu.memory_space<hbm>>
      tpu.enqueue_dma source(%dma_start3A_737 : memref<64xf32, #tpu.memory_space<hbm>>) target(%dma_start3A_734 : memref<64xf32, #tpu.memory_space<vmem>>) target_semaphore(%arg7 : memref<!tpu.dma_semaphore, #tpu.memory_space<semaphore_mem>>)
      %slice3A_738 = vector.extract_strided_slice %shift_right_arithmetic3A_448 {offsets = [13], sizes = [1], strides = [1]} : vector<16xi32> to vector<1xi32>
      %squeeze3A_739 = vector.extract %slice3A_738[0] : i32 from vector<1xi32>
      %slice3A_740 = vector.extract_strided_slice %and3A_451 {offsets = [13], sizes = [1], strides = [1]} : vector<16xi32> to vector<1xi32>
      %squeeze3A_741 = vector.extract %slice3A_740[0] : i32 from vector<1xi32>
      %mul3A_742 = arith.constant 16 : i32
      %mul3A_743 = arith.muli %add3A_438, %mul3A_742 : i32
      %add3A_744 = arith.constant 0 : i32
      %add3A_745 = arith.addi %add3A_744, %mul3A_743 : i32
      %add3A_746 = arith.constant 13 : i32
      %add3A_747 = arith.addi %add3A_745, %add3A_746 : i32
      %dma_start3A_748 = arith.constant 0 : i32
      %dma_start3A_749 = tpu.memref_slice %arg6[%add3A_747, %dma_start3A_748] : memref<512x64xf32, #tpu.memory_space<vmem>> -> memref<1x64xf32, #tpu.memory_space<vmem>>
      %dma_start3A_750 = tpu.memref_squeeze %dma_start3A_749 : memref<1x64xf32, #tpu.memory_space<vmem>> -> memref<64xf32, #tpu.memory_space<vmem>>
      %dma_start3A_751 = arith.constant 0 : i32
      %dma_start3A_752 = tpu.memref_slice %arg3[%squeeze3A_739, %squeeze3A_741, %dma_start3A_751] : memref<125000x8x64xf32, #tpu.memory_space<hbm>> -> memref<1x1x64xf32, #tpu.memory_space<hbm>>
      %dma_start3A_753 = tpu.memref_squeeze %dma_start3A_752 : memref<1x1x64xf32, #tpu.memory_space<hbm>> -> memref<64xf32, #tpu.memory_space<hbm>>
      %dma_start3A_754 = arith.constant 0 : i32
      %dma_start3A_755 = tpu.memref_slice %arg6[%add3A_747, %dma_start3A_754] : memref<512x64xf32, #tpu.memory_space<vmem>> -> memref<1x64xf32, #tpu.memory_space<vmem>>
      %dma_start3A_756 = tpu.memref_squeeze %dma_start3A_755 : memref<1x64xf32, #tpu.memory_space<vmem>> -> memref<64xf32, #tpu.memory_space<vmem>>
      %dma_start3A_757 = arith.constant 0 : i32
      %dma_start3A_758 = tpu.memref_slice %arg3[%squeeze3A_739, %squeeze3A_741, %dma_start3A_757] : memref<125000x8x64xf32, #tpu.memory_space<hbm>> -> memref<1x1x64xf32, #tpu.memory_space<hbm>>
      %dma_start3A_759 = tpu.memref_squeeze %dma_start3A_758 : memref<1x1x64xf32, #tpu.memory_space<hbm>> -> memref<64xf32, #tpu.memory_space<hbm>>
      tpu.enqueue_dma source(%dma_start3A_759 : memref<64xf32, #tpu.memory_space<hbm>>) target(%dma_start3A_756 : memref<64xf32, #tpu.memory_space<vmem>>) target_semaphore(%arg7 : memref<!tpu.dma_semaphore, #tpu.memory_space<semaphore_mem>>)
      %slice3A_760 = vector.extract_strided_slice %shift_right_arithmetic3A_448 {offsets = [14], sizes = [1], strides = [1]} : vector<16xi32> to vector<1xi32>
      %squeeze3A_761 = vector.extract %slice3A_760[0] : i32 from vector<1xi32>
      %slice3A_762 = vector.extract_strided_slice %and3A_451 {offsets = [14], sizes = [1], strides = [1]} : vector<16xi32> to vector<1xi32>
      %squeeze3A_763 = vector.extract %slice3A_762[0] : i32 from vector<1xi32>
      %mul3A_764 = arith.constant 16 : i32
      %mul3A_765 = arith.muli %add3A_438, %mul3A_764 : i32
      %add3A_766 = arith.constant 0 : i32
      %add3A_767 = arith.addi %add3A_766, %mul3A_765 : i32
      %add3A_768 = arith.constant 14 : i32
      %add3A_769 = arith.addi %add3A_767, %add3A_768 : i32
      %dma_start3A_770 = arith.constant 0 : i32
      %dma_start3A_771 = tpu.memref_slice %arg6[%add3A_769, %dma_start3A_770] : memref<512x64xf32, #tpu.memory_space<vmem>> -> memref<1x64xf32, #tpu.memory_space<vmem>>
      %dma_start3A_772 = tpu.memref_squeeze %dma_start3A_771 : memref<1x64xf32, #tpu.memory_space<vmem>> -> memref<64xf32, #tpu.memory_space<vmem>>
      %dma_start3A_773 = arith.constant 0 : i32
      %dma_start3A_774 = tpu.memref_slice %arg3[%squeeze3A_761, %squeeze3A_763, %dma_start3A_773] : memref<125000x8x64xf32, #tpu.memory_space<hbm>> -> memref<1x1x64xf32, #tpu.memory_space<hbm>>
      %dma_start3A_775 = tpu.memref_squeeze %dma_start3A_774 : memref<1x1x64xf32, #tpu.memory_space<hbm>> -> memref<64xf32, #tpu.memory_space<hbm>>
      %dma_start3A_776 = arith.constant 0 : i32
      %dma_start3A_777 = tpu.memref_slice %arg6[%add3A_769, %dma_start3A_776] : memref<512x64xf32, #tpu.memory_space<vmem>> -> memref<1x64xf32, #tpu.memory_space<vmem>>
      %dma_start3A_778 = tpu.memref_squeeze %dma_start3A_777 : memref<1x64xf32, #tpu.memory_space<vmem>> -> memref<64xf32, #tpu.memory_space<vmem>>
      %dma_start3A_779 = arith.constant 0 : i32
      %dma_start3A_780 = tpu.memref_slice %arg3[%squeeze3A_761, %squeeze3A_763, %dma_start3A_779] : memref<125000x8x64xf32, #tpu.memory_space<hbm>> -> memref<1x1x64xf32, #tpu.memory_space<hbm>>
      %dma_start3A_781 = tpu.memref_squeeze %dma_start3A_780 : memref<1x1x64xf32, #tpu.memory_space<hbm>> -> memref<64xf32, #tpu.memory_space<hbm>>
      tpu.enqueue_dma source(%dma_start3A_781 : memref<64xf32, #tpu.memory_space<hbm>>) target(%dma_start3A_778 : memref<64xf32, #tpu.memory_space<vmem>>) target_semaphore(%arg7 : memref<!tpu.dma_semaphore, #tpu.memory_space<semaphore_mem>>)
      %slice3A_782 = vector.extract_strided_slice %shift_right_arithmetic3A_448 {offsets = [15], sizes = [1], strides = [1]} : vector<16xi32> to vector<1xi32>
      %squeeze3A_783 = vector.extract %slice3A_782[0] : i32 from vector<1xi32>
      %slice3A_784 = vector.extract_strided_slice %and3A_451 {offsets = [15], sizes = [1], strides = [1]} : vector<16xi32> to vector<1xi32>
      %squeeze3A_785 = vector.extract %slice3A_784[0] : i32 from vector<1xi32>
      %mul3A_786 = arith.constant 16 : i32
      %mul3A_787 = arith.muli %add3A_438, %mul3A_786 : i32
      %add3A_788 = arith.constant 0 : i32
      %add3A_789 = arith.addi %add3A_788, %mul3A_787 : i32
      %add3A_790 = arith.constant 15 : i32
      %add3A_791 = arith.addi %add3A_789, %add3A_790 : i32
      %dma_start3A_792 = arith.constant 0 : i32
      %dma_start3A_793 = tpu.memref_slice %arg6[%add3A_791, %dma_start3A_792] : memref<512x64xf32, #tpu.memory_space<vmem>> -> memref<1x64xf32, #tpu.memory_space<vmem>>
      %dma_start3A_794 = tpu.memref_squeeze %dma_start3A_793 : memref<1x64xf32, #tpu.memory_space<vmem>> -> memref<64xf32, #tpu.memory_space<vmem>>
      %dma_start3A_795 = arith.constant 0 : i32
      %dma_start3A_796 = tpu.memref_slice %arg3[%squeeze3A_783, %squeeze3A_785, %dma_start3A_795] : memref<125000x8x64xf32, #tpu.memory_space<hbm>> -> memref<1x1x64xf32, #tpu.memory_space<hbm>>
      %dma_start3A_797 = tpu.memref_squeeze %dma_start3A_796 : memref<1x1x64xf32, #tpu.memory_space<hbm>> -> memref<64xf32, #tpu.memory_space<hbm>>
      %dma_start3A_798 = arith.constant 0 : i32
      %dma_start3A_799 = tpu.memref_slice %arg6[%add3A_791, %dma_start3A_798] : memref<512x64xf32, #tpu.memory_space<vmem>> -> memref<1x64xf32, #tpu.memory_space<vmem>>
      %dma_start3A_800 = tpu.memref_squeeze %dma_start3A_799 : memref<1x64xf32, #tpu.memory_space<vmem>> -> memref<64xf32, #tpu.memory_space<vmem>>
      %dma_start3A_801 = arith.constant 0 : i32
      %dma_start3A_802 = tpu.memref_slice %arg3[%squeeze3A_783, %squeeze3A_785, %dma_start3A_801] : memref<125000x8x64xf32, #tpu.memory_space<hbm>> -> memref<1x1x64xf32, #tpu.memory_space<hbm>>
      %dma_start3A_803 = tpu.memref_squeeze %dma_start3A_802 : memref<1x1x64xf32, #tpu.memory_space<hbm>> -> memref<64xf32, #tpu.memory_space<hbm>>
      tpu.enqueue_dma source(%dma_start3A_803 : memref<64xf32, #tpu.memory_space<hbm>>) target(%dma_start3A_800 : memref<64xf32, #tpu.memory_space<vmem>>) target_semaphore(%arg7 : memref<!tpu.dma_semaphore, #tpu.memory_space<semaphore_mem>>)
    }
    %scan3A_6 = arith.constant 8 : i32
    %scan3A_7 = arith.constant 0 : i32
    %scan3A_8 = arith.constant 8 : i32
    %scan3A_9 = arith.addi %scan3A_7, %scan3A_8 : i32
    %scan3A_10 = arith.constant 2 : i32
    scf.for %scan3A_69 = %scan3A_7 to %scan3A_9 step %scan3A_10  : i32 {
      %mul3A_70 = arith.constant 1 : i32
      %mul3A_71 = arith.muli %scan3A_69, %mul3A_70 : i32
      %add3A_72 = arith.constant 0 : i32
      %add3A_73 = arith.addi %add3A_72, %mul3A_71 : i32
      %mul3A_74 = arith.constant 16 : i32
      %mul3A_75 = arith.muli %add3A_73, %mul3A_74 : i32
      %add3A_76 = arith.constant 128 : i32
      %add3A_77 = arith.addi %add3A_76, %mul3A_75 : i32
      %get3A = arith.index_cast %add3A_77 : i32 to index
      %get3A_78 = tpu.vector_load %arg5[%get3A] {strides = array<i32>} : memref<512xi32, #tpu.memory_space<vmem>>, vector<16xi32>,
      %get3A_79 = vector.shape_cast %get3A_78 : vector<16xi32> to vector<16xi32>
      %shift_right_arithmetic3A = arith.constant 3 : i32
      %shift_right_arithmetic3A_80 = vector.broadcast %shift_right_arithmetic3A : i32 to vector<16xi32>
      %shift_right_arithmetic3A_81 = arith.shrsi %get3A_79, %shift_right_arithmetic3A_80 : vector<16xi32>
      %and3A = arith.constant 7 : i32
      %and3A_82 = vector.broadcast %and3A : i32 to vector<16xi32>
      %and3A_83 = arith.andi %get3A_79, %and3A_82 : vector<16xi32>
      %slice3A = vector.extract_strided_slice %shift_right_arithmetic3A_81 {offsets = [0], sizes = [1], strides = [1]} : vector<16xi32> to vector<1xi32>
      %squeeze3A = vector.extract %slice3A[0] : i32 from vector<1xi32>
      %slice3A_84 = vector.extract_strided_slice %and3A_83 {offsets = [0], sizes = [1], strides = [1]} : vector<16xi32> to vector<1xi32>
      %squeeze3A_85 = vector.extract %slice3A_84[0] : i32 from vector<1xi32>
      %mul3A_86 = arith.constant 16 : i32
      %mul3A_87 = arith.muli %add3A_73, %mul3A_86 : i32
      %add3A_88 = arith.constant 128 : i32
      %add3A_89 = arith.addi %add3A_88, %mul3A_87 : i32
      %add3A_90 = arith.constant 0 : i32
      %add3A_91 = arith.addi %add3A_89, %add3A_90 : i32
      %dma_start3A = arith.constant 0 : i32
      %dma_start3A_92 = tpu.memref_slice %arg6[%add3A_91, %dma_start3A] : memref<512x64xf32, #tpu.memory_space<vmem>> -> memref<1x64xf32, #tpu.memory_space<vmem>>
      %dma_start3A_93 = tpu.memref_squeeze %dma_start3A_92 : memref<1x64xf32, #tpu.memory_space<vmem>> -> memref<64xf32, #tpu.memory_space<vmem>>
      %dma_start3A_94 = arith.constant 0 : i32
      %dma_start3A_95 = tpu.memref_slice %arg3[%squeeze3A, %squeeze3A_85, %dma_start3A_94] : memref<125000x8x64xf32, #tpu.memory_space<hbm>> -> memref<1x1x64xf32, #tpu.memory_space<hbm>>
      %dma_start3A_96 = tpu.memref_squeeze %dma_start3A_95 : memref<1x1x64xf32, #tpu.memory_space<hbm>> -> memref<64xf32, #tpu.memory_space<hbm>>
      %dma_start3A_97 = arith.constant 0 : i32
      %dma_start3A_98 = tpu.memref_slice %arg6[%add3A_91, %dma_start3A_97] : memref<512x64xf32, #tpu.memory_space<vmem>> -> memref<1x64xf32, #tpu.memory_space<vmem>>
      %dma_start3A_99 = tpu.memref_squeeze %dma_start3A_98 : memref<1x64xf32, #tpu.memory_space<vmem>> -> memref<64xf32, #tpu.memory_space<vmem>>
      %dma_start3A_100 = arith.constant 0 : i32
      %dma_start3A_101 = tpu.memref_slice %arg3[%squeeze3A, %squeeze3A_85, %dma_start3A_100] : memref<125000x8x64xf32, #tpu.memory_space<hbm>> -> memref<1x1x64xf32, #tpu.memory_space<hbm>>
      %dma_start3A_102 = tpu.memref_squeeze %dma_start3A_101 : memref<1x1x64xf32, #tpu.memory_space<hbm>> -> memref<64xf32, #tpu.memory_space<hbm>>
      tpu.enqueue_dma source(%dma_start3A_102 : memref<64xf32, #tpu.memory_space<hbm>>) target(%dma_start3A_99 : memref<64xf32, #tpu.memory_space<vmem>>) target_semaphore(%arg8 : memref<!tpu.dma_semaphore, #tpu.memory_space<semaphore_mem>>)
      %slice3A_103 = vector.extract_strided_slice %shift_right_arithmetic3A_81 {offsets = [1], sizes = [1], strides = [1]} : vector<16xi32> to vector<1xi32>
      %squeeze3A_104 = vector.extract %slice3A_103[0] : i32 from vector<1xi32>
      %slice3A_105 = vector.extract_strided_slice %and3A_83 {offsets = [1], sizes = [1], strides = [1]} : vector<16xi32> to vector<1xi32>
      %squeeze3A_106 = vector.extract %slice3A_105[0] : i32 from vector<1xi32>
      %mul3A_107 = arith.constant 16 : i32
      %mul3A_108 = arith.muli %add3A_73, %mul3A_107 : i32
      %add3A_109 = arith.constant 128 : i32
      %add3A_110 = arith.addi %add3A_109, %mul3A_108 : i32
      %add3A_111 = arith.constant 1 : i32
      %add3A_112 = arith.addi %add3A_110, %add3A_111 : i32
      %dma_start3A_113 = arith.constant 0 : i32
      %dma_start3A_114 = tpu.memref_slice %arg6[%add3A_112, %dma_start3A_113] : memref<512x64xf32, #tpu.memory_space<vmem>> -> memref<1x64xf32, #tpu.memory_space<vmem>>
      %dma_start3A_115 = tpu.memref_squeeze %dma_start3A_114 : memref<1x64xf32, #tpu.memory_space<vmem>> -> memref<64xf32, #tpu.memory_space<vmem>>
      %dma_start3A_116 = arith.constant 0 : i32
      %dma_start3A_117 = tpu.memref_slice %arg3[%squeeze3A_104, %squeeze3A_106, %dma_start3A_116] : memref<125000x8x64xf32, #tpu.memory_space<hbm>> -> memref<1x1x64xf32, #tpu.memory_space<hbm>>
      %dma_start3A_118 = tpu.memref_squeeze %dma_start3A_117 : memref<1x1x64xf32, #tpu.memory_space<hbm>> -> memref<64xf32, #tpu.memory_space<hbm>>
      %dma_start3A_119 = arith.constant 0 : i32
      %dma_start3A_120 = tpu.memref_slice %arg6[%add3A_112, %dma_start3A_119] : memref<512x64xf32, #tpu.memory_space<vmem>> -> memref<1x64xf32, #tpu.memory_space<vmem>>
      %dma_start3A_121 = tpu.memref_squeeze %dma_start3A_120 : memref<1x64xf32, #tpu.memory_space<vmem>> -> memref<64xf32, #tpu.memory_space<vmem>>
      %dma_start3A_122 = arith.constant 0 : i32
      %dma_start3A_123 = tpu.memref_slice %arg3[%squeeze3A_104, %squeeze3A_106, %dma_start3A_122] : memref<125000x8x64xf32, #tpu.memory_space<hbm>> -> memref<1x1x64xf32, #tpu.memory_space<hbm>>
      %dma_start3A_124 = tpu.memref_squeeze %dma_start3A_123 : memref<1x1x64xf32, #tpu.memory_space<hbm>> -> memref<64xf32, #tpu.memory_space<hbm>>
      tpu.enqueue_dma source(%dma_start3A_124 : memref<64xf32, #tpu.memory_space<hbm>>) target(%dma_start3A_121 : memref<64xf32, #tpu.memory_space<vmem>>) target_semaphore(%arg8 : memref<!tpu.dma_semaphore, #tpu.memory_space<semaphore_mem>>)
      %slice3A_125 = vector.extract_strided_slice %shift_right_arithmetic3A_81 {offsets = [2], sizes = [1], strides = [1]} : vector<16xi32> to vector<1xi32>
      %squeeze3A_126 = vector.extract %slice3A_125[0] : i32 from vector<1xi32>
      %slice3A_127 = vector.extract_strided_slice %and3A_83 {offsets = [2], sizes = [1], strides = [1]} : vector<16xi32> to vector<1xi32>
      %squeeze3A_128 = vector.extract %slice3A_127[0] : i32 from vector<1xi32>
      %mul3A_129 = arith.constant 16 : i32
      %mul3A_130 = arith.muli %add3A_73, %mul3A_129 : i32
      %add3A_131 = arith.constant 128 : i32
      %add3A_132 = arith.addi %add3A_131, %mul3A_130 : i32
      %add3A_133 = arith.constant 2 : i32
      %add3A_134 = arith.addi %add3A_132, %add3A_133 : i32
      %dma_start3A_135 = arith.constant 0 : i32
      %dma_start3A_136 = tpu.memref_slice %arg6[%add3A_134, %dma_start3A_135] : memref<512x64xf32, #tpu.memory_space<vmem>> -> memref<1x64xf32, #tpu.memory_space<vmem>>
      %dma_start3A_137 = tpu.memref_squeeze %dma_start3A_136 : memref<1x64xf32, #tpu.memory_space<vmem>> -> memref<64xf32, #tpu.memory_space<vmem>>
      %dma_start3A_138 = arith.constant 0 : i32
      %dma_start3A_139 = tpu.memref_slice %arg3[%squeeze3A_126, %squeeze3A_128, %dma_start3A_138] : memref<125000x8x64xf32, #tpu.memory_space<hbm>> -> memref<1x1x64xf32, #tpu.memory_space<hbm>>
      %dma_start3A_140 = tpu.memref_squeeze %dma_start3A_139 : memref<1x1x64xf32, #tpu.memory_space<hbm>> -> memref<64xf32, #tpu.memory_space<hbm>>
      %dma_start3A_141 = arith.constant 0 : i32
      %dma_start3A_142 = tpu.memref_slice %arg6[%add3A_134, %dma_start3A_141] : memref<512x64xf32, #tpu.memory_space<vmem>> -> memref<1x64xf32, #tpu.memory_space<vmem>>
      %dma_start3A_143 = tpu.memref_squeeze %dma_start3A_142 : memref<1x64xf32, #tpu.memory_space<vmem>> -> memref<64xf32, #tpu.memory_space<vmem>>
      %dma_start3A_144 = arith.constant 0 : i32
      %dma_start3A_145 = tpu.memref_slice %arg3[%squeeze3A_126, %squeeze3A_128, %dma_start3A_144] : memref<125000x8x64xf32, #tpu.memory_space<hbm>> -> memref<1x1x64xf32, #tpu.memory_space<hbm>>
      %dma_start3A_146 = tpu.memref_squeeze %dma_start3A_145 : memref<1x1x64xf32, #tpu.memory_space<hbm>> -> memref<64xf32, #tpu.memory_space<hbm>>
      tpu.enqueue_dma source(%dma_start3A_146 : memref<64xf32, #tpu.memory_space<hbm>>) target(%dma_start3A_143 : memref<64xf32, #tpu.memory_space<vmem>>) target_semaphore(%arg8 : memref<!tpu.dma_semaphore, #tpu.memory_space<semaphore_mem>>)
      %slice3A_147 = vector.extract_strided_slice %shift_right_arithmetic3A_81 {offsets = [3], sizes = [1], strides = [1]} : vector<16xi32> to vector<1xi32>
      %squeeze3A_148 = vector.extract %slice3A_147[0] : i32 from vector<1xi32>
      %slice3A_149 = vector.extract_strided_slice %and3A_83 {offsets = [3], sizes = [1], strides = [1]} : vector<16xi32> to vector<1xi32>
      %squeeze3A_150 = vector.extract %slice3A_149[0] : i32 from vector<1xi32>
      %mul3A_151 = arith.constant 16 : i32
      %mul3A_152 = arith.muli %add3A_73, %mul3A_151 : i32
      %add3A_153 = arith.constant 128 : i32
      %add3A_154 = arith.addi %add3A_153, %mul3A_152 : i32
      %add3A_155 = arith.constant 3 : i32
      %add3A_156 = arith.addi %add3A_154, %add3A_155 : i32
      %dma_start3A_157 = arith.constant 0 : i32
      %dma_start3A_158 = tpu.memref_slice %arg6[%add3A_156, %dma_start3A_157] : memref<512x64xf32, #tpu.memory_space<vmem>> -> memref<1x64xf32, #tpu.memory_space<vmem>>
      %dma_start3A_159 = tpu.memref_squeeze %dma_start3A_158 : memref<1x64xf32, #tpu.memory_space<vmem>> -> memref<64xf32, #tpu.memory_space<vmem>>
      %dma_start3A_160 = arith.constant 0 : i32
      %dma_start3A_161 = tpu.memref_slice %arg3[%squeeze3A_148, %squeeze3A_150, %dma_start3A_160] : memref<125000x8x64xf32, #tpu.memory_space<hbm>> -> memref<1x1x64xf32, #tpu.memory_space<hbm>>
      %dma_start3A_162 = tpu.memref_squeeze %dma_start3A_161 : memref<1x1x64xf32, #tpu.memory_space<hbm>> -> memref<64xf32, #tpu.memory_space<hbm>>
      %dma_start3A_163 = arith.constant 0 : i32
      %dma_start3A_164 = tpu.memref_slice %arg6[%add3A_156, %dma_start3A_163] : memref<512x64xf32, #tpu.memory_space<vmem>> -> memref<1x64xf32, #tpu.memory_space<vmem>>
      %dma_start3A_165 = tpu.memref_squeeze %dma_start3A_164 : memref<1x64xf32, #tpu.memory_space<vmem>> -> memref<64xf32, #tpu.memory_space<vmem>>
      %dma_start3A_166 = arith.constant 0 : i32
      %dma_start3A_167 = tpu.memref_slice %arg3[%squeeze3A_148, %squeeze3A_150, %dma_start3A_166] : memref<125000x8x64xf32, #tpu.memory_space<hbm>> -> memref<1x1x64xf32, #tpu.memory_space<hbm>>
      %dma_start3A_168 = tpu.memref_squeeze %dma_start3A_167 : memref<1x1x64xf32, #tpu.memory_space<hbm>> -> memref<64xf32, #tpu.memory_space<hbm>>
      tpu.enqueue_dma source(%dma_start3A_168 : memref<64xf32, #tpu.memory_space<hbm>>) target(%dma_start3A_165 : memref<64xf32, #tpu.memory_space<vmem>>) target_semaphore(%arg8 : memref<!tpu.dma_semaphore, #tpu.memory_space<semaphore_mem>>)
      %slice3A_169 = vector.extract_strided_slice %shift_right_arithmetic3A_81 {offsets = [4], sizes = [1], strides = [1]} : vector<16xi32> to vector<1xi32>
      %squeeze3A_170 = vector.extract %slice3A_169[0] : i32 from vector<1xi32>
      %slice3A_171 = vector.extract_strided_slice %and3A_83 {offsets = [4], sizes = [1], strides = [1]} : vector<16xi32> to vector<1xi32>
      %squeeze3A_172 = vector.extract %slice3A_171[0] : i32 from vector<1xi32>
      %mul3A_173 = arith.constant 16 : i32
      %mul3A_174 = arith.muli %add3A_73, %mul3A_173 : i32
      %add3A_175 = arith.constant 128 : i32
      %add3A_176 = arith.addi %add3A_175, %mul3A_174 : i32
      %add3A_177 = arith.constant 4 : i32
      %add3A_178 = arith.addi %add3A_176, %add3A_177 : i32
      %dma_start3A_179 = arith.constant 0 : i32
      %dma_start3A_180 = tpu.memref_slice %arg6[%add3A_178, %dma_start3A_179] : memref<512x64xf32, #tpu.memory_space<vmem>> -> memref<1x64xf32, #tpu.memory_space<vmem>>
      %dma_start3A_181 = tpu.memref_squeeze %dma_start3A_180 : memref<1x64xf32, #tpu.memory_space<vmem>> -> memref<64xf32, #tpu.memory_space<vmem>>
      %dma_start3A_182 = arith.constant 0 : i32
      %dma_start3A_183 = tpu.memref_slice %arg3[%squeeze3A_170, %squeeze3A_172, %dma_start3A_182] : memref<125000x8x64xf32, #tpu.memory_space<hbm>> -> memref<1x1x64xf32, #tpu.memory_space<hbm>>
      %dma_start3A_184 = tpu.memref_squeeze %dma_start3A_183 : memref<1x1x64xf32, #tpu.memory_space<hbm>> -> memref<64xf32, #tpu.memory_space<hbm>>
      %dma_start3A_185 = arith.constant 0 : i32
      %dma_start3A_186 = tpu.memref_slice %arg6[%add3A_178, %dma_start3A_185] : memref<512x64xf32, #tpu.memory_space<vmem>> -> memref<1x64xf32, #tpu.memory_space<vmem>>
      %dma_start3A_187 = tpu.memref_squeeze %dma_start3A_186 : memref<1x64xf32, #tpu.memory_space<vmem>> -> memref<64xf32, #tpu.memory_space<vmem>>
      %dma_start3A_188 = arith.constant 0 : i32
      %dma_start3A_189 = tpu.memref_slice %arg3[%squeeze3A_170, %squeeze3A_172, %dma_start3A_188] : memref<125000x8x64xf32, #tpu.memory_space<hbm>> -> memref<1x1x64xf32, #tpu.memory_space<hbm>>
      %dma_start3A_190 = tpu.memref_squeeze %dma_start3A_189 : memref<1x1x64xf32, #tpu.memory_space<hbm>> -> memref<64xf32, #tpu.memory_space<hbm>>
      tpu.enqueue_dma source(%dma_start3A_190 : memref<64xf32, #tpu.memory_space<hbm>>) target(%dma_start3A_187 : memref<64xf32, #tpu.memory_space<vmem>>) target_semaphore(%arg8 : memref<!tpu.dma_semaphore, #tpu.memory_space<semaphore_mem>>)
      %slice3A_191 = vector.extract_strided_slice %shift_right_arithmetic3A_81 {offsets = [5], sizes = [1], strides = [1]} : vector<16xi32> to vector<1xi32>
      %squeeze3A_192 = vector.extract %slice3A_191[0] : i32 from vector<1xi32>
      %slice3A_193 = vector.extract_strided_slice %and3A_83 {offsets = [5], sizes = [1], strides = [1]} : vector<16xi32> to vector<1xi32>
      %squeeze3A_194 = vector.extract %slice3A_193[0] : i32 from vector<1xi32>
      %mul3A_195 = arith.constant 16 : i32
      %mul3A_196 = arith.muli %add3A_73, %mul3A_195 : i32
      %add3A_197 = arith.constant 128 : i32
      %add3A_198 = arith.addi %add3A_197, %mul3A_196 : i32
      %add3A_199 = arith.constant 5 : i32
      %add3A_200 = arith.addi %add3A_198, %add3A_199 : i32
      %dma_start3A_201 = arith.constant 0 : i32
      %dma_start3A_202 = tpu.memref_slice %arg6[%add3A_200, %dma_start3A_201] : memref<512x64xf32, #tpu.memory_space<vmem>> -> memref<1x64xf32, #tpu.memory_space<vmem>>
      %dma_start3A_203 = tpu.memref_squeeze %dma_start3A_202 : memref<1x64xf32, #tpu.memory_space<vmem>> -> memref<64xf32, #tpu.memory_space<vmem>>
      %dma_start3A_204 = arith.constant 0 : i32
      %dma_start3A_205 = tpu.memref_slice %arg3[%squeeze3A_192, %squeeze3A_194, %dma_start3A_204] : memref<125000x8x64xf32, #tpu.memory_space<hbm>> -> memref<1x1x64xf32, #tpu.memory_space<hbm>>
      %dma_start3A_206 = tpu.memref_squeeze %dma_start3A_205 : memref<1x1x64xf32, #tpu.memory_space<hbm>> -> memref<64xf32, #tpu.memory_space<hbm>>
      %dma_start3A_207 = arith.constant 0 : i32
      %dma_start3A_208 = tpu.memref_slice %arg6[%add3A_200, %dma_start3A_207] : memref<512x64xf32, #tpu.memory_space<vmem>> -> memref<1x64xf32, #tpu.memory_space<vmem>>
      %dma_start3A_209 = tpu.memref_squeeze %dma_start3A_208 : memref<1x64xf32, #tpu.memory_space<vmem>> -> memref<64xf32, #tpu.memory_space<vmem>>
      %dma_start3A_210 = arith.constant 0 : i32
      %dma_start3A_211 = tpu.memref_slice %arg3[%squeeze3A_192, %squeeze3A_194, %dma_start3A_210] : memref<125000x8x64xf32, #tpu.memory_space<hbm>> -> memref<1x1x64xf32, #tpu.memory_space<hbm>>
      %dma_start3A_212 = tpu.memref_squeeze %dma_start3A_211 : memref<1x1x64xf32, #tpu.memory_space<hbm>> -> memref<64xf32, #tpu.memory_space<hbm>>
      tpu.enqueue_dma source(%dma_start3A_212 : memref<64xf32, #tpu.memory_space<hbm>>) target(%dma_start3A_209 : memref<64xf32, #tpu.memory_space<vmem>>) target_semaphore(%arg8 : memref<!tpu.dma_semaphore, #tpu.memory_space<semaphore_mem>>)
      %slice3A_213 = vector.extract_strided_slice %shift_right_arithmetic3A_81 {offsets = [6], sizes = [1], strides = [1]} : vector<16xi32> to vector<1xi32>
      %squeeze3A_214 = vector.extract %slice3A_213[0] : i32 from vector<1xi32>
      %slice3A_215 = vector.extract_strided_slice %and3A_83 {offsets = [6], sizes = [1], strides = [1]} : vector<16xi32> to vector<1xi32>
      %squeeze3A_216 = vector.extract %slice3A_215[0] : i32 from vector<1xi32>
      %mul3A_217 = arith.constant 16 : i32
      %mul3A_218 = arith.muli %add3A_73, %mul3A_217 : i32
      %add3A_219 = arith.constant 128 : i32
      %add3A_220 = arith.addi %add3A_219, %mul3A_218 : i32
      %add3A_221 = arith.constant 6 : i32
      %add3A_222 = arith.addi %add3A_220, %add3A_221 : i32
      %dma_start3A_223 = arith.constant 0 : i32
      %dma_start3A_224 = tpu.memref_slice %arg6[%add3A_222, %dma_start3A_223] : memref<512x64xf32, #tpu.memory_space<vmem>> -> memref<1x64xf32, #tpu.memory_space<vmem>>
      %dma_start3A_225 = tpu.memref_squeeze %dma_start3A_224 : memref<1x64xf32, #tpu.memory_space<vmem>> -> memref<64xf32, #tpu.memory_space<vmem>>
      %dma_start3A_226 = arith.constant 0 : i32
      %dma_start3A_227 = tpu.memref_slice %arg3[%squeeze3A_214, %squeeze3A_216, %dma_start3A_226] : memref<125000x8x64xf32, #tpu.memory_space<hbm>> -> memref<1x1x64xf32, #tpu.memory_space<hbm>>
      %dma_start3A_228 = tpu.memref_squeeze %dma_start3A_227 : memref<1x1x64xf32, #tpu.memory_space<hbm>> -> memref<64xf32, #tpu.memory_space<hbm>>
      %dma_start3A_229 = arith.constant 0 : i32
      %dma_start3A_230 = tpu.memref_slice %arg6[%add3A_222, %dma_start3A_229] : memref<512x64xf32, #tpu.memory_space<vmem>> -> memref<1x64xf32, #tpu.memory_space<vmem>>
      %dma_start3A_231 = tpu.memref_squeeze %dma_start3A_230 : memref<1x64xf32, #tpu.memory_space<vmem>> -> memref<64xf32, #tpu.memory_space<vmem>>
      %dma_start3A_232 = arith.constant 0 : i32
      %dma_start3A_233 = tpu.memref_slice %arg3[%squeeze3A_214, %squeeze3A_216, %dma_start3A_232] : memref<125000x8x64xf32, #tpu.memory_space<hbm>> -> memref<1x1x64xf32, #tpu.memory_space<hbm>>
      %dma_start3A_234 = tpu.memref_squeeze %dma_start3A_233 : memref<1x1x64xf32, #tpu.memory_space<hbm>> -> memref<64xf32, #tpu.memory_space<hbm>>
      tpu.enqueue_dma source(%dma_start3A_234 : memref<64xf32, #tpu.memory_space<hbm>>) target(%dma_start3A_231 : memref<64xf32, #tpu.memory_space<vmem>>) target_semaphore(%arg8 : memref<!tpu.dma_semaphore, #tpu.memory_space<semaphore_mem>>)
      %slice3A_235 = vector.extract_strided_slice %shift_right_arithmetic3A_81 {offsets = [7], sizes = [1], strides = [1]} : vector<16xi32> to vector<1xi32>
      %squeeze3A_236 = vector.extract %slice3A_235[0] : i32 from vector<1xi32>
      %slice3A_237 = vector.extract_strided_slice %and3A_83 {offsets = [7], sizes = [1], strides = [1]} : vector<16xi32> to vector<1xi32>
      %squeeze3A_238 = vector.extract %slice3A_237[0] : i32 from vector<1xi32>
      %mul3A_239 = arith.constant 16 : i32
      %mul3A_240 = arith.muli %add3A_73, %mul3A_239 : i32
      %add3A_241 = arith.constant 128 : i32
      %add3A_242 = arith.addi %add3A_241, %mul3A_240 : i32
      %add3A_243 = arith.constant 7 : i32
      %add3A_244 = arith.addi %add3A_242, %add3A_243 : i32
      %dma_start3A_245 = arith.constant 0 : i32
      %dma_start3A_246 = tpu.memref_slice %arg6[%add3A_244, %dma_start3A_245] : memref<512x64xf32, #tpu.memory_space<vmem>> -> memref<1x64xf32, #tpu.memory_space<vmem>>
      %dma_start3A_247 = tpu.memref_squeeze %dma_start3A_246 : memref<1x64xf32, #tpu.memory_space<vmem>> -> memref<64xf32, #tpu.memory_space<vmem>>
      %dma_start3A_248 = arith.constant 0 : i32
      %dma_start3A_249 = tpu.memref_slice %arg3[%squeeze3A_236, %squeeze3A_238, %dma_start3A_248] : memref<125000x8x64xf32, #tpu.memory_space<hbm>> -> memref<1x1x64xf32, #tpu.memory_space<hbm>>
      %dma_start3A_250 = tpu.memref_squeeze %dma_start3A_249 : memref<1x1x64xf32, #tpu.memory_space<hbm>> -> memref<64xf32, #tpu.memory_space<hbm>>
      %dma_start3A_251 = arith.constant 0 : i32
      %dma_start3A_252 = tpu.memref_slice %arg6[%add3A_244, %dma_start3A_251] : memref<512x64xf32, #tpu.memory_space<vmem>> -> memref<1x64xf32, #tpu.memory_space<vmem>>
      %dma_start3A_253 = tpu.memref_squeeze %dma_start3A_252 : memref<1x64xf32, #tpu.memory_space<vmem>> -> memref<64xf32, #tpu.memory_space<vmem>>
      %dma_start3A_254 = arith.constant 0 : i32
      %dma_start3A_255 = tpu.memref_slice %arg3[%squeeze3A_236, %squeeze3A_238, %dma_start3A_254] : memref<125000x8x64xf32, #tpu.memory_space<hbm>> -> memref<1x1x64xf32, #tpu.memory_space<hbm>>
      %dma_start3A_256 = tpu.memref_squeeze %dma_start3A_255 : memref<1x1x64xf32, #tpu.memory_space<hbm>> -> memref<64xf32, #tpu.memory_space<hbm>>
      tpu.enqueue_dma source(%dma_start3A_256 : memref<64xf32, #tpu.memory_space<hbm>>) target(%dma_start3A_253 : memref<64xf32, #tpu.memory_space<vmem>>) target_semaphore(%arg8 : memref<!tpu.dma_semaphore, #tpu.memory_space<semaphore_mem>>)
      %slice3A_257 = vector.extract_strided_slice %shift_right_arithmetic3A_81 {offsets = [8], sizes = [1], strides = [1]} : vector<16xi32> to vector<1xi32>
      %squeeze3A_258 = vector.extract %slice3A_257[0] : i32 from vector<1xi32>
      %slice3A_259 = vector.extract_strided_slice %and3A_83 {offsets = [8], sizes = [1], strides = [1]} : vector<16xi32> to vector<1xi32>
      %squeeze3A_260 = vector.extract %slice3A_259[0] : i32 from vector<1xi32>
      %mul3A_261 = arith.constant 16 : i32
      %mul3A_262 = arith.muli %add3A_73, %mul3A_261 : i32
      %add3A_263 = arith.constant 128 : i32
      %add3A_264 = arith.addi %add3A_263, %mul3A_262 : i32
      %add3A_265 = arith.constant 8 : i32
      %add3A_266 = arith.addi %add3A_264, %add3A_265 : i32
      %dma_start3A_267 = arith.constant 0 : i32
      %dma_start3A_268 = tpu.memref_slice %arg6[%add3A_266, %dma_start3A_267] : memref<512x64xf32, #tpu.memory_space<vmem>> -> memref<1x64xf32, #tpu.memory_space<vmem>>
      %dma_start3A_269 = tpu.memref_squeeze %dma_start3A_268 : memref<1x64xf32, #tpu.memory_space<vmem>> -> memref<64xf32, #tpu.memory_space<vmem>>
      %dma_start3A_270 = arith.constant 0 : i32
      %dma_start3A_271 = tpu.memref_slice %arg3[%squeeze3A_258, %squeeze3A_260, %dma_start3A_270] : memref<125000x8x64xf32, #tpu.memory_space<hbm>> -> memref<1x1x64xf32, #tpu.memory_space<hbm>>
      %dma_start3A_272 = tpu.memref_squeeze %dma_start3A_271 : memref<1x1x64xf32, #tpu.memory_space<hbm>> -> memref<64xf32, #tpu.memory_space<hbm>>
      %dma_start3A_273 = arith.constant 0 : i32
      %dma_start3A_274 = tpu.memref_slice %arg6[%add3A_266, %dma_start3A_273] : memref<512x64xf32, #tpu.memory_space<vmem>> -> memref<1x64xf32, #tpu.memory_space<vmem>>
      %dma_start3A_275 = tpu.memref_squeeze %dma_start3A_274 : memref<1x64xf32, #tpu.memory_space<vmem>> -> memref<64xf32, #tpu.memory_space<vmem>>
      %dma_start3A_276 = arith.constant 0 : i32
      %dma_start3A_277 = tpu.memref_slice %arg3[%squeeze3A_258, %squeeze3A_260, %dma_start3A_276] : memref<125000x8x64xf32, #tpu.memory_space<hbm>> -> memref<1x1x64xf32, #tpu.memory_space<hbm>>
      %dma_start3A_278 = tpu.memref_squeeze %dma_start3A_277 : memref<1x1x64xf32, #tpu.memory_space<hbm>> -> memref<64xf32, #tpu.memory_space<hbm>>
      tpu.enqueue_dma source(%dma_start3A_278 : memref<64xf32, #tpu.memory_space<hbm>>) target(%dma_start3A_275 : memref<64xf32, #tpu.memory_space<vmem>>) target_semaphore(%arg8 : memref<!tpu.dma_semaphore, #tpu.memory_space<semaphore_mem>>)
      %slice3A_279 = vector.extract_strided_slice %shift_right_arithmetic3A_81 {offsets = [9], sizes = [1], strides = [1]} : vector<16xi32> to vector<1xi32>
      %squeeze3A_280 = vector.extract %slice3A_279[0] : i32 from vector<1xi32>
      %slice3A_281 = vector.extract_strided_slice %and3A_83 {offsets = [9], sizes = [1], strides = [1]} : vector<16xi32> to vector<1xi32>
      %squeeze3A_282 = vector.extract %slice3A_281[0] : i32 from vector<1xi32>
      %mul3A_283 = arith.constant 16 : i32
      %mul3A_284 = arith.muli %add3A_73, %mul3A_283 : i32
      %add3A_285 = arith.constant 128 : i32
      %add3A_286 = arith.addi %add3A_285, %mul3A_284 : i32
      %add3A_287 = arith.constant 9 : i32
      %add3A_288 = arith.addi %add3A_286, %add3A_287 : i32
      %dma_start3A_289 = arith.constant 0 : i32
      %dma_start3A_290 = tpu.memref_slice %arg6[%add3A_288, %dma_start3A_289] : memref<512x64xf32, #tpu.memory_space<vmem>> -> memref<1x64xf32, #tpu.memory_space<vmem>>
      %dma_start3A_291 = tpu.memref_squeeze %dma_start3A_290 : memref<1x64xf32, #tpu.memory_space<vmem>> -> memref<64xf32, #tpu.memory_space<vmem>>
      %dma_start3A_292 = arith.constant 0 : i32
      %dma_start3A_293 = tpu.memref_slice %arg3[%squeeze3A_280, %squeeze3A_282, %dma_start3A_292] : memref<125000x8x64xf32, #tpu.memory_space<hbm>> -> memref<1x1x64xf32, #tpu.memory_space<hbm>>
      %dma_start3A_294 = tpu.memref_squeeze %dma_start3A_293 : memref<1x1x64xf32, #tpu.memory_space<hbm>> -> memref<64xf32, #tpu.memory_space<hbm>>
      %dma_start3A_295 = arith.constant 0 : i32
      %dma_start3A_296 = tpu.memref_slice %arg6[%add3A_288, %dma_start3A_295] : memref<512x64xf32, #tpu.memory_space<vmem>> -> memref<1x64xf32, #tpu.memory_space<vmem>>
      %dma_start3A_297 = tpu.memref_squeeze %dma_start3A_296 : memref<1x64xf32, #tpu.memory_space<vmem>> -> memref<64xf32, #tpu.memory_space<vmem>>
      %dma_start3A_298 = arith.constant 0 : i32
      %dma_start3A_299 = tpu.memref_slice %arg3[%squeeze3A_280, %squeeze3A_282, %dma_start3A_298] : memref<125000x8x64xf32, #tpu.memory_space<hbm>> -> memref<1x1x64xf32, #tpu.memory_space<hbm>>
      %dma_start3A_300 = tpu.memref_squeeze %dma_start3A_299 : memref<1x1x64xf32, #tpu.memory_space<hbm>> -> memref<64xf32, #tpu.memory_space<hbm>>
      tpu.enqueue_dma source(%dma_start3A_300 : memref<64xf32, #tpu.memory_space<hbm>>) target(%dma_start3A_297 : memref<64xf32, #tpu.memory_space<vmem>>) target_semaphore(%arg8 : memref<!tpu.dma_semaphore, #tpu.memory_space<semaphore_mem>>)
      %slice3A_301 = vector.extract_strided_slice %shift_right_arithmetic3A_81 {offsets = [10], sizes = [1], strides = [1]} : vector<16xi32> to vector<1xi32>
      %squeeze3A_302 = vector.extract %slice3A_301[0] : i32 from vector<1xi32>
      %slice3A_303 = vector.extract_strided_slice %and3A_83 {offsets = [10], sizes = [1], strides = [1]} : vector<16xi32> to vector<1xi32>
      %squeeze3A_304 = vector.extract %slice3A_303[0] : i32 from vector<1xi32>
      %mul3A_305 = arith.constant 16 : i32
      %mul3A_306 = arith.muli %add3A_73, %mul3A_305 : i32
      %add3A_307 = arith.constant 128 : i32
      %add3A_308 = arith.addi %add3A_307, %mul3A_306 : i32
      %add3A_309 = arith.constant 10 : i32
      %add3A_310 = arith.addi %add3A_308, %add3A_309 : i32
      %dma_start3A_311 = arith.constant 0 : i32
      %dma_start3A_312 = tpu.memref_slice %arg6[%add3A_310, %dma_start3A_311] : memref<512x64xf32, #tpu.memory_space<vmem>> -> memref<1x64xf32, #tpu.memory_space<vmem>>
      %dma_start3A_313 = tpu.memref_squeeze %dma_start3A_312 : memref<1x64xf32, #tpu.memory_space<vmem>> -> memref<64xf32, #tpu.memory_space<vmem>>
      %dma_start3A_314 = arith.constant 0 : i32
      %dma_start3A_315 = tpu.memref_slice %arg3[%squeeze3A_302, %squeeze3A_304, %dma_start3A_314] : memref<125000x8x64xf32, #tpu.memory_space<hbm>> -> memref<1x1x64xf32, #tpu.memory_space<hbm>>
      %dma_start3A_316 = tpu.memref_squeeze %dma_start3A_315 : memref<1x1x64xf32, #tpu.memory_space<hbm>> -> memref<64xf32, #tpu.memory_space<hbm>>
      %dma_start3A_317 = arith.constant 0 : i32
      %dma_start3A_318 = tpu.memref_slice %arg6[%add3A_310, %dma_start3A_317] : memref<512x64xf32, #tpu.memory_space<vmem>> -> memref<1x64xf32, #tpu.memory_space<vmem>>
      %dma_start3A_319 = tpu.memref_squeeze %dma_start3A_318 : memref<1x64xf32, #tpu.memory_space<vmem>> -> memref<64xf32, #tpu.memory_space<vmem>>
      %dma_start3A_320 = arith.constant 0 : i32
      %dma_start3A_321 = tpu.memref_slice %arg3[%squeeze3A_302, %squeeze3A_304, %dma_start3A_320] : memref<125000x8x64xf32, #tpu.memory_space<hbm>> -> memref<1x1x64xf32, #tpu.memory_space<hbm>>
      %dma_start3A_322 = tpu.memref_squeeze %dma_start3A_321 : memref<1x1x64xf32, #tpu.memory_space<hbm>> -> memref<64xf32, #tpu.memory_space<hbm>>
      tpu.enqueue_dma source(%dma_start3A_322 : memref<64xf32, #tpu.memory_space<hbm>>) target(%dma_start3A_319 : memref<64xf32, #tpu.memory_space<vmem>>) target_semaphore(%arg8 : memref<!tpu.dma_semaphore, #tpu.memory_space<semaphore_mem>>)
      %slice3A_323 = vector.extract_strided_slice %shift_right_arithmetic3A_81 {offsets = [11], sizes = [1], strides = [1]} : vector<16xi32> to vector<1xi32>
      %squeeze3A_324 = vector.extract %slice3A_323[0] : i32 from vector<1xi32>
      %slice3A_325 = vector.extract_strided_slice %and3A_83 {offsets = [11], sizes = [1], strides = [1]} : vector<16xi32> to vector<1xi32>
      %squeeze3A_326 = vector.extract %slice3A_325[0] : i32 from vector<1xi32>
      %mul3A_327 = arith.constant 16 : i32
      %mul3A_328 = arith.muli %add3A_73, %mul3A_327 : i32
      %add3A_329 = arith.constant 128 : i32
      %add3A_330 = arith.addi %add3A_329, %mul3A_328 : i32
      %add3A_331 = arith.constant 11 : i32
      %add3A_332 = arith.addi %add3A_330, %add3A_331 : i32
      %dma_start3A_333 = arith.constant 0 : i32
      %dma_start3A_334 = tpu.memref_slice %arg6[%add3A_332, %dma_start3A_333] : memref<512x64xf32, #tpu.memory_space<vmem>> -> memref<1x64xf32, #tpu.memory_space<vmem>>
      %dma_start3A_335 = tpu.memref_squeeze %dma_start3A_334 : memref<1x64xf32, #tpu.memory_space<vmem>> -> memref<64xf32, #tpu.memory_space<vmem>>
      %dma_start3A_336 = arith.constant 0 : i32
      %dma_start3A_337 = tpu.memref_slice %arg3[%squeeze3A_324, %squeeze3A_326, %dma_start3A_336] : memref<125000x8x64xf32, #tpu.memory_space<hbm>> -> memref<1x1x64xf32, #tpu.memory_space<hbm>>
      %dma_start3A_338 = tpu.memref_squeeze %dma_start3A_337 : memref<1x1x64xf32, #tpu.memory_space<hbm>> -> memref<64xf32, #tpu.memory_space<hbm>>
      %dma_start3A_339 = arith.constant 0 : i32
      %dma_start3A_340 = tpu.memref_slice %arg6[%add3A_332, %dma_start3A_339] : memref<512x64xf32, #tpu.memory_space<vmem>> -> memref<1x64xf32, #tpu.memory_space<vmem>>
      %dma_start3A_341 = tpu.memref_squeeze %dma_start3A_340 : memref<1x64xf32, #tpu.memory_space<vmem>> -> memref<64xf32, #tpu.memory_space<vmem>>
      %dma_start3A_342 = arith.constant 0 : i32
      %dma_start3A_343 = tpu.memref_slice %arg3[%squeeze3A_324, %squeeze3A_326, %dma_start3A_342] : memref<125000x8x64xf32, #tpu.memory_space<hbm>> -> memref<1x1x64xf32, #tpu.memory_space<hbm>>
      %dma_start3A_344 = tpu.memref_squeeze %dma_start3A_343 : memref<1x1x64xf32, #tpu.memory_space<hbm>> -> memref<64xf32, #tpu.memory_space<hbm>>
      tpu.enqueue_dma source(%dma_start3A_344 : memref<64xf32, #tpu.memory_space<hbm>>) target(%dma_start3A_341 : memref<64xf32, #tpu.memory_space<vmem>>) target_semaphore(%arg8 : memref<!tpu.dma_semaphore, #tpu.memory_space<semaphore_mem>>)
      %slice3A_345 = vector.extract_strided_slice %shift_right_arithmetic3A_81 {offsets = [12], sizes = [1], strides = [1]} : vector<16xi32> to vector<1xi32>
      %squeeze3A_346 = vector.extract %slice3A_345[0] : i32 from vector<1xi32>
      %slice3A_347 = vector.extract_strided_slice %and3A_83 {offsets = [12], sizes = [1], strides = [1]} : vector<16xi32> to vector<1xi32>
      %squeeze3A_348 = vector.extract %slice3A_347[0] : i32 from vector<1xi32>
      %mul3A_349 = arith.constant 16 : i32
      %mul3A_350 = arith.muli %add3A_73, %mul3A_349 : i32
      %add3A_351 = arith.constant 128 : i32
      %add3A_352 = arith.addi %add3A_351, %mul3A_350 : i32
      %add3A_353 = arith.constant 12 : i32
      %add3A_354 = arith.addi %add3A_352, %add3A_353 : i32
      %dma_start3A_355 = arith.constant 0 : i32
      %dma_start3A_356 = tpu.memref_slice %arg6[%add3A_354, %dma_start3A_355] : memref<512x64xf32, #tpu.memory_space<vmem>> -> memref<1x64xf32, #tpu.memory_space<vmem>>
      %dma_start3A_357 = tpu.memref_squeeze %dma_start3A_356 : memref<1x64xf32, #tpu.memory_space<vmem>> -> memref<64xf32, #tpu.memory_space<vmem>>
      %dma_start3A_358 = arith.constant 0 : i32
      %dma_start3A_359 = tpu.memref_slice %arg3[%squeeze3A_346, %squeeze3A_348, %dma_start3A_358] : memref<125000x8x64xf32, #tpu.memory_space<hbm>> -> memref<1x1x64xf32, #tpu.memory_space<hbm>>
      %dma_start3A_360 = tpu.memref_squeeze %dma_start3A_359 : memref<1x1x64xf32, #tpu.memory_space<hbm>> -> memref<64xf32, #tpu.memory_space<hbm>>
      %dma_start3A_361 = arith.constant 0 : i32
      %dma_start3A_362 = tpu.memref_slice %arg6[%add3A_354, %dma_start3A_361] : memref<512x64xf32, #tpu.memory_space<vmem>> -> memref<1x64xf32, #tpu.memory_space<vmem>>
      %dma_start3A_363 = tpu.memref_squeeze %dma_start3A_362 : memref<1x64xf32, #tpu.memory_space<vmem>> -> memref<64xf32, #tpu.memory_space<vmem>>
      %dma_start3A_364 = arith.constant 0 : i32
      %dma_start3A_365 = tpu.memref_slice %arg3[%squeeze3A_346, %squeeze3A_348, %dma_start3A_364] : memref<125000x8x64xf32, #tpu.memory_space<hbm>> -> memref<1x1x64xf32, #tpu.memory_space<hbm>>
      %dma_start3A_366 = tpu.memref_squeeze %dma_start3A_365 : memref<1x1x64xf32, #tpu.memory_space<hbm>> -> memref<64xf32, #tpu.memory_space<hbm>>
      tpu.enqueue_dma source(%dma_start3A_366 : memref<64xf32, #tpu.memory_space<hbm>>) target(%dma_start3A_363 : memref<64xf32, #tpu.memory_space<vmem>>) target_semaphore(%arg8 : memref<!tpu.dma_semaphore, #tpu.memory_space<semaphore_mem>>)
      %slice3A_367 = vector.extract_strided_slice %shift_right_arithmetic3A_81 {offsets = [13], sizes = [1], strides = [1]} : vector<16xi32> to vector<1xi32>
      %squeeze3A_368 = vector.extract %slice3A_367[0] : i32 from vector<1xi32>
      %slice3A_369 = vector.extract_strided_slice %and3A_83 {offsets = [13], sizes = [1], strides = [1]} : vector<16xi32> to vector<1xi32>
      %squeeze3A_370 = vector.extract %slice3A_369[0] : i32 from vector<1xi32>
      %mul3A_371 = arith.constant 16 : i32
      %mul3A_372 = arith.muli %add3A_73, %mul3A_371 : i32
      %add3A_373 = arith.constant 128 : i32
      %add3A_374 = arith.addi %add3A_373, %mul3A_372 : i32
      %add3A_375 = arith.constant 13 : i32
      %add3A_376 = arith.addi %add3A_374, %add3A_375 : i32
      %dma_start3A_377 = arith.constant 0 : i32
      %dma_start3A_378 = tpu.memref_slice %arg6[%add3A_376, %dma_start3A_377] : memref<512x64xf32, #tpu.memory_space<vmem>> -> memref<1x64xf32, #tpu.memory_space<vmem>>
      %dma_start3A_379 = tpu.memref_squeeze %dma_start3A_378 : memref<1x64xf32, #tpu.memory_space<vmem>> -> memref<64xf32, #tpu.memory_space<vmem>>
      %dma_start3A_380 = arith.constant 0 : i32
      %dma_start3A_381 = tpu.memref_slice %arg3[%squeeze3A_368, %squeeze3A_370, %dma_start3A_380] : memref<125000x8x64xf32, #tpu.memory_space<hbm>> -> memref<1x1x64xf32, #tpu.memory_space<hbm>>
      %dma_start3A_382 = tpu.memref_squeeze %dma_start3A_381 : memref<1x1x64xf32, #tpu.memory_space<hbm>> -> memref<64xf32, #tpu.memory_space<hbm>>
      %dma_start3A_383 = arith.constant 0 : i32
      %dma_start3A_384 = tpu.memref_slice %arg6[%add3A_376, %dma_start3A_383] : memref<512x64xf32, #tpu.memory_space<vmem>> -> memref<1x64xf32, #tpu.memory_space<vmem>>
      %dma_start3A_385 = tpu.memref_squeeze %dma_start3A_384 : memref<1x64xf32, #tpu.memory_space<vmem>> -> memref<64xf32, #tpu.memory_space<vmem>>
      %dma_start3A_386 = arith.constant 0 : i32
      %dma_start3A_387 = tpu.memref_slice %arg3[%squeeze3A_368, %squeeze3A_370, %dma_start3A_386] : memref<125000x8x64xf32, #tpu.memory_space<hbm>> -> memref<1x1x64xf32, #tpu.memory_space<hbm>>
      %dma_start3A_388 = tpu.memref_squeeze %dma_start3A_387 : memref<1x1x64xf32, #tpu.memory_space<hbm>> -> memref<64xf32, #tpu.memory_space<hbm>>
      tpu.enqueue_dma source(%dma_start3A_388 : memref<64xf32, #tpu.memory_space<hbm>>) target(%dma_start3A_385 : memref<64xf32, #tpu.memory_space<vmem>>) target_semaphore(%arg8 : memref<!tpu.dma_semaphore, #tpu.memory_space<semaphore_mem>>)
      %slice3A_389 = vector.extract_strided_slice %shift_right_arithmetic3A_81 {offsets = [14], sizes = [1], strides = [1]} : vector<16xi32> to vector<1xi32>
      %squeeze3A_390 = vector.extract %slice3A_389[0] : i32 from vector<1xi32>
      %slice3A_391 = vector.extract_strided_slice %and3A_83 {offsets = [14], sizes = [1], strides = [1]} : vector<16xi32> to vector<1xi32>
      %squeeze3A_392 = vector.extract %slice3A_391[0] : i32 from vector<1xi32>
      %mul3A_393 = arith.constant 16 : i32
      %mul3A_394 = arith.muli %add3A_73, %mul3A_393 : i32
      %add3A_395 = arith.constant 128 : i32
      %add3A_396 = arith.addi %add3A_395, %mul3A_394 : i32
      %add3A_397 = arith.constant 14 : i32
      %add3A_398 = arith.addi %add3A_396, %add3A_397 : i32
      %dma_start3A_399 = arith.constant 0 : i32
      %dma_start3A_400 = tpu.memref_slice %arg6[%add3A_398, %dma_start3A_399] : memref<512x64xf32, #tpu.memory_space<vmem>> -> memref<1x64xf32, #tpu.memory_space<vmem>>
      %dma_start3A_401 = tpu.memref_squeeze %dma_start3A_400 : memref<1x64xf32, #tpu.memory_space<vmem>> -> memref<64xf32, #tpu.memory_space<vmem>>
      %dma_start3A_402 = arith.constant 0 : i32
      %dma_start3A_403 = tpu.memref_slice %arg3[%squeeze3A_390, %squeeze3A_392, %dma_start3A_402] : memref<125000x8x64xf32, #tpu.memory_space<hbm>> -> memref<1x1x64xf32, #tpu.memory_space<hbm>>
      %dma_start3A_404 = tpu.memref_squeeze %dma_start3A_403 : memref<1x1x64xf32, #tpu.memory_space<hbm>> -> memref<64xf32, #tpu.memory_space<hbm>>
      %dma_start3A_405 = arith.constant 0 : i32
      %dma_start3A_406 = tpu.memref_slice %arg6[%add3A_398, %dma_start3A_405] : memref<512x64xf32, #tpu.memory_space<vmem>> -> memref<1x64xf32, #tpu.memory_space<vmem>>
      %dma_start3A_407 = tpu.memref_squeeze %dma_start3A_406 : memref<1x64xf32, #tpu.memory_space<vmem>> -> memref<64xf32, #tpu.memory_space<vmem>>
      %dma_start3A_408 = arith.constant 0 : i32
      %dma_start3A_409 = tpu.memref_slice %arg3[%squeeze3A_390, %squeeze3A_392, %dma_start3A_408] : memref<125000x8x64xf32, #tpu.memory_space<hbm>> -> memref<1x1x64xf32, #tpu.memory_space<hbm>>
      %dma_start3A_410 = tpu.memref_squeeze %dma_start3A_409 : memref<1x1x64xf32, #tpu.memory_space<hbm>> -> memref<64xf32, #tpu.memory_space<hbm>>
      tpu.enqueue_dma source(%dma_start3A_410 : memref<64xf32, #tpu.memory_space<hbm>>) target(%dma_start3A_407 : memref<64xf32, #tpu.memory_space<vmem>>) target_semaphore(%arg8 : memref<!tpu.dma_semaphore, #tpu.memory_space<semaphore_mem>>)
      %slice3A_411 = vector.extract_strided_slice %shift_right_arithmetic3A_81 {offsets = [15], sizes = [1], strides = [1]} : vector<16xi32> to vector<1xi32>
      %squeeze3A_412 = vector.extract %slice3A_411[0] : i32 from vector<1xi32>
      %slice3A_413 = vector.extract_strided_slice %and3A_83 {offsets = [15], sizes = [1], strides = [1]} : vector<16xi32> to vector<1xi32>
      %squeeze3A_414 = vector.extract %slice3A_413[0] : i32 from vector<1xi32>
      %mul3A_415 = arith.constant 16 : i32
      %mul3A_416 = arith.muli %add3A_73, %mul3A_415 : i32
      %add3A_417 = arith.constant 128 : i32
      %add3A_418 = arith.addi %add3A_417, %mul3A_416 : i32
      %add3A_419 = arith.constant 15 : i32
      %add3A_420 = arith.addi %add3A_418, %add3A_419 : i32
      %dma_start3A_421 = arith.constant 0 : i32
      %dma_start3A_422 = tpu.memref_slice %arg6[%add3A_420, %dma_start3A_421] : memref<512x64xf32, #tpu.memory_space<vmem>> -> memref<1x64xf32, #tpu.memory_space<vmem>>
      %dma_start3A_423 = tpu.memref_squeeze %dma_start3A_422 : memref<1x64xf32, #tpu.memory_space<vmem>> -> memref<64xf32, #tpu.memory_space<vmem>>
      %dma_start3A_424 = arith.constant 0 : i32
      %dma_start3A_425 = tpu.memref_slice %arg3[%squeeze3A_412, %squeeze3A_414, %dma_start3A_424] : memref<125000x8x64xf32, #tpu.memory_space<hbm>> -> memref<1x1x64xf32, #tpu.memory_space<hbm>>
      %dma_start3A_426 = tpu.memref_squeeze %dma_start3A_425 : memref<1x1x64xf32, #tpu.memory_space<hbm>> -> memref<64xf32, #tpu.memory_space<hbm>>
      %dma_start3A_427 = arith.constant 0 : i32
      %dma_start3A_428 = tpu.memref_slice %arg6[%add3A_420, %dma_start3A_427] : memref<512x64xf32, #tpu.memory_space<vmem>> -> memref<1x64xf32, #tpu.memory_space<vmem>>
      %dma_start3A_429 = tpu.memref_squeeze %dma_start3A_428 : memref<1x64xf32, #tpu.memory_space<vmem>> -> memref<64xf32, #tpu.memory_space<vmem>>
      %dma_start3A_430 = arith.constant 0 : i32
      %dma_start3A_431 = tpu.memref_slice %arg3[%squeeze3A_412, %squeeze3A_414, %dma_start3A_430] : memref<125000x8x64xf32, #tpu.memory_space<hbm>> -> memref<1x1x64xf32, #tpu.memory_space<hbm>>
      %dma_start3A_432 = tpu.memref_squeeze %dma_start3A_431 : memref<1x1x64xf32, #tpu.memory_space<hbm>> -> memref<64xf32, #tpu.memory_space<hbm>>
      tpu.enqueue_dma source(%dma_start3A_432 : memref<64xf32, #tpu.memory_space<hbm>>) target(%dma_start3A_429 : memref<64xf32, #tpu.memory_space<vmem>>) target_semaphore(%arg8 : memref<!tpu.dma_semaphore, #tpu.memory_space<semaphore_mem>>)
      %scan3A_433 = arith.constant 1 : i32
      %scan3A_434 = arith.addi %scan3A_69, %scan3A_433 : i32
      %mul3A_435 = arith.constant 1 : i32
      %mul3A_436 = arith.muli %scan3A_434, %mul3A_435 : i32
      %add3A_437 = arith.constant 0 : i32
      %add3A_438 = arith.addi %add3A_437, %mul3A_436 : i32
      %mul3A_439 = arith.constant 16 : i32
      %mul3A_440 = arith.muli %add3A_438, %mul3A_439 : i32
      %add3A_441 = arith.constant 128 : i32
      %add3A_442 = arith.addi %add3A_441, %mul3A_440 : i32
      %get3A_443 = arith.index_cast %add3A_442 : i32 to index
      %get3A_444 = tpu.vector_load %arg5[%get3A_443] {strides = array<i32>} : memref<512xi32, #tpu.memory_space<vmem>>, vector<16xi32>,
      %get3A_445 = vector.shape_cast %get3A_444 : vector<16xi32> to vector<16xi32>
      %shift_right_arithmetic3A_446 = arith.constant 3 : i32
      %shift_right_arithmetic3A_447 = vector.broadcast %shift_right_arithmetic3A_446 : i32 to vector<16xi32>
      %shift_right_arithmetic3A_448 = arith.shrsi %get3A_445, %shift_right_arithmetic3A_447 : vector<16xi32>
      %and3A_449 = arith.constant 7 : i32
      %and3A_450 = vector.broadcast %and3A_449 : i32 to vector<16xi32>
      %and3A_451 = arith.andi %get3A_445, %and3A_450 : vector<16xi32>
      %slice3A_452 = vector.extract_strided_slice %shift_right_arithmetic3A_448 {offsets = [0], sizes = [1], strides = [1]} : vector<16xi32> to vector<1xi32>
      %squeeze3A_453 = vector.extract %slice3A_452[0] : i32 from vector<1xi32>
      %slice3A_454 = vector.extract_strided_slice %and3A_451 {offsets = [0], sizes = [1], strides = [1]} : vector<16xi32> to vector<1xi32>
      %squeeze3A_455 = vector.extract %slice3A_454[0] : i32 from vector<1xi32>
      %mul3A_456 = arith.constant 16 : i32
      %mul3A_457 = arith.muli %add3A_438, %mul3A_456 : i32
      %add3A_458 = arith.constant 128 : i32
      %add3A_459 = arith.addi %add3A_458, %mul3A_457 : i32
      %add3A_460 = arith.constant 0 : i32
      %add3A_461 = arith.addi %add3A_459, %add3A_460 : i32
      %dma_start3A_462 = arith.constant 0 : i32
      %dma_start3A_463 = tpu.memref_slice %arg6[%add3A_461, %dma_start3A_462] : memref<512x64xf32, #tpu.memory_space<vmem>> -> memref<1x64xf32, #tpu.memory_space<vmem>>
      %dma_start3A_464 = tpu.memref_squeeze %dma_start3A_463 : memref<1x64xf32, #tpu.memory_space<vmem>> -> memref<64xf32, #tpu.memory_space<vmem>>
      %dma_start3A_465 = arith.constant 0 : i32
      %dma_start3A_466 = tpu.memref_slice %arg3[%squeeze3A_453, %squeeze3A_455, %dma_start3A_465] : memref<125000x8x64xf32, #tpu.memory_space<hbm>> -> memref<1x1x64xf32, #tpu.memory_space<hbm>>
      %dma_start3A_467 = tpu.memref_squeeze %dma_start3A_466 : memref<1x1x64xf32, #tpu.memory_space<hbm>> -> memref<64xf32, #tpu.memory_space<hbm>>
      %dma_start3A_468 = arith.constant 0 : i32
      %dma_start3A_469 = tpu.memref_slice %arg6[%add3A_461, %dma_start3A_468] : memref<512x64xf32, #tpu.memory_space<vmem>> -> memref<1x64xf32, #tpu.memory_space<vmem>>
      %dma_start3A_470 = tpu.memref_squeeze %dma_start3A_469 : memref<1x64xf32, #tpu.memory_space<vmem>> -> memref<64xf32, #tpu.memory_space<vmem>>
      %dma_start3A_471 = arith.constant 0 : i32
      %dma_start3A_472 = tpu.memref_slice %arg3[%squeeze3A_453, %squeeze3A_455, %dma_start3A_471] : memref<125000x8x64xf32, #tpu.memory_space<hbm>> -> memref<1x1x64xf32, #tpu.memory_space<hbm>>
      %dma_start3A_473 = tpu.memref_squeeze %dma_start3A_472 : memref<1x1x64xf32, #tpu.memory_space<hbm>> -> memref<64xf32, #tpu.memory_space<hbm>>
      tpu.enqueue_dma source(%dma_start3A_473 : memref<64xf32, #tpu.memory_space<hbm>>) target(%dma_start3A_470 : memref<64xf32, #tpu.memory_space<vmem>>) target_semaphore(%arg8 : memref<!tpu.dma_semaphore, #tpu.memory_space<semaphore_mem>>)
      %slice3A_474 = vector.extract_strided_slice %shift_right_arithmetic3A_448 {offsets = [1], sizes = [1], strides = [1]} : vector<16xi32> to vector<1xi32>
      %squeeze3A_475 = vector.extract %slice3A_474[0] : i32 from vector<1xi32>
      %slice3A_476 = vector.extract_strided_slice %and3A_451 {offsets = [1], sizes = [1], strides = [1]} : vector<16xi32> to vector<1xi32>
      %squeeze3A_477 = vector.extract %slice3A_476[0] : i32 from vector<1xi32>
      %mul3A_478 = arith.constant 16 : i32
      %mul3A_479 = arith.muli %add3A_438, %mul3A_478 : i32
      %add3A_480 = arith.constant 128 : i32
      %add3A_481 = arith.addi %add3A_480, %mul3A_479 : i32
      %add3A_482 = arith.constant 1 : i32
      %add3A_483 = arith.addi %add3A_481, %add3A_482 : i32
      %dma_start3A_484 = arith.constant 0 : i32
      %dma_start3A_485 = tpu.memref_slice %arg6[%add3A_483, %dma_start3A_484] : memref<512x64xf32, #tpu.memory_space<vmem>> -> memref<1x64xf32, #tpu.memory_space<vmem>>
      %dma_start3A_486 = tpu.memref_squeeze %dma_start3A_485 : memref<1x64xf32, #tpu.memory_space<vmem>> -> memref<64xf32, #tpu.memory_space<vmem>>
      %dma_start3A_487 = arith.constant 0 : i32
      %dma_start3A_488 = tpu.memref_slice %arg3[%squeeze3A_475, %squeeze3A_477, %dma_start3A_487] : memref<125000x8x64xf32, #tpu.memory_space<hbm>> -> memref<1x1x64xf32, #tpu.memory_space<hbm>>
      %dma_start3A_489 = tpu.memref_squeeze %dma_start3A_488 : memref<1x1x64xf32, #tpu.memory_space<hbm>> -> memref<64xf32, #tpu.memory_space<hbm>>
      %dma_start3A_490 = arith.constant 0 : i32
      %dma_start3A_491 = tpu.memref_slice %arg6[%add3A_483, %dma_start3A_490] : memref<512x64xf32, #tpu.memory_space<vmem>> -> memref<1x64xf32, #tpu.memory_space<vmem>>
      %dma_start3A_492 = tpu.memref_squeeze %dma_start3A_491 : memref<1x64xf32, #tpu.memory_space<vmem>> -> memref<64xf32, #tpu.memory_space<vmem>>
      %dma_start3A_493 = arith.constant 0 : i32
      %dma_start3A_494 = tpu.memref_slice %arg3[%squeeze3A_475, %squeeze3A_477, %dma_start3A_493] : memref<125000x8x64xf32, #tpu.memory_space<hbm>> -> memref<1x1x64xf32, #tpu.memory_space<hbm>>
      %dma_start3A_495 = tpu.memref_squeeze %dma_start3A_494 : memref<1x1x64xf32, #tpu.memory_space<hbm>> -> memref<64xf32, #tpu.memory_space<hbm>>
      tpu.enqueue_dma source(%dma_start3A_495 : memref<64xf32, #tpu.memory_space<hbm>>) target(%dma_start3A_492 : memref<64xf32, #tpu.memory_space<vmem>>) target_semaphore(%arg8 : memref<!tpu.dma_semaphore, #tpu.memory_space<semaphore_mem>>)
      %slice3A_496 = vector.extract_strided_slice %shift_right_arithmetic3A_448 {offsets = [2], sizes = [1], strides = [1]} : vector<16xi32> to vector<1xi32>
      %squeeze3A_497 = vector.extract %slice3A_496[0] : i32 from vector<1xi32>
      %slice3A_498 = vector.extract_strided_slice %and3A_451 {offsets = [2], sizes = [1], strides = [1]} : vector<16xi32> to vector<1xi32>
      %squeeze3A_499 = vector.extract %slice3A_498[0] : i32 from vector<1xi32>
      %mul3A_500 = arith.constant 16 : i32
      %mul3A_501 = arith.muli %add3A_438, %mul3A_500 : i32
      %add3A_502 = arith.constant 128 : i32
      %add3A_503 = arith.addi %add3A_502, %mul3A_501 : i32
      %add3A_504 = arith.constant 2 : i32
      %add3A_505 = arith.addi %add3A_503, %add3A_504 : i32
      %dma_start3A_506 = arith.constant 0 : i32
      %dma_start3A_507 = tpu.memref_slice %arg6[%add3A_505, %dma_start3A_506] : memref<512x64xf32, #tpu.memory_space<vmem>> -> memref<1x64xf32, #tpu.memory_space<vmem>>
      %dma_start3A_508 = tpu.memref_squeeze %dma_start3A_507 : memref<1x64xf32, #tpu.memory_space<vmem>> -> memref<64xf32, #tpu.memory_space<vmem>>
      %dma_start3A_509 = arith.constant 0 : i32
      %dma_start3A_510 = tpu.memref_slice %arg3[%squeeze3A_497, %squeeze3A_499, %dma_start3A_509] : memref<125000x8x64xf32, #tpu.memory_space<hbm>> -> memref<1x1x64xf32, #tpu.memory_space<hbm>>
      %dma_start3A_511 = tpu.memref_squeeze %dma_start3A_510 : memref<1x1x64xf32, #tpu.memory_space<hbm>> -> memref<64xf32, #tpu.memory_space<hbm>>
      %dma_start3A_512 = arith.constant 0 : i32
      %dma_start3A_513 = tpu.memref_slice %arg6[%add3A_505, %dma_start3A_512] : memref<512x64xf32, #tpu.memory_space<vmem>> -> memref<1x64xf32, #tpu.memory_space<vmem>>
      %dma_start3A_514 = tpu.memref_squeeze %dma_start3A_513 : memref<1x64xf32, #tpu.memory_space<vmem>> -> memref<64xf32, #tpu.memory_space<vmem>>
      %dma_start3A_515 = arith.constant 0 : i32
      %dma_start3A_516 = tpu.memref_slice %arg3[%squeeze3A_497, %squeeze3A_499, %dma_start3A_515] : memref<125000x8x64xf32, #tpu.memory_space<hbm>> -> memref<1x1x64xf32, #tpu.memory_space<hbm>>
      %dma_start3A_517 = tpu.memref_squeeze %dma_start3A_516 : memref<1x1x64xf32, #tpu.memory_space<hbm>> -> memref<64xf32, #tpu.memory_space<hbm>>
      tpu.enqueue_dma source(%dma_start3A_517 : memref<64xf32, #tpu.memory_space<hbm>>) target(%dma_start3A_514 : memref<64xf32, #tpu.memory_space<vmem>>) target_semaphore(%arg8 : memref<!tpu.dma_semaphore, #tpu.memory_space<semaphore_mem>>)
      %slice3A_518 = vector.extract_strided_slice %shift_right_arithmetic3A_448 {offsets = [3], sizes = [1], strides = [1]} : vector<16xi32> to vector<1xi32>
      %squeeze3A_519 = vector.extract %slice3A_518[0] : i32 from vector<1xi32>
      %slice3A_520 = vector.extract_strided_slice %and3A_451 {offsets = [3], sizes = [1], strides = [1]} : vector<16xi32> to vector<1xi32>
      %squeeze3A_521 = vector.extract %slice3A_520[0] : i32 from vector<1xi32>
      %mul3A_522 = arith.constant 16 : i32
      %mul3A_523 = arith.muli %add3A_438, %mul3A_522 : i32
      %add3A_524 = arith.constant 128 : i32
      %add3A_525 = arith.addi %add3A_524, %mul3A_523 : i32
      %add3A_526 = arith.constant 3 : i32
      %add3A_527 = arith.addi %add3A_525, %add3A_526 : i32
      %dma_start3A_528 = arith.constant 0 : i32
      %dma_start3A_529 = tpu.memref_slice %arg6[%add3A_527, %dma_start3A_528] : memref<512x64xf32, #tpu.memory_space<vmem>> -> memref<1x64xf32, #tpu.memory_space<vmem>>
      %dma_start3A_530 = tpu.memref_squeeze %dma_start3A_529 : memref<1x64xf32, #tpu.memory_space<vmem>> -> memref<64xf32, #tpu.memory_space<vmem>>
      %dma_start3A_531 = arith.constant 0 : i32
      %dma_start3A_532 = tpu.memref_slice %arg3[%squeeze3A_519, %squeeze3A_521, %dma_start3A_531] : memref<125000x8x64xf32, #tpu.memory_space<hbm>> -> memref<1x1x64xf32, #tpu.memory_space<hbm>>
      %dma_start3A_533 = tpu.memref_squeeze %dma_start3A_532 : memref<1x1x64xf32, #tpu.memory_space<hbm>> -> memref<64xf32, #tpu.memory_space<hbm>>
      %dma_start3A_534 = arith.constant 0 : i32
      %dma_start3A_535 = tpu.memref_slice %arg6[%add3A_527, %dma_start3A_534] : memref<512x64xf32, #tpu.memory_space<vmem>> -> memref<1x64xf32, #tpu.memory_space<vmem>>
      %dma_start3A_536 = tpu.memref_squeeze %dma_start3A_535 : memref<1x64xf32, #tpu.memory_space<vmem>> -> memref<64xf32, #tpu.memory_space<vmem>>
      %dma_start3A_537 = arith.constant 0 : i32
      %dma_start3A_538 = tpu.memref_slice %arg3[%squeeze3A_519, %squeeze3A_521, %dma_start3A_537] : memref<125000x8x64xf32, #tpu.memory_space<hbm>> -> memref<1x1x64xf32, #tpu.memory_space<hbm>>
      %dma_start3A_539 = tpu.memref_squeeze %dma_start3A_538 : memref<1x1x64xf32, #tpu.memory_space<hbm>> -> memref<64xf32, #tpu.memory_space<hbm>>
      tpu.enqueue_dma source(%dma_start3A_539 : memref<64xf32, #tpu.memory_space<hbm>>) target(%dma_start3A_536 : memref<64xf32, #tpu.memory_space<vmem>>) target_semaphore(%arg8 : memref<!tpu.dma_semaphore, #tpu.memory_space<semaphore_mem>>)
      %slice3A_540 = vector.extract_strided_slice %shift_right_arithmetic3A_448 {offsets = [4], sizes = [1], strides = [1]} : vector<16xi32> to vector<1xi32>
      %squeeze3A_541 = vector.extract %slice3A_540[0] : i32 from vector<1xi32>
      %slice3A_542 = vector.extract_strided_slice %and3A_451 {offsets = [4], sizes = [1], strides = [1]} : vector<16xi32> to vector<1xi32>
      %squeeze3A_543 = vector.extract %slice3A_542[0] : i32 from vector<1xi32>
      %mul3A_544 = arith.constant 16 : i32
      %mul3A_545 = arith.muli %add3A_438, %mul3A_544 : i32
      %add3A_546 = arith.constant 128 : i32
      %add3A_547 = arith.addi %add3A_546, %mul3A_545 : i32
      %add3A_548 = arith.constant 4 : i32
      %add3A_549 = arith.addi %add3A_547, %add3A_548 : i32
      %dma_start3A_550 = arith.constant 0 : i32
      %dma_start3A_551 = tpu.memref_slice %arg6[%add3A_549, %dma_start3A_550] : memref<512x64xf32, #tpu.memory_space<vmem>> -> memref<1x64xf32, #tpu.memory_space<vmem>>
      %dma_start3A_552 = tpu.memref_squeeze %dma_start3A_551 : memref<1x64xf32, #tpu.memory_space<vmem>> -> memref<64xf32, #tpu.memory_space<vmem>>
      %dma_start3A_553 = arith.constant 0 : i32
      %dma_start3A_554 = tpu.memref_slice %arg3[%squeeze3A_541, %squeeze3A_543, %dma_start3A_553] : memref<125000x8x64xf32, #tpu.memory_space<hbm>> -> memref<1x1x64xf32, #tpu.memory_space<hbm>>
      %dma_start3A_555 = tpu.memref_squeeze %dma_start3A_554 : memref<1x1x64xf32, #tpu.memory_space<hbm>> -> memref<64xf32, #tpu.memory_space<hbm>>
      %dma_start3A_556 = arith.constant 0 : i32
      %dma_start3A_557 = tpu.memref_slice %arg6[%add3A_549, %dma_start3A_556] : memref<512x64xf32, #tpu.memory_space<vmem>> -> memref<1x64xf32, #tpu.memory_space<vmem>>
      %dma_start3A_558 = tpu.memref_squeeze %dma_start3A_557 : memref<1x64xf32, #tpu.memory_space<vmem>> -> memref<64xf32, #tpu.memory_space<vmem>>
      %dma_start3A_559 = arith.constant 0 : i32
      %dma_start3A_560 = tpu.memref_slice %arg3[%squeeze3A_541, %squeeze3A_543, %dma_start3A_559] : memref<125000x8x64xf32, #tpu.memory_space<hbm>> -> memref<1x1x64xf32, #tpu.memory_space<hbm>>
      %dma_start3A_561 = tpu.memref_squeeze %dma_start3A_560 : memref<1x1x64xf32, #tpu.memory_space<hbm>> -> memref<64xf32, #tpu.memory_space<hbm>>
      tpu.enqueue_dma source(%dma_start3A_561 : memref<64xf32, #tpu.memory_space<hbm>>) target(%dma_start3A_558 : memref<64xf32, #tpu.memory_space<vmem>>) target_semaphore(%arg8 : memref<!tpu.dma_semaphore, #tpu.memory_space<semaphore_mem>>)
      %slice3A_562 = vector.extract_strided_slice %shift_right_arithmetic3A_448 {offsets = [5], sizes = [1], strides = [1]} : vector<16xi32> to vector<1xi32>
      %squeeze3A_563 = vector.extract %slice3A_562[0] : i32 from vector<1xi32>
      %slice3A_564 = vector.extract_strided_slice %and3A_451 {offsets = [5], sizes = [1], strides = [1]} : vector<16xi32> to vector<1xi32>
      %squeeze3A_565 = vector.extract %slice3A_564[0] : i32 from vector<1xi32>
      %mul3A_566 = arith.constant 16 : i32
      %mul3A_567 = arith.muli %add3A_438, %mul3A_566 : i32
      %add3A_568 = arith.constant 128 : i32
      %add3A_569 = arith.addi %add3A_568, %mul3A_567 : i32
      %add3A_570 = arith.constant 5 : i32
      %add3A_571 = arith.addi %add3A_569, %add3A_570 : i32
      %dma_start3A_572 = arith.constant 0 : i32
      %dma_start3A_573 = tpu.memref_slice %arg6[%add3A_571, %dma_start3A_572] : memref<512x64xf32, #tpu.memory_space<vmem>> -> memref<1x64xf32, #tpu.memory_space<vmem>>
      %dma_start3A_574 = tpu.memref_squeeze %dma_start3A_573 : memref<1x64xf32, #tpu.memory_space<vmem>> -> memref<64xf32, #tpu.memory_space<vmem>>
      %dma_start3A_575 = arith.constant 0 : i32
      %dma_start3A_576 = tpu.memref_slice %arg3[%squeeze3A_563, %squeeze3A_565, %dma_start3A_575] : memref<125000x8x64xf32, #tpu.memory_space<hbm>> -> memref<1x1x64xf32, #tpu.memory_space<hbm>>
      %dma_start3A_577 = tpu.memref_squeeze %dma_start3A_576 : memref<1x1x64xf32, #tpu.memory_space<hbm>> -> memref<64xf32, #tpu.memory_space<hbm>>
      %dma_start3A_578 = arith.constant 0 : i32
      %dma_start3A_579 = tpu.memref_slice %arg6[%add3A_571, %dma_start3A_578] : memref<512x64xf32, #tpu.memory_space<vmem>> -> memref<1x64xf32, #tpu.memory_space<vmem>>
      %dma_start3A_580 = tpu.memref_squeeze %dma_start3A_579 : memref<1x64xf32, #tpu.memory_space<vmem>> -> memref<64xf32, #tpu.memory_space<vmem>>
      %dma_start3A_581 = arith.constant 0 : i32
      %dma_start3A_582 = tpu.memref_slice %arg3[%squeeze3A_563, %squeeze3A_565, %dma_start3A_581] : memref<125000x8x64xf32, #tpu.memory_space<hbm>> -> memref<1x1x64xf32, #tpu.memory_space<hbm>>
      %dma_start3A_583 = tpu.memref_squeeze %dma_start3A_582 : memref<1x1x64xf32, #tpu.memory_space<hbm>> -> memref<64xf32, #tpu.memory_space<hbm>>
      tpu.enqueue_dma source(%dma_start3A_583 : memref<64xf32, #tpu.memory_space<hbm>>) target(%dma_start3A_580 : memref<64xf32, #tpu.memory_space<vmem>>) target_semaphore(%arg8 : memref<!tpu.dma_semaphore, #tpu.memory_space<semaphore_mem>>)
      %slice3A_584 = vector.extract_strided_slice %shift_right_arithmetic3A_448 {offsets = [6], sizes = [1], strides = [1]} : vector<16xi32> to vector<1xi32>
      %squeeze3A_585 = vector.extract %slice3A_584[0] : i32 from vector<1xi32>
      %slice3A_586 = vector.extract_strided_slice %and3A_451 {offsets = [6], sizes = [1], strides = [1]} : vector<16xi32> to vector<1xi32>
      %squeeze3A_587 = vector.extract %slice3A_586[0] : i32 from vector<1xi32>
      %mul3A_588 = arith.constant 16 : i32
      %mul3A_589 = arith.muli %add3A_438, %mul3A_588 : i32
      %add3A_590 = arith.constant 128 : i32
      %add3A_591 = arith.addi %add3A_590, %mul3A_589 : i32
      %add3A_592 = arith.constant 6 : i32
      %add3A_593 = arith.addi %add3A_591, %add3A_592 : i32
      %dma_start3A_594 = arith.constant 0 : i32
      %dma_start3A_595 = tpu.memref_slice %arg6[%add3A_593, %dma_start3A_594] : memref<512x64xf32, #tpu.memory_space<vmem>> -> memref<1x64xf32, #tpu.memory_space<vmem>>
      %dma_start3A_596 = tpu.memref_squeeze %dma_start3A_595 : memref<1x64xf32, #tpu.memory_space<vmem>> -> memref<64xf32, #tpu.memory_space<vmem>>
      %dma_start3A_597 = arith.constant 0 : i32
      %dma_start3A_598 = tpu.memref_slice %arg3[%squeeze3A_585, %squeeze3A_587, %dma_start3A_597] : memref<125000x8x64xf32, #tpu.memory_space<hbm>> -> memref<1x1x64xf32, #tpu.memory_space<hbm>>
      %dma_start3A_599 = tpu.memref_squeeze %dma_start3A_598 : memref<1x1x64xf32, #tpu.memory_space<hbm>> -> memref<64xf32, #tpu.memory_space<hbm>>
      %dma_start3A_600 = arith.constant 0 : i32
      %dma_start3A_601 = tpu.memref_slice %arg6[%add3A_593, %dma_start3A_600] : memref<512x64xf32, #tpu.memory_space<vmem>> -> memref<1x64xf32, #tpu.memory_space<vmem>>
      %dma_start3A_602 = tpu.memref_squeeze %dma_start3A_601 : memref<1x64xf32, #tpu.memory_space<vmem>> -> memref<64xf32, #tpu.memory_space<vmem>>
      %dma_start3A_603 = arith.constant 0 : i32
      %dma_start3A_604 = tpu.memref_slice %arg3[%squeeze3A_585, %squeeze3A_587, %dma_start3A_603] : memref<125000x8x64xf32, #tpu.memory_space<hbm>> -> memref<1x1x64xf32, #tpu.memory_space<hbm>>
      %dma_start3A_605 = tpu.memref_squeeze %dma_start3A_604 : memref<1x1x64xf32, #tpu.memory_space<hbm>> -> memref<64xf32, #tpu.memory_space<hbm>>
      tpu.enqueue_dma source(%dma_start3A_605 : memref<64xf32, #tpu.memory_space<hbm>>) target(%dma_start3A_602 : memref<64xf32, #tpu.memory_space<vmem>>) target_semaphore(%arg8 : memref<!tpu.dma_semaphore, #tpu.memory_space<semaphore_mem>>)
      %slice3A_606 = vector.extract_strided_slice %shift_right_arithmetic3A_448 {offsets = [7], sizes = [1], strides = [1]} : vector<16xi32> to vector<1xi32>
      %squeeze3A_607 = vector.extract %slice3A_606[0] : i32 from vector<1xi32>
      %slice3A_608 = vector.extract_strided_slice %and3A_451 {offsets = [7], sizes = [1], strides = [1]} : vector<16xi32> to vector<1xi32>
      %squeeze3A_609 = vector.extract %slice3A_608[0] : i32 from vector<1xi32>
      %mul3A_610 = arith.constant 16 : i32
      %mul3A_611 = arith.muli %add3A_438, %mul3A_610 : i32
      %add3A_612 = arith.constant 128 : i32
      %add3A_613 = arith.addi %add3A_612, %mul3A_611 : i32
      %add3A_614 = arith.constant 7 : i32
      %add3A_615 = arith.addi %add3A_613, %add3A_614 : i32
      %dma_start3A_616 = arith.constant 0 : i32
      %dma_start3A_617 = tpu.memref_slice %arg6[%add3A_615, %dma_start3A_616] : memref<512x64xf32, #tpu.memory_space<vmem>> -> memref<1x64xf32, #tpu.memory_space<vmem>>
      %dma_start3A_618 = tpu.memref_squeeze %dma_start3A_617 : memref<1x64xf32, #tpu.memory_space<vmem>> -> memref<64xf32, #tpu.memory_space<vmem>>
      %dma_start3A_619 = arith.constant 0 : i32
      %dma_start3A_620 = tpu.memref_slice %arg3[%squeeze3A_607, %squeeze3A_609, %dma_start3A_619] : memref<125000x8x64xf32, #tpu.memory_space<hbm>> -> memref<1x1x64xf32, #tpu.memory_space<hbm>>
      %dma_start3A_621 = tpu.memref_squeeze %dma_start3A_620 : memref<1x1x64xf32, #tpu.memory_space<hbm>> -> memref<64xf32, #tpu.memory_space<hbm>>
      %dma_start3A_622 = arith.constant 0 : i32
      %dma_start3A_623 = tpu.memref_slice %arg6[%add3A_615, %dma_start3A_622] : memref<512x64xf32, #tpu.memory_space<vmem>> -> memref<1x64xf32, #tpu.memory_space<vmem>>
      %dma_start3A_624 = tpu.memref_squeeze %dma_start3A_623 : memref<1x64xf32, #tpu.memory_space<vmem>> -> memref<64xf32, #tpu.memory_space<vmem>>
      %dma_start3A_625 = arith.constant 0 : i32
      %dma_start3A_626 = tpu.memref_slice %arg3[%squeeze3A_607, %squeeze3A_609, %dma_start3A_625] : memref<125000x8x64xf32, #tpu.memory_space<hbm>> -> memref<1x1x64xf32, #tpu.memory_space<hbm>>
      %dma_start3A_627 = tpu.memref_squeeze %dma_start3A_626 : memref<1x1x64xf32, #tpu.memory_space<hbm>> -> memref<64xf32, #tpu.memory_space<hbm>>
      tpu.enqueue_dma source(%dma_start3A_627 : memref<64xf32, #tpu.memory_space<hbm>>) target(%dma_start3A_624 : memref<64xf32, #tpu.memory_space<vmem>>) target_semaphore(%arg8 : memref<!tpu.dma_semaphore, #tpu.memory_space<semaphore_mem>>)
      %slice3A_628 = vector.extract_strided_slice %shift_right_arithmetic3A_448 {offsets = [8], sizes = [1], strides = [1]} : vector<16xi32> to vector<1xi32>
      %squeeze3A_629 = vector.extract %slice3A_628[0] : i32 from vector<1xi32>
      %slice3A_630 = vector.extract_strided_slice %and3A_451 {offsets = [8], sizes = [1], strides = [1]} : vector<16xi32> to vector<1xi32>
      %squeeze3A_631 = vector.extract %slice3A_630[0] : i32 from vector<1xi32>
      %mul3A_632 = arith.constant 16 : i32
      %mul3A_633 = arith.muli %add3A_438, %mul3A_632 : i32
      %add3A_634 = arith.constant 128 : i32
      %add3A_635 = arith.addi %add3A_634, %mul3A_633 : i32
      %add3A_636 = arith.constant 8 : i32
      %add3A_637 = arith.addi %add3A_635, %add3A_636 : i32
      %dma_start3A_638 = arith.constant 0 : i32
      %dma_start3A_639 = tpu.memref_slice %arg6[%add3A_637, %dma_start3A_638] : memref<512x64xf32, #tpu.memory_space<vmem>> -> memref<1x64xf32, #tpu.memory_space<vmem>>
      %dma_start3A_640 = tpu.memref_squeeze %dma_start3A_639 : memref<1x64xf32, #tpu.memory_space<vmem>> -> memref<64xf32, #tpu.memory_space<vmem>>
      %dma_start3A_641 = arith.constant 0 : i32
      %dma_start3A_642 = tpu.memref_slice %arg3[%squeeze3A_629, %squeeze3A_631, %dma_start3A_641] : memref<125000x8x64xf32, #tpu.memory_space<hbm>> -> memref<1x1x64xf32, #tpu.memory_space<hbm>>
      %dma_start3A_643 = tpu.memref_squeeze %dma_start3A_642 : memref<1x1x64xf32, #tpu.memory_space<hbm>> -> memref<64xf32, #tpu.memory_space<hbm>>
      %dma_start3A_644 = arith.constant 0 : i32
      %dma_start3A_645 = tpu.memref_slice %arg6[%add3A_637, %dma_start3A_644] : memref<512x64xf32, #tpu.memory_space<vmem>> -> memref<1x64xf32, #tpu.memory_space<vmem>>
      %dma_start3A_646 = tpu.memref_squeeze %dma_start3A_645 : memref<1x64xf32, #tpu.memory_space<vmem>> -> memref<64xf32, #tpu.memory_space<vmem>>
      %dma_start3A_647 = arith.constant 0 : i32
      %dma_start3A_648 = tpu.memref_slice %arg3[%squeeze3A_629, %squeeze3A_631, %dma_start3A_647] : memref<125000x8x64xf32, #tpu.memory_space<hbm>> -> memref<1x1x64xf32, #tpu.memory_space<hbm>>
      %dma_start3A_649 = tpu.memref_squeeze %dma_start3A_648 : memref<1x1x64xf32, #tpu.memory_space<hbm>> -> memref<64xf32, #tpu.memory_space<hbm>>
      tpu.enqueue_dma source(%dma_start3A_649 : memref<64xf32, #tpu.memory_space<hbm>>) target(%dma_start3A_646 : memref<64xf32, #tpu.memory_space<vmem>>) target_semaphore(%arg8 : memref<!tpu.dma_semaphore, #tpu.memory_space<semaphore_mem>>)
      %slice3A_650 = vector.extract_strided_slice %shift_right_arithmetic3A_448 {offsets = [9], sizes = [1], strides = [1]} : vector<16xi32> to vector<1xi32>
      %squeeze3A_651 = vector.extract %slice3A_650[0] : i32 from vector<1xi32>
      %slice3A_652 = vector.extract_strided_slice %and3A_451 {offsets = [9], sizes = [1], strides = [1]} : vector<16xi32> to vector<1xi32>
      %squeeze3A_653 = vector.extract %slice3A_652[0] : i32 from vector<1xi32>
      %mul3A_654 = arith.constant 16 : i32
      %mul3A_655 = arith.muli %add3A_438, %mul3A_654 : i32
      %add3A_656 = arith.constant 128 : i32
      %add3A_657 = arith.addi %add3A_656, %mul3A_655 : i32
      %add3A_658 = arith.constant 9 : i32
      %add3A_659 = arith.addi %add3A_657, %add3A_658 : i32
      %dma_start3A_660 = arith.constant 0 : i32
      %dma_start3A_661 = tpu.memref_slice %arg6[%add3A_659, %dma_start3A_660] : memref<512x64xf32, #tpu.memory_space<vmem>> -> memref<1x64xf32, #tpu.memory_space<vmem>>
      %dma_start3A_662 = tpu.memref_squeeze %dma_start3A_661 : memref<1x64xf32, #tpu.memory_space<vmem>> -> memref<64xf32, #tpu.memory_space<vmem>>
      %dma_start3A_663 = arith.constant 0 : i32
      %dma_start3A_664 = tpu.memref_slice %arg3[%squeeze3A_651, %squeeze3A_653, %dma_start3A_663] : memref<125000x8x64xf32, #tpu.memory_space<hbm>> -> memref<1x1x64xf32, #tpu.memory_space<hbm>>
      %dma_start3A_665 = tpu.memref_squeeze %dma_start3A_664 : memref<1x1x64xf32, #tpu.memory_space<hbm>> -> memref<64xf32, #tpu.memory_space<hbm>>
      %dma_start3A_666 = arith.constant 0 : i32
      %dma_start3A_667 = tpu.memref_slice %arg6[%add3A_659, %dma_start3A_666] : memref<512x64xf32, #tpu.memory_space<vmem>> -> memref<1x64xf32, #tpu.memory_space<vmem>>
      %dma_start3A_668 = tpu.memref_squeeze %dma_start3A_667 : memref<1x64xf32, #tpu.memory_space<vmem>> -> memref<64xf32, #tpu.memory_space<vmem>>
      %dma_start3A_669 = arith.constant 0 : i32
      %dma_start3A_670 = tpu.memref_slice %arg3[%squeeze3A_651, %squeeze3A_653, %dma_start3A_669] : memref<125000x8x64xf32, #tpu.memory_space<hbm>> -> memref<1x1x64xf32, #tpu.memory_space<hbm>>
      %dma_start3A_671 = tpu.memref_squeeze %dma_start3A_670 : memref<1x1x64xf32, #tpu.memory_space<hbm>> -> memref<64xf32, #tpu.memory_space<hbm>>
      tpu.enqueue_dma source(%dma_start3A_671 : memref<64xf32, #tpu.memory_space<hbm>>) target(%dma_start3A_668 : memref<64xf32, #tpu.memory_space<vmem>>) target_semaphore(%arg8 : memref<!tpu.dma_semaphore, #tpu.memory_space<semaphore_mem>>)
      %slice3A_672 = vector.extract_strided_slice %shift_right_arithmetic3A_448 {offsets = [10], sizes = [1], strides = [1]} : vector<16xi32> to vector<1xi32>
      %squeeze3A_673 = vector.extract %slice3A_672[0] : i32 from vector<1xi32>
      %slice3A_674 = vector.extract_strided_slice %and3A_451 {offsets = [10], sizes = [1], strides = [1]} : vector<16xi32> to vector<1xi32>
      %squeeze3A_675 = vector.extract %slice3A_674[0] : i32 from vector<1xi32>
      %mul3A_676 = arith.constant 16 : i32
      %mul3A_677 = arith.muli %add3A_438, %mul3A_676 : i32
      %add3A_678 = arith.constant 128 : i32
      %add3A_679 = arith.addi %add3A_678, %mul3A_677 : i32
      %add3A_680 = arith.constant 10 : i32
      %add3A_681 = arith.addi %add3A_679, %add3A_680 : i32
      %dma_start3A_682 = arith.constant 0 : i32
      %dma_start3A_683 = tpu.memref_slice %arg6[%add3A_681, %dma_start3A_682] : memref<512x64xf32, #tpu.memory_space<vmem>> -> memref<1x64xf32, #tpu.memory_space<vmem>>
      %dma_start3A_684 = tpu.memref_squeeze %dma_start3A_683 : memref<1x64xf32, #tpu.memory_space<vmem>> -> memref<64xf32, #tpu.memory_space<vmem>>
      %dma_start3A_685 = arith.constant 0 : i32
      %dma_start3A_686 = tpu.memref_slice %arg3[%squeeze3A_673, %squeeze3A_675, %dma_start3A_685] : memref<125000x8x64xf32, #tpu.memory_space<hbm>> -> memref<1x1x64xf32, #tpu.memory_space<hbm>>
      %dma_start3A_687 = tpu.memref_squeeze %dma_start3A_686 : memref<1x1x64xf32, #tpu.memory_space<hbm>> -> memref<64xf32, #tpu.memory_space<hbm>>
      %dma_start3A_688 = arith.constant 0 : i32
      %dma_start3A_689 = tpu.memref_slice %arg6[%add3A_681, %dma_start3A_688] : memref<512x64xf32, #tpu.memory_space<vmem>> -> memref<1x64xf32, #tpu.memory_space<vmem>>
      %dma_start3A_690 = tpu.memref_squeeze %dma_start3A_689 : memref<1x64xf32, #tpu.memory_space<vmem>> -> memref<64xf32, #tpu.memory_space<vmem>>
      %dma_start3A_691 = arith.constant 0 : i32
      %dma_start3A_692 = tpu.memref_slice %arg3[%squeeze3A_673, %squeeze3A_675, %dma_start3A_691] : memref<125000x8x64xf32, #tpu.memory_space<hbm>> -> memref<1x1x64xf32, #tpu.memory_space<hbm>>
      %dma_start3A_693 = tpu.memref_squeeze %dma_start3A_692 : memref<1x1x64xf32, #tpu.memory_space<hbm>> -> memref<64xf32, #tpu.memory_space<hbm>>
      tpu.enqueue_dma source(%dma_start3A_693 : memref<64xf32, #tpu.memory_space<hbm>>) target(%dma_start3A_690 : memref<64xf32, #tpu.memory_space<vmem>>) target_semaphore(%arg8 : memref<!tpu.dma_semaphore, #tpu.memory_space<semaphore_mem>>)
      %slice3A_694 = vector.extract_strided_slice %shift_right_arithmetic3A_448 {offsets = [11], sizes = [1], strides = [1]} : vector<16xi32> to vector<1xi32>
      %squeeze3A_695 = vector.extract %slice3A_694[0] : i32 from vector<1xi32>
      %slice3A_696 = vector.extract_strided_slice %and3A_451 {offsets = [11], sizes = [1], strides = [1]} : vector<16xi32> to vector<1xi32>
      %squeeze3A_697 = vector.extract %slice3A_696[0] : i32 from vector<1xi32>
      %mul3A_698 = arith.constant 16 : i32
      %mul3A_699 = arith.muli %add3A_438, %mul3A_698 : i32
      %add3A_700 = arith.constant 128 : i32
      %add3A_701 = arith.addi %add3A_700, %mul3A_699 : i32
      %add3A_702 = arith.constant 11 : i32
      %add3A_703 = arith.addi %add3A_701, %add3A_702 : i32
      %dma_start3A_704 = arith.constant 0 : i32
      %dma_start3A_705 = tpu.memref_slice %arg6[%add3A_703, %dma_start3A_704] : memref<512x64xf32, #tpu.memory_space<vmem>> -> memref<1x64xf32, #tpu.memory_space<vmem>>
      %dma_start3A_706 = tpu.memref_squeeze %dma_start3A_705 : memref<1x64xf32, #tpu.memory_space<vmem>> -> memref<64xf32, #tpu.memory_space<vmem>>
      %dma_start3A_707 = arith.constant 0 : i32
      %dma_start3A_708 = tpu.memref_slice %arg3[%squeeze3A_695, %squeeze3A_697, %dma_start3A_707] : memref<125000x8x64xf32, #tpu.memory_space<hbm>> -> memref<1x1x64xf32, #tpu.memory_space<hbm>>
      %dma_start3A_709 = tpu.memref_squeeze %dma_start3A_708 : memref<1x1x64xf32, #tpu.memory_space<hbm>> -> memref<64xf32, #tpu.memory_space<hbm>>
      %dma_start3A_710 = arith.constant 0 : i32
      %dma_start3A_711 = tpu.memref_slice %arg6[%add3A_703, %dma_start3A_710] : memref<512x64xf32, #tpu.memory_space<vmem>> -> memref<1x64xf32, #tpu.memory_space<vmem>>
      %dma_start3A_712 = tpu.memref_squeeze %dma_start3A_711 : memref<1x64xf32, #tpu.memory_space<vmem>> -> memref<64xf32, #tpu.memory_space<vmem>>
      %dma_start3A_713 = arith.constant 0 : i32
      %dma_start3A_714 = tpu.memref_slice %arg3[%squeeze3A_695, %squeeze3A_697, %dma_start3A_713] : memref<125000x8x64xf32, #tpu.memory_space<hbm>> -> memref<1x1x64xf32, #tpu.memory_space<hbm>>
      %dma_start3A_715 = tpu.memref_squeeze %dma_start3A_714 : memref<1x1x64xf32, #tpu.memory_space<hbm>> -> memref<64xf32, #tpu.memory_space<hbm>>
      tpu.enqueue_dma source(%dma_start3A_715 : memref<64xf32, #tpu.memory_space<hbm>>) target(%dma_start3A_712 : memref<64xf32, #tpu.memory_space<vmem>>) target_semaphore(%arg8 : memref<!tpu.dma_semaphore, #tpu.memory_space<semaphore_mem>>)
      %slice3A_716 = vector.extract_strided_slice %shift_right_arithmetic3A_448 {offsets = [12], sizes = [1], strides = [1]} : vector<16xi32> to vector<1xi32>
      %squeeze3A_717 = vector.extract %slice3A_716[0] : i32 from vector<1xi32>
      %slice3A_718 = vector.extract_strided_slice %and3A_451 {offsets = [12], sizes = [1], strides = [1]} : vector<16xi32> to vector<1xi32>
      %squeeze3A_719 = vector.extract %slice3A_718[0] : i32 from vector<1xi32>
      %mul3A_720 = arith.constant 16 : i32
      %mul3A_721 = arith.muli %add3A_438, %mul3A_720 : i32
      %add3A_722 = arith.constant 128 : i32
      %add3A_723 = arith.addi %add3A_722, %mul3A_721 : i32
      %add3A_724 = arith.constant 12 : i32
      %add3A_725 = arith.addi %add3A_723, %add3A_724 : i32
      %dma_start3A_726 = arith.constant 0 : i32
      %dma_start3A_727 = tpu.memref_slice %arg6[%add3A_725, %dma_start3A_726] : memref<512x64xf32, #tpu.memory_space<vmem>> -> memref<1x64xf32, #tpu.memory_space<vmem>>
      %dma_start3A_728 = tpu.memref_squeeze %dma_start3A_727 : memref<1x64xf32, #tpu.memory_space<vmem>> -> memref<64xf32, #tpu.memory_space<vmem>>
      %dma_start3A_729 = arith.constant 0 : i32
      %dma_start3A_730 = tpu.memref_slice %arg3[%squeeze3A_717, %squeeze3A_719, %dma_start3A_729] : memref<125000x8x64xf32, #tpu.memory_space<hbm>> -> memref<1x1x64xf32, #tpu.memory_space<hbm>>
      %dma_start3A_731 = tpu.memref_squeeze %dma_start3A_730 : memref<1x1x64xf32, #tpu.memory_space<hbm>> -> memref<64xf32, #tpu.memory_space<hbm>>
      %dma_start3A_732 = arith.constant 0 : i32
      %dma_start3A_733 = tpu.memref_slice %arg6[%add3A_725, %dma_start3A_732] : memref<512x64xf32, #tpu.memory_space<vmem>> -> memref<1x64xf32, #tpu.memory_space<vmem>>
      %dma_start3A_734 = tpu.memref_squeeze %dma_start3A_733 : memref<1x64xf32, #tpu.memory_space<vmem>> -> memref<64xf32, #tpu.memory_space<vmem>>
      %dma_start3A_735 = arith.constant 0 : i32
      %dma_start3A_736 = tpu.memref_slice %arg3[%squeeze3A_717, %squeeze3A_719, %dma_start3A_735] : memref<125000x8x64xf32, #tpu.memory_space<hbm>> -> memref<1x1x64xf32, #tpu.memory_space<hbm>>
      %dma_start3A_737 = tpu.memref_squeeze %dma_start3A_736 : memref<1x1x64xf32, #tpu.memory_space<hbm>> -> memref<64xf32, #tpu.memory_space<hbm>>
      tpu.enqueue_dma source(%dma_start3A_737 : memref<64xf32, #tpu.memory_space<hbm>>) target(%dma_start3A_734 : memref<64xf32, #tpu.memory_space<vmem>>) target_semaphore(%arg8 : memref<!tpu.dma_semaphore, #tpu.memory_space<semaphore_mem>>)
      %slice3A_738 = vector.extract_strided_slice %shift_right_arithmetic3A_448 {offsets = [13], sizes = [1], strides = [1]} : vector<16xi32> to vector<1xi32>
      %squeeze3A_739 = vector.extract %slice3A_738[0] : i32 from vector<1xi32>
      %slice3A_740 = vector.extract_strided_slice %and3A_451 {offsets = [13], sizes = [1], strides = [1]} : vector<16xi32> to vector<1xi32>
      %squeeze3A_741 = vector.extract %slice3A_740[0] : i32 from vector<1xi32>
      %mul3A_742 = arith.constant 16 : i32
      %mul3A_743 = arith.muli %add3A_438, %mul3A_742 : i32
      %add3A_744 = arith.constant 128 : i32
      %add3A_745 = arith.addi %add3A_744, %mul3A_743 : i32
      %add3A_746 = arith.constant 13 : i32
      %add3A_747 = arith.addi %add3A_745, %add3A_746 : i32
      %dma_start3A_748 = arith.constant 0 : i32
      %dma_start3A_749 = tpu.memref_slice %arg6[%add3A_747, %dma_start3A_748] : memref<512x64xf32, #tpu.memory_space<vmem>> -> memref<1x64xf32, #tpu.memory_space<vmem>>
      %dma_start3A_750 = tpu.memref_squeeze %dma_start3A_749 : memref<1x64xf32, #tpu.memory_space<vmem>> -> memref<64xf32, #tpu.memory_space<vmem>>
      %dma_start3A_751 = arith.constant 0 : i32
      %dma_start3A_752 = tpu.memref_slice %arg3[%squeeze3A_739, %squeeze3A_741, %dma_start3A_751] : memref<125000x8x64xf32, #tpu.memory_space<hbm>> -> memref<1x1x64xf32, #tpu.memory_space<hbm>>
      %dma_start3A_753 = tpu.memref_squeeze %dma_start3A_752 : memref<1x1x64xf32, #tpu.memory_space<hbm>> -> memref<64xf32, #tpu.memory_space<hbm>>
      %dma_start3A_754 = arith.constant 0 : i32
      %dma_start3A_755 = tpu.memref_slice %arg6[%add3A_747, %dma_start3A_754] : memref<512x64xf32, #tpu.memory_space<vmem>> -> memref<1x64xf32, #tpu.memory_space<vmem>>
      %dma_start3A_756 = tpu.memref_squeeze %dma_start3A_755 : memref<1x64xf32, #tpu.memory_space<vmem>> -> memref<64xf32, #tpu.memory_space<vmem>>
      %dma_start3A_757 = arith.constant 0 : i32
      %dma_start3A_758 = tpu.memref_slice %arg3[%squeeze3A_739, %squeeze3A_741, %dma_start3A_757] : memref<125000x8x64xf32, #tpu.memory_space<hbm>> -> memref<1x1x64xf32, #tpu.memory_space<hbm>>
      %dma_start3A_759 = tpu.memref_squeeze %dma_start3A_758 : memref<1x1x64xf32, #tpu.memory_space<hbm>> -> memref<64xf32, #tpu.memory_space<hbm>>
      tpu.enqueue_dma source(%dma_start3A_759 : memref<64xf32, #tpu.memory_space<hbm>>) target(%dma_start3A_756 : memref<64xf32, #tpu.memory_space<vmem>>) target_semaphore(%arg8 : memref<!tpu.dma_semaphore, #tpu.memory_space<semaphore_mem>>)
      %slice3A_760 = vector.extract_strided_slice %shift_right_arithmetic3A_448 {offsets = [14], sizes = [1], strides = [1]} : vector<16xi32> to vector<1xi32>
      %squeeze3A_761 = vector.extract %slice3A_760[0] : i32 from vector<1xi32>
      %slice3A_762 = vector.extract_strided_slice %and3A_451 {offsets = [14], sizes = [1], strides = [1]} : vector<16xi32> to vector<1xi32>
      %squeeze3A_763 = vector.extract %slice3A_762[0] : i32 from vector<1xi32>
      %mul3A_764 = arith.constant 16 : i32
      %mul3A_765 = arith.muli %add3A_438, %mul3A_764 : i32
      %add3A_766 = arith.constant 128 : i32
      %add3A_767 = arith.addi %add3A_766, %mul3A_765 : i32
      %add3A_768 = arith.constant 14 : i32
      %add3A_769 = arith.addi %add3A_767, %add3A_768 : i32
      %dma_start3A_770 = arith.constant 0 : i32
      %dma_start3A_771 = tpu.memref_slice %arg6[%add3A_769, %dma_start3A_770] : memref<512x64xf32, #tpu.memory_space<vmem>> -> memref<1x64xf32, #tpu.memory_space<vmem>>
      %dma_start3A_772 = tpu.memref_squeeze %dma_start3A_771 : memref<1x64xf32, #tpu.memory_space<vmem>> -> memref<64xf32, #tpu.memory_space<vmem>>
      %dma_start3A_773 = arith.constant 0 : i32
      %dma_start3A_774 = tpu.memref_slice %arg3[%squeeze3A_761, %squeeze3A_763, %dma_start3A_773] : memref<125000x8x64xf32, #tpu.memory_space<hbm>> -> memref<1x1x64xf32, #tpu.memory_space<hbm>>
      %dma_start3A_775 = tpu.memref_squeeze %dma_start3A_774 : memref<1x1x64xf32, #tpu.memory_space<hbm>> -> memref<64xf32, #tpu.memory_space<hbm>>
      %dma_start3A_776 = arith.constant 0 : i32
      %dma_start3A_777 = tpu.memref_slice %arg6[%add3A_769, %dma_start3A_776] : memref<512x64xf32, #tpu.memory_space<vmem>> -> memref<1x64xf32, #tpu.memory_space<vmem>>
      %dma_start3A_778 = tpu.memref_squeeze %dma_start3A_777 : memref<1x64xf32, #tpu.memory_space<vmem>> -> memref<64xf32, #tpu.memory_space<vmem>>
      %dma_start3A_779 = arith.constant 0 : i32
      %dma_start3A_780 = tpu.memref_slice %arg3[%squeeze3A_761, %squeeze3A_763, %dma_start3A_779] : memref<125000x8x64xf32, #tpu.memory_space<hbm>> -> memref<1x1x64xf32, #tpu.memory_space<hbm>>
      %dma_start3A_781 = tpu.memref_squeeze %dma_start3A_780 : memref<1x1x64xf32, #tpu.memory_space<hbm>> -> memref<64xf32, #tpu.memory_space<hbm>>
      tpu.enqueue_dma source(%dma_start3A_781 : memref<64xf32, #tpu.memory_space<hbm>>) target(%dma_start3A_778 : memref<64xf32, #tpu.memory_space<vmem>>) target_semaphore(%arg8 : memref<!tpu.dma_semaphore, #tpu.memory_space<semaphore_mem>>)
      %slice3A_782 = vector.extract_strided_slice %shift_right_arithmetic3A_448 {offsets = [15], sizes = [1], strides = [1]} : vector<16xi32> to vector<1xi32>
      %squeeze3A_783 = vector.extract %slice3A_782[0] : i32 from vector<1xi32>
      %slice3A_784 = vector.extract_strided_slice %and3A_451 {offsets = [15], sizes = [1], strides = [1]} : vector<16xi32> to vector<1xi32>
      %squeeze3A_785 = vector.extract %slice3A_784[0] : i32 from vector<1xi32>
      %mul3A_786 = arith.constant 16 : i32
      %mul3A_787 = arith.muli %add3A_438, %mul3A_786 : i32
      %add3A_788 = arith.constant 128 : i32
      %add3A_789 = arith.addi %add3A_788, %mul3A_787 : i32
      %add3A_790 = arith.constant 15 : i32
      %add3A_791 = arith.addi %add3A_789, %add3A_790 : i32
      %dma_start3A_792 = arith.constant 0 : i32
      %dma_start3A_793 = tpu.memref_slice %arg6[%add3A_791, %dma_start3A_792] : memref<512x64xf32, #tpu.memory_space<vmem>> -> memref<1x64xf32, #tpu.memory_space<vmem>>
      %dma_start3A_794 = tpu.memref_squeeze %dma_start3A_793 : memref<1x64xf32, #tpu.memory_space<vmem>> -> memref<64xf32, #tpu.memory_space<vmem>>
      %dma_start3A_795 = arith.constant 0 : i32
      %dma_start3A_796 = tpu.memref_slice %arg3[%squeeze3A_783, %squeeze3A_785, %dma_start3A_795] : memref<125000x8x64xf32, #tpu.memory_space<hbm>> -> memref<1x1x64xf32, #tpu.memory_space<hbm>>
      %dma_start3A_797 = tpu.memref_squeeze %dma_start3A_796 : memref<1x1x64xf32, #tpu.memory_space<hbm>> -> memref<64xf32, #tpu.memory_space<hbm>>
      %dma_start3A_798 = arith.constant 0 : i32
      %dma_start3A_799 = tpu.memref_slice %arg6[%add3A_791, %dma_start3A_798] : memref<512x64xf32, #tpu.memory_space<vmem>> -> memref<1x64xf32, #tpu.memory_space<vmem>>
      %dma_start3A_800 = tpu.memref_squeeze %dma_start3A_799 : memref<1x64xf32, #tpu.memory_space<vmem>> -> memref<64xf32, #tpu.memory_space<vmem>>
      %dma_start3A_801 = arith.constant 0 : i32
      %dma_start3A_802 = tpu.memref_slice %arg3[%squeeze3A_783, %squeeze3A_785, %dma_start3A_801] : memref<125000x8x64xf32, #tpu.memory_space<hbm>> -> memref<1x1x64xf32, #tpu.memory_space<hbm>>
      %dma_start3A_803 = tpu.memref_squeeze %dma_start3A_802 : memref<1x1x64xf32, #tpu.memory_space<hbm>> -> memref<64xf32, #tpu.memory_space<hbm>>
      tpu.enqueue_dma source(%dma_start3A_803 : memref<64xf32, #tpu.memory_space<hbm>>) target(%dma_start3A_800 : memref<64xf32, #tpu.memory_space<vmem>>) target_semaphore(%arg8 : memref<!tpu.dma_semaphore, #tpu.memory_space<semaphore_mem>>)
    }
    %scan3A_11 = arith.constant 8 : i32
    %scan3A_12 = arith.constant 0 : i32
    %scan3A_13 = arith.constant 8 : i32
    %scan3A_14 = arith.addi %scan3A_12, %scan3A_13 : i32
    %scan3A_15 = arith.constant 2 : i32
    scf.for %scan3A_69 = %scan3A_12 to %scan3A_14 step %scan3A_15  : i32 {
      %mul3A_70 = arith.constant 1 : i32
      %mul3A_71 = arith.muli %scan3A_69, %mul3A_70 : i32
      %add3A_72 = arith.constant 0 : i32
      %add3A_73 = arith.addi %add3A_72, %mul3A_71 : i32
      %mul3A_74 = arith.constant 16 : i32
      %mul3A_75 = arith.muli %add3A_73, %mul3A_74 : i32
      %add3A_76 = arith.constant 256 : i32
      %add3A_77 = arith.addi %add3A_76, %mul3A_75 : i32
      %get3A = arith.index_cast %add3A_77 : i32 to index
      %get3A_78 = tpu.vector_load %arg5[%get3A] {strides = array<i32>} : memref<512xi32, #tpu.memory_space<vmem>>, vector<16xi32>,
      %get3A_79 = vector.shape_cast %get3A_78 : vector<16xi32> to vector<16xi32>
      %shift_right_arithmetic3A = arith.constant 3 : i32
      %shift_right_arithmetic3A_80 = vector.broadcast %shift_right_arithmetic3A : i32 to vector<16xi32>
      %shift_right_arithmetic3A_81 = arith.shrsi %get3A_79, %shift_right_arithmetic3A_80 : vector<16xi32>
      %and3A = arith.constant 7 : i32
      %and3A_82 = vector.broadcast %and3A : i32 to vector<16xi32>
      %and3A_83 = arith.andi %get3A_79, %and3A_82 : vector<16xi32>
      %slice3A = vector.extract_strided_slice %shift_right_arithmetic3A_81 {offsets = [0], sizes = [1], strides = [1]} : vector<16xi32> to vector<1xi32>
      %squeeze3A = vector.extract %slice3A[0] : i32 from vector<1xi32>
      %slice3A_84 = vector.extract_strided_slice %and3A_83 {offsets = [0], sizes = [1], strides = [1]} : vector<16xi32> to vector<1xi32>
      %squeeze3A_85 = vector.extract %slice3A_84[0] : i32 from vector<1xi32>
      %mul3A_86 = arith.constant 16 : i32
      %mul3A_87 = arith.muli %add3A_73, %mul3A_86 : i32
      %add3A_88 = arith.constant 256 : i32
      %add3A_89 = arith.addi %add3A_88, %mul3A_87 : i32
      %add3A_90 = arith.constant 0 : i32
      %add3A_91 = arith.addi %add3A_89, %add3A_90 : i32
      %dma_start3A = arith.constant 0 : i32
      %dma_start3A_92 = tpu.memref_slice %arg6[%add3A_91, %dma_start3A] : memref<512x64xf32, #tpu.memory_space<vmem>> -> memref<1x64xf32, #tpu.memory_space<vmem>>
      %dma_start3A_93 = tpu.memref_squeeze %dma_start3A_92 : memref<1x64xf32, #tpu.memory_space<vmem>> -> memref<64xf32, #tpu.memory_space<vmem>>
      %dma_start3A_94 = arith.constant 0 : i32
      %dma_start3A_95 = tpu.memref_slice %arg3[%squeeze3A, %squeeze3A_85, %dma_start3A_94] : memref<125000x8x64xf32, #tpu.memory_space<hbm>> -> memref<1x1x64xf32, #tpu.memory_space<hbm>>
      %dma_start3A_96 = tpu.memref_squeeze %dma_start3A_95 : memref<1x1x64xf32, #tpu.memory_space<hbm>> -> memref<64xf32, #tpu.memory_space<hbm>>
      %dma_start3A_97 = arith.constant 0 : i32
      %dma_start3A_98 = tpu.memref_slice %arg6[%add3A_91, %dma_start3A_97] : memref<512x64xf32, #tpu.memory_space<vmem>> -> memref<1x64xf32, #tpu.memory_space<vmem>>
      %dma_start3A_99 = tpu.memref_squeeze %dma_start3A_98 : memref<1x64xf32, #tpu.memory_space<vmem>> -> memref<64xf32, #tpu.memory_space<vmem>>
      %dma_start3A_100 = arith.constant 0 : i32
      %dma_start3A_101 = tpu.memref_slice %arg3[%squeeze3A, %squeeze3A_85, %dma_start3A_100] : memref<125000x8x64xf32, #tpu.memory_space<hbm>> -> memref<1x1x64xf32, #tpu.memory_space<hbm>>
      %dma_start3A_102 = tpu.memref_squeeze %dma_start3A_101 : memref<1x1x64xf32, #tpu.memory_space<hbm>> -> memref<64xf32, #tpu.memory_space<hbm>>
      tpu.enqueue_dma source(%dma_start3A_102 : memref<64xf32, #tpu.memory_space<hbm>>) target(%dma_start3A_99 : memref<64xf32, #tpu.memory_space<vmem>>) target_semaphore(%arg9 : memref<!tpu.dma_semaphore, #tpu.memory_space<semaphore_mem>>)
      %slice3A_103 = vector.extract_strided_slice %shift_right_arithmetic3A_81 {offsets = [1], sizes = [1], strides = [1]} : vector<16xi32> to vector<1xi32>
      %squeeze3A_104 = vector.extract %slice3A_103[0] : i32 from vector<1xi32>
      %slice3A_105 = vector.extract_strided_slice %and3A_83 {offsets = [1], sizes = [1], strides = [1]} : vector<16xi32> to vector<1xi32>
      %squeeze3A_106 = vector.extract %slice3A_105[0] : i32 from vector<1xi32>
      %mul3A_107 = arith.constant 16 : i32
      %mul3A_108 = arith.muli %add3A_73, %mul3A_107 : i32
      %add3A_109 = arith.constant 256 : i32
      %add3A_110 = arith.addi %add3A_109, %mul3A_108 : i32
      %add3A_111 = arith.constant 1 : i32
      %add3A_112 = arith.addi %add3A_110, %add3A_111 : i32
      %dma_start3A_113 = arith.constant 0 : i32
      %dma_start3A_114 = tpu.memref_slice %arg6[%add3A_112, %dma_start3A_113] : memref<512x64xf32, #tpu.memory_space<vmem>> -> memref<1x64xf32, #tpu.memory_space<vmem>>
      %dma_start3A_115 = tpu.memref_squeeze %dma_start3A_114 : memref<1x64xf32, #tpu.memory_space<vmem>> -> memref<64xf32, #tpu.memory_space<vmem>>
      %dma_start3A_116 = arith.constant 0 : i32
      %dma_start3A_117 = tpu.memref_slice %arg3[%squeeze3A_104, %squeeze3A_106, %dma_start3A_116] : memref<125000x8x64xf32, #tpu.memory_space<hbm>> -> memref<1x1x64xf32, #tpu.memory_space<hbm>>
      %dma_start3A_118 = tpu.memref_squeeze %dma_start3A_117 : memref<1x1x64xf32, #tpu.memory_space<hbm>> -> memref<64xf32, #tpu.memory_space<hbm>>
      %dma_start3A_119 = arith.constant 0 : i32
      %dma_start3A_120 = tpu.memref_slice %arg6[%add3A_112, %dma_start3A_119] : memref<512x64xf32, #tpu.memory_space<vmem>> -> memref<1x64xf32, #tpu.memory_space<vmem>>
      %dma_start3A_121 = tpu.memref_squeeze %dma_start3A_120 : memref<1x64xf32, #tpu.memory_space<vmem>> -> memref<64xf32, #tpu.memory_space<vmem>>
      %dma_start3A_122 = arith.constant 0 : i32
      %dma_start3A_123 = tpu.memref_slice %arg3[%squeeze3A_104, %squeeze3A_106, %dma_start3A_122] : memref<125000x8x64xf32, #tpu.memory_space<hbm>> -> memref<1x1x64xf32, #tpu.memory_space<hbm>>
      %dma_start3A_124 = tpu.memref_squeeze %dma_start3A_123 : memref<1x1x64xf32, #tpu.memory_space<hbm>> -> memref<64xf32, #tpu.memory_space<hbm>>
      tpu.enqueue_dma source(%dma_start3A_124 : memref<64xf32, #tpu.memory_space<hbm>>) target(%dma_start3A_121 : memref<64xf32, #tpu.memory_space<vmem>>) target_semaphore(%arg9 : memref<!tpu.dma_semaphore, #tpu.memory_space<semaphore_mem>>)
      %slice3A_125 = vector.extract_strided_slice %shift_right_arithmetic3A_81 {offsets = [2], sizes = [1], strides = [1]} : vector<16xi32> to vector<1xi32>
      %squeeze3A_126 = vector.extract %slice3A_125[0] : i32 from vector<1xi32>
      %slice3A_127 = vector.extract_strided_slice %and3A_83 {offsets = [2], sizes = [1], strides = [1]} : vector<16xi32> to vector<1xi32>
      %squeeze3A_128 = vector.extract %slice3A_127[0] : i32 from vector<1xi32>
      %mul3A_129 = arith.constant 16 : i32
      %mul3A_130 = arith.muli %add3A_73, %mul3A_129 : i32
      %add3A_131 = arith.constant 256 : i32
      %add3A_132 = arith.addi %add3A_131, %mul3A_130 : i32
      %add3A_133 = arith.constant 2 : i32
      %add3A_134 = arith.addi %add3A_132, %add3A_133 : i32
      %dma_start3A_135 = arith.constant 0 : i32
      %dma_start3A_136 = tpu.memref_slice %arg6[%add3A_134, %dma_start3A_135] : memref<512x64xf32, #tpu.memory_space<vmem>> -> memref<1x64xf32, #tpu.memory_space<vmem>>
      %dma_start3A_137 = tpu.memref_squeeze %dma_start3A_136 : memref<1x64xf32, #tpu.memory_space<vmem>> -> memref<64xf32, #tpu.memory_space<vmem>>
      %dma_start3A_138 = arith.constant 0 : i32
      %dma_start3A_139 = tpu.memref_slice %arg3[%squeeze3A_126, %squeeze3A_128, %dma_start3A_138] : memref<125000x8x64xf32, #tpu.memory_space<hbm>> -> memref<1x1x64xf32, #tpu.memory_space<hbm>>
      %dma_start3A_140 = tpu.memref_squeeze %dma_start3A_139 : memref<1x1x64xf32, #tpu.memory_space<hbm>> -> memref<64xf32, #tpu.memory_space<hbm>>
      %dma_start3A_141 = arith.constant 0 : i32
      %dma_start3A_142 = tpu.memref_slice %arg6[%add3A_134, %dma_start3A_141] : memref<512x64xf32, #tpu.memory_space<vmem>> -> memref<1x64xf32, #tpu.memory_space<vmem>>
      %dma_start3A_143 = tpu.memref_squeeze %dma_start3A_142 : memref<1x64xf32, #tpu.memory_space<vmem>> -> memref<64xf32, #tpu.memory_space<vmem>>
      %dma_start3A_144 = arith.constant 0 : i32
      %dma_start3A_145 = tpu.memref_slice %arg3[%squeeze3A_126, %squeeze3A_128, %dma_start3A_144] : memref<125000x8x64xf32, #tpu.memory_space<hbm>> -> memref<1x1x64xf32, #tpu.memory_space<hbm>>
      %dma_start3A_146 = tpu.memref_squeeze %dma_start3A_145 : memref<1x1x64xf32, #tpu.memory_space<hbm>> -> memref<64xf32, #tpu.memory_space<hbm>>
      tpu.enqueue_dma source(%dma_start3A_146 : memref<64xf32, #tpu.memory_space<hbm>>) target(%dma_start3A_143 : memref<64xf32, #tpu.memory_space<vmem>>) target_semaphore(%arg9 : memref<!tpu.dma_semaphore, #tpu.memory_space<semaphore_mem>>)
      %slice3A_147 = vector.extract_strided_slice %shift_right_arithmetic3A_81 {offsets = [3], sizes = [1], strides = [1]} : vector<16xi32> to vector<1xi32>
      %squeeze3A_148 = vector.extract %slice3A_147[0] : i32 from vector<1xi32>
      %slice3A_149 = vector.extract_strided_slice %and3A_83 {offsets = [3], sizes = [1], strides = [1]} : vector<16xi32> to vector<1xi32>
      %squeeze3A_150 = vector.extract %slice3A_149[0] : i32 from vector<1xi32>
      %mul3A_151 = arith.constant 16 : i32
      %mul3A_152 = arith.muli %add3A_73, %mul3A_151 : i32
      %add3A_153 = arith.constant 256 : i32
      %add3A_154 = arith.addi %add3A_153, %mul3A_152 : i32
      %add3A_155 = arith.constant 3 : i32
      %add3A_156 = arith.addi %add3A_154, %add3A_155 : i32
      %dma_start3A_157 = arith.constant 0 : i32
      %dma_start3A_158 = tpu.memref_slice %arg6[%add3A_156, %dma_start3A_157] : memref<512x64xf32, #tpu.memory_space<vmem>> -> memref<1x64xf32, #tpu.memory_space<vmem>>
      %dma_start3A_159 = tpu.memref_squeeze %dma_start3A_158 : memref<1x64xf32, #tpu.memory_space<vmem>> -> memref<64xf32, #tpu.memory_space<vmem>>
      %dma_start3A_160 = arith.constant 0 : i32
      %dma_start3A_161 = tpu.memref_slice %arg3[%squeeze3A_148, %squeeze3A_150, %dma_start3A_160] : memref<125000x8x64xf32, #tpu.memory_space<hbm>> -> memref<1x1x64xf32, #tpu.memory_space<hbm>>
      %dma_start3A_162 = tpu.memref_squeeze %dma_start3A_161 : memref<1x1x64xf32, #tpu.memory_space<hbm>> -> memref<64xf32, #tpu.memory_space<hbm>>
      %dma_start3A_163 = arith.constant 0 : i32
      %dma_start3A_164 = tpu.memref_slice %arg6[%add3A_156, %dma_start3A_163] : memref<512x64xf32, #tpu.memory_space<vmem>> -> memref<1x64xf32, #tpu.memory_space<vmem>>
      %dma_start3A_165 = tpu.memref_squeeze %dma_start3A_164 : memref<1x64xf32, #tpu.memory_space<vmem>> -> memref<64xf32, #tpu.memory_space<vmem>>
      %dma_start3A_166 = arith.constant 0 : i32
      %dma_start3A_167 = tpu.memref_slice %arg3[%squeeze3A_148, %squeeze3A_150, %dma_start3A_166] : memref<125000x8x64xf32, #tpu.memory_space<hbm>> -> memref<1x1x64xf32, #tpu.memory_space<hbm>>
      %dma_start3A_168 = tpu.memref_squeeze %dma_start3A_167 : memref<1x1x64xf32, #tpu.memory_space<hbm>> -> memref<64xf32, #tpu.memory_space<hbm>>
      tpu.enqueue_dma source(%dma_start3A_168 : memref<64xf32, #tpu.memory_space<hbm>>) target(%dma_start3A_165 : memref<64xf32, #tpu.memory_space<vmem>>) target_semaphore(%arg9 : memref<!tpu.dma_semaphore, #tpu.memory_space<semaphore_mem>>)
      %slice3A_169 = vector.extract_strided_slice %shift_right_arithmetic3A_81 {offsets = [4], sizes = [1], strides = [1]} : vector<16xi32> to vector<1xi32>
      %squeeze3A_170 = vector.extract %slice3A_169[0] : i32 from vector<1xi32>
      %slice3A_171 = vector.extract_strided_slice %and3A_83 {offsets = [4], sizes = [1], strides = [1]} : vector<16xi32> to vector<1xi32>
      %squeeze3A_172 = vector.extract %slice3A_171[0] : i32 from vector<1xi32>
      %mul3A_173 = arith.constant 16 : i32
      %mul3A_174 = arith.muli %add3A_73, %mul3A_173 : i32
      %add3A_175 = arith.constant 256 : i32
      %add3A_176 = arith.addi %add3A_175, %mul3A_174 : i32
      %add3A_177 = arith.constant 4 : i32
      %add3A_178 = arith.addi %add3A_176, %add3A_177 : i32
      %dma_start3A_179 = arith.constant 0 : i32
      %dma_start3A_180 = tpu.memref_slice %arg6[%add3A_178, %dma_start3A_179] : memref<512x64xf32, #tpu.memory_space<vmem>> -> memref<1x64xf32, #tpu.memory_space<vmem>>
      %dma_start3A_181 = tpu.memref_squeeze %dma_start3A_180 : memref<1x64xf32, #tpu.memory_space<vmem>> -> memref<64xf32, #tpu.memory_space<vmem>>
      %dma_start3A_182 = arith.constant 0 : i32
      %dma_start3A_183 = tpu.memref_slice %arg3[%squeeze3A_170, %squeeze3A_172, %dma_start3A_182] : memref<125000x8x64xf32, #tpu.memory_space<hbm>> -> memref<1x1x64xf32, #tpu.memory_space<hbm>>
      %dma_start3A_184 = tpu.memref_squeeze %dma_start3A_183 : memref<1x1x64xf32, #tpu.memory_space<hbm>> -> memref<64xf32, #tpu.memory_space<hbm>>
      %dma_start3A_185 = arith.constant 0 : i32
      %dma_start3A_186 = tpu.memref_slice %arg6[%add3A_178, %dma_start3A_185] : memref<512x64xf32, #tpu.memory_space<vmem>> -> memref<1x64xf32, #tpu.memory_space<vmem>>
      %dma_start3A_187 = tpu.memref_squeeze %dma_start3A_186 : memref<1x64xf32, #tpu.memory_space<vmem>> -> memref<64xf32, #tpu.memory_space<vmem>>
      %dma_start3A_188 = arith.constant 0 : i32
      %dma_start3A_189 = tpu.memref_slice %arg3[%squeeze3A_170, %squeeze3A_172, %dma_start3A_188] : memref<125000x8x64xf32, #tpu.memory_space<hbm>> -> memref<1x1x64xf32, #tpu.memory_space<hbm>>
      %dma_start3A_190 = tpu.memref_squeeze %dma_start3A_189 : memref<1x1x64xf32, #tpu.memory_space<hbm>> -> memref<64xf32, #tpu.memory_space<hbm>>
      tpu.enqueue_dma source(%dma_start3A_190 : memref<64xf32, #tpu.memory_space<hbm>>) target(%dma_start3A_187 : memref<64xf32, #tpu.memory_space<vmem>>) target_semaphore(%arg9 : memref<!tpu.dma_semaphore, #tpu.memory_space<semaphore_mem>>)
      %slice3A_191 = vector.extract_strided_slice %shift_right_arithmetic3A_81 {offsets = [5], sizes = [1], strides = [1]} : vector<16xi32> to vector<1xi32>
      %squeeze3A_192 = vector.extract %slice3A_191[0] : i32 from vector<1xi32>
      %slice3A_193 = vector.extract_strided_slice %and3A_83 {offsets = [5], sizes = [1], strides = [1]} : vector<16xi32> to vector<1xi32>
      %squeeze3A_194 = vector.extract %slice3A_193[0] : i32 from vector<1xi32>
      %mul3A_195 = arith.constant 16 : i32
      %mul3A_196 = arith.muli %add3A_73, %mul3A_195 : i32
      %add3A_197 = arith.constant 256 : i32
      %add3A_198 = arith.addi %add3A_197, %mul3A_196 : i32
      %add3A_199 = arith.constant 5 : i32
      %add3A_200 = arith.addi %add3A_198, %add3A_199 : i32
      %dma_start3A_201 = arith.constant 0 : i32
      %dma_start3A_202 = tpu.memref_slice %arg6[%add3A_200, %dma_start3A_201] : memref<512x64xf32, #tpu.memory_space<vmem>> -> memref<1x64xf32, #tpu.memory_space<vmem>>
      %dma_start3A_203 = tpu.memref_squeeze %dma_start3A_202 : memref<1x64xf32, #tpu.memory_space<vmem>> -> memref<64xf32, #tpu.memory_space<vmem>>
      %dma_start3A_204 = arith.constant 0 : i32
      %dma_start3A_205 = tpu.memref_slice %arg3[%squeeze3A_192, %squeeze3A_194, %dma_start3A_204] : memref<125000x8x64xf32, #tpu.memory_space<hbm>> -> memref<1x1x64xf32, #tpu.memory_space<hbm>>
      %dma_start3A_206 = tpu.memref_squeeze %dma_start3A_205 : memref<1x1x64xf32, #tpu.memory_space<hbm>> -> memref<64xf32, #tpu.memory_space<hbm>>
      %dma_start3A_207 = arith.constant 0 : i32
      %dma_start3A_208 = tpu.memref_slice %arg6[%add3A_200, %dma_start3A_207] : memref<512x64xf32, #tpu.memory_space<vmem>> -> memref<1x64xf32, #tpu.memory_space<vmem>>
      %dma_start3A_209 = tpu.memref_squeeze %dma_start3A_208 : memref<1x64xf32, #tpu.memory_space<vmem>> -> memref<64xf32, #tpu.memory_space<vmem>>
      %dma_start3A_210 = arith.constant 0 : i32
      %dma_start3A_211 = tpu.memref_slice %arg3[%squeeze3A_192, %squeeze3A_194, %dma_start3A_210] : memref<125000x8x64xf32, #tpu.memory_space<hbm>> -> memref<1x1x64xf32, #tpu.memory_space<hbm>>
      %dma_start3A_212 = tpu.memref_squeeze %dma_start3A_211 : memref<1x1x64xf32, #tpu.memory_space<hbm>> -> memref<64xf32, #tpu.memory_space<hbm>>
      tpu.enqueue_dma source(%dma_start3A_212 : memref<64xf32, #tpu.memory_space<hbm>>) target(%dma_start3A_209 : memref<64xf32, #tpu.memory_space<vmem>>) target_semaphore(%arg9 : memref<!tpu.dma_semaphore, #tpu.memory_space<semaphore_mem>>)
      %slice3A_213 = vector.extract_strided_slice %shift_right_arithmetic3A_81 {offsets = [6], sizes = [1], strides = [1]} : vector<16xi32> to vector<1xi32>
      %squeeze3A_214 = vector.extract %slice3A_213[0] : i32 from vector<1xi32>
      %slice3A_215 = vector.extract_strided_slice %and3A_83 {offsets = [6], sizes = [1], strides = [1]} : vector<16xi32> to vector<1xi32>
      %squeeze3A_216 = vector.extract %slice3A_215[0] : i32 from vector<1xi32>
      %mul3A_217 = arith.constant 16 : i32
      %mul3A_218 = arith.muli %add3A_73, %mul3A_217 : i32
      %add3A_219 = arith.constant 256 : i32
      %add3A_220 = arith.addi %add3A_219, %mul3A_218 : i32
      %add3A_221 = arith.constant 6 : i32
      %add3A_222 = arith.addi %add3A_220, %add3A_221 : i32
      %dma_start3A_223 = arith.constant 0 : i32
      %dma_start3A_224 = tpu.memref_slice %arg6[%add3A_222, %dma_start3A_223] : memref<512x64xf32, #tpu.memory_space<vmem>> -> memref<1x64xf32, #tpu.memory_space<vmem>>
      %dma_start3A_225 = tpu.memref_squeeze %dma_start3A_224 : memref<1x64xf32, #tpu.memory_space<vmem>> -> memref<64xf32, #tpu.memory_space<vmem>>
      %dma_start3A_226 = arith.constant 0 : i32
      %dma_start3A_227 = tpu.memref_slice %arg3[%squeeze3A_214, %squeeze3A_216, %dma_start3A_226] : memref<125000x8x64xf32, #tpu.memory_space<hbm>> -> memref<1x1x64xf32, #tpu.memory_space<hbm>>
      %dma_start3A_228 = tpu.memref_squeeze %dma_start3A_227 : memref<1x1x64xf32, #tpu.memory_space<hbm>> -> memref<64xf32, #tpu.memory_space<hbm>>
      %dma_start3A_229 = arith.constant 0 : i32
      %dma_start3A_230 = tpu.memref_slice %arg6[%add3A_222, %dma_start3A_229] : memref<512x64xf32, #tpu.memory_space<vmem>> -> memref<1x64xf32, #tpu.memory_space<vmem>>
      %dma_start3A_231 = tpu.memref_squeeze %dma_start3A_230 : memref<1x64xf32, #tpu.memory_space<vmem>> -> memref<64xf32, #tpu.memory_space<vmem>>
      %dma_start3A_232 = arith.constant 0 : i32
      %dma_start3A_233 = tpu.memref_slice %arg3[%squeeze3A_214, %squeeze3A_216, %dma_start3A_232] : memref<125000x8x64xf32, #tpu.memory_space<hbm>> -> memref<1x1x64xf32, #tpu.memory_space<hbm>>
      %dma_start3A_234 = tpu.memref_squeeze %dma_start3A_233 : memref<1x1x64xf32, #tpu.memory_space<hbm>> -> memref<64xf32, #tpu.memory_space<hbm>>
      tpu.enqueue_dma source(%dma_start3A_234 : memref<64xf32, #tpu.memory_space<hbm>>) target(%dma_start3A_231 : memref<64xf32, #tpu.memory_space<vmem>>) target_semaphore(%arg9 : memref<!tpu.dma_semaphore, #tpu.memory_space<semaphore_mem>>)
      %slice3A_235 = vector.extract_strided_slice %shift_right_arithmetic3A_81 {offsets = [7], sizes = [1], strides = [1]} : vector<16xi32> to vector<1xi32>
      %squeeze3A_236 = vector.extract %slice3A_235[0] : i32 from vector<1xi32>
      %slice3A_237 = vector.extract_strided_slice %and3A_83 {offsets = [7], sizes = [1], strides = [1]} : vector<16xi32> to vector<1xi32>
      %squeeze3A_238 = vector.extract %slice3A_237[0] : i32 from vector<1xi32>
      %mul3A_239 = arith.constant 16 : i32
      %mul3A_240 = arith.muli %add3A_73, %mul3A_239 : i32
      %add3A_241 = arith.constant 256 : i32
      %add3A_242 = arith.addi %add3A_241, %mul3A_240 : i32
      %add3A_243 = arith.constant 7 : i32
      %add3A_244 = arith.addi %add3A_242, %add3A_243 : i32
      %dma_start3A_245 = arith.constant 0 : i32
      %dma_start3A_246 = tpu.memref_slice %arg6[%add3A_244, %dma_start3A_245] : memref<512x64xf32, #tpu.memory_space<vmem>> -> memref<1x64xf32, #tpu.memory_space<vmem>>
      %dma_start3A_247 = tpu.memref_squeeze %dma_start3A_246 : memref<1x64xf32, #tpu.memory_space<vmem>> -> memref<64xf32, #tpu.memory_space<vmem>>
      %dma_start3A_248 = arith.constant 0 : i32
      %dma_start3A_249 = tpu.memref_slice %arg3[%squeeze3A_236, %squeeze3A_238, %dma_start3A_248] : memref<125000x8x64xf32, #tpu.memory_space<hbm>> -> memref<1x1x64xf32, #tpu.memory_space<hbm>>
      %dma_start3A_250 = tpu.memref_squeeze %dma_start3A_249 : memref<1x1x64xf32, #tpu.memory_space<hbm>> -> memref<64xf32, #tpu.memory_space<hbm>>
      %dma_start3A_251 = arith.constant 0 : i32
      %dma_start3A_252 = tpu.memref_slice %arg6[%add3A_244, %dma_start3A_251] : memref<512x64xf32, #tpu.memory_space<vmem>> -> memref<1x64xf32, #tpu.memory_space<vmem>>
      %dma_start3A_253 = tpu.memref_squeeze %dma_start3A_252 : memref<1x64xf32, #tpu.memory_space<vmem>> -> memref<64xf32, #tpu.memory_space<vmem>>
      %dma_start3A_254 = arith.constant 0 : i32
      %dma_start3A_255 = tpu.memref_slice %arg3[%squeeze3A_236, %squeeze3A_238, %dma_start3A_254] : memref<125000x8x64xf32, #tpu.memory_space<hbm>> -> memref<1x1x64xf32, #tpu.memory_space<hbm>>
      %dma_start3A_256 = tpu.memref_squeeze %dma_start3A_255 : memref<1x1x64xf32, #tpu.memory_space<hbm>> -> memref<64xf32, #tpu.memory_space<hbm>>
      tpu.enqueue_dma source(%dma_start3A_256 : memref<64xf32, #tpu.memory_space<hbm>>) target(%dma_start3A_253 : memref<64xf32, #tpu.memory_space<vmem>>) target_semaphore(%arg9 : memref<!tpu.dma_semaphore, #tpu.memory_space<semaphore_mem>>)
      %slice3A_257 = vector.extract_strided_slice %shift_right_arithmetic3A_81 {offsets = [8], sizes = [1], strides = [1]} : vector<16xi32> to vector<1xi32>
      %squeeze3A_258 = vector.extract %slice3A_257[0] : i32 from vector<1xi32>
      %slice3A_259 = vector.extract_strided_slice %and3A_83 {offsets = [8], sizes = [1], strides = [1]} : vector<16xi32> to vector<1xi32>
      %squeeze3A_260 = vector.extract %slice3A_259[0] : i32 from vector<1xi32>
      %mul3A_261 = arith.constant 16 : i32
      %mul3A_262 = arith.muli %add3A_73, %mul3A_261 : i32
      %add3A_263 = arith.constant 256 : i32
      %add3A_264 = arith.addi %add3A_263, %mul3A_262 : i32
      %add3A_265 = arith.constant 8 : i32
      %add3A_266 = arith.addi %add3A_264, %add3A_265 : i32
      %dma_start3A_267 = arith.constant 0 : i32
      %dma_start3A_268 = tpu.memref_slice %arg6[%add3A_266, %dma_start3A_267] : memref<512x64xf32, #tpu.memory_space<vmem>> -> memref<1x64xf32, #tpu.memory_space<vmem>>
      %dma_start3A_269 = tpu.memref_squeeze %dma_start3A_268 : memref<1x64xf32, #tpu.memory_space<vmem>> -> memref<64xf32, #tpu.memory_space<vmem>>
      %dma_start3A_270 = arith.constant 0 : i32
      %dma_start3A_271 = tpu.memref_slice %arg3[%squeeze3A_258, %squeeze3A_260, %dma_start3A_270] : memref<125000x8x64xf32, #tpu.memory_space<hbm>> -> memref<1x1x64xf32, #tpu.memory_space<hbm>>
      %dma_start3A_272 = tpu.memref_squeeze %dma_start3A_271 : memref<1x1x64xf32, #tpu.memory_space<hbm>> -> memref<64xf32, #tpu.memory_space<hbm>>
      %dma_start3A_273 = arith.constant 0 : i32
      %dma_start3A_274 = tpu.memref_slice %arg6[%add3A_266, %dma_start3A_273] : memref<512x64xf32, #tpu.memory_space<vmem>> -> memref<1x64xf32, #tpu.memory_space<vmem>>
      %dma_start3A_275 = tpu.memref_squeeze %dma_start3A_274 : memref<1x64xf32, #tpu.memory_space<vmem>> -> memref<64xf32, #tpu.memory_space<vmem>>
      %dma_start3A_276 = arith.constant 0 : i32
      %dma_start3A_277 = tpu.memref_slice %arg3[%squeeze3A_258, %squeeze3A_260, %dma_start3A_276] : memref<125000x8x64xf32, #tpu.memory_space<hbm>> -> memref<1x1x64xf32, #tpu.memory_space<hbm>>
      %dma_start3A_278 = tpu.memref_squeeze %dma_start3A_277 : memref<1x1x64xf32, #tpu.memory_space<hbm>> -> memref<64xf32, #tpu.memory_space<hbm>>
      tpu.enqueue_dma source(%dma_start3A_278 : memref<64xf32, #tpu.memory_space<hbm>>) target(%dma_start3A_275 : memref<64xf32, #tpu.memory_space<vmem>>) target_semaphore(%arg9 : memref<!tpu.dma_semaphore, #tpu.memory_space<semaphore_mem>>)
      %slice3A_279 = vector.extract_strided_slice %shift_right_arithmetic3A_81 {offsets = [9], sizes = [1], strides = [1]} : vector<16xi32> to vector<1xi32>
      %squeeze3A_280 = vector.extract %slice3A_279[0] : i32 from vector<1xi32>
      %slice3A_281 = vector.extract_strided_slice %and3A_83 {offsets = [9], sizes = [1], strides = [1]} : vector<16xi32> to vector<1xi32>
      %squeeze3A_282 = vector.extract %slice3A_281[0] : i32 from vector<1xi32>
      %mul3A_283 = arith.constant 16 : i32
      %mul3A_284 = arith.muli %add3A_73, %mul3A_283 : i32
      %add3A_285 = arith.constant 256 : i32
      %add3A_286 = arith.addi %add3A_285, %mul3A_284 : i32
      %add3A_287 = arith.constant 9 : i32
      %add3A_288 = arith.addi %add3A_286, %add3A_287 : i32
      %dma_start3A_289 = arith.constant 0 : i32
      %dma_start3A_290 = tpu.memref_slice %arg6[%add3A_288, %dma_start3A_289] : memref<512x64xf32, #tpu.memory_space<vmem>> -> memref<1x64xf32, #tpu.memory_space<vmem>>
      %dma_start3A_291 = tpu.memref_squeeze %dma_start3A_290 : memref<1x64xf32, #tpu.memory_space<vmem>> -> memref<64xf32, #tpu.memory_space<vmem>>
      %dma_start3A_292 = arith.constant 0 : i32
      %dma_start3A_293 = tpu.memref_slice %arg3[%squeeze3A_280, %squeeze3A_282, %dma_start3A_292] : memref<125000x8x64xf32, #tpu.memory_space<hbm>> -> memref<1x1x64xf32, #tpu.memory_space<hbm>>
      %dma_start3A_294 = tpu.memref_squeeze %dma_start3A_293 : memref<1x1x64xf32, #tpu.memory_space<hbm>> -> memref<64xf32, #tpu.memory_space<hbm>>
      %dma_start3A_295 = arith.constant 0 : i32
      %dma_start3A_296 = tpu.memref_slice %arg6[%add3A_288, %dma_start3A_295] : memref<512x64xf32, #tpu.memory_space<vmem>> -> memref<1x64xf32, #tpu.memory_space<vmem>>
      %dma_start3A_297 = tpu.memref_squeeze %dma_start3A_296 : memref<1x64xf32, #tpu.memory_space<vmem>> -> memref<64xf32, #tpu.memory_space<vmem>>
      %dma_start3A_298 = arith.constant 0 : i32
      %dma_start3A_299 = tpu.memref_slice %arg3[%squeeze3A_280, %squeeze3A_282, %dma_start3A_298] : memref<125000x8x64xf32, #tpu.memory_space<hbm>> -> memref<1x1x64xf32, #tpu.memory_space<hbm>>
      %dma_start3A_300 = tpu.memref_squeeze %dma_start3A_299 : memref<1x1x64xf32, #tpu.memory_space<hbm>> -> memref<64xf32, #tpu.memory_space<hbm>>
      tpu.enqueue_dma source(%dma_start3A_300 : memref<64xf32, #tpu.memory_space<hbm>>) target(%dma_start3A_297 : memref<64xf32, #tpu.memory_space<vmem>>) target_semaphore(%arg9 : memref<!tpu.dma_semaphore, #tpu.memory_space<semaphore_mem>>)
      %slice3A_301 = vector.extract_strided_slice %shift_right_arithmetic3A_81 {offsets = [10], sizes = [1], strides = [1]} : vector<16xi32> to vector<1xi32>
      %squeeze3A_302 = vector.extract %slice3A_301[0] : i32 from vector<1xi32>
      %slice3A_303 = vector.extract_strided_slice %and3A_83 {offsets = [10], sizes = [1], strides = [1]} : vector<16xi32> to vector<1xi32>
      %squeeze3A_304 = vector.extract %slice3A_303[0] : i32 from vector<1xi32>
      %mul3A_305 = arith.constant 16 : i32
      %mul3A_306 = arith.muli %add3A_73, %mul3A_305 : i32
      %add3A_307 = arith.constant 256 : i32
      %add3A_308 = arith.addi %add3A_307, %mul3A_306 : i32
      %add3A_309 = arith.constant 10 : i32
      %add3A_310 = arith.addi %add3A_308, %add3A_309 : i32
      %dma_start3A_311 = arith.constant 0 : i32
      %dma_start3A_312 = tpu.memref_slice %arg6[%add3A_310, %dma_start3A_311] : memref<512x64xf32, #tpu.memory_space<vmem>> -> memref<1x64xf32, #tpu.memory_space<vmem>>
      %dma_start3A_313 = tpu.memref_squeeze %dma_start3A_312 : memref<1x64xf32, #tpu.memory_space<vmem>> -> memref<64xf32, #tpu.memory_space<vmem>>
      %dma_start3A_314 = arith.constant 0 : i32
      %dma_start3A_315 = tpu.memref_slice %arg3[%squeeze3A_302, %squeeze3A_304, %dma_start3A_314] : memref<125000x8x64xf32, #tpu.memory_space<hbm>> -> memref<1x1x64xf32, #tpu.memory_space<hbm>>
      %dma_start3A_316 = tpu.memref_squeeze %dma_start3A_315 : memref<1x1x64xf32, #tpu.memory_space<hbm>> -> memref<64xf32, #tpu.memory_space<hbm>>
      %dma_start3A_317 = arith.constant 0 : i32
      %dma_start3A_318 = tpu.memref_slice %arg6[%add3A_310, %dma_start3A_317] : memref<512x64xf32, #tpu.memory_space<vmem>> -> memref<1x64xf32, #tpu.memory_space<vmem>>
      %dma_start3A_319 = tpu.memref_squeeze %dma_start3A_318 : memref<1x64xf32, #tpu.memory_space<vmem>> -> memref<64xf32, #tpu.memory_space<vmem>>
      %dma_start3A_320 = arith.constant 0 : i32
      %dma_start3A_321 = tpu.memref_slice %arg3[%squeeze3A_302, %squeeze3A_304, %dma_start3A_320] : memref<125000x8x64xf32, #tpu.memory_space<hbm>> -> memref<1x1x64xf32, #tpu.memory_space<hbm>>
      %dma_start3A_322 = tpu.memref_squeeze %dma_start3A_321 : memref<1x1x64xf32, #tpu.memory_space<hbm>> -> memref<64xf32, #tpu.memory_space<hbm>>
      tpu.enqueue_dma source(%dma_start3A_322 : memref<64xf32, #tpu.memory_space<hbm>>) target(%dma_start3A_319 : memref<64xf32, #tpu.memory_space<vmem>>) target_semaphore(%arg9 : memref<!tpu.dma_semaphore, #tpu.memory_space<semaphore_mem>>)
      %slice3A_323 = vector.extract_strided_slice %shift_right_arithmetic3A_81 {offsets = [11], sizes = [1], strides = [1]} : vector<16xi32> to vector<1xi32>
      %squeeze3A_324 = vector.extract %slice3A_323[0] : i32 from vector<1xi32>
      %slice3A_325 = vector.extract_strided_slice %and3A_83 {offsets = [11], sizes = [1], strides = [1]} : vector<16xi32> to vector<1xi32>
      %squeeze3A_326 = vector.extract %slice3A_325[0] : i32 from vector<1xi32>
      %mul3A_327 = arith.constant 16 : i32
      %mul3A_328 = arith.muli %add3A_73, %mul3A_327 : i32
      %add3A_329 = arith.constant 256 : i32
      %add3A_330 = arith.addi %add3A_329, %mul3A_328 : i32
      %add3A_331 = arith.constant 11 : i32
      %add3A_332 = arith.addi %add3A_330, %add3A_331 : i32
      %dma_start3A_333 = arith.constant 0 : i32
      %dma_start3A_334 = tpu.memref_slice %arg6[%add3A_332, %dma_start3A_333] : memref<512x64xf32, #tpu.memory_space<vmem>> -> memref<1x64xf32, #tpu.memory_space<vmem>>
      %dma_start3A_335 = tpu.memref_squeeze %dma_start3A_334 : memref<1x64xf32, #tpu.memory_space<vmem>> -> memref<64xf32, #tpu.memory_space<vmem>>
      %dma_start3A_336 = arith.constant 0 : i32
      %dma_start3A_337 = tpu.memref_slice %arg3[%squeeze3A_324, %squeeze3A_326, %dma_start3A_336] : memref<125000x8x64xf32, #tpu.memory_space<hbm>> -> memref<1x1x64xf32, #tpu.memory_space<hbm>>
      %dma_start3A_338 = tpu.memref_squeeze %dma_start3A_337 : memref<1x1x64xf32, #tpu.memory_space<hbm>> -> memref<64xf32, #tpu.memory_space<hbm>>
      %dma_start3A_339 = arith.constant 0 : i32
      %dma_start3A_340 = tpu.memref_slice %arg6[%add3A_332, %dma_start3A_339] : memref<512x64xf32, #tpu.memory_space<vmem>> -> memref<1x64xf32, #tpu.memory_space<vmem>>
      %dma_start3A_341 = tpu.memref_squeeze %dma_start3A_340 : memref<1x64xf32, #tpu.memory_space<vmem>> -> memref<64xf32, #tpu.memory_space<vmem>>
      %dma_start3A_342 = arith.constant 0 : i32
      %dma_start3A_343 = tpu.memref_slice %arg3[%squeeze3A_324, %squeeze3A_326, %dma_start3A_342] : memref<125000x8x64xf32, #tpu.memory_space<hbm>> -> memref<1x1x64xf32, #tpu.memory_space<hbm>>
      %dma_start3A_344 = tpu.memref_squeeze %dma_start3A_343 : memref<1x1x64xf32, #tpu.memory_space<hbm>> -> memref<64xf32, #tpu.memory_space<hbm>>
      tpu.enqueue_dma source(%dma_start3A_344 : memref<64xf32, #tpu.memory_space<hbm>>) target(%dma_start3A_341 : memref<64xf32, #tpu.memory_space<vmem>>) target_semaphore(%arg9 : memref<!tpu.dma_semaphore, #tpu.memory_space<semaphore_mem>>)
      %slice3A_345 = vector.extract_strided_slice %shift_right_arithmetic3A_81 {offsets = [12], sizes = [1], strides = [1]} : vector<16xi32> to vector<1xi32>
      %squeeze3A_346 = vector.extract %slice3A_345[0] : i32 from vector<1xi32>
      %slice3A_347 = vector.extract_strided_slice %and3A_83 {offsets = [12], sizes = [1], strides = [1]} : vector<16xi32> to vector<1xi32>
      %squeeze3A_348 = vector.extract %slice3A_347[0] : i32 from vector<1xi32>
      %mul3A_349 = arith.constant 16 : i32
      %mul3A_350 = arith.muli %add3A_73, %mul3A_349 : i32
      %add3A_351 = arith.constant 256 : i32
      %add3A_352 = arith.addi %add3A_351, %mul3A_350 : i32
      %add3A_353 = arith.constant 12 : i32
      %add3A_354 = arith.addi %add3A_352, %add3A_353 : i32
      %dma_start3A_355 = arith.constant 0 : i32
      %dma_start3A_356 = tpu.memref_slice %arg6[%add3A_354, %dma_start3A_355] : memref<512x64xf32, #tpu.memory_space<vmem>> -> memref<1x64xf32, #tpu.memory_space<vmem>>
      %dma_start3A_357 = tpu.memref_squeeze %dma_start3A_356 : memref<1x64xf32, #tpu.memory_space<vmem>> -> memref<64xf32, #tpu.memory_space<vmem>>
      %dma_start3A_358 = arith.constant 0 : i32
      %dma_start3A_359 = tpu.memref_slice %arg3[%squeeze3A_346, %squeeze3A_348, %dma_start3A_358] : memref<125000x8x64xf32, #tpu.memory_space<hbm>> -> memref<1x1x64xf32, #tpu.memory_space<hbm>>
      %dma_start3A_360 = tpu.memref_squeeze %dma_start3A_359 : memref<1x1x64xf32, #tpu.memory_space<hbm>> -> memref<64xf32, #tpu.memory_space<hbm>>
      %dma_start3A_361 = arith.constant 0 : i32
      %dma_start3A_362 = tpu.memref_slice %arg6[%add3A_354, %dma_start3A_361] : memref<512x64xf32, #tpu.memory_space<vmem>> -> memref<1x64xf32, #tpu.memory_space<vmem>>
      %dma_start3A_363 = tpu.memref_squeeze %dma_start3A_362 : memref<1x64xf32, #tpu.memory_space<vmem>> -> memref<64xf32, #tpu.memory_space<vmem>>
      %dma_start3A_364 = arith.constant 0 : i32
      %dma_start3A_365 = tpu.memref_slice %arg3[%squeeze3A_346, %squeeze3A_348, %dma_start3A_364] : memref<125000x8x64xf32, #tpu.memory_space<hbm>> -> memref<1x1x64xf32, #tpu.memory_space<hbm>>
      %dma_start3A_366 = tpu.memref_squeeze %dma_start3A_365 : memref<1x1x64xf32, #tpu.memory_space<hbm>> -> memref<64xf32, #tpu.memory_space<hbm>>
      tpu.enqueue_dma source(%dma_start3A_366 : memref<64xf32, #tpu.memory_space<hbm>>) target(%dma_start3A_363 : memref<64xf32, #tpu.memory_space<vmem>>) target_semaphore(%arg9 : memref<!tpu.dma_semaphore, #tpu.memory_space<semaphore_mem>>)
      %slice3A_367 = vector.extract_strided_slice %shift_right_arithmetic3A_81 {offsets = [13], sizes = [1], strides = [1]} : vector<16xi32> to vector<1xi32>
      %squeeze3A_368 = vector.extract %slice3A_367[0] : i32 from vector<1xi32>
      %slice3A_369 = vector.extract_strided_slice %and3A_83 {offsets = [13], sizes = [1], strides = [1]} : vector<16xi32> to vector<1xi32>
      %squeeze3A_370 = vector.extract %slice3A_369[0] : i32 from vector<1xi32>
      %mul3A_371 = arith.constant 16 : i32
      %mul3A_372 = arith.muli %add3A_73, %mul3A_371 : i32
      %add3A_373 = arith.constant 256 : i32
      %add3A_374 = arith.addi %add3A_373, %mul3A_372 : i32
      %add3A_375 = arith.constant 13 : i32
      %add3A_376 = arith.addi %add3A_374, %add3A_375 : i32
      %dma_start3A_377 = arith.constant 0 : i32
      %dma_start3A_378 = tpu.memref_slice %arg6[%add3A_376, %dma_start3A_377] : memref<512x64xf32, #tpu.memory_space<vmem>> -> memref<1x64xf32, #tpu.memory_space<vmem>>
      %dma_start3A_379 = tpu.memref_squeeze %dma_start3A_378 : memref<1x64xf32, #tpu.memory_space<vmem>> -> memref<64xf32, #tpu.memory_space<vmem>>
      %dma_start3A_380 = arith.constant 0 : i32
      %dma_start3A_381 = tpu.memref_slice %arg3[%squeeze3A_368, %squeeze3A_370, %dma_start3A_380] : memref<125000x8x64xf32, #tpu.memory_space<hbm>> -> memref<1x1x64xf32, #tpu.memory_space<hbm>>
      %dma_start3A_382 = tpu.memref_squeeze %dma_start3A_381 : memref<1x1x64xf32, #tpu.memory_space<hbm>> -> memref<64xf32, #tpu.memory_space<hbm>>
      %dma_start3A_383 = arith.constant 0 : i32
      %dma_start3A_384 = tpu.memref_slice %arg6[%add3A_376, %dma_start3A_383] : memref<512x64xf32, #tpu.memory_space<vmem>> -> memref<1x64xf32, #tpu.memory_space<vmem>>
      %dma_start3A_385 = tpu.memref_squeeze %dma_start3A_384 : memref<1x64xf32, #tpu.memory_space<vmem>> -> memref<64xf32, #tpu.memory_space<vmem>>
      %dma_start3A_386 = arith.constant 0 : i32
      %dma_start3A_387 = tpu.memref_slice %arg3[%squeeze3A_368, %squeeze3A_370, %dma_start3A_386] : memref<125000x8x64xf32, #tpu.memory_space<hbm>> -> memref<1x1x64xf32, #tpu.memory_space<hbm>>
      %dma_start3A_388 = tpu.memref_squeeze %dma_start3A_387 : memref<1x1x64xf32, #tpu.memory_space<hbm>> -> memref<64xf32, #tpu.memory_space<hbm>>
      tpu.enqueue_dma source(%dma_start3A_388 : memref<64xf32, #tpu.memory_space<hbm>>) target(%dma_start3A_385 : memref<64xf32, #tpu.memory_space<vmem>>) target_semaphore(%arg9 : memref<!tpu.dma_semaphore, #tpu.memory_space<semaphore_mem>>)
      %slice3A_389 = vector.extract_strided_slice %shift_right_arithmetic3A_81 {offsets = [14], sizes = [1], strides = [1]} : vector<16xi32> to vector<1xi32>
      %squeeze3A_390 = vector.extract %slice3A_389[0] : i32 from vector<1xi32>
      %slice3A_391 = vector.extract_strided_slice %and3A_83 {offsets = [14], sizes = [1], strides = [1]} : vector<16xi32> to vector<1xi32>
      %squeeze3A_392 = vector.extract %slice3A_391[0] : i32 from vector<1xi32>
      %mul3A_393 = arith.constant 16 : i32
      %mul3A_394 = arith.muli %add3A_73, %mul3A_393 : i32
      %add3A_395 = arith.constant 256 : i32
      %add3A_396 = arith.addi %add3A_395, %mul3A_394 : i32
      %add3A_397 = arith.constant 14 : i32
      %add3A_398 = arith.addi %add3A_396, %add3A_397 : i32
      %dma_start3A_399 = arith.constant 0 : i32
      %dma_start3A_400 = tpu.memref_slice %arg6[%add3A_398, %dma_start3A_399] : memref<512x64xf32, #tpu.memory_space<vmem>> -> memref<1x64xf32, #tpu.memory_space<vmem>>
      %dma_start3A_401 = tpu.memref_squeeze %dma_start3A_400 : memref<1x64xf32, #tpu.memory_space<vmem>> -> memref<64xf32, #tpu.memory_space<vmem>>
      %dma_start3A_402 = arith.constant 0 : i32
      %dma_start3A_403 = tpu.memref_slice %arg3[%squeeze3A_390, %squeeze3A_392, %dma_start3A_402] : memref<125000x8x64xf32, #tpu.memory_space<hbm>> -> memref<1x1x64xf32, #tpu.memory_space<hbm>>
      %dma_start3A_404 = tpu.memref_squeeze %dma_start3A_403 : memref<1x1x64xf32, #tpu.memory_space<hbm>> -> memref<64xf32, #tpu.memory_space<hbm>>
      %dma_start3A_405 = arith.constant 0 : i32
      %dma_start3A_406 = tpu.memref_slice %arg6[%add3A_398, %dma_start3A_405] : memref<512x64xf32, #tpu.memory_space<vmem>> -> memref<1x64xf32, #tpu.memory_space<vmem>>
      %dma_start3A_407 = tpu.memref_squeeze %dma_start3A_406 : memref<1x64xf32, #tpu.memory_space<vmem>> -> memref<64xf32, #tpu.memory_space<vmem>>
      %dma_start3A_408 = arith.constant 0 : i32
      %dma_start3A_409 = tpu.memref_slice %arg3[%squeeze3A_390, %squeeze3A_392, %dma_start3A_408] : memref<125000x8x64xf32, #tpu.memory_space<hbm>> -> memref<1x1x64xf32, #tpu.memory_space<hbm>>
      %dma_start3A_410 = tpu.memref_squeeze %dma_start3A_409 : memref<1x1x64xf32, #tpu.memory_space<hbm>> -> memref<64xf32, #tpu.memory_space<hbm>>
      tpu.enqueue_dma source(%dma_start3A_410 : memref<64xf32, #tpu.memory_space<hbm>>) target(%dma_start3A_407 : memref<64xf32, #tpu.memory_space<vmem>>) target_semaphore(%arg9 : memref<!tpu.dma_semaphore, #tpu.memory_space<semaphore_mem>>)
      %slice3A_411 = vector.extract_strided_slice %shift_right_arithmetic3A_81 {offsets = [15], sizes = [1], strides = [1]} : vector<16xi32> to vector<1xi32>
      %squeeze3A_412 = vector.extract %slice3A_411[0] : i32 from vector<1xi32>
      %slice3A_413 = vector.extract_strided_slice %and3A_83 {offsets = [15], sizes = [1], strides = [1]} : vector<16xi32> to vector<1xi32>
      %squeeze3A_414 = vector.extract %slice3A_413[0] : i32 from vector<1xi32>
      %mul3A_415 = arith.constant 16 : i32
      %mul3A_416 = arith.muli %add3A_73, %mul3A_415 : i32
      %add3A_417 = arith.constant 256 : i32
      %add3A_418 = arith.addi %add3A_417, %mul3A_416 : i32
      %add3A_419 = arith.constant 15 : i32
      %add3A_420 = arith.addi %add3A_418, %add3A_419 : i32
      %dma_start3A_421 = arith.constant 0 : i32
      %dma_start3A_422 = tpu.memref_slice %arg6[%add3A_420, %dma_start3A_421] : memref<512x64xf32, #tpu.memory_space<vmem>> -> memref<1x64xf32, #tpu.memory_space<vmem>>
      %dma_start3A_423 = tpu.memref_squeeze %dma_start3A_422 : memref<1x64xf32, #tpu.memory_space<vmem>> -> memref<64xf32, #tpu.memory_space<vmem>>
      %dma_start3A_424 = arith.constant 0 : i32
      %dma_start3A_425 = tpu.memref_slice %arg3[%squeeze3A_412, %squeeze3A_414, %dma_start3A_424] : memref<125000x8x64xf32, #tpu.memory_space<hbm>> -> memref<1x1x64xf32, #tpu.memory_space<hbm>>
      %dma_start3A_426 = tpu.memref_squeeze %dma_start3A_425 : memref<1x1x64xf32, #tpu.memory_space<hbm>> -> memref<64xf32, #tpu.memory_space<hbm>>
      %dma_start3A_427 = arith.constant 0 : i32
      %dma_start3A_428 = tpu.memref_slice %arg6[%add3A_420, %dma_start3A_427] : memref<512x64xf32, #tpu.memory_space<vmem>> -> memref<1x64xf32, #tpu.memory_space<vmem>>
      %dma_start3A_429 = tpu.memref_squeeze %dma_start3A_428 : memref<1x64xf32, #tpu.memory_space<vmem>> -> memref<64xf32, #tpu.memory_space<vmem>>
      %dma_start3A_430 = arith.constant 0 : i32
      %dma_start3A_431 = tpu.memref_slice %arg3[%squeeze3A_412, %squeeze3A_414, %dma_start3A_430] : memref<125000x8x64xf32, #tpu.memory_space<hbm>> -> memref<1x1x64xf32, #tpu.memory_space<hbm>>
      %dma_start3A_432 = tpu.memref_squeeze %dma_start3A_431 : memref<1x1x64xf32, #tpu.memory_space<hbm>> -> memref<64xf32, #tpu.memory_space<hbm>>
      tpu.enqueue_dma source(%dma_start3A_432 : memref<64xf32, #tpu.memory_space<hbm>>) target(%dma_start3A_429 : memref<64xf32, #tpu.memory_space<vmem>>) target_semaphore(%arg9 : memref<!tpu.dma_semaphore, #tpu.memory_space<semaphore_mem>>)
      %scan3A_433 = arith.constant 1 : i32
      %scan3A_434 = arith.addi %scan3A_69, %scan3A_433 : i32
      %mul3A_435 = arith.constant 1 : i32
      %mul3A_436 = arith.muli %scan3A_434, %mul3A_435 : i32
      %add3A_437 = arith.constant 0 : i32
      %add3A_438 = arith.addi %add3A_437, %mul3A_436 : i32
      %mul3A_439 = arith.constant 16 : i32
      %mul3A_440 = arith.muli %add3A_438, %mul3A_439 : i32
      %add3A_441 = arith.constant 256 : i32
      %add3A_442 = arith.addi %add3A_441, %mul3A_440 : i32
      %get3A_443 = arith.index_cast %add3A_442 : i32 to index
      %get3A_444 = tpu.vector_load %arg5[%get3A_443] {strides = array<i32>} : memref<512xi32, #tpu.memory_space<vmem>>, vector<16xi32>,
      %get3A_445 = vector.shape_cast %get3A_444 : vector<16xi32> to vector<16xi32>
      %shift_right_arithmetic3A_446 = arith.constant 3 : i32
      %shift_right_arithmetic3A_447 = vector.broadcast %shift_right_arithmetic3A_446 : i32 to vector<16xi32>
      %shift_right_arithmetic3A_448 = arith.shrsi %get3A_445, %shift_right_arithmetic3A_447 : vector<16xi32>
      %and3A_449 = arith.constant 7 : i32
      %and3A_450 = vector.broadcast %and3A_449 : i32 to vector<16xi32>
      %and3A_451 = arith.andi %get3A_445, %and3A_450 : vector<16xi32>
      %slice3A_452 = vector.extract_strided_slice %shift_right_arithmetic3A_448 {offsets = [0], sizes = [1], strides = [1]} : vector<16xi32> to vector<1xi32>
      %squeeze3A_453 = vector.extract %slice3A_452[0] : i32 from vector<1xi32>
      %slice3A_454 = vector.extract_strided_slice %and3A_451 {offsets = [0], sizes = [1], strides = [1]} : vector<16xi32> to vector<1xi32>
      %squeeze3A_455 = vector.extract %slice3A_454[0] : i32 from vector<1xi32>
      %mul3A_456 = arith.constant 16 : i32
      %mul3A_457 = arith.muli %add3A_438, %mul3A_456 : i32
      %add3A_458 = arith.constant 256 : i32
      %add3A_459 = arith.addi %add3A_458, %mul3A_457 : i32
      %add3A_460 = arith.constant 0 : i32
      %add3A_461 = arith.addi %add3A_459, %add3A_460 : i32
      %dma_start3A_462 = arith.constant 0 : i32
      %dma_start3A_463 = tpu.memref_slice %arg6[%add3A_461, %dma_start3A_462] : memref<512x64xf32, #tpu.memory_space<vmem>> -> memref<1x64xf32, #tpu.memory_space<vmem>>
      %dma_start3A_464 = tpu.memref_squeeze %dma_start3A_463 : memref<1x64xf32, #tpu.memory_space<vmem>> -> memref<64xf32, #tpu.memory_space<vmem>>
      %dma_start3A_465 = arith.constant 0 : i32
      %dma_start3A_466 = tpu.memref_slice %arg3[%squeeze3A_453, %squeeze3A_455, %dma_start3A_465] : memref<125000x8x64xf32, #tpu.memory_space<hbm>> -> memref<1x1x64xf32, #tpu.memory_space<hbm>>
      %dma_start3A_467 = tpu.memref_squeeze %dma_start3A_466 : memref<1x1x64xf32, #tpu.memory_space<hbm>> -> memref<64xf32, #tpu.memory_space<hbm>>
      %dma_start3A_468 = arith.constant 0 : i32
      %dma_start3A_469 = tpu.memref_slice %arg6[%add3A_461, %dma_start3A_468] : memref<512x64xf32, #tpu.memory_space<vmem>> -> memref<1x64xf32, #tpu.memory_space<vmem>>
      %dma_start3A_470 = tpu.memref_squeeze %dma_start3A_469 : memref<1x64xf32, #tpu.memory_space<vmem>> -> memref<64xf32, #tpu.memory_space<vmem>>
      %dma_start3A_471 = arith.constant 0 : i32
      %dma_start3A_472 = tpu.memref_slice %arg3[%squeeze3A_453, %squeeze3A_455, %dma_start3A_471] : memref<125000x8x64xf32, #tpu.memory_space<hbm>> -> memref<1x1x64xf32, #tpu.memory_space<hbm>>
      %dma_start3A_473 = tpu.memref_squeeze %dma_start3A_472 : memref<1x1x64xf32, #tpu.memory_space<hbm>> -> memref<64xf32, #tpu.memory_space<hbm>>
      tpu.enqueue_dma source(%dma_start3A_473 : memref<64xf32, #tpu.memory_space<hbm>>) target(%dma_start3A_470 : memref<64xf32, #tpu.memory_space<vmem>>) target_semaphore(%arg9 : memref<!tpu.dma_semaphore, #tpu.memory_space<semaphore_mem>>)
      %slice3A_474 = vector.extract_strided_slice %shift_right_arithmetic3A_448 {offsets = [1], sizes = [1], strides = [1]} : vector<16xi32> to vector<1xi32>
      %squeeze3A_475 = vector.extract %slice3A_474[0] : i32 from vector<1xi32>
      %slice3A_476 = vector.extract_strided_slice %and3A_451 {offsets = [1], sizes = [1], strides = [1]} : vector<16xi32> to vector<1xi32>
      %squeeze3A_477 = vector.extract %slice3A_476[0] : i32 from vector<1xi32>
      %mul3A_478 = arith.constant 16 : i32
      %mul3A_479 = arith.muli %add3A_438, %mul3A_478 : i32
      %add3A_480 = arith.constant 256 : i32
      %add3A_481 = arith.addi %add3A_480, %mul3A_479 : i32
      %add3A_482 = arith.constant 1 : i32
      %add3A_483 = arith.addi %add3A_481, %add3A_482 : i32
      %dma_start3A_484 = arith.constant 0 : i32
      %dma_start3A_485 = tpu.memref_slice %arg6[%add3A_483, %dma_start3A_484] : memref<512x64xf32, #tpu.memory_space<vmem>> -> memref<1x64xf32, #tpu.memory_space<vmem>>
      %dma_start3A_486 = tpu.memref_squeeze %dma_start3A_485 : memref<1x64xf32, #tpu.memory_space<vmem>> -> memref<64xf32, #tpu.memory_space<vmem>>
      %dma_start3A_487 = arith.constant 0 : i32
      %dma_start3A_488 = tpu.memref_slice %arg3[%squeeze3A_475, %squeeze3A_477, %dma_start3A_487] : memref<125000x8x64xf32, #tpu.memory_space<hbm>> -> memref<1x1x64xf32, #tpu.memory_space<hbm>>
      %dma_start3A_489 = tpu.memref_squeeze %dma_start3A_488 : memref<1x1x64xf32, #tpu.memory_space<hbm>> -> memref<64xf32, #tpu.memory_space<hbm>>
      %dma_start3A_490 = arith.constant 0 : i32
      %dma_start3A_491 = tpu.memref_slice %arg6[%add3A_483, %dma_start3A_490] : memref<512x64xf32, #tpu.memory_space<vmem>> -> memref<1x64xf32, #tpu.memory_space<vmem>>
      %dma_start3A_492 = tpu.memref_squeeze %dma_start3A_491 : memref<1x64xf32, #tpu.memory_space<vmem>> -> memref<64xf32, #tpu.memory_space<vmem>>
      %dma_start3A_493 = arith.constant 0 : i32
      %dma_start3A_494 = tpu.memref_slice %arg3[%squeeze3A_475, %squeeze3A_477, %dma_start3A_493] : memref<125000x8x64xf32, #tpu.memory_space<hbm>> -> memref<1x1x64xf32, #tpu.memory_space<hbm>>
      %dma_start3A_495 = tpu.memref_squeeze %dma_start3A_494 : memref<1x1x64xf32, #tpu.memory_space<hbm>> -> memref<64xf32, #tpu.memory_space<hbm>>
      tpu.enqueue_dma source(%dma_start3A_495 : memref<64xf32, #tpu.memory_space<hbm>>) target(%dma_start3A_492 : memref<64xf32, #tpu.memory_space<vmem>>) target_semaphore(%arg9 : memref<!tpu.dma_semaphore, #tpu.memory_space<semaphore_mem>>)
      %slice3A_496 = vector.extract_strided_slice %shift_right_arithmetic3A_448 {offsets = [2], sizes = [1], strides = [1]} : vector<16xi32> to vector<1xi32>
      %squeeze3A_497 = vector.extract %slice3A_496[0] : i32 from vector<1xi32>
      %slice3A_498 = vector.extract_strided_slice %and3A_451 {offsets = [2], sizes = [1], strides = [1]} : vector<16xi32> to vector<1xi32>
      %squeeze3A_499 = vector.extract %slice3A_498[0] : i32 from vector<1xi32>
      %mul3A_500 = arith.constant 16 : i32
      %mul3A_501 = arith.muli %add3A_438, %mul3A_500 : i32
      %add3A_502 = arith.constant 256 : i32
      %add3A_503 = arith.addi %add3A_502, %mul3A_501 : i32
      %add3A_504 = arith.constant 2 : i32
      %add3A_505 = arith.addi %add3A_503, %add3A_504 : i32
      %dma_start3A_506 = arith.constant 0 : i32
      %dma_start3A_507 = tpu.memref_slice %arg6[%add3A_505, %dma_start3A_506] : memref<512x64xf32, #tpu.memory_space<vmem>> -> memref<1x64xf32, #tpu.memory_space<vmem>>
      %dma_start3A_508 = tpu.memref_squeeze %dma_start3A_507 : memref<1x64xf32, #tpu.memory_space<vmem>> -> memref<64xf32, #tpu.memory_space<vmem>>
      %dma_start3A_509 = arith.constant 0 : i32
      %dma_start3A_510 = tpu.memref_slice %arg3[%squeeze3A_497, %squeeze3A_499, %dma_start3A_509] : memref<125000x8x64xf32, #tpu.memory_space<hbm>> -> memref<1x1x64xf32, #tpu.memory_space<hbm>>
      %dma_start3A_511 = tpu.memref_squeeze %dma_start3A_510 : memref<1x1x64xf32, #tpu.memory_space<hbm>> -> memref<64xf32, #tpu.memory_space<hbm>>
      %dma_start3A_512 = arith.constant 0 : i32
      %dma_start3A_513 = tpu.memref_slice %arg6[%add3A_505, %dma_start3A_512] : memref<512x64xf32, #tpu.memory_space<vmem>> -> memref<1x64xf32, #tpu.memory_space<vmem>>
      %dma_start3A_514 = tpu.memref_squeeze %dma_start3A_513 : memref<1x64xf32, #tpu.memory_space<vmem>> -> memref<64xf32, #tpu.memory_space<vmem>>
      %dma_start3A_515 = arith.constant 0 : i32
      %dma_start3A_516 = tpu.memref_slice %arg3[%squeeze3A_497, %squeeze3A_499, %dma_start3A_515] : memref<125000x8x64xf32, #tpu.memory_space<hbm>> -> memref<1x1x64xf32, #tpu.memory_space<hbm>>
      %dma_start3A_517 = tpu.memref_squeeze %dma_start3A_516 : memref<1x1x64xf32, #tpu.memory_space<hbm>> -> memref<64xf32, #tpu.memory_space<hbm>>
      tpu.enqueue_dma source(%dma_start3A_517 : memref<64xf32, #tpu.memory_space<hbm>>) target(%dma_start3A_514 : memref<64xf32, #tpu.memory_space<vmem>>) target_semaphore(%arg9 : memref<!tpu.dma_semaphore, #tpu.memory_space<semaphore_mem>>)
      %slice3A_518 = vector.extract_strided_slice %shift_right_arithmetic3A_448 {offsets = [3], sizes = [1], strides = [1]} : vector<16xi32> to vector<1xi32>
      %squeeze3A_519 = vector.extract %slice3A_518[0] : i32 from vector<1xi32>
      %slice3A_520 = vector.extract_strided_slice %and3A_451 {offsets = [3], sizes = [1], strides = [1]} : vector<16xi32> to vector<1xi32>
      %squeeze3A_521 = vector.extract %slice3A_520[0] : i32 from vector<1xi32>
      %mul3A_522 = arith.constant 16 : i32
      %mul3A_523 = arith.muli %add3A_438, %mul3A_522 : i32
      %add3A_524 = arith.constant 256 : i32
      %add3A_525 = arith.addi %add3A_524, %mul3A_523 : i32
      %add3A_526 = arith.constant 3 : i32
      %add3A_527 = arith.addi %add3A_525, %add3A_526 : i32
      %dma_start3A_528 = arith.constant 0 : i32
      %dma_start3A_529 = tpu.memref_slice %arg6[%add3A_527, %dma_start3A_528] : memref<512x64xf32, #tpu.memory_space<vmem>> -> memref<1x64xf32, #tpu.memory_space<vmem>>
      %dma_start3A_530 = tpu.memref_squeeze %dma_start3A_529 : memref<1x64xf32, #tpu.memory_space<vmem>> -> memref<64xf32, #tpu.memory_space<vmem>>
      %dma_start3A_531 = arith.constant 0 : i32
      %dma_start3A_532 = tpu.memref_slice %arg3[%squeeze3A_519, %squeeze3A_521, %dma_start3A_531] : memref<125000x8x64xf32, #tpu.memory_space<hbm>> -> memref<1x1x64xf32, #tpu.memory_space<hbm>>
      %dma_start3A_533 = tpu.memref_squeeze %dma_start3A_532 : memref<1x1x64xf32, #tpu.memory_space<hbm>> -> memref<64xf32, #tpu.memory_space<hbm>>
      %dma_start3A_534 = arith.constant 0 : i32
      %dma_start3A_535 = tpu.memref_slice %arg6[%add3A_527, %dma_start3A_534] : memref<512x64xf32, #tpu.memory_space<vmem>> -> memref<1x64xf32, #tpu.memory_space<vmem>>
      %dma_start3A_536 = tpu.memref_squeeze %dma_start3A_535 : memref<1x64xf32, #tpu.memory_space<vmem>> -> memref<64xf32, #tpu.memory_space<vmem>>
      %dma_start3A_537 = arith.constant 0 : i32
      %dma_start3A_538 = tpu.memref_slice %arg3[%squeeze3A_519, %squeeze3A_521, %dma_start3A_537] : memref<125000x8x64xf32, #tpu.memory_space<hbm>> -> memref<1x1x64xf32, #tpu.memory_space<hbm>>
      %dma_start3A_539 = tpu.memref_squeeze %dma_start3A_538 : memref<1x1x64xf32, #tpu.memory_space<hbm>> -> memref<64xf32, #tpu.memory_space<hbm>>
      tpu.enqueue_dma source(%dma_start3A_539 : memref<64xf32, #tpu.memory_space<hbm>>) target(%dma_start3A_536 : memref<64xf32, #tpu.memory_space<vmem>>) target_semaphore(%arg9 : memref<!tpu.dma_semaphore, #tpu.memory_space<semaphore_mem>>)
      %slice3A_540 = vector.extract_strided_slice %shift_right_arithmetic3A_448 {offsets = [4], sizes = [1], strides = [1]} : vector<16xi32> to vector<1xi32>
      %squeeze3A_541 = vector.extract %slice3A_540[0] : i32 from vector<1xi32>
      %slice3A_542 = vector.extract_strided_slice %and3A_451 {offsets = [4], sizes = [1], strides = [1]} : vector<16xi32> to vector<1xi32>
      %squeeze3A_543 = vector.extract %slice3A_542[0] : i32 from vector<1xi32>
      %mul3A_544 = arith.constant 16 : i32
      %mul3A_545 = arith.muli %add3A_438, %mul3A_544 : i32
      %add3A_546 = arith.constant 256 : i32
      %add3A_547 = arith.addi %add3A_546, %mul3A_545 : i32
      %add3A_548 = arith.constant 4 : i32
      %add3A_549 = arith.addi %add3A_547, %add3A_548 : i32
      %dma_start3A_550 = arith.constant 0 : i32
      %dma_start3A_551 = tpu.memref_slice %arg6[%add3A_549, %dma_start3A_550] : memref<512x64xf32, #tpu.memory_space<vmem>> -> memref<1x64xf32, #tpu.memory_space<vmem>>
      %dma_start3A_552 = tpu.memref_squeeze %dma_start3A_551 : memref<1x64xf32, #tpu.memory_space<vmem>> -> memref<64xf32, #tpu.memory_space<vmem>>
      %dma_start3A_553 = arith.constant 0 : i32
      %dma_start3A_554 = tpu.memref_slice %arg3[%squeeze3A_541, %squeeze3A_543, %dma_start3A_553] : memref<125000x8x64xf32, #tpu.memory_space<hbm>> -> memref<1x1x64xf32, #tpu.memory_space<hbm>>
      %dma_start3A_555 = tpu.memref_squeeze %dma_start3A_554 : memref<1x1x64xf32, #tpu.memory_space<hbm>> -> memref<64xf32, #tpu.memory_space<hbm>>
      %dma_start3A_556 = arith.constant 0 : i32
      %dma_start3A_557 = tpu.memref_slice %arg6[%add3A_549, %dma_start3A_556] : memref<512x64xf32, #tpu.memory_space<vmem>> -> memref<1x64xf32, #tpu.memory_space<vmem>>
      %dma_start3A_558 = tpu.memref_squeeze %dma_start3A_557 : memref<1x64xf32, #tpu.memory_space<vmem>> -> memref<64xf32, #tpu.memory_space<vmem>>
      %dma_start3A_559 = arith.constant 0 : i32
      %dma_start3A_560 = tpu.memref_slice %arg3[%squeeze3A_541, %squeeze3A_543, %dma_start3A_559] : memref<125000x8x64xf32, #tpu.memory_space<hbm>> -> memref<1x1x64xf32, #tpu.memory_space<hbm>>
      %dma_start3A_561 = tpu.memref_squeeze %dma_start3A_560 : memref<1x1x64xf32, #tpu.memory_space<hbm>> -> memref<64xf32, #tpu.memory_space<hbm>>
      tpu.enqueue_dma source(%dma_start3A_561 : memref<64xf32, #tpu.memory_space<hbm>>) target(%dma_start3A_558 : memref<64xf32, #tpu.memory_space<vmem>>) target_semaphore(%arg9 : memref<!tpu.dma_semaphore, #tpu.memory_space<semaphore_mem>>)
      %slice3A_562 = vector.extract_strided_slice %shift_right_arithmetic3A_448 {offsets = [5], sizes = [1], strides = [1]} : vector<16xi32> to vector<1xi32>
      %squeeze3A_563 = vector.extract %slice3A_562[0] : i32 from vector<1xi32>
      %slice3A_564 = vector.extract_strided_slice %and3A_451 {offsets = [5], sizes = [1], strides = [1]} : vector<16xi32> to vector<1xi32>
      %squeeze3A_565 = vector.extract %slice3A_564[0] : i32 from vector<1xi32>
      %mul3A_566 = arith.constant 16 : i32
      %mul3A_567 = arith.muli %add3A_438, %mul3A_566 : i32
      %add3A_568 = arith.constant 256 : i32
      %add3A_569 = arith.addi %add3A_568, %mul3A_567 : i32
      %add3A_570 = arith.constant 5 : i32
      %add3A_571 = arith.addi %add3A_569, %add3A_570 : i32
      %dma_start3A_572 = arith.constant 0 : i32
      %dma_start3A_573 = tpu.memref_slice %arg6[%add3A_571, %dma_start3A_572] : memref<512x64xf32, #tpu.memory_space<vmem>> -> memref<1x64xf32, #tpu.memory_space<vmem>>
      %dma_start3A_574 = tpu.memref_squeeze %dma_start3A_573 : memref<1x64xf32, #tpu.memory_space<vmem>> -> memref<64xf32, #tpu.memory_space<vmem>>
      %dma_start3A_575 = arith.constant 0 : i32
      %dma_start3A_576 = tpu.memref_slice %arg3[%squeeze3A_563, %squeeze3A_565, %dma_start3A_575] : memref<125000x8x64xf32, #tpu.memory_space<hbm>> -> memref<1x1x64xf32, #tpu.memory_space<hbm>>
      %dma_start3A_577 = tpu.memref_squeeze %dma_start3A_576 : memref<1x1x64xf32, #tpu.memory_space<hbm>> -> memref<64xf32, #tpu.memory_space<hbm>>
      %dma_start3A_578 = arith.constant 0 : i32
      %dma_start3A_579 = tpu.memref_slice %arg6[%add3A_571, %dma_start3A_578] : memref<512x64xf32, #tpu.memory_space<vmem>> -> memref<1x64xf32, #tpu.memory_space<vmem>>
      %dma_start3A_580 = tpu.memref_squeeze %dma_start3A_579 : memref<1x64xf32, #tpu.memory_space<vmem>> -> memref<64xf32, #tpu.memory_space<vmem>>
      %dma_start3A_581 = arith.constant 0 : i32
      %dma_start3A_582 = tpu.memref_slice %arg3[%squeeze3A_563, %squeeze3A_565, %dma_start3A_581] : memref<125000x8x64xf32, #tpu.memory_space<hbm>> -> memref<1x1x64xf32, #tpu.memory_space<hbm>>
      %dma_start3A_583 = tpu.memref_squeeze %dma_start3A_582 : memref<1x1x64xf32, #tpu.memory_space<hbm>> -> memref<64xf32, #tpu.memory_space<hbm>>
      tpu.enqueue_dma source(%dma_start3A_583 : memref<64xf32, #tpu.memory_space<hbm>>) target(%dma_start3A_580 : memref<64xf32, #tpu.memory_space<vmem>>) target_semaphore(%arg9 : memref<!tpu.dma_semaphore, #tpu.memory_space<semaphore_mem>>)
      %slice3A_584 = vector.extract_strided_slice %shift_right_arithmetic3A_448 {offsets = [6], sizes = [1], strides = [1]} : vector<16xi32> to vector<1xi32>
      %squeeze3A_585 = vector.extract %slice3A_584[0] : i32 from vector<1xi32>
      %slice3A_586 = vector.extract_strided_slice %and3A_451 {offsets = [6], sizes = [1], strides = [1]} : vector<16xi32> to vector<1xi32>
      %squeeze3A_587 = vector.extract %slice3A_586[0] : i32 from vector<1xi32>
      %mul3A_588 = arith.constant 16 : i32
      %mul3A_589 = arith.muli %add3A_438, %mul3A_588 : i32
      %add3A_590 = arith.constant 256 : i32
      %add3A_591 = arith.addi %add3A_590, %mul3A_589 : i32
      %add3A_592 = arith.constant 6 : i32
      %add3A_593 = arith.addi %add3A_591, %add3A_592 : i32
      %dma_start3A_594 = arith.constant 0 : i32
      %dma_start3A_595 = tpu.memref_slice %arg6[%add3A_593, %dma_start3A_594] : memref<512x64xf32, #tpu.memory_space<vmem>> -> memref<1x64xf32, #tpu.memory_space<vmem>>
      %dma_start3A_596 = tpu.memref_squeeze %dma_start3A_595 : memref<1x64xf32, #tpu.memory_space<vmem>> -> memref<64xf32, #tpu.memory_space<vmem>>
      %dma_start3A_597 = arith.constant 0 : i32
      %dma_start3A_598 = tpu.memref_slice %arg3[%squeeze3A_585, %squeeze3A_587, %dma_start3A_597] : memref<125000x8x64xf32, #tpu.memory_space<hbm>> -> memref<1x1x64xf32, #tpu.memory_space<hbm>>
      %dma_start3A_599 = tpu.memref_squeeze %dma_start3A_598 : memref<1x1x64xf32, #tpu.memory_space<hbm>> -> memref<64xf32, #tpu.memory_space<hbm>>
      %dma_start3A_600 = arith.constant 0 : i32
      %dma_start3A_601 = tpu.memref_slice %arg6[%add3A_593, %dma_start3A_600] : memref<512x64xf32, #tpu.memory_space<vmem>> -> memref<1x64xf32, #tpu.memory_space<vmem>>
      %dma_start3A_602 = tpu.memref_squeeze %dma_start3A_601 : memref<1x64xf32, #tpu.memory_space<vmem>> -> memref<64xf32, #tpu.memory_space<vmem>>
      %dma_start3A_603 = arith.constant 0 : i32
      %dma_start3A_604 = tpu.memref_slice %arg3[%squeeze3A_585, %squeeze3A_587, %dma_start3A_603] : memref<125000x8x64xf32, #tpu.memory_space<hbm>> -> memref<1x1x64xf32, #tpu.memory_space<hbm>>
      %dma_start3A_605 = tpu.memref_squeeze %dma_start3A_604 : memref<1x1x64xf32, #tpu.memory_space<hbm>> -> memref<64xf32, #tpu.memory_space<hbm>>
      tpu.enqueue_dma source(%dma_start3A_605 : memref<64xf32, #tpu.memory_space<hbm>>) target(%dma_start3A_602 : memref<64xf32, #tpu.memory_space<vmem>>) target_semaphore(%arg9 : memref<!tpu.dma_semaphore, #tpu.memory_space<semaphore_mem>>)
      %slice3A_606 = vector.extract_strided_slice %shift_right_arithmetic3A_448 {offsets = [7], sizes = [1], strides = [1]} : vector<16xi32> to vector<1xi32>
      %squeeze3A_607 = vector.extract %slice3A_606[0] : i32 from vector<1xi32>
      %slice3A_608 = vector.extract_strided_slice %and3A_451 {offsets = [7], sizes = [1], strides = [1]} : vector<16xi32> to vector<1xi32>
      %squeeze3A_609 = vector.extract %slice3A_608[0] : i32 from vector<1xi32>
      %mul3A_610 = arith.constant 16 : i32
      %mul3A_611 = arith.muli %add3A_438, %mul3A_610 : i32
      %add3A_612 = arith.constant 256 : i32
      %add3A_613 = arith.addi %add3A_612, %mul3A_611 : i32
      %add3A_614 = arith.constant 7 : i32
      %add3A_615 = arith.addi %add3A_613, %add3A_614 : i32
      %dma_start3A_616 = arith.constant 0 : i32
      %dma_start3A_617 = tpu.memref_slice %arg6[%add3A_615, %dma_start3A_616] : memref<512x64xf32, #tpu.memory_space<vmem>> -> memref<1x64xf32, #tpu.memory_space<vmem>>
      %dma_start3A_618 = tpu.memref_squeeze %dma_start3A_617 : memref<1x64xf32, #tpu.memory_space<vmem>> -> memref<64xf32, #tpu.memory_space<vmem>>
      %dma_start3A_619 = arith.constant 0 : i32
      %dma_start3A_620 = tpu.memref_slice %arg3[%squeeze3A_607, %squeeze3A_609, %dma_start3A_619] : memref<125000x8x64xf32, #tpu.memory_space<hbm>> -> memref<1x1x64xf32, #tpu.memory_space<hbm>>
      %dma_start3A_621 = tpu.memref_squeeze %dma_start3A_620 : memref<1x1x64xf32, #tpu.memory_space<hbm>> -> memref<64xf32, #tpu.memory_space<hbm>>
      %dma_start3A_622 = arith.constant 0 : i32
      %dma_start3A_623 = tpu.memref_slice %arg6[%add3A_615, %dma_start3A_622] : memref<512x64xf32, #tpu.memory_space<vmem>> -> memref<1x64xf32, #tpu.memory_space<vmem>>
      %dma_start3A_624 = tpu.memref_squeeze %dma_start3A_623 : memref<1x64xf32, #tpu.memory_space<vmem>> -> memref<64xf32, #tpu.memory_space<vmem>>
      %dma_start3A_625 = arith.constant 0 : i32
      %dma_start3A_626 = tpu.memref_slice %arg3[%squeeze3A_607, %squeeze3A_609, %dma_start3A_625] : memref<125000x8x64xf32, #tpu.memory_space<hbm>> -> memref<1x1x64xf32, #tpu.memory_space<hbm>>
      %dma_start3A_627 = tpu.memref_squeeze %dma_start3A_626 : memref<1x1x64xf32, #tpu.memory_space<hbm>> -> memref<64xf32, #tpu.memory_space<hbm>>
      tpu.enqueue_dma source(%dma_start3A_627 : memref<64xf32, #tpu.memory_space<hbm>>) target(%dma_start3A_624 : memref<64xf32, #tpu.memory_space<vmem>>) target_semaphore(%arg9 : memref<!tpu.dma_semaphore, #tpu.memory_space<semaphore_mem>>)
      %slice3A_628 = vector.extract_strided_slice %shift_right_arithmetic3A_448 {offsets = [8], sizes = [1], strides = [1]} : vector<16xi32> to vector<1xi32>
      %squeeze3A_629 = vector.extract %slice3A_628[0] : i32 from vector<1xi32>
      %slice3A_630 = vector.extract_strided_slice %and3A_451 {offsets = [8], sizes = [1], strides = [1]} : vector<16xi32> to vector<1xi32>
      %squeeze3A_631 = vector.extract %slice3A_630[0] : i32 from vector<1xi32>
      %mul3A_632 = arith.constant 16 : i32
      %mul3A_633 = arith.muli %add3A_438, %mul3A_632 : i32
      %add3A_634 = arith.constant 256 : i32
      %add3A_635 = arith.addi %add3A_634, %mul3A_633 : i32
      %add3A_636 = arith.constant 8 : i32
      %add3A_637 = arith.addi %add3A_635, %add3A_636 : i32
      %dma_start3A_638 = arith.constant 0 : i32
      %dma_start3A_639 = tpu.memref_slice %arg6[%add3A_637, %dma_start3A_638] : memref<512x64xf32, #tpu.memory_space<vmem>> -> memref<1x64xf32, #tpu.memory_space<vmem>>
      %dma_start3A_640 = tpu.memref_squeeze %dma_start3A_639 : memref<1x64xf32, #tpu.memory_space<vmem>> -> memref<64xf32, #tpu.memory_space<vmem>>
      %dma_start3A_641 = arith.constant 0 : i32
      %dma_start3A_642 = tpu.memref_slice %arg3[%squeeze3A_629, %squeeze3A_631, %dma_start3A_641] : memref<125000x8x64xf32, #tpu.memory_space<hbm>> -> memref<1x1x64xf32, #tpu.memory_space<hbm>>
      %dma_start3A_643 = tpu.memref_squeeze %dma_start3A_642 : memref<1x1x64xf32, #tpu.memory_space<hbm>> -> memref<64xf32, #tpu.memory_space<hbm>>
      %dma_start3A_644 = arith.constant 0 : i32
      %dma_start3A_645 = tpu.memref_slice %arg6[%add3A_637, %dma_start3A_644] : memref<512x64xf32, #tpu.memory_space<vmem>> -> memref<1x64xf32, #tpu.memory_space<vmem>>
      %dma_start3A_646 = tpu.memref_squeeze %dma_start3A_645 : memref<1x64xf32, #tpu.memory_space<vmem>> -> memref<64xf32, #tpu.memory_space<vmem>>
      %dma_start3A_647 = arith.constant 0 : i32
      %dma_start3A_648 = tpu.memref_slice %arg3[%squeeze3A_629, %squeeze3A_631, %dma_start3A_647] : memref<125000x8x64xf32, #tpu.memory_space<hbm>> -> memref<1x1x64xf32, #tpu.memory_space<hbm>>
      %dma_start3A_649 = tpu.memref_squeeze %dma_start3A_648 : memref<1x1x64xf32, #tpu.memory_space<hbm>> -> memref<64xf32, #tpu.memory_space<hbm>>
      tpu.enqueue_dma source(%dma_start3A_649 : memref<64xf32, #tpu.memory_space<hbm>>) target(%dma_start3A_646 : memref<64xf32, #tpu.memory_space<vmem>>) target_semaphore(%arg9 : memref<!tpu.dma_semaphore, #tpu.memory_space<semaphore_mem>>)
      %slice3A_650 = vector.extract_strided_slice %shift_right_arithmetic3A_448 {offsets = [9], sizes = [1], strides = [1]} : vector<16xi32> to vector<1xi32>
      %squeeze3A_651 = vector.extract %slice3A_650[0] : i32 from vector<1xi32>
      %slice3A_652 = vector.extract_strided_slice %and3A_451 {offsets = [9], sizes = [1], strides = [1]} : vector<16xi32> to vector<1xi32>
      %squeeze3A_653 = vector.extract %slice3A_652[0] : i32 from vector<1xi32>
      %mul3A_654 = arith.constant 16 : i32
      %mul3A_655 = arith.muli %add3A_438, %mul3A_654 : i32
      %add3A_656 = arith.constant 256 : i32
      %add3A_657 = arith.addi %add3A_656, %mul3A_655 : i32
      %add3A_658 = arith.constant 9 : i32
      %add3A_659 = arith.addi %add3A_657, %add3A_658 : i32
      %dma_start3A_660 = arith.constant 0 : i32
      %dma_start3A_661 = tpu.memref_slice %arg6[%add3A_659, %dma_start3A_660] : memref<512x64xf32, #tpu.memory_space<vmem>> -> memref<1x64xf32, #tpu.memory_space<vmem>>
      %dma_start3A_662 = tpu.memref_squeeze %dma_start3A_661 : memref<1x64xf32, #tpu.memory_space<vmem>> -> memref<64xf32, #tpu.memory_space<vmem>>
      %dma_start3A_663 = arith.constant 0 : i32
      %dma_start3A_664 = tpu.memref_slice %arg3[%squeeze3A_651, %squeeze3A_653, %dma_start3A_663] : memref<125000x8x64xf32, #tpu.memory_space<hbm>> -> memref<1x1x64xf32, #tpu.memory_space<hbm>>
      %dma_start3A_665 = tpu.memref_squeeze %dma_start3A_664 : memref<1x1x64xf32, #tpu.memory_space<hbm>> -> memref<64xf32, #tpu.memory_space<hbm>>
      %dma_start3A_666 = arith.constant 0 : i32
      %dma_start3A_667 = tpu.memref_slice %arg6[%add3A_659, %dma_start3A_666] : memref<512x64xf32, #tpu.memory_space<vmem>> -> memref<1x64xf32, #tpu.memory_space<vmem>>
      %dma_start3A_668 = tpu.memref_squeeze %dma_start3A_667 : memref<1x64xf32, #tpu.memory_space<vmem>> -> memref<64xf32, #tpu.memory_space<vmem>>
      %dma_start3A_669 = arith.constant 0 : i32
      %dma_start3A_670 = tpu.memref_slice %arg3[%squeeze3A_651, %squeeze3A_653, %dma_start3A_669] : memref<125000x8x64xf32, #tpu.memory_space<hbm>> -> memref<1x1x64xf32, #tpu.memory_space<hbm>>
      %dma_start3A_671 = tpu.memref_squeeze %dma_start3A_670 : memref<1x1x64xf32, #tpu.memory_space<hbm>> -> memref<64xf32, #tpu.memory_space<hbm>>
      tpu.enqueue_dma source(%dma_start3A_671 : memref<64xf32, #tpu.memory_space<hbm>>) target(%dma_start3A_668 : memref<64xf32, #tpu.memory_space<vmem>>) target_semaphore(%arg9 : memref<!tpu.dma_semaphore, #tpu.memory_space<semaphore_mem>>)
      %slice3A_672 = vector.extract_strided_slice %shift_right_arithmetic3A_448 {offsets = [10], sizes = [1], strides = [1]} : vector<16xi32> to vector<1xi32>
      %squeeze3A_673 = vector.extract %slice3A_672[0] : i32 from vector<1xi32>
      %slice3A_674 = vector.extract_strided_slice %and3A_451 {offsets = [10], sizes = [1], strides = [1]} : vector<16xi32> to vector<1xi32>
      %squeeze3A_675 = vector.extract %slice3A_674[0] : i32 from vector<1xi32>
      %mul3A_676 = arith.constant 16 : i32
      %mul3A_677 = arith.muli %add3A_438, %mul3A_676 : i32
      %add3A_678 = arith.constant 256 : i32
      %add3A_679 = arith.addi %add3A_678, %mul3A_677 : i32
      %add3A_680 = arith.constant 10 : i32
      %add3A_681 = arith.addi %add3A_679, %add3A_680 : i32
      %dma_start3A_682 = arith.constant 0 : i32
      %dma_start3A_683 = tpu.memref_slice %arg6[%add3A_681, %dma_start3A_682] : memref<512x64xf32, #tpu.memory_space<vmem>> -> memref<1x64xf32, #tpu.memory_space<vmem>>
      %dma_start3A_684 = tpu.memref_squeeze %dma_start3A_683 : memref<1x64xf32, #tpu.memory_space<vmem>> -> memref<64xf32, #tpu.memory_space<vmem>>
      %dma_start3A_685 = arith.constant 0 : i32
      %dma_start3A_686 = tpu.memref_slice %arg3[%squeeze3A_673, %squeeze3A_675, %dma_start3A_685] : memref<125000x8x64xf32, #tpu.memory_space<hbm>> -> memref<1x1x64xf32, #tpu.memory_space<hbm>>
      %dma_start3A_687 = tpu.memref_squeeze %dma_start3A_686 : memref<1x1x64xf32, #tpu.memory_space<hbm>> -> memref<64xf32, #tpu.memory_space<hbm>>
      %dma_start3A_688 = arith.constant 0 : i32
      %dma_start3A_689 = tpu.memref_slice %arg6[%add3A_681, %dma_start3A_688] : memref<512x64xf32, #tpu.memory_space<vmem>> -> memref<1x64xf32, #tpu.memory_space<vmem>>
      %dma_start3A_690 = tpu.memref_squeeze %dma_start3A_689 : memref<1x64xf32, #tpu.memory_space<vmem>> -> memref<64xf32, #tpu.memory_space<vmem>>
      %dma_start3A_691 = arith.constant 0 : i32
      %dma_start3A_692 = tpu.memref_slice %arg3[%squeeze3A_673, %squeeze3A_675, %dma_start3A_691] : memref<125000x8x64xf32, #tpu.memory_space<hbm>> -> memref<1x1x64xf32, #tpu.memory_space<hbm>>
      %dma_start3A_693 = tpu.memref_squeeze %dma_start3A_692 : memref<1x1x64xf32, #tpu.memory_space<hbm>> -> memref<64xf32, #tpu.memory_space<hbm>>
      tpu.enqueue_dma source(%dma_start3A_693 : memref<64xf32, #tpu.memory_space<hbm>>) target(%dma_start3A_690 : memref<64xf32, #tpu.memory_space<vmem>>) target_semaphore(%arg9 : memref<!tpu.dma_semaphore, #tpu.memory_space<semaphore_mem>>)
      %slice3A_694 = vector.extract_strided_slice %shift_right_arithmetic3A_448 {offsets = [11], sizes = [1], strides = [1]} : vector<16xi32> to vector<1xi32>
      %squeeze3A_695 = vector.extract %slice3A_694[0] : i32 from vector<1xi32>
      %slice3A_696 = vector.extract_strided_slice %and3A_451 {offsets = [11], sizes = [1], strides = [1]} : vector<16xi32> to vector<1xi32>
      %squeeze3A_697 = vector.extract %slice3A_696[0] : i32 from vector<1xi32>
      %mul3A_698 = arith.constant 16 : i32
      %mul3A_699 = arith.muli %add3A_438, %mul3A_698 : i32
      %add3A_700 = arith.constant 256 : i32
      %add3A_701 = arith.addi %add3A_700, %mul3A_699 : i32
      %add3A_702 = arith.constant 11 : i32
      %add3A_703 = arith.addi %add3A_701, %add3A_702 : i32
      %dma_start3A_704 = arith.constant 0 : i32
      %dma_start3A_705 = tpu.memref_slice %arg6[%add3A_703, %dma_start3A_704] : memref<512x64xf32, #tpu.memory_space<vmem>> -> memref<1x64xf32, #tpu.memory_space<vmem>>
      %dma_start3A_706 = tpu.memref_squeeze %dma_start3A_705 : memref<1x64xf32, #tpu.memory_space<vmem>> -> memref<64xf32, #tpu.memory_space<vmem>>
      %dma_start3A_707 = arith.constant 0 : i32
      %dma_start3A_708 = tpu.memref_slice %arg3[%squeeze3A_695, %squeeze3A_697, %dma_start3A_707] : memref<125000x8x64xf32, #tpu.memory_space<hbm>> -> memref<1x1x64xf32, #tpu.memory_space<hbm>>
      %dma_start3A_709 = tpu.memref_squeeze %dma_start3A_708 : memref<1x1x64xf32, #tpu.memory_space<hbm>> -> memref<64xf32, #tpu.memory_space<hbm>>
      %dma_start3A_710 = arith.constant 0 : i32
      %dma_start3A_711 = tpu.memref_slice %arg6[%add3A_703, %dma_start3A_710] : memref<512x64xf32, #tpu.memory_space<vmem>> -> memref<1x64xf32, #tpu.memory_space<vmem>>
      %dma_start3A_712 = tpu.memref_squeeze %dma_start3A_711 : memref<1x64xf32, #tpu.memory_space<vmem>> -> memref<64xf32, #tpu.memory_space<vmem>>
      %dma_start3A_713 = arith.constant 0 : i32
      %dma_start3A_714 = tpu.memref_slice %arg3[%squeeze3A_695, %squeeze3A_697, %dma_start3A_713] : memref<125000x8x64xf32, #tpu.memory_space<hbm>> -> memref<1x1x64xf32, #tpu.memory_space<hbm>>
      %dma_start3A_715 = tpu.memref_squeeze %dma_start3A_714 : memref<1x1x64xf32, #tpu.memory_space<hbm>> -> memref<64xf32, #tpu.memory_space<hbm>>
      tpu.enqueue_dma source(%dma_start3A_715 : memref<64xf32, #tpu.memory_space<hbm>>) target(%dma_start3A_712 : memref<64xf32, #tpu.memory_space<vmem>>) target_semaphore(%arg9 : memref<!tpu.dma_semaphore, #tpu.memory_space<semaphore_mem>>)
      %slice3A_716 = vector.extract_strided_slice %shift_right_arithmetic3A_448 {offsets = [12], sizes = [1], strides = [1]} : vector<16xi32> to vector<1xi32>
      %squeeze3A_717 = vector.extract %slice3A_716[0] : i32 from vector<1xi32>
      %slice3A_718 = vector.extract_strided_slice %and3A_451 {offsets = [12], sizes = [1], strides = [1]} : vector<16xi32> to vector<1xi32>
      %squeeze3A_719 = vector.extract %slice3A_718[0] : i32 from vector<1xi32>
      %mul3A_720 = arith.constant 16 : i32
      %mul3A_721 = arith.muli %add3A_438, %mul3A_720 : i32
      %add3A_722 = arith.constant 256 : i32
      %add3A_723 = arith.addi %add3A_722, %mul3A_721 : i32
      %add3A_724 = arith.constant 12 : i32
      %add3A_725 = arith.addi %add3A_723, %add3A_724 : i32
      %dma_start3A_726 = arith.constant 0 : i32
      %dma_start3A_727 = tpu.memref_slice %arg6[%add3A_725, %dma_start3A_726] : memref<512x64xf32, #tpu.memory_space<vmem>> -> memref<1x64xf32, #tpu.memory_space<vmem>>
      %dma_start3A_728 = tpu.memref_squeeze %dma_start3A_727 : memref<1x64xf32, #tpu.memory_space<vmem>> -> memref<64xf32, #tpu.memory_space<vmem>>
      %dma_start3A_729 = arith.constant 0 : i32
      %dma_start3A_730 = tpu.memref_slice %arg3[%squeeze3A_717, %squeeze3A_719, %dma_start3A_729] : memref<125000x8x64xf32, #tpu.memory_space<hbm>> -> memref<1x1x64xf32, #tpu.memory_space<hbm>>
      %dma_start3A_731 = tpu.memref_squeeze %dma_start3A_730 : memref<1x1x64xf32, #tpu.memory_space<hbm>> -> memref<64xf32, #tpu.memory_space<hbm>>
      %dma_start3A_732 = arith.constant 0 : i32
      %dma_start3A_733 = tpu.memref_slice %arg6[%add3A_725, %dma_start3A_732] : memref<512x64xf32, #tpu.memory_space<vmem>> -> memref<1x64xf32, #tpu.memory_space<vmem>>
      %dma_start3A_734 = tpu.memref_squeeze %dma_start3A_733 : memref<1x64xf32, #tpu.memory_space<vmem>> -> memref<64xf32, #tpu.memory_space<vmem>>
      %dma_start3A_735 = arith.constant 0 : i32
      %dma_start3A_736 = tpu.memref_slice %arg3[%squeeze3A_717, %squeeze3A_719, %dma_start3A_735] : memref<125000x8x64xf32, #tpu.memory_space<hbm>> -> memref<1x1x64xf32, #tpu.memory_space<hbm>>
      %dma_start3A_737 = tpu.memref_squeeze %dma_start3A_736 : memref<1x1x64xf32, #tpu.memory_space<hbm>> -> memref<64xf32, #tpu.memory_space<hbm>>
      tpu.enqueue_dma source(%dma_start3A_737 : memref<64xf32, #tpu.memory_space<hbm>>) target(%dma_start3A_734 : memref<64xf32, #tpu.memory_space<vmem>>) target_semaphore(%arg9 : memref<!tpu.dma_semaphore, #tpu.memory_space<semaphore_mem>>)
      %slice3A_738 = vector.extract_strided_slice %shift_right_arithmetic3A_448 {offsets = [13], sizes = [1], strides = [1]} : vector<16xi32> to vector<1xi32>
      %squeeze3A_739 = vector.extract %slice3A_738[0] : i32 from vector<1xi32>
      %slice3A_740 = vector.extract_strided_slice %and3A_451 {offsets = [13], sizes = [1], strides = [1]} : vector<16xi32> to vector<1xi32>
      %squeeze3A_741 = vector.extract %slice3A_740[0] : i32 from vector<1xi32>
      %mul3A_742 = arith.constant 16 : i32
      %mul3A_743 = arith.muli %add3A_438, %mul3A_742 : i32
      %add3A_744 = arith.constant 256 : i32
      %add3A_745 = arith.addi %add3A_744, %mul3A_743 : i32
      %add3A_746 = arith.constant 13 : i32
      %add3A_747 = arith.addi %add3A_745, %add3A_746 : i32
      %dma_start3A_748 = arith.constant 0 : i32
      %dma_start3A_749 = tpu.memref_slice %arg6[%add3A_747, %dma_start3A_748] : memref<512x64xf32, #tpu.memory_space<vmem>> -> memref<1x64xf32, #tpu.memory_space<vmem>>
      %dma_start3A_750 = tpu.memref_squeeze %dma_start3A_749 : memref<1x64xf32, #tpu.memory_space<vmem>> -> memref<64xf32, #tpu.memory_space<vmem>>
      %dma_start3A_751 = arith.constant 0 : i32
      %dma_start3A_752 = tpu.memref_slice %arg3[%squeeze3A_739, %squeeze3A_741, %dma_start3A_751] : memref<125000x8x64xf32, #tpu.memory_space<hbm>> -> memref<1x1x64xf32, #tpu.memory_space<hbm>>
      %dma_start3A_753 = tpu.memref_squeeze %dma_start3A_752 : memref<1x1x64xf32, #tpu.memory_space<hbm>> -> memref<64xf32, #tpu.memory_space<hbm>>
      %dma_start3A_754 = arith.constant 0 : i32
      %dma_start3A_755 = tpu.memref_slice %arg6[%add3A_747, %dma_start3A_754] : memref<512x64xf32, #tpu.memory_space<vmem>> -> memref<1x64xf32, #tpu.memory_space<vmem>>
      %dma_start3A_756 = tpu.memref_squeeze %dma_start3A_755 : memref<1x64xf32, #tpu.memory_space<vmem>> -> memref<64xf32, #tpu.memory_space<vmem>>
      %dma_start3A_757 = arith.constant 0 : i32
      %dma_start3A_758 = tpu.memref_slice %arg3[%squeeze3A_739, %squeeze3A_741, %dma_start3A_757] : memref<125000x8x64xf32, #tpu.memory_space<hbm>> -> memref<1x1x64xf32, #tpu.memory_space<hbm>>
      %dma_start3A_759 = tpu.memref_squeeze %dma_start3A_758 : memref<1x1x64xf32, #tpu.memory_space<hbm>> -> memref<64xf32, #tpu.memory_space<hbm>>
      tpu.enqueue_dma source(%dma_start3A_759 : memref<64xf32, #tpu.memory_space<hbm>>) target(%dma_start3A_756 : memref<64xf32, #tpu.memory_space<vmem>>) target_semaphore(%arg9 : memref<!tpu.dma_semaphore, #tpu.memory_space<semaphore_mem>>)
      %slice3A_760 = vector.extract_strided_slice %shift_right_arithmetic3A_448 {offsets = [14], sizes = [1], strides = [1]} : vector<16xi32> to vector<1xi32>
      %squeeze3A_761 = vector.extract %slice3A_760[0] : i32 from vector<1xi32>
      %slice3A_762 = vector.extract_strided_slice %and3A_451 {offsets = [14], sizes = [1], strides = [1]} : vector<16xi32> to vector<1xi32>
      %squeeze3A_763 = vector.extract %slice3A_762[0] : i32 from vector<1xi32>
      %mul3A_764 = arith.constant 16 : i32
      %mul3A_765 = arith.muli %add3A_438, %mul3A_764 : i32
      %add3A_766 = arith.constant 256 : i32
      %add3A_767 = arith.addi %add3A_766, %mul3A_765 : i32
      %add3A_768 = arith.constant 14 : i32
      %add3A_769 = arith.addi %add3A_767, %add3A_768 : i32
      %dma_start3A_770 = arith.constant 0 : i32
      %dma_start3A_771 = tpu.memref_slice %arg6[%add3A_769, %dma_start3A_770] : memref<512x64xf32, #tpu.memory_space<vmem>> -> memref<1x64xf32, #tpu.memory_space<vmem>>
      %dma_start3A_772 = tpu.memref_squeeze %dma_start3A_771 : memref<1x64xf32, #tpu.memory_space<vmem>> -> memref<64xf32, #tpu.memory_space<vmem>>
      %dma_start3A_773 = arith.constant 0 : i32
      %dma_start3A_774 = tpu.memref_slice %arg3[%squeeze3A_761, %squeeze3A_763, %dma_start3A_773] : memref<125000x8x64xf32, #tpu.memory_space<hbm>> -> memref<1x1x64xf32, #tpu.memory_space<hbm>>
      %dma_start3A_775 = tpu.memref_squeeze %dma_start3A_774 : memref<1x1x64xf32, #tpu.memory_space<hbm>> -> memref<64xf32, #tpu.memory_space<hbm>>
      %dma_start3A_776 = arith.constant 0 : i32
      %dma_start3A_777 = tpu.memref_slice %arg6[%add3A_769, %dma_start3A_776] : memref<512x64xf32, #tpu.memory_space<vmem>> -> memref<1x64xf32, #tpu.memory_space<vmem>>
      %dma_start3A_778 = tpu.memref_squeeze %dma_start3A_777 : memref<1x64xf32, #tpu.memory_space<vmem>> -> memref<64xf32, #tpu.memory_space<vmem>>
      %dma_start3A_779 = arith.constant 0 : i32
      %dma_start3A_780 = tpu.memref_slice %arg3[%squeeze3A_761, %squeeze3A_763, %dma_start3A_779] : memref<125000x8x64xf32, #tpu.memory_space<hbm>> -> memref<1x1x64xf32, #tpu.memory_space<hbm>>
      %dma_start3A_781 = tpu.memref_squeeze %dma_start3A_780 : memref<1x1x64xf32, #tpu.memory_space<hbm>> -> memref<64xf32, #tpu.memory_space<hbm>>
      tpu.enqueue_dma source(%dma_start3A_781 : memref<64xf32, #tpu.memory_space<hbm>>) target(%dma_start3A_778 : memref<64xf32, #tpu.memory_space<vmem>>) target_semaphore(%arg9 : memref<!tpu.dma_semaphore, #tpu.memory_space<semaphore_mem>>)
      %slice3A_782 = vector.extract_strided_slice %shift_right_arithmetic3A_448 {offsets = [15], sizes = [1], strides = [1]} : vector<16xi32> to vector<1xi32>
      %squeeze3A_783 = vector.extract %slice3A_782[0] : i32 from vector<1xi32>
      %slice3A_784 = vector.extract_strided_slice %and3A_451 {offsets = [15], sizes = [1], strides = [1]} : vector<16xi32> to vector<1xi32>
      %squeeze3A_785 = vector.extract %slice3A_784[0] : i32 from vector<1xi32>
      %mul3A_786 = arith.constant 16 : i32
      %mul3A_787 = arith.muli %add3A_438, %mul3A_786 : i32
      %add3A_788 = arith.constant 256 : i32
      %add3A_789 = arith.addi %add3A_788, %mul3A_787 : i32
      %add3A_790 = arith.constant 15 : i32
      %add3A_791 = arith.addi %add3A_789, %add3A_790 : i32
      %dma_start3A_792 = arith.constant 0 : i32
      %dma_start3A_793 = tpu.memref_slice %arg6[%add3A_791, %dma_start3A_792] : memref<512x64xf32, #tpu.memory_space<vmem>> -> memref<1x64xf32, #tpu.memory_space<vmem>>
      %dma_start3A_794 = tpu.memref_squeeze %dma_start3A_793 : memref<1x64xf32, #tpu.memory_space<vmem>> -> memref<64xf32, #tpu.memory_space<vmem>>
      %dma_start3A_795 = arith.constant 0 : i32
      %dma_start3A_796 = tpu.memref_slice %arg3[%squeeze3A_783, %squeeze3A_785, %dma_start3A_795] : memref<125000x8x64xf32, #tpu.memory_space<hbm>> -> memref<1x1x64xf32, #tpu.memory_space<hbm>>
      %dma_start3A_797 = tpu.memref_squeeze %dma_start3A_796 : memref<1x1x64xf32, #tpu.memory_space<hbm>> -> memref<64xf32, #tpu.memory_space<hbm>>
      %dma_start3A_798 = arith.constant 0 : i32
      %dma_start3A_799 = tpu.memref_slice %arg6[%add3A_791, %dma_start3A_798] : memref<512x64xf32, #tpu.memory_space<vmem>> -> memref<1x64xf32, #tpu.memory_space<vmem>>
      %dma_start3A_800 = tpu.memref_squeeze %dma_start3A_799 : memref<1x64xf32, #tpu.memory_space<vmem>> -> memref<64xf32, #tpu.memory_space<vmem>>
      %dma_start3A_801 = arith.constant 0 : i32
      %dma_start3A_802 = tpu.memref_slice %arg3[%squeeze3A_783, %squeeze3A_785, %dma_start3A_801] : memref<125000x8x64xf32, #tpu.memory_space<hbm>> -> memref<1x1x64xf32, #tpu.memory_space<hbm>>
      %dma_start3A_803 = tpu.memref_squeeze %dma_start3A_802 : memref<1x1x64xf32, #tpu.memory_space<hbm>> -> memref<64xf32, #tpu.memory_space<hbm>>
      tpu.enqueue_dma source(%dma_start3A_803 : memref<64xf32, #tpu.memory_space<hbm>>) target(%dma_start3A_800 : memref<64xf32, #tpu.memory_space<vmem>>) target_semaphore(%arg9 : memref<!tpu.dma_semaphore, #tpu.memory_space<semaphore_mem>>)
    }
    %scan3A_16 = arith.constant 8 : i32
    %scan3A_17 = arith.constant 0 : i32
    %scan3A_18 = arith.constant 8 : i32
    %scan3A_19 = arith.addi %scan3A_17, %scan3A_18 : i32
    %scan3A_20 = arith.constant 2 : i32
    scf.for %scan3A_69 = %scan3A_17 to %scan3A_19 step %scan3A_20  : i32 {
      %mul3A_70 = arith.constant 1 : i32
      %mul3A_71 = arith.muli %scan3A_69, %mul3A_70 : i32
      %add3A_72 = arith.constant 0 : i32
      %add3A_73 = arith.addi %add3A_72, %mul3A_71 : i32
      %mul3A_74 = arith.constant 16 : i32
      %mul3A_75 = arith.muli %add3A_73, %mul3A_74 : i32
      %add3A_76 = arith.constant 384 : i32
      %add3A_77 = arith.addi %add3A_76, %mul3A_75 : i32
      %get3A = arith.index_cast %add3A_77 : i32 to index
      %get3A_78 = tpu.vector_load %arg5[%get3A] {strides = array<i32>} : memref<512xi32, #tpu.memory_space<vmem>>, vector<16xi32>,
      %get3A_79 = vector.shape_cast %get3A_78 : vector<16xi32> to vector<16xi32>
      %shift_right_arithmetic3A = arith.constant 3 : i32
      %shift_right_arithmetic3A_80 = vector.broadcast %shift_right_arithmetic3A : i32 to vector<16xi32>
      %shift_right_arithmetic3A_81 = arith.shrsi %get3A_79, %shift_right_arithmetic3A_80 : vector<16xi32>
      %and3A = arith.constant 7 : i32
      %and3A_82 = vector.broadcast %and3A : i32 to vector<16xi32>
      %and3A_83 = arith.andi %get3A_79, %and3A_82 : vector<16xi32>
      %slice3A = vector.extract_strided_slice %shift_right_arithmetic3A_81 {offsets = [0], sizes = [1], strides = [1]} : vector<16xi32> to vector<1xi32>
      %squeeze3A = vector.extract %slice3A[0] : i32 from vector<1xi32>
      %slice3A_84 = vector.extract_strided_slice %and3A_83 {offsets = [0], sizes = [1], strides = [1]} : vector<16xi32> to vector<1xi32>
      %squeeze3A_85 = vector.extract %slice3A_84[0] : i32 from vector<1xi32>
      %mul3A_86 = arith.constant 16 : i32
      %mul3A_87 = arith.muli %add3A_73, %mul3A_86 : i32
      %add3A_88 = arith.constant 384 : i32
      %add3A_89 = arith.addi %add3A_88, %mul3A_87 : i32
      %add3A_90 = arith.constant 0 : i32
      %add3A_91 = arith.addi %add3A_89, %add3A_90 : i32
      %dma_start3A = arith.constant 0 : i32
      %dma_start3A_92 = tpu.memref_slice %arg6[%add3A_91, %dma_start3A] : memref<512x64xf32, #tpu.memory_space<vmem>> -> memref<1x64xf32, #tpu.memory_space<vmem>>
      %dma_start3A_93 = tpu.memref_squeeze %dma_start3A_92 : memref<1x64xf32, #tpu.memory_space<vmem>> -> memref<64xf32, #tpu.memory_space<vmem>>
      %dma_start3A_94 = arith.constant 0 : i32
      %dma_start3A_95 = tpu.memref_slice %arg3[%squeeze3A, %squeeze3A_85, %dma_start3A_94] : memref<125000x8x64xf32, #tpu.memory_space<hbm>> -> memref<1x1x64xf32, #tpu.memory_space<hbm>>
      %dma_start3A_96 = tpu.memref_squeeze %dma_start3A_95 : memref<1x1x64xf32, #tpu.memory_space<hbm>> -> memref<64xf32, #tpu.memory_space<hbm>>
      %dma_start3A_97 = arith.constant 0 : i32
      %dma_start3A_98 = tpu.memref_slice %arg6[%add3A_91, %dma_start3A_97] : memref<512x64xf32, #tpu.memory_space<vmem>> -> memref<1x64xf32, #tpu.memory_space<vmem>>
      %dma_start3A_99 = tpu.memref_squeeze %dma_start3A_98 : memref<1x64xf32, #tpu.memory_space<vmem>> -> memref<64xf32, #tpu.memory_space<vmem>>
      %dma_start3A_100 = arith.constant 0 : i32
      %dma_start3A_101 = tpu.memref_slice %arg3[%squeeze3A, %squeeze3A_85, %dma_start3A_100] : memref<125000x8x64xf32, #tpu.memory_space<hbm>> -> memref<1x1x64xf32, #tpu.memory_space<hbm>>
      %dma_start3A_102 = tpu.memref_squeeze %dma_start3A_101 : memref<1x1x64xf32, #tpu.memory_space<hbm>> -> memref<64xf32, #tpu.memory_space<hbm>>
      tpu.enqueue_dma source(%dma_start3A_102 : memref<64xf32, #tpu.memory_space<hbm>>) target(%dma_start3A_99 : memref<64xf32, #tpu.memory_space<vmem>>) target_semaphore(%arg10 : memref<!tpu.dma_semaphore, #tpu.memory_space<semaphore_mem>>)
      %slice3A_103 = vector.extract_strided_slice %shift_right_arithmetic3A_81 {offsets = [1], sizes = [1], strides = [1]} : vector<16xi32> to vector<1xi32>
      %squeeze3A_104 = vector.extract %slice3A_103[0] : i32 from vector<1xi32>
      %slice3A_105 = vector.extract_strided_slice %and3A_83 {offsets = [1], sizes = [1], strides = [1]} : vector<16xi32> to vector<1xi32>
      %squeeze3A_106 = vector.extract %slice3A_105[0] : i32 from vector<1xi32>
      %mul3A_107 = arith.constant 16 : i32
      %mul3A_108 = arith.muli %add3A_73, %mul3A_107 : i32
      %add3A_109 = arith.constant 384 : i32
      %add3A_110 = arith.addi %add3A_109, %mul3A_108 : i32
      %add3A_111 = arith.constant 1 : i32
      %add3A_112 = arith.addi %add3A_110, %add3A_111 : i32
      %dma_start3A_113 = arith.constant 0 : i32
      %dma_start3A_114 = tpu.memref_slice %arg6[%add3A_112, %dma_start3A_113] : memref<512x64xf32, #tpu.memory_space<vmem>> -> memref<1x64xf32, #tpu.memory_space<vmem>>
      %dma_start3A_115 = tpu.memref_squeeze %dma_start3A_114 : memref<1x64xf32, #tpu.memory_space<vmem>> -> memref<64xf32, #tpu.memory_space<vmem>>
      %dma_start3A_116 = arith.constant 0 : i32
      %dma_start3A_117 = tpu.memref_slice %arg3[%squeeze3A_104, %squeeze3A_106, %dma_start3A_116] : memref<125000x8x64xf32, #tpu.memory_space<hbm>> -> memref<1x1x64xf32, #tpu.memory_space<hbm>>
      %dma_start3A_118 = tpu.memref_squeeze %dma_start3A_117 : memref<1x1x64xf32, #tpu.memory_space<hbm>> -> memref<64xf32, #tpu.memory_space<hbm>>
      %dma_start3A_119 = arith.constant 0 : i32
      %dma_start3A_120 = tpu.memref_slice %arg6[%add3A_112, %dma_start3A_119] : memref<512x64xf32, #tpu.memory_space<vmem>> -> memref<1x64xf32, #tpu.memory_space<vmem>>
      %dma_start3A_121 = tpu.memref_squeeze %dma_start3A_120 : memref<1x64xf32, #tpu.memory_space<vmem>> -> memref<64xf32, #tpu.memory_space<vmem>>
      %dma_start3A_122 = arith.constant 0 : i32
      %dma_start3A_123 = tpu.memref_slice %arg3[%squeeze3A_104, %squeeze3A_106, %dma_start3A_122] : memref<125000x8x64xf32, #tpu.memory_space<hbm>> -> memref<1x1x64xf32, #tpu.memory_space<hbm>>
      %dma_start3A_124 = tpu.memref_squeeze %dma_start3A_123 : memref<1x1x64xf32, #tpu.memory_space<hbm>> -> memref<64xf32, #tpu.memory_space<hbm>>
      tpu.enqueue_dma source(%dma_start3A_124 : memref<64xf32, #tpu.memory_space<hbm>>) target(%dma_start3A_121 : memref<64xf32, #tpu.memory_space<vmem>>) target_semaphore(%arg10 : memref<!tpu.dma_semaphore, #tpu.memory_space<semaphore_mem>>)
      %slice3A_125 = vector.extract_strided_slice %shift_right_arithmetic3A_81 {offsets = [2], sizes = [1], strides = [1]} : vector<16xi32> to vector<1xi32>
      %squeeze3A_126 = vector.extract %slice3A_125[0] : i32 from vector<1xi32>
      %slice3A_127 = vector.extract_strided_slice %and3A_83 {offsets = [2], sizes = [1], strides = [1]} : vector<16xi32> to vector<1xi32>
      %squeeze3A_128 = vector.extract %slice3A_127[0] : i32 from vector<1xi32>
      %mul3A_129 = arith.constant 16 : i32
      %mul3A_130 = arith.muli %add3A_73, %mul3A_129 : i32
      %add3A_131 = arith.constant 384 : i32
      %add3A_132 = arith.addi %add3A_131, %mul3A_130 : i32
      %add3A_133 = arith.constant 2 : i32
      %add3A_134 = arith.addi %add3A_132, %add3A_133 : i32
      %dma_start3A_135 = arith.constant 0 : i32
      %dma_start3A_136 = tpu.memref_slice %arg6[%add3A_134, %dma_start3A_135] : memref<512x64xf32, #tpu.memory_space<vmem>> -> memref<1x64xf32, #tpu.memory_space<vmem>>
      %dma_start3A_137 = tpu.memref_squeeze %dma_start3A_136 : memref<1x64xf32, #tpu.memory_space<vmem>> -> memref<64xf32, #tpu.memory_space<vmem>>
      %dma_start3A_138 = arith.constant 0 : i32
      %dma_start3A_139 = tpu.memref_slice %arg3[%squeeze3A_126, %squeeze3A_128, %dma_start3A_138] : memref<125000x8x64xf32, #tpu.memory_space<hbm>> -> memref<1x1x64xf32, #tpu.memory_space<hbm>>
      %dma_start3A_140 = tpu.memref_squeeze %dma_start3A_139 : memref<1x1x64xf32, #tpu.memory_space<hbm>> -> memref<64xf32, #tpu.memory_space<hbm>>
      %dma_start3A_141 = arith.constant 0 : i32
      %dma_start3A_142 = tpu.memref_slice %arg6[%add3A_134, %dma_start3A_141] : memref<512x64xf32, #tpu.memory_space<vmem>> -> memref<1x64xf32, #tpu.memory_space<vmem>>
      %dma_start3A_143 = tpu.memref_squeeze %dma_start3A_142 : memref<1x64xf32, #tpu.memory_space<vmem>> -> memref<64xf32, #tpu.memory_space<vmem>>
      %dma_start3A_144 = arith.constant 0 : i32
      %dma_start3A_145 = tpu.memref_slice %arg3[%squeeze3A_126, %squeeze3A_128, %dma_start3A_144] : memref<125000x8x64xf32, #tpu.memory_space<hbm>> -> memref<1x1x64xf32, #tpu.memory_space<hbm>>
      %dma_start3A_146 = tpu.memref_squeeze %dma_start3A_145 : memref<1x1x64xf32, #tpu.memory_space<hbm>> -> memref<64xf32, #tpu.memory_space<hbm>>
      tpu.enqueue_dma source(%dma_start3A_146 : memref<64xf32, #tpu.memory_space<hbm>>) target(%dma_start3A_143 : memref<64xf32, #tpu.memory_space<vmem>>) target_semaphore(%arg10 : memref<!tpu.dma_semaphore, #tpu.memory_space<semaphore_mem>>)
      %slice3A_147 = vector.extract_strided_slice %shift_right_arithmetic3A_81 {offsets = [3], sizes = [1], strides = [1]} : vector<16xi32> to vector<1xi32>
      %squeeze3A_148 = vector.extract %slice3A_147[0] : i32 from vector<1xi32>
      %slice3A_149 = vector.extract_strided_slice %and3A_83 {offsets = [3], sizes = [1], strides = [1]} : vector<16xi32> to vector<1xi32>
      %squeeze3A_150 = vector.extract %slice3A_149[0] : i32 from vector<1xi32>
      %mul3A_151 = arith.constant 16 : i32
      %mul3A_152 = arith.muli %add3A_73, %mul3A_151 : i32
      %add3A_153 = arith.constant 384 : i32
      %add3A_154 = arith.addi %add3A_153, %mul3A_152 : i32
      %add3A_155 = arith.constant 3 : i32
      %add3A_156 = arith.addi %add3A_154, %add3A_155 : i32
      %dma_start3A_157 = arith.constant 0 : i32
      %dma_start3A_158 = tpu.memref_slice %arg6[%add3A_156, %dma_start3A_157] : memref<512x64xf32, #tpu.memory_space<vmem>> -> memref<1x64xf32, #tpu.memory_space<vmem>>
      %dma_start3A_159 = tpu.memref_squeeze %dma_start3A_158 : memref<1x64xf32, #tpu.memory_space<vmem>> -> memref<64xf32, #tpu.memory_space<vmem>>
      %dma_start3A_160 = arith.constant 0 : i32
      %dma_start3A_161 = tpu.memref_slice %arg3[%squeeze3A_148, %squeeze3A_150, %dma_start3A_160] : memref<125000x8x64xf32, #tpu.memory_space<hbm>> -> memref<1x1x64xf32, #tpu.memory_space<hbm>>
      %dma_start3A_162 = tpu.memref_squeeze %dma_start3A_161 : memref<1x1x64xf32, #tpu.memory_space<hbm>> -> memref<64xf32, #tpu.memory_space<hbm>>
      %dma_start3A_163 = arith.constant 0 : i32
      %dma_start3A_164 = tpu.memref_slice %arg6[%add3A_156, %dma_start3A_163] : memref<512x64xf32, #tpu.memory_space<vmem>> -> memref<1x64xf32, #tpu.memory_space<vmem>>
      %dma_start3A_165 = tpu.memref_squeeze %dma_start3A_164 : memref<1x64xf32, #tpu.memory_space<vmem>> -> memref<64xf32, #tpu.memory_space<vmem>>
      %dma_start3A_166 = arith.constant 0 : i32
      %dma_start3A_167 = tpu.memref_slice %arg3[%squeeze3A_148, %squeeze3A_150, %dma_start3A_166] : memref<125000x8x64xf32, #tpu.memory_space<hbm>> -> memref<1x1x64xf32, #tpu.memory_space<hbm>>
      %dma_start3A_168 = tpu.memref_squeeze %dma_start3A_167 : memref<1x1x64xf32, #tpu.memory_space<hbm>> -> memref<64xf32, #tpu.memory_space<hbm>>
      tpu.enqueue_dma source(%dma_start3A_168 : memref<64xf32, #tpu.memory_space<hbm>>) target(%dma_start3A_165 : memref<64xf32, #tpu.memory_space<vmem>>) target_semaphore(%arg10 : memref<!tpu.dma_semaphore, #tpu.memory_space<semaphore_mem>>)
      %slice3A_169 = vector.extract_strided_slice %shift_right_arithmetic3A_81 {offsets = [4], sizes = [1], strides = [1]} : vector<16xi32> to vector<1xi32>
      %squeeze3A_170 = vector.extract %slice3A_169[0] : i32 from vector<1xi32>
      %slice3A_171 = vector.extract_strided_slice %and3A_83 {offsets = [4], sizes = [1], strides = [1]} : vector<16xi32> to vector<1xi32>
      %squeeze3A_172 = vector.extract %slice3A_171[0] : i32 from vector<1xi32>
      %mul3A_173 = arith.constant 16 : i32
      %mul3A_174 = arith.muli %add3A_73, %mul3A_173 : i32
      %add3A_175 = arith.constant 384 : i32
      %add3A_176 = arith.addi %add3A_175, %mul3A_174 : i32
      %add3A_177 = arith.constant 4 : i32
      %add3A_178 = arith.addi %add3A_176, %add3A_177 : i32
      %dma_start3A_179 = arith.constant 0 : i32
      %dma_start3A_180 = tpu.memref_slice %arg6[%add3A_178, %dma_start3A_179] : memref<512x64xf32, #tpu.memory_space<vmem>> -> memref<1x64xf32, #tpu.memory_space<vmem>>
      %dma_start3A_181 = tpu.memref_squeeze %dma_start3A_180 : memref<1x64xf32, #tpu.memory_space<vmem>> -> memref<64xf32, #tpu.memory_space<vmem>>
      %dma_start3A_182 = arith.constant 0 : i32
      %dma_start3A_183 = tpu.memref_slice %arg3[%squeeze3A_170, %squeeze3A_172, %dma_start3A_182] : memref<125000x8x64xf32, #tpu.memory_space<hbm>> -> memref<1x1x64xf32, #tpu.memory_space<hbm>>
      %dma_start3A_184 = tpu.memref_squeeze %dma_start3A_183 : memref<1x1x64xf32, #tpu.memory_space<hbm>> -> memref<64xf32, #tpu.memory_space<hbm>>
      %dma_start3A_185 = arith.constant 0 : i32
      %dma_start3A_186 = tpu.memref_slice %arg6[%add3A_178, %dma_start3A_185] : memref<512x64xf32, #tpu.memory_space<vmem>> -> memref<1x64xf32, #tpu.memory_space<vmem>>
      %dma_start3A_187 = tpu.memref_squeeze %dma_start3A_186 : memref<1x64xf32, #tpu.memory_space<vmem>> -> memref<64xf32, #tpu.memory_space<vmem>>
      %dma_start3A_188 = arith.constant 0 : i32
      %dma_start3A_189 = tpu.memref_slice %arg3[%squeeze3A_170, %squeeze3A_172, %dma_start3A_188] : memref<125000x8x64xf32, #tpu.memory_space<hbm>> -> memref<1x1x64xf32, #tpu.memory_space<hbm>>
      %dma_start3A_190 = tpu.memref_squeeze %dma_start3A_189 : memref<1x1x64xf32, #tpu.memory_space<hbm>> -> memref<64xf32, #tpu.memory_space<hbm>>
      tpu.enqueue_dma source(%dma_start3A_190 : memref<64xf32, #tpu.memory_space<hbm>>) target(%dma_start3A_187 : memref<64xf32, #tpu.memory_space<vmem>>) target_semaphore(%arg10 : memref<!tpu.dma_semaphore, #tpu.memory_space<semaphore_mem>>)
      %slice3A_191 = vector.extract_strided_slice %shift_right_arithmetic3A_81 {offsets = [5], sizes = [1], strides = [1]} : vector<16xi32> to vector<1xi32>
      %squeeze3A_192 = vector.extract %slice3A_191[0] : i32 from vector<1xi32>
      %slice3A_193 = vector.extract_strided_slice %and3A_83 {offsets = [5], sizes = [1], strides = [1]} : vector<16xi32> to vector<1xi32>
      %squeeze3A_194 = vector.extract %slice3A_193[0] : i32 from vector<1xi32>
      %mul3A_195 = arith.constant 16 : i32
      %mul3A_196 = arith.muli %add3A_73, %mul3A_195 : i32
      %add3A_197 = arith.constant 384 : i32
      %add3A_198 = arith.addi %add3A_197, %mul3A_196 : i32
      %add3A_199 = arith.constant 5 : i32
      %add3A_200 = arith.addi %add3A_198, %add3A_199 : i32
      %dma_start3A_201 = arith.constant 0 : i32
      %dma_start3A_202 = tpu.memref_slice %arg6[%add3A_200, %dma_start3A_201] : memref<512x64xf32, #tpu.memory_space<vmem>> -> memref<1x64xf32, #tpu.memory_space<vmem>>
      %dma_start3A_203 = tpu.memref_squeeze %dma_start3A_202 : memref<1x64xf32, #tpu.memory_space<vmem>> -> memref<64xf32, #tpu.memory_space<vmem>>
      %dma_start3A_204 = arith.constant 0 : i32
      %dma_start3A_205 = tpu.memref_slice %arg3[%squeeze3A_192, %squeeze3A_194, %dma_start3A_204] : memref<125000x8x64xf32, #tpu.memory_space<hbm>> -> memref<1x1x64xf32, #tpu.memory_space<hbm>>
      %dma_start3A_206 = tpu.memref_squeeze %dma_start3A_205 : memref<1x1x64xf32, #tpu.memory_space<hbm>> -> memref<64xf32, #tpu.memory_space<hbm>>
      %dma_start3A_207 = arith.constant 0 : i32
      %dma_start3A_208 = tpu.memref_slice %arg6[%add3A_200, %dma_start3A_207] : memref<512x64xf32, #tpu.memory_space<vmem>> -> memref<1x64xf32, #tpu.memory_space<vmem>>
      %dma_start3A_209 = tpu.memref_squeeze %dma_start3A_208 : memref<1x64xf32, #tpu.memory_space<vmem>> -> memref<64xf32, #tpu.memory_space<vmem>>
      %dma_start3A_210 = arith.constant 0 : i32
      %dma_start3A_211 = tpu.memref_slice %arg3[%squeeze3A_192, %squeeze3A_194, %dma_start3A_210] : memref<125000x8x64xf32, #tpu.memory_space<hbm>> -> memref<1x1x64xf32, #tpu.memory_space<hbm>>
      %dma_start3A_212 = tpu.memref_squeeze %dma_start3A_211 : memref<1x1x64xf32, #tpu.memory_space<hbm>> -> memref<64xf32, #tpu.memory_space<hbm>>
      tpu.enqueue_dma source(%dma_start3A_212 : memref<64xf32, #tpu.memory_space<hbm>>) target(%dma_start3A_209 : memref<64xf32, #tpu.memory_space<vmem>>) target_semaphore(%arg10 : memref<!tpu.dma_semaphore, #tpu.memory_space<semaphore_mem>>)
      %slice3A_213 = vector.extract_strided_slice %shift_right_arithmetic3A_81 {offsets = [6], sizes = [1], strides = [1]} : vector<16xi32> to vector<1xi32>
      %squeeze3A_214 = vector.extract %slice3A_213[0] : i32 from vector<1xi32>
      %slice3A_215 = vector.extract_strided_slice %and3A_83 {offsets = [6], sizes = [1], strides = [1]} : vector<16xi32> to vector<1xi32>
      %squeeze3A_216 = vector.extract %slice3A_215[0] : i32 from vector<1xi32>
      %mul3A_217 = arith.constant 16 : i32
      %mul3A_218 = arith.muli %add3A_73, %mul3A_217 : i32
      %add3A_219 = arith.constant 384 : i32
      %add3A_220 = arith.addi %add3A_219, %mul3A_218 : i32
      %add3A_221 = arith.constant 6 : i32
      %add3A_222 = arith.addi %add3A_220, %add3A_221 : i32
      %dma_start3A_223 = arith.constant 0 : i32
      %dma_start3A_224 = tpu.memref_slice %arg6[%add3A_222, %dma_start3A_223] : memref<512x64xf32, #tpu.memory_space<vmem>> -> memref<1x64xf32, #tpu.memory_space<vmem>>
      %dma_start3A_225 = tpu.memref_squeeze %dma_start3A_224 : memref<1x64xf32, #tpu.memory_space<vmem>> -> memref<64xf32, #tpu.memory_space<vmem>>
      %dma_start3A_226 = arith.constant 0 : i32
      %dma_start3A_227 = tpu.memref_slice %arg3[%squeeze3A_214, %squeeze3A_216, %dma_start3A_226] : memref<125000x8x64xf32, #tpu.memory_space<hbm>> -> memref<1x1x64xf32, #tpu.memory_space<hbm>>
      %dma_start3A_228 = tpu.memref_squeeze %dma_start3A_227 : memref<1x1x64xf32, #tpu.memory_space<hbm>> -> memref<64xf32, #tpu.memory_space<hbm>>
      %dma_start3A_229 = arith.constant 0 : i32
      %dma_start3A_230 = tpu.memref_slice %arg6[%add3A_222, %dma_start3A_229] : memref<512x64xf32, #tpu.memory_space<vmem>> -> memref<1x64xf32, #tpu.memory_space<vmem>>
      %dma_start3A_231 = tpu.memref_squeeze %dma_start3A_230 : memref<1x64xf32, #tpu.memory_space<vmem>> -> memref<64xf32, #tpu.memory_space<vmem>>
      %dma_start3A_232 = arith.constant 0 : i32
      %dma_start3A_233 = tpu.memref_slice %arg3[%squeeze3A_214, %squeeze3A_216, %dma_start3A_232] : memref<125000x8x64xf32, #tpu.memory_space<hbm>> -> memref<1x1x64xf32, #tpu.memory_space<hbm>>
      %dma_start3A_234 = tpu.memref_squeeze %dma_start3A_233 : memref<1x1x64xf32, #tpu.memory_space<hbm>> -> memref<64xf32, #tpu.memory_space<hbm>>
      tpu.enqueue_dma source(%dma_start3A_234 : memref<64xf32, #tpu.memory_space<hbm>>) target(%dma_start3A_231 : memref<64xf32, #tpu.memory_space<vmem>>) target_semaphore(%arg10 : memref<!tpu.dma_semaphore, #tpu.memory_space<semaphore_mem>>)
      %slice3A_235 = vector.extract_strided_slice %shift_right_arithmetic3A_81 {offsets = [7], sizes = [1], strides = [1]} : vector<16xi32> to vector<1xi32>
      %squeeze3A_236 = vector.extract %slice3A_235[0] : i32 from vector<1xi32>
      %slice3A_237 = vector.extract_strided_slice %and3A_83 {offsets = [7], sizes = [1], strides = [1]} : vector<16xi32> to vector<1xi32>
      %squeeze3A_238 = vector.extract %slice3A_237[0] : i32 from vector<1xi32>
      %mul3A_239 = arith.constant 16 : i32
      %mul3A_240 = arith.muli %add3A_73, %mul3A_239 : i32
      %add3A_241 = arith.constant 384 : i32
      %add3A_242 = arith.addi %add3A_241, %mul3A_240 : i32
      %add3A_243 = arith.constant 7 : i32
      %add3A_244 = arith.addi %add3A_242, %add3A_243 : i32
      %dma_start3A_245 = arith.constant 0 : i32
      %dma_start3A_246 = tpu.memref_slice %arg6[%add3A_244, %dma_start3A_245] : memref<512x64xf32, #tpu.memory_space<vmem>> -> memref<1x64xf32, #tpu.memory_space<vmem>>
      %dma_start3A_247 = tpu.memref_squeeze %dma_start3A_246 : memref<1x64xf32, #tpu.memory_space<vmem>> -> memref<64xf32, #tpu.memory_space<vmem>>
      %dma_start3A_248 = arith.constant 0 : i32
      %dma_start3A_249 = tpu.memref_slice %arg3[%squeeze3A_236, %squeeze3A_238, %dma_start3A_248] : memref<125000x8x64xf32, #tpu.memory_space<hbm>> -> memref<1x1x64xf32, #tpu.memory_space<hbm>>
      %dma_start3A_250 = tpu.memref_squeeze %dma_start3A_249 : memref<1x1x64xf32, #tpu.memory_space<hbm>> -> memref<64xf32, #tpu.memory_space<hbm>>
      %dma_start3A_251 = arith.constant 0 : i32
      %dma_start3A_252 = tpu.memref_slice %arg6[%add3A_244, %dma_start3A_251] : memref<512x64xf32, #tpu.memory_space<vmem>> -> memref<1x64xf32, #tpu.memory_space<vmem>>
      %dma_start3A_253 = tpu.memref_squeeze %dma_start3A_252 : memref<1x64xf32, #tpu.memory_space<vmem>> -> memref<64xf32, #tpu.memory_space<vmem>>
      %dma_start3A_254 = arith.constant 0 : i32
      %dma_start3A_255 = tpu.memref_slice %arg3[%squeeze3A_236, %squeeze3A_238, %dma_start3A_254] : memref<125000x8x64xf32, #tpu.memory_space<hbm>> -> memref<1x1x64xf32, #tpu.memory_space<hbm>>
      %dma_start3A_256 = tpu.memref_squeeze %dma_start3A_255 : memref<1x1x64xf32, #tpu.memory_space<hbm>> -> memref<64xf32, #tpu.memory_space<hbm>>
      tpu.enqueue_dma source(%dma_start3A_256 : memref<64xf32, #tpu.memory_space<hbm>>) target(%dma_start3A_253 : memref<64xf32, #tpu.memory_space<vmem>>) target_semaphore(%arg10 : memref<!tpu.dma_semaphore, #tpu.memory_space<semaphore_mem>>)
      %slice3A_257 = vector.extract_strided_slice %shift_right_arithmetic3A_81 {offsets = [8], sizes = [1], strides = [1]} : vector<16xi32> to vector<1xi32>
      %squeeze3A_258 = vector.extract %slice3A_257[0] : i32 from vector<1xi32>
      %slice3A_259 = vector.extract_strided_slice %and3A_83 {offsets = [8], sizes = [1], strides = [1]} : vector<16xi32> to vector<1xi32>
      %squeeze3A_260 = vector.extract %slice3A_259[0] : i32 from vector<1xi32>
      %mul3A_261 = arith.constant 16 : i32
      %mul3A_262 = arith.muli %add3A_73, %mul3A_261 : i32
      %add3A_263 = arith.constant 384 : i32
      %add3A_264 = arith.addi %add3A_263, %mul3A_262 : i32
      %add3A_265 = arith.constant 8 : i32
      %add3A_266 = arith.addi %add3A_264, %add3A_265 : i32
      %dma_start3A_267 = arith.constant 0 : i32
      %dma_start3A_268 = tpu.memref_slice %arg6[%add3A_266, %dma_start3A_267] : memref<512x64xf32, #tpu.memory_space<vmem>> -> memref<1x64xf32, #tpu.memory_space<vmem>>
      %dma_start3A_269 = tpu.memref_squeeze %dma_start3A_268 : memref<1x64xf32, #tpu.memory_space<vmem>> -> memref<64xf32, #tpu.memory_space<vmem>>
      %dma_start3A_270 = arith.constant 0 : i32
      %dma_start3A_271 = tpu.memref_slice %arg3[%squeeze3A_258, %squeeze3A_260, %dma_start3A_270] : memref<125000x8x64xf32, #tpu.memory_space<hbm>> -> memref<1x1x64xf32, #tpu.memory_space<hbm>>
      %dma_start3A_272 = tpu.memref_squeeze %dma_start3A_271 : memref<1x1x64xf32, #tpu.memory_space<hbm>> -> memref<64xf32, #tpu.memory_space<hbm>>
      %dma_start3A_273 = arith.constant 0 : i32
      %dma_start3A_274 = tpu.memref_slice %arg6[%add3A_266, %dma_start3A_273] : memref<512x64xf32, #tpu.memory_space<vmem>> -> memref<1x64xf32, #tpu.memory_space<vmem>>
      %dma_start3A_275 = tpu.memref_squeeze %dma_start3A_274 : memref<1x64xf32, #tpu.memory_space<vmem>> -> memref<64xf32, #tpu.memory_space<vmem>>
      %dma_start3A_276 = arith.constant 0 : i32
      %dma_start3A_277 = tpu.memref_slice %arg3[%squeeze3A_258, %squeeze3A_260, %dma_start3A_276] : memref<125000x8x64xf32, #tpu.memory_space<hbm>> -> memref<1x1x64xf32, #tpu.memory_space<hbm>>
      %dma_start3A_278 = tpu.memref_squeeze %dma_start3A_277 : memref<1x1x64xf32, #tpu.memory_space<hbm>> -> memref<64xf32, #tpu.memory_space<hbm>>
      tpu.enqueue_dma source(%dma_start3A_278 : memref<64xf32, #tpu.memory_space<hbm>>) target(%dma_start3A_275 : memref<64xf32, #tpu.memory_space<vmem>>) target_semaphore(%arg10 : memref<!tpu.dma_semaphore, #tpu.memory_space<semaphore_mem>>)
      %slice3A_279 = vector.extract_strided_slice %shift_right_arithmetic3A_81 {offsets = [9], sizes = [1], strides = [1]} : vector<16xi32> to vector<1xi32>
      %squeeze3A_280 = vector.extract %slice3A_279[0] : i32 from vector<1xi32>
      %slice3A_281 = vector.extract_strided_slice %and3A_83 {offsets = [9], sizes = [1], strides = [1]} : vector<16xi32> to vector<1xi32>
      %squeeze3A_282 = vector.extract %slice3A_281[0] : i32 from vector<1xi32>
      %mul3A_283 = arith.constant 16 : i32
      %mul3A_284 = arith.muli %add3A_73, %mul3A_283 : i32
      %add3A_285 = arith.constant 384 : i32
      %add3A_286 = arith.addi %add3A_285, %mul3A_284 : i32
      %add3A_287 = arith.constant 9 : i32
      %add3A_288 = arith.addi %add3A_286, %add3A_287 : i32
      %dma_start3A_289 = arith.constant 0 : i32
      %dma_start3A_290 = tpu.memref_slice %arg6[%add3A_288, %dma_start3A_289] : memref<512x64xf32, #tpu.memory_space<vmem>> -> memref<1x64xf32, #tpu.memory_space<vmem>>
      %dma_start3A_291 = tpu.memref_squeeze %dma_start3A_290 : memref<1x64xf32, #tpu.memory_space<vmem>> -> memref<64xf32, #tpu.memory_space<vmem>>
      %dma_start3A_292 = arith.constant 0 : i32
      %dma_start3A_293 = tpu.memref_slice %arg3[%squeeze3A_280, %squeeze3A_282, %dma_start3A_292] : memref<125000x8x64xf32, #tpu.memory_space<hbm>> -> memref<1x1x64xf32, #tpu.memory_space<hbm>>
      %dma_start3A_294 = tpu.memref_squeeze %dma_start3A_293 : memref<1x1x64xf32, #tpu.memory_space<hbm>> -> memref<64xf32, #tpu.memory_space<hbm>>
      %dma_start3A_295 = arith.constant 0 : i32
      %dma_start3A_296 = tpu.memref_slice %arg6[%add3A_288, %dma_start3A_295] : memref<512x64xf32, #tpu.memory_space<vmem>> -> memref<1x64xf32, #tpu.memory_space<vmem>>
      %dma_start3A_297 = tpu.memref_squeeze %dma_start3A_296 : memref<1x64xf32, #tpu.memory_space<vmem>> -> memref<64xf32, #tpu.memory_space<vmem>>
      %dma_start3A_298 = arith.constant 0 : i32
      %dma_start3A_299 = tpu.memref_slice %arg3[%squeeze3A_280, %squeeze3A_282, %dma_start3A_298] : memref<125000x8x64xf32, #tpu.memory_space<hbm>> -> memref<1x1x64xf32, #tpu.memory_space<hbm>>
      %dma_start3A_300 = tpu.memref_squeeze %dma_start3A_299 : memref<1x1x64xf32, #tpu.memory_space<hbm>> -> memref<64xf32, #tpu.memory_space<hbm>>
      tpu.enqueue_dma source(%dma_start3A_300 : memref<64xf32, #tpu.memory_space<hbm>>) target(%dma_start3A_297 : memref<64xf32, #tpu.memory_space<vmem>>) target_semaphore(%arg10 : memref<!tpu.dma_semaphore, #tpu.memory_space<semaphore_mem>>)
      %slice3A_301 = vector.extract_strided_slice %shift_right_arithmetic3A_81 {offsets = [10], sizes = [1], strides = [1]} : vector<16xi32> to vector<1xi32>
      %squeeze3A_302 = vector.extract %slice3A_301[0] : i32 from vector<1xi32>
      %slice3A_303 = vector.extract_strided_slice %and3A_83 {offsets = [10], sizes = [1], strides = [1]} : vector<16xi32> to vector<1xi32>
      %squeeze3A_304 = vector.extract %slice3A_303[0] : i32 from vector<1xi32>
      %mul3A_305 = arith.constant 16 : i32
      %mul3A_306 = arith.muli %add3A_73, %mul3A_305 : i32
      %add3A_307 = arith.constant 384 : i32
      %add3A_308 = arith.addi %add3A_307, %mul3A_306 : i32
      %add3A_309 = arith.constant 10 : i32
      %add3A_310 = arith.addi %add3A_308, %add3A_309 : i32
      %dma_start3A_311 = arith.constant 0 : i32
      %dma_start3A_312 = tpu.memref_slice %arg6[%add3A_310, %dma_start3A_311] : memref<512x64xf32, #tpu.memory_space<vmem>> -> memref<1x64xf32, #tpu.memory_space<vmem>>
      %dma_start3A_313 = tpu.memref_squeeze %dma_start3A_312 : memref<1x64xf32, #tpu.memory_space<vmem>> -> memref<64xf32, #tpu.memory_space<vmem>>
      %dma_start3A_314 = arith.constant 0 : i32
      %dma_start3A_315 = tpu.memref_slice %arg3[%squeeze3A_302, %squeeze3A_304, %dma_start3A_314] : memref<125000x8x64xf32, #tpu.memory_space<hbm>> -> memref<1x1x64xf32, #tpu.memory_space<hbm>>
      %dma_start3A_316 = tpu.memref_squeeze %dma_start3A_315 : memref<1x1x64xf32, #tpu.memory_space<hbm>> -> memref<64xf32, #tpu.memory_space<hbm>>
      %dma_start3A_317 = arith.constant 0 : i32
      %dma_start3A_318 = tpu.memref_slice %arg6[%add3A_310, %dma_start3A_317] : memref<512x64xf32, #tpu.memory_space<vmem>> -> memref<1x64xf32, #tpu.memory_space<vmem>>
      %dma_start3A_319 = tpu.memref_squeeze %dma_start3A_318 : memref<1x64xf32, #tpu.memory_space<vmem>> -> memref<64xf32, #tpu.memory_space<vmem>>
      %dma_start3A_320 = arith.constant 0 : i32
      %dma_start3A_321 = tpu.memref_slice %arg3[%squeeze3A_302, %squeeze3A_304, %dma_start3A_320] : memref<125000x8x64xf32, #tpu.memory_space<hbm>> -> memref<1x1x64xf32, #tpu.memory_space<hbm>>
      %dma_start3A_322 = tpu.memref_squeeze %dma_start3A_321 : memref<1x1x64xf32, #tpu.memory_space<hbm>> -> memref<64xf32, #tpu.memory_space<hbm>>
      tpu.enqueue_dma source(%dma_start3A_322 : memref<64xf32, #tpu.memory_space<hbm>>) target(%dma_start3A_319 : memref<64xf32, #tpu.memory_space<vmem>>) target_semaphore(%arg10 : memref<!tpu.dma_semaphore, #tpu.memory_space<semaphore_mem>>)
      %slice3A_323 = vector.extract_strided_slice %shift_right_arithmetic3A_81 {offsets = [11], sizes = [1], strides = [1]} : vector<16xi32> to vector<1xi32>
      %squeeze3A_324 = vector.extract %slice3A_323[0] : i32 from vector<1xi32>
      %slice3A_325 = vector.extract_strided_slice %and3A_83 {offsets = [11], sizes = [1], strides = [1]} : vector<16xi32> to vector<1xi32>
      %squeeze3A_326 = vector.extract %slice3A_325[0] : i32 from vector<1xi32>
      %mul3A_327 = arith.constant 16 : i32
      %mul3A_328 = arith.muli %add3A_73, %mul3A_327 : i32
      %add3A_329 = arith.constant 384 : i32
      %add3A_330 = arith.addi %add3A_329, %mul3A_328 : i32
      %add3A_331 = arith.constant 11 : i32
      %add3A_332 = arith.addi %add3A_330, %add3A_331 : i32
      %dma_start3A_333 = arith.constant 0 : i32
      %dma_start3A_334 = tpu.memref_slice %arg6[%add3A_332, %dma_start3A_333] : memref<512x64xf32, #tpu.memory_space<vmem>> -> memref<1x64xf32, #tpu.memory_space<vmem>>
      %dma_start3A_335 = tpu.memref_squeeze %dma_start3A_334 : memref<1x64xf32, #tpu.memory_space<vmem>> -> memref<64xf32, #tpu.memory_space<vmem>>
      %dma_start3A_336 = arith.constant 0 : i32
      %dma_start3A_337 = tpu.memref_slice %arg3[%squeeze3A_324, %squeeze3A_326, %dma_start3A_336] : memref<125000x8x64xf32, #tpu.memory_space<hbm>> -> memref<1x1x64xf32, #tpu.memory_space<hbm>>
      %dma_start3A_338 = tpu.memref_squeeze %dma_start3A_337 : memref<1x1x64xf32, #tpu.memory_space<hbm>> -> memref<64xf32, #tpu.memory_space<hbm>>
      %dma_start3A_339 = arith.constant 0 : i32
      %dma_start3A_340 = tpu.memref_slice %arg6[%add3A_332, %dma_start3A_339] : memref<512x64xf32, #tpu.memory_space<vmem>> -> memref<1x64xf32, #tpu.memory_space<vmem>>
      %dma_start3A_341 = tpu.memref_squeeze %dma_start3A_340 : memref<1x64xf32, #tpu.memory_space<vmem>> -> memref<64xf32, #tpu.memory_space<vmem>>
      %dma_start3A_342 = arith.constant 0 : i32
      %dma_start3A_343 = tpu.memref_slice %arg3[%squeeze3A_324, %squeeze3A_326, %dma_start3A_342] : memref<125000x8x64xf32, #tpu.memory_space<hbm>> -> memref<1x1x64xf32, #tpu.memory_space<hbm>>
      %dma_start3A_344 = tpu.memref_squeeze %dma_start3A_343 : memref<1x1x64xf32, #tpu.memory_space<hbm>> -> memref<64xf32, #tpu.memory_space<hbm>>
      tpu.enqueue_dma source(%dma_start3A_344 : memref<64xf32, #tpu.memory_space<hbm>>) target(%dma_start3A_341 : memref<64xf32, #tpu.memory_space<vmem>>) target_semaphore(%arg10 : memref<!tpu.dma_semaphore, #tpu.memory_space<semaphore_mem>>)
      %slice3A_345 = vector.extract_strided_slice %shift_right_arithmetic3A_81 {offsets = [12], sizes = [1], strides = [1]} : vector<16xi32> to vector<1xi32>
      %squeeze3A_346 = vector.extract %slice3A_345[0] : i32 from vector<1xi32>
      %slice3A_347 = vector.extract_strided_slice %and3A_83 {offsets = [12], sizes = [1], strides = [1]} : vector<16xi32> to vector<1xi32>
      %squeeze3A_348 = vector.extract %slice3A_347[0] : i32 from vector<1xi32>
      %mul3A_349 = arith.constant 16 : i32
      %mul3A_350 = arith.muli %add3A_73, %mul3A_349 : i32
      %add3A_351 = arith.constant 384 : i32
      %add3A_352 = arith.addi %add3A_351, %mul3A_350 : i32
      %add3A_353 = arith.constant 12 : i32
      %add3A_354 = arith.addi %add3A_352, %add3A_353 : i32
      %dma_start3A_355 = arith.constant 0 : i32
      %dma_start3A_356 = tpu.memref_slice %arg6[%add3A_354, %dma_start3A_355] : memref<512x64xf32, #tpu.memory_space<vmem>> -> memref<1x64xf32, #tpu.memory_space<vmem>>
      %dma_start3A_357 = tpu.memref_squeeze %dma_start3A_356 : memref<1x64xf32, #tpu.memory_space<vmem>> -> memref<64xf32, #tpu.memory_space<vmem>>
      %dma_start3A_358 = arith.constant 0 : i32
      %dma_start3A_359 = tpu.memref_slice %arg3[%squeeze3A_346, %squeeze3A_348, %dma_start3A_358] : memref<125000x8x64xf32, #tpu.memory_space<hbm>> -> memref<1x1x64xf32, #tpu.memory_space<hbm>>
      %dma_start3A_360 = tpu.memref_squeeze %dma_start3A_359 : memref<1x1x64xf32, #tpu.memory_space<hbm>> -> memref<64xf32, #tpu.memory_space<hbm>>
      %dma_start3A_361 = arith.constant 0 : i32
      %dma_start3A_362 = tpu.memref_slice %arg6[%add3A_354, %dma_start3A_361] : memref<512x64xf32, #tpu.memory_space<vmem>> -> memref<1x64xf32, #tpu.memory_space<vmem>>
      %dma_start3A_363 = tpu.memref_squeeze %dma_start3A_362 : memref<1x64xf32, #tpu.memory_space<vmem>> -> memref<64xf32, #tpu.memory_space<vmem>>
      %dma_start3A_364 = arith.constant 0 : i32
      %dma_start3A_365 = tpu.memref_slice %arg3[%squeeze3A_346, %squeeze3A_348, %dma_start3A_364] : memref<125000x8x64xf32, #tpu.memory_space<hbm>> -> memref<1x1x64xf32, #tpu.memory_space<hbm>>
      %dma_start3A_366 = tpu.memref_squeeze %dma_start3A_365 : memref<1x1x64xf32, #tpu.memory_space<hbm>> -> memref<64xf32, #tpu.memory_space<hbm>>
      tpu.enqueue_dma source(%dma_start3A_366 : memref<64xf32, #tpu.memory_space<hbm>>) target(%dma_start3A_363 : memref<64xf32, #tpu.memory_space<vmem>>) target_semaphore(%arg10 : memref<!tpu.dma_semaphore, #tpu.memory_space<semaphore_mem>>)
      %slice3A_367 = vector.extract_strided_slice %shift_right_arithmetic3A_81 {offsets = [13], sizes = [1], strides = [1]} : vector<16xi32> to vector<1xi32>
      %squeeze3A_368 = vector.extract %slice3A_367[0] : i32 from vector<1xi32>
      %slice3A_369 = vector.extract_strided_slice %and3A_83 {offsets = [13], sizes = [1], strides = [1]} : vector<16xi32> to vector<1xi32>
      %squeeze3A_370 = vector.extract %slice3A_369[0] : i32 from vector<1xi32>
      %mul3A_371 = arith.constant 16 : i32
      %mul3A_372 = arith.muli %add3A_73, %mul3A_371 : i32
      %add3A_373 = arith.constant 384 : i32
      %add3A_374 = arith.addi %add3A_373, %mul3A_372 : i32
      %add3A_375 = arith.constant 13 : i32
      %add3A_376 = arith.addi %add3A_374, %add3A_375 : i32
      %dma_start3A_377 = arith.constant 0 : i32
      %dma_start3A_378 = tpu.memref_slice %arg6[%add3A_376, %dma_start3A_377] : memref<512x64xf32, #tpu.memory_space<vmem>> -> memref<1x64xf32, #tpu.memory_space<vmem>>
      %dma_start3A_379 = tpu.memref_squeeze %dma_start3A_378 : memref<1x64xf32, #tpu.memory_space<vmem>> -> memref<64xf32, #tpu.memory_space<vmem>>
      %dma_start3A_380 = arith.constant 0 : i32
      %dma_start3A_381 = tpu.memref_slice %arg3[%squeeze3A_368, %squeeze3A_370, %dma_start3A_380] : memref<125000x8x64xf32, #tpu.memory_space<hbm>> -> memref<1x1x64xf32, #tpu.memory_space<hbm>>
      %dma_start3A_382 = tpu.memref_squeeze %dma_start3A_381 : memref<1x1x64xf32, #tpu.memory_space<hbm>> -> memref<64xf32, #tpu.memory_space<hbm>>
      %dma_start3A_383 = arith.constant 0 : i32
      %dma_start3A_384 = tpu.memref_slice %arg6[%add3A_376, %dma_start3A_383] : memref<512x64xf32, #tpu.memory_space<vmem>> -> memref<1x64xf32, #tpu.memory_space<vmem>>
      %dma_start3A_385 = tpu.memref_squeeze %dma_start3A_384 : memref<1x64xf32, #tpu.memory_space<vmem>> -> memref<64xf32, #tpu.memory_space<vmem>>
      %dma_start3A_386 = arith.constant 0 : i32
      %dma_start3A_387 = tpu.memref_slice %arg3[%squeeze3A_368, %squeeze3A_370, %dma_start3A_386] : memref<125000x8x64xf32, #tpu.memory_space<hbm>> -> memref<1x1x64xf32, #tpu.memory_space<hbm>>
      %dma_start3A_388 = tpu.memref_squeeze %dma_start3A_387 : memref<1x1x64xf32, #tpu.memory_space<hbm>> -> memref<64xf32, #tpu.memory_space<hbm>>
      tpu.enqueue_dma source(%dma_start3A_388 : memref<64xf32, #tpu.memory_space<hbm>>) target(%dma_start3A_385 : memref<64xf32, #tpu.memory_space<vmem>>) target_semaphore(%arg10 : memref<!tpu.dma_semaphore, #tpu.memory_space<semaphore_mem>>)
      %slice3A_389 = vector.extract_strided_slice %shift_right_arithmetic3A_81 {offsets = [14], sizes = [1], strides = [1]} : vector<16xi32> to vector<1xi32>
      %squeeze3A_390 = vector.extract %slice3A_389[0] : i32 from vector<1xi32>
      %slice3A_391 = vector.extract_strided_slice %and3A_83 {offsets = [14], sizes = [1], strides = [1]} : vector<16xi32> to vector<1xi32>
      %squeeze3A_392 = vector.extract %slice3A_391[0] : i32 from vector<1xi32>
      %mul3A_393 = arith.constant 16 : i32
      %mul3A_394 = arith.muli %add3A_73, %mul3A_393 : i32
      %add3A_395 = arith.constant 384 : i32
      %add3A_396 = arith.addi %add3A_395, %mul3A_394 : i32
      %add3A_397 = arith.constant 14 : i32
      %add3A_398 = arith.addi %add3A_396, %add3A_397 : i32
      %dma_start3A_399 = arith.constant 0 : i32
      %dma_start3A_400 = tpu.memref_slice %arg6[%add3A_398, %dma_start3A_399] : memref<512x64xf32, #tpu.memory_space<vmem>> -> memref<1x64xf32, #tpu.memory_space<vmem>>
      %dma_start3A_401 = tpu.memref_squeeze %dma_start3A_400 : memref<1x64xf32, #tpu.memory_space<vmem>> -> memref<64xf32, #tpu.memory_space<vmem>>
      %dma_start3A_402 = arith.constant 0 : i32
      %dma_start3A_403 = tpu.memref_slice %arg3[%squeeze3A_390, %squeeze3A_392, %dma_start3A_402] : memref<125000x8x64xf32, #tpu.memory_space<hbm>> -> memref<1x1x64xf32, #tpu.memory_space<hbm>>
      %dma_start3A_404 = tpu.memref_squeeze %dma_start3A_403 : memref<1x1x64xf32, #tpu.memory_space<hbm>> -> memref<64xf32, #tpu.memory_space<hbm>>
      %dma_start3A_405 = arith.constant 0 : i32
      %dma_start3A_406 = tpu.memref_slice %arg6[%add3A_398, %dma_start3A_405] : memref<512x64xf32, #tpu.memory_space<vmem>> -> memref<1x64xf32, #tpu.memory_space<vmem>>
      %dma_start3A_407 = tpu.memref_squeeze %dma_start3A_406 : memref<1x64xf32, #tpu.memory_space<vmem>> -> memref<64xf32, #tpu.memory_space<vmem>>
      %dma_start3A_408 = arith.constant 0 : i32
      %dma_start3A_409 = tpu.memref_slice %arg3[%squeeze3A_390, %squeeze3A_392, %dma_start3A_408] : memref<125000x8x64xf32, #tpu.memory_space<hbm>> -> memref<1x1x64xf32, #tpu.memory_space<hbm>>
      %dma_start3A_410 = tpu.memref_squeeze %dma_start3A_409 : memref<1x1x64xf32, #tpu.memory_space<hbm>> -> memref<64xf32, #tpu.memory_space<hbm>>
      tpu.enqueue_dma source(%dma_start3A_410 : memref<64xf32, #tpu.memory_space<hbm>>) target(%dma_start3A_407 : memref<64xf32, #tpu.memory_space<vmem>>) target_semaphore(%arg10 : memref<!tpu.dma_semaphore, #tpu.memory_space<semaphore_mem>>)
      %slice3A_411 = vector.extract_strided_slice %shift_right_arithmetic3A_81 {offsets = [15], sizes = [1], strides = [1]} : vector<16xi32> to vector<1xi32>
      %squeeze3A_412 = vector.extract %slice3A_411[0] : i32 from vector<1xi32>
      %slice3A_413 = vector.extract_strided_slice %and3A_83 {offsets = [15], sizes = [1], strides = [1]} : vector<16xi32> to vector<1xi32>
      %squeeze3A_414 = vector.extract %slice3A_413[0] : i32 from vector<1xi32>
      %mul3A_415 = arith.constant 16 : i32
      %mul3A_416 = arith.muli %add3A_73, %mul3A_415 : i32
      %add3A_417 = arith.constant 384 : i32
      %add3A_418 = arith.addi %add3A_417, %mul3A_416 : i32
      %add3A_419 = arith.constant 15 : i32
      %add3A_420 = arith.addi %add3A_418, %add3A_419 : i32
      %dma_start3A_421 = arith.constant 0 : i32
      %dma_start3A_422 = tpu.memref_slice %arg6[%add3A_420, %dma_start3A_421] : memref<512x64xf32, #tpu.memory_space<vmem>> -> memref<1x64xf32, #tpu.memory_space<vmem>>
      %dma_start3A_423 = tpu.memref_squeeze %dma_start3A_422 : memref<1x64xf32, #tpu.memory_space<vmem>> -> memref<64xf32, #tpu.memory_space<vmem>>
      %dma_start3A_424 = arith.constant 0 : i32
      %dma_start3A_425 = tpu.memref_slice %arg3[%squeeze3A_412, %squeeze3A_414, %dma_start3A_424] : memref<125000x8x64xf32, #tpu.memory_space<hbm>> -> memref<1x1x64xf32, #tpu.memory_space<hbm>>
      %dma_start3A_426 = tpu.memref_squeeze %dma_start3A_425 : memref<1x1x64xf32, #tpu.memory_space<hbm>> -> memref<64xf32, #tpu.memory_space<hbm>>
      %dma_start3A_427 = arith.constant 0 : i32
      %dma_start3A_428 = tpu.memref_slice %arg6[%add3A_420, %dma_start3A_427] : memref<512x64xf32, #tpu.memory_space<vmem>> -> memref<1x64xf32, #tpu.memory_space<vmem>>
      %dma_start3A_429 = tpu.memref_squeeze %dma_start3A_428 : memref<1x64xf32, #tpu.memory_space<vmem>> -> memref<64xf32, #tpu.memory_space<vmem>>
      %dma_start3A_430 = arith.constant 0 : i32
      %dma_start3A_431 = tpu.memref_slice %arg3[%squeeze3A_412, %squeeze3A_414, %dma_start3A_430] : memref<125000x8x64xf32, #tpu.memory_space<hbm>> -> memref<1x1x64xf32, #tpu.memory_space<hbm>>
      %dma_start3A_432 = tpu.memref_squeeze %dma_start3A_431 : memref<1x1x64xf32, #tpu.memory_space<hbm>> -> memref<64xf32, #tpu.memory_space<hbm>>
      tpu.enqueue_dma source(%dma_start3A_432 : memref<64xf32, #tpu.memory_space<hbm>>) target(%dma_start3A_429 : memref<64xf32, #tpu.memory_space<vmem>>) target_semaphore(%arg10 : memref<!tpu.dma_semaphore, #tpu.memory_space<semaphore_mem>>)
      %scan3A_433 = arith.constant 1 : i32
      %scan3A_434 = arith.addi %scan3A_69, %scan3A_433 : i32
      %mul3A_435 = arith.constant 1 : i32
      %mul3A_436 = arith.muli %scan3A_434, %mul3A_435 : i32
      %add3A_437 = arith.constant 0 : i32
      %add3A_438 = arith.addi %add3A_437, %mul3A_436 : i32
      %mul3A_439 = arith.constant 16 : i32
      %mul3A_440 = arith.muli %add3A_438, %mul3A_439 : i32
      %add3A_441 = arith.constant 384 : i32
      %add3A_442 = arith.addi %add3A_441, %mul3A_440 : i32
      %get3A_443 = arith.index_cast %add3A_442 : i32 to index
      %get3A_444 = tpu.vector_load %arg5[%get3A_443] {strides = array<i32>} : memref<512xi32, #tpu.memory_space<vmem>>, vector<16xi32>,
      %get3A_445 = vector.shape_cast %get3A_444 : vector<16xi32> to vector<16xi32>
      %shift_right_arithmetic3A_446 = arith.constant 3 : i32
      %shift_right_arithmetic3A_447 = vector.broadcast %shift_right_arithmetic3A_446 : i32 to vector<16xi32>
      %shift_right_arithmetic3A_448 = arith.shrsi %get3A_445, %shift_right_arithmetic3A_447 : vector<16xi32>
      %and3A_449 = arith.constant 7 : i32
      %and3A_450 = vector.broadcast %and3A_449 : i32 to vector<16xi32>
      %and3A_451 = arith.andi %get3A_445, %and3A_450 : vector<16xi32>
      %slice3A_452 = vector.extract_strided_slice %shift_right_arithmetic3A_448 {offsets = [0], sizes = [1], strides = [1]} : vector<16xi32> to vector<1xi32>
      %squeeze3A_453 = vector.extract %slice3A_452[0] : i32 from vector<1xi32>
      %slice3A_454 = vector.extract_strided_slice %and3A_451 {offsets = [0], sizes = [1], strides = [1]} : vector<16xi32> to vector<1xi32>
      %squeeze3A_455 = vector.extract %slice3A_454[0] : i32 from vector<1xi32>
      %mul3A_456 = arith.constant 16 : i32
      %mul3A_457 = arith.muli %add3A_438, %mul3A_456 : i32
      %add3A_458 = arith.constant 384 : i32
      %add3A_459 = arith.addi %add3A_458, %mul3A_457 : i32
      %add3A_460 = arith.constant 0 : i32
      %add3A_461 = arith.addi %add3A_459, %add3A_460 : i32
      %dma_start3A_462 = arith.constant 0 : i32
      %dma_start3A_463 = tpu.memref_slice %arg6[%add3A_461, %dma_start3A_462] : memref<512x64xf32, #tpu.memory_space<vmem>> -> memref<1x64xf32, #tpu.memory_space<vmem>>
      %dma_start3A_464 = tpu.memref_squeeze %dma_start3A_463 : memref<1x64xf32, #tpu.memory_space<vmem>> -> memref<64xf32, #tpu.memory_space<vmem>>
      %dma_start3A_465 = arith.constant 0 : i32
      %dma_start3A_466 = tpu.memref_slice %arg3[%squeeze3A_453, %squeeze3A_455, %dma_start3A_465] : memref<125000x8x64xf32, #tpu.memory_space<hbm>> -> memref<1x1x64xf32, #tpu.memory_space<hbm>>
      %dma_start3A_467 = tpu.memref_squeeze %dma_start3A_466 : memref<1x1x64xf32, #tpu.memory_space<hbm>> -> memref<64xf32, #tpu.memory_space<hbm>>
      %dma_start3A_468 = arith.constant 0 : i32
      %dma_start3A_469 = tpu.memref_slice %arg6[%add3A_461, %dma_start3A_468] : memref<512x64xf32, #tpu.memory_space<vmem>> -> memref<1x64xf32, #tpu.memory_space<vmem>>
      %dma_start3A_470 = tpu.memref_squeeze %dma_start3A_469 : memref<1x64xf32, #tpu.memory_space<vmem>> -> memref<64xf32, #tpu.memory_space<vmem>>
      %dma_start3A_471 = arith.constant 0 : i32
      %dma_start3A_472 = tpu.memref_slice %arg3[%squeeze3A_453, %squeeze3A_455, %dma_start3A_471] : memref<125000x8x64xf32, #tpu.memory_space<hbm>> -> memref<1x1x64xf32, #tpu.memory_space<hbm>>
      %dma_start3A_473 = tpu.memref_squeeze %dma_start3A_472 : memref<1x1x64xf32, #tpu.memory_space<hbm>> -> memref<64xf32, #tpu.memory_space<hbm>>
      tpu.enqueue_dma source(%dma_start3A_473 : memref<64xf32, #tpu.memory_space<hbm>>) target(%dma_start3A_470 : memref<64xf32, #tpu.memory_space<vmem>>) target_semaphore(%arg10 : memref<!tpu.dma_semaphore, #tpu.memory_space<semaphore_mem>>)
      %slice3A_474 = vector.extract_strided_slice %shift_right_arithmetic3A_448 {offsets = [1], sizes = [1], strides = [1]} : vector<16xi32> to vector<1xi32>
      %squeeze3A_475 = vector.extract %slice3A_474[0] : i32 from vector<1xi32>
      %slice3A_476 = vector.extract_strided_slice %and3A_451 {offsets = [1], sizes = [1], strides = [1]} : vector<16xi32> to vector<1xi32>
      %squeeze3A_477 = vector.extract %slice3A_476[0] : i32 from vector<1xi32>
      %mul3A_478 = arith.constant 16 : i32
      %mul3A_479 = arith.muli %add3A_438, %mul3A_478 : i32
      %add3A_480 = arith.constant 384 : i32
      %add3A_481 = arith.addi %add3A_480, %mul3A_479 : i32
      %add3A_482 = arith.constant 1 : i32
      %add3A_483 = arith.addi %add3A_481, %add3A_482 : i32
      %dma_start3A_484 = arith.constant 0 : i32
      %dma_start3A_485 = tpu.memref_slice %arg6[%add3A_483, %dma_start3A_484] : memref<512x64xf32, #tpu.memory_space<vmem>> -> memref<1x64xf32, #tpu.memory_space<vmem>>
      %dma_start3A_486 = tpu.memref_squeeze %dma_start3A_485 : memref<1x64xf32, #tpu.memory_space<vmem>> -> memref<64xf32, #tpu.memory_space<vmem>>
      %dma_start3A_487 = arith.constant 0 : i32
      %dma_start3A_488 = tpu.memref_slice %arg3[%squeeze3A_475, %squeeze3A_477, %dma_start3A_487] : memref<125000x8x64xf32, #tpu.memory_space<hbm>> -> memref<1x1x64xf32, #tpu.memory_space<hbm>>
      %dma_start3A_489 = tpu.memref_squeeze %dma_start3A_488 : memref<1x1x64xf32, #tpu.memory_space<hbm>> -> memref<64xf32, #tpu.memory_space<hbm>>
      %dma_start3A_490 = arith.constant 0 : i32
      %dma_start3A_491 = tpu.memref_slice %arg6[%add3A_483, %dma_start3A_490] : memref<512x64xf32, #tpu.memory_space<vmem>> -> memref<1x64xf32, #tpu.memory_space<vmem>>
      %dma_start3A_492 = tpu.memref_squeeze %dma_start3A_491 : memref<1x64xf32, #tpu.memory_space<vmem>> -> memref<64xf32, #tpu.memory_space<vmem>>
      %dma_start3A_493 = arith.constant 0 : i32
      %dma_start3A_494 = tpu.memref_slice %arg3[%squeeze3A_475, %squeeze3A_477, %dma_start3A_493] : memref<125000x8x64xf32, #tpu.memory_space<hbm>> -> memref<1x1x64xf32, #tpu.memory_space<hbm>>
      %dma_start3A_495 = tpu.memref_squeeze %dma_start3A_494 : memref<1x1x64xf32, #tpu.memory_space<hbm>> -> memref<64xf32, #tpu.memory_space<hbm>>
      tpu.enqueue_dma source(%dma_start3A_495 : memref<64xf32, #tpu.memory_space<hbm>>) target(%dma_start3A_492 : memref<64xf32, #tpu.memory_space<vmem>>) target_semaphore(%arg10 : memref<!tpu.dma_semaphore, #tpu.memory_space<semaphore_mem>>)
      %slice3A_496 = vector.extract_strided_slice %shift_right_arithmetic3A_448 {offsets = [2], sizes = [1], strides = [1]} : vector<16xi32> to vector<1xi32>
      %squeeze3A_497 = vector.extract %slice3A_496[0] : i32 from vector<1xi32>
      %slice3A_498 = vector.extract_strided_slice %and3A_451 {offsets = [2], sizes = [1], strides = [1]} : vector<16xi32> to vector<1xi32>
      %squeeze3A_499 = vector.extract %slice3A_498[0] : i32 from vector<1xi32>
      %mul3A_500 = arith.constant 16 : i32
      %mul3A_501 = arith.muli %add3A_438, %mul3A_500 : i32
      %add3A_502 = arith.constant 384 : i32
      %add3A_503 = arith.addi %add3A_502, %mul3A_501 : i32
      %add3A_504 = arith.constant 2 : i32
      %add3A_505 = arith.addi %add3A_503, %add3A_504 : i32
      %dma_start3A_506 = arith.constant 0 : i32
      %dma_start3A_507 = tpu.memref_slice %arg6[%add3A_505, %dma_start3A_506] : memref<512x64xf32, #tpu.memory_space<vmem>> -> memref<1x64xf32, #tpu.memory_space<vmem>>
      %dma_start3A_508 = tpu.memref_squeeze %dma_start3A_507 : memref<1x64xf32, #tpu.memory_space<vmem>> -> memref<64xf32, #tpu.memory_space<vmem>>
      %dma_start3A_509 = arith.constant 0 : i32
      %dma_start3A_510 = tpu.memref_slice %arg3[%squeeze3A_497, %squeeze3A_499, %dma_start3A_509] : memref<125000x8x64xf32, #tpu.memory_space<hbm>> -> memref<1x1x64xf32, #tpu.memory_space<hbm>>
      %dma_start3A_511 = tpu.memref_squeeze %dma_start3A_510 : memref<1x1x64xf32, #tpu.memory_space<hbm>> -> memref<64xf32, #tpu.memory_space<hbm>>
      %dma_start3A_512 = arith.constant 0 : i32
      %dma_start3A_513 = tpu.memref_slice %arg6[%add3A_505, %dma_start3A_512] : memref<512x64xf32, #tpu.memory_space<vmem>> -> memref<1x64xf32, #tpu.memory_space<vmem>>
      %dma_start3A_514 = tpu.memref_squeeze %dma_start3A_513 : memref<1x64xf32, #tpu.memory_space<vmem>> -> memref<64xf32, #tpu.memory_space<vmem>>
      %dma_start3A_515 = arith.constant 0 : i32
      %dma_start3A_516 = tpu.memref_slice %arg3[%squeeze3A_497, %squeeze3A_499, %dma_start3A_515] : memref<125000x8x64xf32, #tpu.memory_space<hbm>> -> memref<1x1x64xf32, #tpu.memory_space<hbm>>
      %dma_start3A_517 = tpu.memref_squeeze %dma_start3A_516 : memref<1x1x64xf32, #tpu.memory_space<hbm>> -> memref<64xf32, #tpu.memory_space<hbm>>
      tpu.enqueue_dma source(%dma_start3A_517 : memref<64xf32, #tpu.memory_space<hbm>>) target(%dma_start3A_514 : memref<64xf32, #tpu.memory_space<vmem>>) target_semaphore(%arg10 : memref<!tpu.dma_semaphore, #tpu.memory_space<semaphore_mem>>)
      %slice3A_518 = vector.extract_strided_slice %shift_right_arithmetic3A_448 {offsets = [3], sizes = [1], strides = [1]} : vector<16xi32> to vector<1xi32>
      %squeeze3A_519 = vector.extract %slice3A_518[0] : i32 from vector<1xi32>
      %slice3A_520 = vector.extract_strided_slice %and3A_451 {offsets = [3], sizes = [1], strides = [1]} : vector<16xi32> to vector<1xi32>
      %squeeze3A_521 = vector.extract %slice3A_520[0] : i32 from vector<1xi32>
      %mul3A_522 = arith.constant 16 : i32
      %mul3A_523 = arith.muli %add3A_438, %mul3A_522 : i32
      %add3A_524 = arith.constant 384 : i32
      %add3A_525 = arith.addi %add3A_524, %mul3A_523 : i32
      %add3A_526 = arith.constant 3 : i32
      %add3A_527 = arith.addi %add3A_525, %add3A_526 : i32
      %dma_start3A_528 = arith.constant 0 : i32
      %dma_start3A_529 = tpu.memref_slice %arg6[%add3A_527, %dma_start3A_528] : memref<512x64xf32, #tpu.memory_space<vmem>> -> memref<1x64xf32, #tpu.memory_space<vmem>>
      %dma_start3A_530 = tpu.memref_squeeze %dma_start3A_529 : memref<1x64xf32, #tpu.memory_space<vmem>> -> memref<64xf32, #tpu.memory_space<vmem>>
      %dma_start3A_531 = arith.constant 0 : i32
      %dma_start3A_532 = tpu.memref_slice %arg3[%squeeze3A_519, %squeeze3A_521, %dma_start3A_531] : memref<125000x8x64xf32, #tpu.memory_space<hbm>> -> memref<1x1x64xf32, #tpu.memory_space<hbm>>
      %dma_start3A_533 = tpu.memref_squeeze %dma_start3A_532 : memref<1x1x64xf32, #tpu.memory_space<hbm>> -> memref<64xf32, #tpu.memory_space<hbm>>
      %dma_start3A_534 = arith.constant 0 : i32
      %dma_start3A_535 = tpu.memref_slice %arg6[%add3A_527, %dma_start3A_534] : memref<512x64xf32, #tpu.memory_space<vmem>> -> memref<1x64xf32, #tpu.memory_space<vmem>>
      %dma_start3A_536 = tpu.memref_squeeze %dma_start3A_535 : memref<1x64xf32, #tpu.memory_space<vmem>> -> memref<64xf32, #tpu.memory_space<vmem>>
      %dma_start3A_537 = arith.constant 0 : i32
      %dma_start3A_538 = tpu.memref_slice %arg3[%squeeze3A_519, %squeeze3A_521, %dma_start3A_537] : memref<125000x8x64xf32, #tpu.memory_space<hbm>> -> memref<1x1x64xf32, #tpu.memory_space<hbm>>
      %dma_start3A_539 = tpu.memref_squeeze %dma_start3A_538 : memref<1x1x64xf32, #tpu.memory_space<hbm>> -> memref<64xf32, #tpu.memory_space<hbm>>
      tpu.enqueue_dma source(%dma_start3A_539 : memref<64xf32, #tpu.memory_space<hbm>>) target(%dma_start3A_536 : memref<64xf32, #tpu.memory_space<vmem>>) target_semaphore(%arg10 : memref<!tpu.dma_semaphore, #tpu.memory_space<semaphore_mem>>)
      %slice3A_540 = vector.extract_strided_slice %shift_right_arithmetic3A_448 {offsets = [4], sizes = [1], strides = [1]} : vector<16xi32> to vector<1xi32>
      %squeeze3A_541 = vector.extract %slice3A_540[0] : i32 from vector<1xi32>
      %slice3A_542 = vector.extract_strided_slice %and3A_451 {offsets = [4], sizes = [1], strides = [1]} : vector<16xi32> to vector<1xi32>
      %squeeze3A_543 = vector.extract %slice3A_542[0] : i32 from vector<1xi32>
      %mul3A_544 = arith.constant 16 : i32
      %mul3A_545 = arith.muli %add3A_438, %mul3A_544 : i32
      %add3A_546 = arith.constant 384 : i32
      %add3A_547 = arith.addi %add3A_546, %mul3A_545 : i32
      %add3A_548 = arith.constant 4 : i32
      %add3A_549 = arith.addi %add3A_547, %add3A_548 : i32
      %dma_start3A_550 = arith.constant 0 : i32
      %dma_start3A_551 = tpu.memref_slice %arg6[%add3A_549, %dma_start3A_550] : memref<512x64xf32, #tpu.memory_space<vmem>> -> memref<1x64xf32, #tpu.memory_space<vmem>>
      %dma_start3A_552 = tpu.memref_squeeze %dma_start3A_551 : memref<1x64xf32, #tpu.memory_space<vmem>> -> memref<64xf32, #tpu.memory_space<vmem>>
      %dma_start3A_553 = arith.constant 0 : i32
      %dma_start3A_554 = tpu.memref_slice %arg3[%squeeze3A_541, %squeeze3A_543, %dma_start3A_553] : memref<125000x8x64xf32, #tpu.memory_space<hbm>> -> memref<1x1x64xf32, #tpu.memory_space<hbm>>
      %dma_start3A_555 = tpu.memref_squeeze %dma_start3A_554 : memref<1x1x64xf32, #tpu.memory_space<hbm>> -> memref<64xf32, #tpu.memory_space<hbm>>
      %dma_start3A_556 = arith.constant 0 : i32
      %dma_start3A_557 = tpu.memref_slice %arg6[%add3A_549, %dma_start3A_556] : memref<512x64xf32, #tpu.memory_space<vmem>> -> memref<1x64xf32, #tpu.memory_space<vmem>>
      %dma_start3A_558 = tpu.memref_squeeze %dma_start3A_557 : memref<1x64xf32, #tpu.memory_space<vmem>> -> memref<64xf32, #tpu.memory_space<vmem>>
      %dma_start3A_559 = arith.constant 0 : i32
      %dma_start3A_560 = tpu.memref_slice %arg3[%squeeze3A_541, %squeeze3A_543, %dma_start3A_559] : memref<125000x8x64xf32, #tpu.memory_space<hbm>> -> memref<1x1x64xf32, #tpu.memory_space<hbm>>
      %dma_start3A_561 = tpu.memref_squeeze %dma_start3A_560 : memref<1x1x64xf32, #tpu.memory_space<hbm>> -> memref<64xf32, #tpu.memory_space<hbm>>
      tpu.enqueue_dma source(%dma_start3A_561 : memref<64xf32, #tpu.memory_space<hbm>>) target(%dma_start3A_558 : memref<64xf32, #tpu.memory_space<vmem>>) target_semaphore(%arg10 : memref<!tpu.dma_semaphore, #tpu.memory_space<semaphore_mem>>)
      %slice3A_562 = vector.extract_strided_slice %shift_right_arithmetic3A_448 {offsets = [5], sizes = [1], strides = [1]} : vector<16xi32> to vector<1xi32>
      %squeeze3A_563 = vector.extract %slice3A_562[0] : i32 from vector<1xi32>
      %slice3A_564 = vector.extract_strided_slice %and3A_451 {offsets = [5], sizes = [1], strides = [1]} : vector<16xi32> to vector<1xi32>
      %squeeze3A_565 = vector.extract %slice3A_564[0] : i32 from vector<1xi32>
      %mul3A_566 = arith.constant 16 : i32
      %mul3A_567 = arith.muli %add3A_438, %mul3A_566 : i32
      %add3A_568 = arith.constant 384 : i32
      %add3A_569 = arith.addi %add3A_568, %mul3A_567 : i32
      %add3A_570 = arith.constant 5 : i32
      %add3A_571 = arith.addi %add3A_569, %add3A_570 : i32
      %dma_start3A_572 = arith.constant 0 : i32
      %dma_start3A_573 = tpu.memref_slice %arg6[%add3A_571, %dma_start3A_572] : memref<512x64xf32, #tpu.memory_space<vmem>> -> memref<1x64xf32, #tpu.memory_space<vmem>>
      %dma_start3A_574 = tpu.memref_squeeze %dma_start3A_573 : memref<1x64xf32, #tpu.memory_space<vmem>> -> memref<64xf32, #tpu.memory_space<vmem>>
      %dma_start3A_575 = arith.constant 0 : i32
      %dma_start3A_576 = tpu.memref_slice %arg3[%squeeze3A_563, %squeeze3A_565, %dma_start3A_575] : memref<125000x8x64xf32, #tpu.memory_space<hbm>> -> memref<1x1x64xf32, #tpu.memory_space<hbm>>
      %dma_start3A_577 = tpu.memref_squeeze %dma_start3A_576 : memref<1x1x64xf32, #tpu.memory_space<hbm>> -> memref<64xf32, #tpu.memory_space<hbm>>
      %dma_start3A_578 = arith.constant 0 : i32
      %dma_start3A_579 = tpu.memref_slice %arg6[%add3A_571, %dma_start3A_578] : memref<512x64xf32, #tpu.memory_space<vmem>> -> memref<1x64xf32, #tpu.memory_space<vmem>>
      %dma_start3A_580 = tpu.memref_squeeze %dma_start3A_579 : memref<1x64xf32, #tpu.memory_space<vmem>> -> memref<64xf32, #tpu.memory_space<vmem>>
      %dma_start3A_581 = arith.constant 0 : i32
      %dma_start3A_582 = tpu.memref_slice %arg3[%squeeze3A_563, %squeeze3A_565, %dma_start3A_581] : memref<125000x8x64xf32, #tpu.memory_space<hbm>> -> memref<1x1x64xf32, #tpu.memory_space<hbm>>
      %dma_start3A_583 = tpu.memref_squeeze %dma_start3A_582 : memref<1x1x64xf32, #tpu.memory_space<hbm>> -> memref<64xf32, #tpu.memory_space<hbm>>
      tpu.enqueue_dma source(%dma_start3A_583 : memref<64xf32, #tpu.memory_space<hbm>>) target(%dma_start3A_580 : memref<64xf32, #tpu.memory_space<vmem>>) target_semaphore(%arg10 : memref<!tpu.dma_semaphore, #tpu.memory_space<semaphore_mem>>)
      %slice3A_584 = vector.extract_strided_slice %shift_right_arithmetic3A_448 {offsets = [6], sizes = [1], strides = [1]} : vector<16xi32> to vector<1xi32>
      %squeeze3A_585 = vector.extract %slice3A_584[0] : i32 from vector<1xi32>
      %slice3A_586 = vector.extract_strided_slice %and3A_451 {offsets = [6], sizes = [1], strides = [1]} : vector<16xi32> to vector<1xi32>
      %squeeze3A_587 = vector.extract %slice3A_586[0] : i32 from vector<1xi32>
      %mul3A_588 = arith.constant 16 : i32
      %mul3A_589 = arith.muli %add3A_438, %mul3A_588 : i32
      %add3A_590 = arith.constant 384 : i32
      %add3A_591 = arith.addi %add3A_590, %mul3A_589 : i32
      %add3A_592 = arith.constant 6 : i32
      %add3A_593 = arith.addi %add3A_591, %add3A_592 : i32
      %dma_start3A_594 = arith.constant 0 : i32
      %dma_start3A_595 = tpu.memref_slice %arg6[%add3A_593, %dma_start3A_594] : memref<512x64xf32, #tpu.memory_space<vmem>> -> memref<1x64xf32, #tpu.memory_space<vmem>>
      %dma_start3A_596 = tpu.memref_squeeze %dma_start3A_595 : memref<1x64xf32, #tpu.memory_space<vmem>> -> memref<64xf32, #tpu.memory_space<vmem>>
      %dma_start3A_597 = arith.constant 0 : i32
      %dma_start3A_598 = tpu.memref_slice %arg3[%squeeze3A_585, %squeeze3A_587, %dma_start3A_597] : memref<125000x8x64xf32, #tpu.memory_space<hbm>> -> memref<1x1x64xf32, #tpu.memory_space<hbm>>
      %dma_start3A_599 = tpu.memref_squeeze %dma_start3A_598 : memref<1x1x64xf32, #tpu.memory_space<hbm>> -> memref<64xf32, #tpu.memory_space<hbm>>
      %dma_start3A_600 = arith.constant 0 : i32
      %dma_start3A_601 = tpu.memref_slice %arg6[%add3A_593, %dma_start3A_600] : memref<512x64xf32, #tpu.memory_space<vmem>> -> memref<1x64xf32, #tpu.memory_space<vmem>>
      %dma_start3A_602 = tpu.memref_squeeze %dma_start3A_601 : memref<1x64xf32, #tpu.memory_space<vmem>> -> memref<64xf32, #tpu.memory_space<vmem>>
      %dma_start3A_603 = arith.constant 0 : i32
      %dma_start3A_604 = tpu.memref_slice %arg3[%squeeze3A_585, %squeeze3A_587, %dma_start3A_603] : memref<125000x8x64xf32, #tpu.memory_space<hbm>> -> memref<1x1x64xf32, #tpu.memory_space<hbm>>
      %dma_start3A_605 = tpu.memref_squeeze %dma_start3A_604 : memref<1x1x64xf32, #tpu.memory_space<hbm>> -> memref<64xf32, #tpu.memory_space<hbm>>
      tpu.enqueue_dma source(%dma_start3A_605 : memref<64xf32, #tpu.memory_space<hbm>>) target(%dma_start3A_602 : memref<64xf32, #tpu.memory_space<vmem>>) target_semaphore(%arg10 : memref<!tpu.dma_semaphore, #tpu.memory_space<semaphore_mem>>)
      %slice3A_606 = vector.extract_strided_slice %shift_right_arithmetic3A_448 {offsets = [7], sizes = [1], strides = [1]} : vector<16xi32> to vector<1xi32>
      %squeeze3A_607 = vector.extract %slice3A_606[0] : i32 from vector<1xi32>
      %slice3A_608 = vector.extract_strided_slice %and3A_451 {offsets = [7], sizes = [1], strides = [1]} : vector<16xi32> to vector<1xi32>
      %squeeze3A_609 = vector.extract %slice3A_608[0] : i32 from vector<1xi32>
      %mul3A_610 = arith.constant 16 : i32
      %mul3A_611 = arith.muli %add3A_438, %mul3A_610 : i32
      %add3A_612 = arith.constant 384 : i32
      %add3A_613 = arith.addi %add3A_612, %mul3A_611 : i32
      %add3A_614 = arith.constant 7 : i32
      %add3A_615 = arith.addi %add3A_613, %add3A_614 : i32
      %dma_start3A_616 = arith.constant 0 : i32
      %dma_start3A_617 = tpu.memref_slice %arg6[%add3A_615, %dma_start3A_616] : memref<512x64xf32, #tpu.memory_space<vmem>> -> memref<1x64xf32, #tpu.memory_space<vmem>>
      %dma_start3A_618 = tpu.memref_squeeze %dma_start3A_617 : memref<1x64xf32, #tpu.memory_space<vmem>> -> memref<64xf32, #tpu.memory_space<vmem>>
      %dma_start3A_619 = arith.constant 0 : i32
      %dma_start3A_620 = tpu.memref_slice %arg3[%squeeze3A_607, %squeeze3A_609, %dma_start3A_619] : memref<125000x8x64xf32, #tpu.memory_space<hbm>> -> memref<1x1x64xf32, #tpu.memory_space<hbm>>
      %dma_start3A_621 = tpu.memref_squeeze %dma_start3A_620 : memref<1x1x64xf32, #tpu.memory_space<hbm>> -> memref<64xf32, #tpu.memory_space<hbm>>
      %dma_start3A_622 = arith.constant 0 : i32
      %dma_start3A_623 = tpu.memref_slice %arg6[%add3A_615, %dma_start3A_622] : memref<512x64xf32, #tpu.memory_space<vmem>> -> memref<1x64xf32, #tpu.memory_space<vmem>>
      %dma_start3A_624 = tpu.memref_squeeze %dma_start3A_623 : memref<1x64xf32, #tpu.memory_space<vmem>> -> memref<64xf32, #tpu.memory_space<vmem>>
      %dma_start3A_625 = arith.constant 0 : i32
      %dma_start3A_626 = tpu.memref_slice %arg3[%squeeze3A_607, %squeeze3A_609, %dma_start3A_625] : memref<125000x8x64xf32, #tpu.memory_space<hbm>> -> memref<1x1x64xf32, #tpu.memory_space<hbm>>
      %dma_start3A_627 = tpu.memref_squeeze %dma_start3A_626 : memref<1x1x64xf32, #tpu.memory_space<hbm>> -> memref<64xf32, #tpu.memory_space<hbm>>
      tpu.enqueue_dma source(%dma_start3A_627 : memref<64xf32, #tpu.memory_space<hbm>>) target(%dma_start3A_624 : memref<64xf32, #tpu.memory_space<vmem>>) target_semaphore(%arg10 : memref<!tpu.dma_semaphore, #tpu.memory_space<semaphore_mem>>)
      %slice3A_628 = vector.extract_strided_slice %shift_right_arithmetic3A_448 {offsets = [8], sizes = [1], strides = [1]} : vector<16xi32> to vector<1xi32>
      %squeeze3A_629 = vector.extract %slice3A_628[0] : i32 from vector<1xi32>
      %slice3A_630 = vector.extract_strided_slice %and3A_451 {offsets = [8], sizes = [1], strides = [1]} : vector<16xi32> to vector<1xi32>
      %squeeze3A_631 = vector.extract %slice3A_630[0] : i32 from vector<1xi32>
      %mul3A_632 = arith.constant 16 : i32
      %mul3A_633 = arith.muli %add3A_438, %mul3A_632 : i32
      %add3A_634 = arith.constant 384 : i32
      %add3A_635 = arith.addi %add3A_634, %mul3A_633 : i32
      %add3A_636 = arith.constant 8 : i32
      %add3A_637 = arith.addi %add3A_635, %add3A_636 : i32
      %dma_start3A_638 = arith.constant 0 : i32
      %dma_start3A_639 = tpu.memref_slice %arg6[%add3A_637, %dma_start3A_638] : memref<512x64xf32, #tpu.memory_space<vmem>> -> memref<1x64xf32, #tpu.memory_space<vmem>>
      %dma_start3A_640 = tpu.memref_squeeze %dma_start3A_639 : memref<1x64xf32, #tpu.memory_space<vmem>> -> memref<64xf32, #tpu.memory_space<vmem>>
      %dma_start3A_641 = arith.constant 0 : i32
      %dma_start3A_642 = tpu.memref_slice %arg3[%squeeze3A_629, %squeeze3A_631, %dma_start3A_641] : memref<125000x8x64xf32, #tpu.memory_space<hbm>> -> memref<1x1x64xf32, #tpu.memory_space<hbm>>
      %dma_start3A_643 = tpu.memref_squeeze %dma_start3A_642 : memref<1x1x64xf32, #tpu.memory_space<hbm>> -> memref<64xf32, #tpu.memory_space<hbm>>
      %dma_start3A_644 = arith.constant 0 : i32
      %dma_start3A_645 = tpu.memref_slice %arg6[%add3A_637, %dma_start3A_644] : memref<512x64xf32, #tpu.memory_space<vmem>> -> memref<1x64xf32, #tpu.memory_space<vmem>>
      %dma_start3A_646 = tpu.memref_squeeze %dma_start3A_645 : memref<1x64xf32, #tpu.memory_space<vmem>> -> memref<64xf32, #tpu.memory_space<vmem>>
      %dma_start3A_647 = arith.constant 0 : i32
      %dma_start3A_648 = tpu.memref_slice %arg3[%squeeze3A_629, %squeeze3A_631, %dma_start3A_647] : memref<125000x8x64xf32, #tpu.memory_space<hbm>> -> memref<1x1x64xf32, #tpu.memory_space<hbm>>
      %dma_start3A_649 = tpu.memref_squeeze %dma_start3A_648 : memref<1x1x64xf32, #tpu.memory_space<hbm>> -> memref<64xf32, #tpu.memory_space<hbm>>
      tpu.enqueue_dma source(%dma_start3A_649 : memref<64xf32, #tpu.memory_space<hbm>>) target(%dma_start3A_646 : memref<64xf32, #tpu.memory_space<vmem>>) target_semaphore(%arg10 : memref<!tpu.dma_semaphore, #tpu.memory_space<semaphore_mem>>)
      %slice3A_650 = vector.extract_strided_slice %shift_right_arithmetic3A_448 {offsets = [9], sizes = [1], strides = [1]} : vector<16xi32> to vector<1xi32>
      %squeeze3A_651 = vector.extract %slice3A_650[0] : i32 from vector<1xi32>
      %slice3A_652 = vector.extract_strided_slice %and3A_451 {offsets = [9], sizes = [1], strides = [1]} : vector<16xi32> to vector<1xi32>
      %squeeze3A_653 = vector.extract %slice3A_652[0] : i32 from vector<1xi32>
      %mul3A_654 = arith.constant 16 : i32
      %mul3A_655 = arith.muli %add3A_438, %mul3A_654 : i32
      %add3A_656 = arith.constant 384 : i32
      %add3A_657 = arith.addi %add3A_656, %mul3A_655 : i32
      %add3A_658 = arith.constant 9 : i32
      %add3A_659 = arith.addi %add3A_657, %add3A_658 : i32
      %dma_start3A_660 = arith.constant 0 : i32
      %dma_start3A_661 = tpu.memref_slice %arg6[%add3A_659, %dma_start3A_660] : memref<512x64xf32, #tpu.memory_space<vmem>> -> memref<1x64xf32, #tpu.memory_space<vmem>>
      %dma_start3A_662 = tpu.memref_squeeze %dma_start3A_661 : memref<1x64xf32, #tpu.memory_space<vmem>> -> memref<64xf32, #tpu.memory_space<vmem>>
      %dma_start3A_663 = arith.constant 0 : i32
      %dma_start3A_664 = tpu.memref_slice %arg3[%squeeze3A_651, %squeeze3A_653, %dma_start3A_663] : memref<125000x8x64xf32, #tpu.memory_space<hbm>> -> memref<1x1x64xf32, #tpu.memory_space<hbm>>
      %dma_start3A_665 = tpu.memref_squeeze %dma_start3A_664 : memref<1x1x64xf32, #tpu.memory_space<hbm>> -> memref<64xf32, #tpu.memory_space<hbm>>
      %dma_start3A_666 = arith.constant 0 : i32
      %dma_start3A_667 = tpu.memref_slice %arg6[%add3A_659, %dma_start3A_666] : memref<512x64xf32, #tpu.memory_space<vmem>> -> memref<1x64xf32, #tpu.memory_space<vmem>>
      %dma_start3A_668 = tpu.memref_squeeze %dma_start3A_667 : memref<1x64xf32, #tpu.memory_space<vmem>> -> memref<64xf32, #tpu.memory_space<vmem>>
      %dma_start3A_669 = arith.constant 0 : i32
      %dma_start3A_670 = tpu.memref_slice %arg3[%squeeze3A_651, %squeeze3A_653, %dma_start3A_669] : memref<125000x8x64xf32, #tpu.memory_space<hbm>> -> memref<1x1x64xf32, #tpu.memory_space<hbm>>
      %dma_start3A_671 = tpu.memref_squeeze %dma_start3A_670 : memref<1x1x64xf32, #tpu.memory_space<hbm>> -> memref<64xf32, #tpu.memory_space<hbm>>
      tpu.enqueue_dma source(%dma_start3A_671 : memref<64xf32, #tpu.memory_space<hbm>>) target(%dma_start3A_668 : memref<64xf32, #tpu.memory_space<vmem>>) target_semaphore(%arg10 : memref<!tpu.dma_semaphore, #tpu.memory_space<semaphore_mem>>)
      %slice3A_672 = vector.extract_strided_slice %shift_right_arithmetic3A_448 {offsets = [10], sizes = [1], strides = [1]} : vector<16xi32> to vector<1xi32>
      %squeeze3A_673 = vector.extract %slice3A_672[0] : i32 from vector<1xi32>
      %slice3A_674 = vector.extract_strided_slice %and3A_451 {offsets = [10], sizes = [1], strides = [1]} : vector<16xi32> to vector<1xi32>
      %squeeze3A_675 = vector.extract %slice3A_674[0] : i32 from vector<1xi32>
      %mul3A_676 = arith.constant 16 : i32
      %mul3A_677 = arith.muli %add3A_438, %mul3A_676 : i32
      %add3A_678 = arith.constant 384 : i32
      %add3A_679 = arith.addi %add3A_678, %mul3A_677 : i32
      %add3A_680 = arith.constant 10 : i32
      %add3A_681 = arith.addi %add3A_679, %add3A_680 : i32
      %dma_start3A_682 = arith.constant 0 : i32
      %dma_start3A_683 = tpu.memref_slice %arg6[%add3A_681, %dma_start3A_682] : memref<512x64xf32, #tpu.memory_space<vmem>> -> memref<1x64xf32, #tpu.memory_space<vmem>>
      %dma_start3A_684 = tpu.memref_squeeze %dma_start3A_683 : memref<1x64xf32, #tpu.memory_space<vmem>> -> memref<64xf32, #tpu.memory_space<vmem>>
      %dma_start3A_685 = arith.constant 0 : i32
      %dma_start3A_686 = tpu.memref_slice %arg3[%squeeze3A_673, %squeeze3A_675, %dma_start3A_685] : memref<125000x8x64xf32, #tpu.memory_space<hbm>> -> memref<1x1x64xf32, #tpu.memory_space<hbm>>
      %dma_start3A_687 = tpu.memref_squeeze %dma_start3A_686 : memref<1x1x64xf32, #tpu.memory_space<hbm>> -> memref<64xf32, #tpu.memory_space<hbm>>
      %dma_start3A_688 = arith.constant 0 : i32
      %dma_start3A_689 = tpu.memref_slice %arg6[%add3A_681, %dma_start3A_688] : memref<512x64xf32, #tpu.memory_space<vmem>> -> memref<1x64xf32, #tpu.memory_space<vmem>>
      %dma_start3A_690 = tpu.memref_squeeze %dma_start3A_689 : memref<1x64xf32, #tpu.memory_space<vmem>> -> memref<64xf32, #tpu.memory_space<vmem>>
      %dma_start3A_691 = arith.constant 0 : i32
      %dma_start3A_692 = tpu.memref_slice %arg3[%squeeze3A_673, %squeeze3A_675, %dma_start3A_691] : memref<125000x8x64xf32, #tpu.memory_space<hbm>> -> memref<1x1x64xf32, #tpu.memory_space<hbm>>
      %dma_start3A_693 = tpu.memref_squeeze %dma_start3A_692 : memref<1x1x64xf32, #tpu.memory_space<hbm>> -> memref<64xf32, #tpu.memory_space<hbm>>
      tpu.enqueue_dma source(%dma_start3A_693 : memref<64xf32, #tpu.memory_space<hbm>>) target(%dma_start3A_690 : memref<64xf32, #tpu.memory_space<vmem>>) target_semaphore(%arg10 : memref<!tpu.dma_semaphore, #tpu.memory_space<semaphore_mem>>)
      %slice3A_694 = vector.extract_strided_slice %shift_right_arithmetic3A_448 {offsets = [11], sizes = [1], strides = [1]} : vector<16xi32> to vector<1xi32>
      %squeeze3A_695 = vector.extract %slice3A_694[0] : i32 from vector<1xi32>
      %slice3A_696 = vector.extract_strided_slice %and3A_451 {offsets = [11], sizes = [1], strides = [1]} : vector<16xi32> to vector<1xi32>
      %squeeze3A_697 = vector.extract %slice3A_696[0] : i32 from vector<1xi32>
      %mul3A_698 = arith.constant 16 : i32
      %mul3A_699 = arith.muli %add3A_438, %mul3A_698 : i32
      %add3A_700 = arith.constant 384 : i32
      %add3A_701 = arith.addi %add3A_700, %mul3A_699 : i32
      %add3A_702 = arith.constant 11 : i32
      %add3A_703 = arith.addi %add3A_701, %add3A_702 : i32
      %dma_start3A_704 = arith.constant 0 : i32
      %dma_start3A_705 = tpu.memref_slice %arg6[%add3A_703, %dma_start3A_704] : memref<512x64xf32, #tpu.memory_space<vmem>> -> memref<1x64xf32, #tpu.memory_space<vmem>>
      %dma_start3A_706 = tpu.memref_squeeze %dma_start3A_705 : memref<1x64xf32, #tpu.memory_space<vmem>> -> memref<64xf32, #tpu.memory_space<vmem>>
      %dma_start3A_707 = arith.constant 0 : i32
      %dma_start3A_708 = tpu.memref_slice %arg3[%squeeze3A_695, %squeeze3A_697, %dma_start3A_707] : memref<125000x8x64xf32, #tpu.memory_space<hbm>> -> memref<1x1x64xf32, #tpu.memory_space<hbm>>
      %dma_start3A_709 = tpu.memref_squeeze %dma_start3A_708 : memref<1x1x64xf32, #tpu.memory_space<hbm>> -> memref<64xf32, #tpu.memory_space<hbm>>
      %dma_start3A_710 = arith.constant 0 : i32
      %dma_start3A_711 = tpu.memref_slice %arg6[%add3A_703, %dma_start3A_710] : memref<512x64xf32, #tpu.memory_space<vmem>> -> memref<1x64xf32, #tpu.memory_space<vmem>>
      %dma_start3A_712 = tpu.memref_squeeze %dma_start3A_711 : memref<1x64xf32, #tpu.memory_space<vmem>> -> memref<64xf32, #tpu.memory_space<vmem>>
      %dma_start3A_713 = arith.constant 0 : i32
      %dma_start3A_714 = tpu.memref_slice %arg3[%squeeze3A_695, %squeeze3A_697, %dma_start3A_713] : memref<125000x8x64xf32, #tpu.memory_space<hbm>> -> memref<1x1x64xf32, #tpu.memory_space<hbm>>
      %dma_start3A_715 = tpu.memref_squeeze %dma_start3A_714 : memref<1x1x64xf32, #tpu.memory_space<hbm>> -> memref<64xf32, #tpu.memory_space<hbm>>
      tpu.enqueue_dma source(%dma_start3A_715 : memref<64xf32, #tpu.memory_space<hbm>>) target(%dma_start3A_712 : memref<64xf32, #tpu.memory_space<vmem>>) target_semaphore(%arg10 : memref<!tpu.dma_semaphore, #tpu.memory_space<semaphore_mem>>)
      %slice3A_716 = vector.extract_strided_slice %shift_right_arithmetic3A_448 {offsets = [12], sizes = [1], strides = [1]} : vector<16xi32> to vector<1xi32>
      %squeeze3A_717 = vector.extract %slice3A_716[0] : i32 from vector<1xi32>
      %slice3A_718 = vector.extract_strided_slice %and3A_451 {offsets = [12], sizes = [1], strides = [1]} : vector<16xi32> to vector<1xi32>
      %squeeze3A_719 = vector.extract %slice3A_718[0] : i32 from vector<1xi32>
      %mul3A_720 = arith.constant 16 : i32
      %mul3A_721 = arith.muli %add3A_438, %mul3A_720 : i32
      %add3A_722 = arith.constant 384 : i32
      %add3A_723 = arith.addi %add3A_722, %mul3A_721 : i32
      %add3A_724 = arith.constant 12 : i32
      %add3A_725 = arith.addi %add3A_723, %add3A_724 : i32
      %dma_start3A_726 = arith.constant 0 : i32
      %dma_start3A_727 = tpu.memref_slice %arg6[%add3A_725, %dma_start3A_726] : memref<512x64xf32, #tpu.memory_space<vmem>> -> memref<1x64xf32, #tpu.memory_space<vmem>>
      %dma_start3A_728 = tpu.memref_squeeze %dma_start3A_727 : memref<1x64xf32, #tpu.memory_space<vmem>> -> memref<64xf32, #tpu.memory_space<vmem>>
      %dma_start3A_729 = arith.constant 0 : i32
      %dma_start3A_730 = tpu.memref_slice %arg3[%squeeze3A_717, %squeeze3A_719, %dma_start3A_729] : memref<125000x8x64xf32, #tpu.memory_space<hbm>> -> memref<1x1x64xf32, #tpu.memory_space<hbm>>
      %dma_start3A_731 = tpu.memref_squeeze %dma_start3A_730 : memref<1x1x64xf32, #tpu.memory_space<hbm>> -> memref<64xf32, #tpu.memory_space<hbm>>
      %dma_start3A_732 = arith.constant 0 : i32
      %dma_start3A_733 = tpu.memref_slice %arg6[%add3A_725, %dma_start3A_732] : memref<512x64xf32, #tpu.memory_space<vmem>> -> memref<1x64xf32, #tpu.memory_space<vmem>>
      %dma_start3A_734 = tpu.memref_squeeze %dma_start3A_733 : memref<1x64xf32, #tpu.memory_space<vmem>> -> memref<64xf32, #tpu.memory_space<vmem>>
      %dma_start3A_735 = arith.constant 0 : i32
      %dma_start3A_736 = tpu.memref_slice %arg3[%squeeze3A_717, %squeeze3A_719, %dma_start3A_735] : memref<125000x8x64xf32, #tpu.memory_space<hbm>> -> memref<1x1x64xf32, #tpu.memory_space<hbm>>
      %dma_start3A_737 = tpu.memref_squeeze %dma_start3A_736 : memref<1x1x64xf32, #tpu.memory_space<hbm>> -> memref<64xf32, #tpu.memory_space<hbm>>
      tpu.enqueue_dma source(%dma_start3A_737 : memref<64xf32, #tpu.memory_space<hbm>>) target(%dma_start3A_734 : memref<64xf32, #tpu.memory_space<vmem>>) target_semaphore(%arg10 : memref<!tpu.dma_semaphore, #tpu.memory_space<semaphore_mem>>)
      %slice3A_738 = vector.extract_strided_slice %shift_right_arithmetic3A_448 {offsets = [13], sizes = [1], strides = [1]} : vector<16xi32> to vector<1xi32>
      %squeeze3A_739 = vector.extract %slice3A_738[0] : i32 from vector<1xi32>
      %slice3A_740 = vector.extract_strided_slice %and3A_451 {offsets = [13], sizes = [1], strides = [1]} : vector<16xi32> to vector<1xi32>
      %squeeze3A_741 = vector.extract %slice3A_740[0] : i32 from vector<1xi32>
      %mul3A_742 = arith.constant 16 : i32
      %mul3A_743 = arith.muli %add3A_438, %mul3A_742 : i32
      %add3A_744 = arith.constant 384 : i32
      %add3A_745 = arith.addi %add3A_744, %mul3A_743 : i32
      %add3A_746 = arith.constant 13 : i32
      %add3A_747 = arith.addi %add3A_745, %add3A_746 : i32
      %dma_start3A_748 = arith.constant 0 : i32
      %dma_start3A_749 = tpu.memref_slice %arg6[%add3A_747, %dma_start3A_748] : memref<512x64xf32, #tpu.memory_space<vmem>> -> memref<1x64xf32, #tpu.memory_space<vmem>>
      %dma_start3A_750 = tpu.memref_squeeze %dma_start3A_749 : memref<1x64xf32, #tpu.memory_space<vmem>> -> memref<64xf32, #tpu.memory_space<vmem>>
      %dma_start3A_751 = arith.constant 0 : i32
      %dma_start3A_752 = tpu.memref_slice %arg3[%squeeze3A_739, %squeeze3A_741, %dma_start3A_751] : memref<125000x8x64xf32, #tpu.memory_space<hbm>> -> memref<1x1x64xf32, #tpu.memory_space<hbm>>
      %dma_start3A_753 = tpu.memref_squeeze %dma_start3A_752 : memref<1x1x64xf32, #tpu.memory_space<hbm>> -> memref<64xf32, #tpu.memory_space<hbm>>
      %dma_start3A_754 = arith.constant 0 : i32
      %dma_start3A_755 = tpu.memref_slice %arg6[%add3A_747, %dma_start3A_754] : memref<512x64xf32, #tpu.memory_space<vmem>> -> memref<1x64xf32, #tpu.memory_space<vmem>>
      %dma_start3A_756 = tpu.memref_squeeze %dma_start3A_755 : memref<1x64xf32, #tpu.memory_space<vmem>> -> memref<64xf32, #tpu.memory_space<vmem>>
      %dma_start3A_757 = arith.constant 0 : i32
      %dma_start3A_758 = tpu.memref_slice %arg3[%squeeze3A_739, %squeeze3A_741, %dma_start3A_757] : memref<125000x8x64xf32, #tpu.memory_space<hbm>> -> memref<1x1x64xf32, #tpu.memory_space<hbm>>
      %dma_start3A_759 = tpu.memref_squeeze %dma_start3A_758 : memref<1x1x64xf32, #tpu.memory_space<hbm>> -> memref<64xf32, #tpu.memory_space<hbm>>
      tpu.enqueue_dma source(%dma_start3A_759 : memref<64xf32, #tpu.memory_space<hbm>>) target(%dma_start3A_756 : memref<64xf32, #tpu.memory_space<vmem>>) target_semaphore(%arg10 : memref<!tpu.dma_semaphore, #tpu.memory_space<semaphore_mem>>)
      %slice3A_760 = vector.extract_strided_slice %shift_right_arithmetic3A_448 {offsets = [14], sizes = [1], strides = [1]} : vector<16xi32> to vector<1xi32>
      %squeeze3A_761 = vector.extract %slice3A_760[0] : i32 from vector<1xi32>
      %slice3A_762 = vector.extract_strided_slice %and3A_451 {offsets = [14], sizes = [1], strides = [1]} : vector<16xi32> to vector<1xi32>
      %squeeze3A_763 = vector.extract %slice3A_762[0] : i32 from vector<1xi32>
      %mul3A_764 = arith.constant 16 : i32
      %mul3A_765 = arith.muli %add3A_438, %mul3A_764 : i32
      %add3A_766 = arith.constant 384 : i32
      %add3A_767 = arith.addi %add3A_766, %mul3A_765 : i32
      %add3A_768 = arith.constant 14 : i32
      %add3A_769 = arith.addi %add3A_767, %add3A_768 : i32
      %dma_start3A_770 = arith.constant 0 : i32
      %dma_start3A_771 = tpu.memref_slice %arg6[%add3A_769, %dma_start3A_770] : memref<512x64xf32, #tpu.memory_space<vmem>> -> memref<1x64xf32, #tpu.memory_space<vmem>>
      %dma_start3A_772 = tpu.memref_squeeze %dma_start3A_771 : memref<1x64xf32, #tpu.memory_space<vmem>> -> memref<64xf32, #tpu.memory_space<vmem>>
      %dma_start3A_773 = arith.constant 0 : i32
      %dma_start3A_774 = tpu.memref_slice %arg3[%squeeze3A_761, %squeeze3A_763, %dma_start3A_773] : memref<125000x8x64xf32, #tpu.memory_space<hbm>> -> memref<1x1x64xf32, #tpu.memory_space<hbm>>
      %dma_start3A_775 = tpu.memref_squeeze %dma_start3A_774 : memref<1x1x64xf32, #tpu.memory_space<hbm>> -> memref<64xf32, #tpu.memory_space<hbm>>
      %dma_start3A_776 = arith.constant 0 : i32
      %dma_start3A_777 = tpu.memref_slice %arg6[%add3A_769, %dma_start3A_776] : memref<512x64xf32, #tpu.memory_space<vmem>> -> memref<1x64xf32, #tpu.memory_space<vmem>>
      %dma_start3A_778 = tpu.memref_squeeze %dma_start3A_777 : memref<1x64xf32, #tpu.memory_space<vmem>> -> memref<64xf32, #tpu.memory_space<vmem>>
      %dma_start3A_779 = arith.constant 0 : i32
      %dma_start3A_780 = tpu.memref_slice %arg3[%squeeze3A_761, %squeeze3A_763, %dma_start3A_779] : memref<125000x8x64xf32, #tpu.memory_space<hbm>> -> memref<1x1x64xf32, #tpu.memory_space<hbm>>
      %dma_start3A_781 = tpu.memref_squeeze %dma_start3A_780 : memref<1x1x64xf32, #tpu.memory_space<hbm>> -> memref<64xf32, #tpu.memory_space<hbm>>
      tpu.enqueue_dma source(%dma_start3A_781 : memref<64xf32, #tpu.memory_space<hbm>>) target(%dma_start3A_778 : memref<64xf32, #tpu.memory_space<vmem>>) target_semaphore(%arg10 : memref<!tpu.dma_semaphore, #tpu.memory_space<semaphore_mem>>)
      %slice3A_782 = vector.extract_strided_slice %shift_right_arithmetic3A_448 {offsets = [15], sizes = [1], strides = [1]} : vector<16xi32> to vector<1xi32>
      %squeeze3A_783 = vector.extract %slice3A_782[0] : i32 from vector<1xi32>
      %slice3A_784 = vector.extract_strided_slice %and3A_451 {offsets = [15], sizes = [1], strides = [1]} : vector<16xi32> to vector<1xi32>
      %squeeze3A_785 = vector.extract %slice3A_784[0] : i32 from vector<1xi32>
      %mul3A_786 = arith.constant 16 : i32
      %mul3A_787 = arith.muli %add3A_438, %mul3A_786 : i32
      %add3A_788 = arith.constant 384 : i32
      %add3A_789 = arith.addi %add3A_788, %mul3A_787 : i32
      %add3A_790 = arith.constant 15 : i32
      %add3A_791 = arith.addi %add3A_789, %add3A_790 : i32
      %dma_start3A_792 = arith.constant 0 : i32
      %dma_start3A_793 = tpu.memref_slice %arg6[%add3A_791, %dma_start3A_792] : memref<512x64xf32, #tpu.memory_space<vmem>> -> memref<1x64xf32, #tpu.memory_space<vmem>>
      %dma_start3A_794 = tpu.memref_squeeze %dma_start3A_793 : memref<1x64xf32, #tpu.memory_space<vmem>> -> memref<64xf32, #tpu.memory_space<vmem>>
      %dma_start3A_795 = arith.constant 0 : i32
      %dma_start3A_796 = tpu.memref_slice %arg3[%squeeze3A_783, %squeeze3A_785, %dma_start3A_795] : memref<125000x8x64xf32, #tpu.memory_space<hbm>> -> memref<1x1x64xf32, #tpu.memory_space<hbm>>
      %dma_start3A_797 = tpu.memref_squeeze %dma_start3A_796 : memref<1x1x64xf32, #tpu.memory_space<hbm>> -> memref<64xf32, #tpu.memory_space<hbm>>
      %dma_start3A_798 = arith.constant 0 : i32
      %dma_start3A_799 = tpu.memref_slice %arg6[%add3A_791, %dma_start3A_798] : memref<512x64xf32, #tpu.memory_space<vmem>> -> memref<1x64xf32, #tpu.memory_space<vmem>>
      %dma_start3A_800 = tpu.memref_squeeze %dma_start3A_799 : memref<1x64xf32, #tpu.memory_space<vmem>> -> memref<64xf32, #tpu.memory_space<vmem>>
      %dma_start3A_801 = arith.constant 0 : i32
      %dma_start3A_802 = tpu.memref_slice %arg3[%squeeze3A_783, %squeeze3A_785, %dma_start3A_801] : memref<125000x8x64xf32, #tpu.memory_space<hbm>> -> memref<1x1x64xf32, #tpu.memory_space<hbm>>
      %dma_start3A_803 = tpu.memref_squeeze %dma_start3A_802 : memref<1x1x64xf32, #tpu.memory_space<hbm>> -> memref<64xf32, #tpu.memory_space<hbm>>
      tpu.enqueue_dma source(%dma_start3A_803 : memref<64xf32, #tpu.memory_space<hbm>>) target(%dma_start3A_800 : memref<64xf32, #tpu.memory_space<vmem>>) target_semaphore(%arg10 : memref<!tpu.dma_semaphore, #tpu.memory_space<semaphore_mem>>)
    }
    %scan3A_21 = arith.constant 8 : i32
    %add3A_22 = arith.constant 0 : i32
    %add3A_23 = arith.addi %mul3A_2, %add3A_22 : i32
    %dma_wait3A = arith.constant 0 : i32
    %dma_wait3A_24 = arith.constant 0 : i32
    %dma_wait3A_25 = tpu.memref_slice %arg6[%dma_wait3A, %dma_wait3A_24] : memref<512x64xf32, #tpu.memory_space<vmem>> -> memref<128x64xf32, #tpu.memory_space<vmem>>
    %dma_wait3A_26 = arith.constant 0 : i32
    %dma_wait3A_27 = tpu.memref_slice %arg4[%add3A_23, %dma_wait3A_26] : memref<16384x64xf32, #tpu.memory_space<hbm>> -> memref<128x64xf32, #tpu.memory_space<hbm>>
    %dma_wait3A_28 = arith.constant 0 : i32
    %dma_wait3A_29 = arith.constant 0 : i32
    %dma_wait3A_30 = tpu.memref_slice %arg6[%dma_wait3A_28, %dma_wait3A_29] : memref<512x64xf32, #tpu.memory_space<vmem>> -> memref<128x64xf32, #tpu.memory_space<vmem>>
    %dma_wait3A_31 = arith.constant 0 : i32
    %dma_wait3A_32 = tpu.memref_slice %arg4[%add3A_23, %dma_wait3A_31] : memref<16384x64xf32, #tpu.memory_space<hbm>> -> memref<128x64xf32, #tpu.memory_space<hbm>>
    tpu.wait_dma2 semaphore(%arg7 : memref<!tpu.dma_semaphore, #tpu.memory_space<semaphore_mem>>) src(%dma_wait3A_32 : memref<128x64xf32, #tpu.memory_space<hbm>>) dst(%dma_wait3A_30 : memref<128x64xf32, #tpu.memory_space<vmem>>)
    "tpu.region"() ({
      %run_scoped3A = tpu.sem_alloc : memref<!tpu.dma_semaphore, #tpu.memory_space<semaphore_mem>>
      %dma_start3A = arith.constant 0 : i32
      %dma_start3A_69 = arith.constant 0 : i32
      %dma_start3A_70 = tpu.memref_slice %arg6[%dma_start3A, %dma_start3A_69] : memref<512x64xf32, #tpu.memory_space<vmem>> -> memref<128x64xf32, #tpu.memory_space<vmem>>
      %dma_start3A_71 = arith.constant 0 : i32
      %dma_start3A_72 = tpu.memref_slice %arg4[%add3A_23, %dma_start3A_71] : memref<16384x64xf32, #tpu.memory_space<hbm>> -> memref<128x64xf32, #tpu.memory_space<hbm>>
      %dma_start3A_73 = arith.constant 0 : i32
      %dma_start3A_74 = tpu.memref_slice %arg4[%add3A_23, %dma_start3A_73] : memref<16384x64xf32, #tpu.memory_space<hbm>> -> memref<128x64xf32, #tpu.memory_space<hbm>>
      %dma_start3A_75 = arith.constant 0 : i32
      %dma_start3A_76 = arith.constant 0 : i32
      %dma_start3A_77 = tpu.memref_slice %arg6[%dma_start3A_75, %dma_start3A_76] : memref<512x64xf32, #tpu.memory_space<vmem>> -> memref<128x64xf32, #tpu.memory_space<vmem>>
      tpu.enqueue_dma source(%dma_start3A_77 : memref<128x64xf32, #tpu.memory_space<vmem>>) target(%dma_start3A_74 : memref<128x64xf32, #tpu.memory_space<hbm>>) target_semaphore(%run_scoped3A : memref<!tpu.dma_semaphore, #tpu.memory_space<semaphore_mem>>)
      %dma_wait3A_78 = arith.constant 0 : i32
      %dma_wait3A_79 = arith.constant 0 : i32
      %dma_wait3A_80 = tpu.memref_slice %arg6[%dma_wait3A_78, %dma_wait3A_79] : memref<512x64xf32, #tpu.memory_space<vmem>> -> memref<128x64xf32, #tpu.memory_space<vmem>>
      %dma_wait3A_81 = arith.constant 0 : i32
      %dma_wait3A_82 = tpu.memref_slice %arg4[%add3A_23, %dma_wait3A_81] : memref<16384x64xf32, #tpu.memory_space<hbm>> -> memref<128x64xf32, #tpu.memory_space<hbm>>
      %dma_wait3A_83 = arith.constant 0 : i32
      %dma_wait3A_84 = tpu.memref_slice %arg4[%add3A_23, %dma_wait3A_83] : memref<16384x64xf32, #tpu.memory_space<hbm>> -> memref<128x64xf32, #tpu.memory_space<hbm>>
      %dma_wait3A_85 = arith.constant 0 : i32
      %dma_wait3A_86 = arith.constant 0 : i32
      %dma_wait3A_87 = tpu.memref_slice %arg6[%dma_wait3A_85, %dma_wait3A_86] : memref<512x64xf32, #tpu.memory_space<vmem>> -> memref<128x64xf32, #tpu.memory_space<vmem>>
      tpu.wait_dma2 semaphore(%run_scoped3A : memref<!tpu.dma_semaphore, #tpu.memory_space<semaphore_mem>>) src(%dma_wait3A_87 : memref<128x64xf32, #tpu.memory_space<vmem>>) dst(%dma_wait3A_84 : memref<128x64xf32, #tpu.memory_space<hbm>>)
      tpu.yield
    }) : () -> ()
    %add3A_33 = arith.constant 128 : i32
    %add3A_34 = arith.addi %mul3A_2, %add3A_33 : i32
    %dma_wait3A_35 = arith.constant 128 : i32
    %dma_wait3A_36 = arith.constant 0 : i32
    %dma_wait3A_37 = tpu.memref_slice %arg6[%dma_wait3A_35, %dma_wait3A_36] : memref<512x64xf32, #tpu.memory_space<vmem>> -> memref<128x64xf32, #tpu.memory_space<vmem>>
    %dma_wait3A_38 = arith.constant 0 : i32
    %dma_wait3A_39 = tpu.memref_slice %arg4[%add3A_34, %dma_wait3A_38] : memref<16384x64xf32, #tpu.memory_space<hbm>> -> memref<128x64xf32, #tpu.memory_space<hbm>>
    %dma_wait3A_40 = arith.constant 128 : i32
    %dma_wait3A_41 = arith.constant 0 : i32
    %dma_wait3A_42 = tpu.memref_slice %arg6[%dma_wait3A_40, %dma_wait3A_41] : memref<512x64xf32, #tpu.memory_space<vmem>> -> memref<128x64xf32, #tpu.memory_space<vmem>>
    %dma_wait3A_43 = arith.constant 0 : i32
    %dma_wait3A_44 = tpu.memref_slice %arg4[%add3A_34, %dma_wait3A_43] : memref<16384x64xf32, #tpu.memory_space<hbm>> -> memref<128x64xf32, #tpu.memory_space<hbm>>
    tpu.wait_dma2 semaphore(%arg8 : memref<!tpu.dma_semaphore, #tpu.memory_space<semaphore_mem>>) src(%dma_wait3A_44 : memref<128x64xf32, #tpu.memory_space<hbm>>) dst(%dma_wait3A_42 : memref<128x64xf32, #tpu.memory_space<vmem>>)
    "tpu.region"() ({
      %run_scoped3A = tpu.sem_alloc : memref<!tpu.dma_semaphore, #tpu.memory_space<semaphore_mem>>
      %dma_start3A = arith.constant 128 : i32
      %dma_start3A_69 = arith.constant 0 : i32
      %dma_start3A_70 = tpu.memref_slice %arg6[%dma_start3A, %dma_start3A_69] : memref<512x64xf32, #tpu.memory_space<vmem>> -> memref<128x64xf32, #tpu.memory_space<vmem>>
      %dma_start3A_71 = arith.constant 0 : i32
      %dma_start3A_72 = tpu.memref_slice %arg4[%add3A_34, %dma_start3A_71] : memref<16384x64xf32, #tpu.memory_space<hbm>> -> memref<128x64xf32, #tpu.memory_space<hbm>>
      %dma_start3A_73 = arith.constant 0 : i32
      %dma_start3A_74 = tpu.memref_slice %arg4[%add3A_34, %dma_start3A_73] : memref<16384x64xf32, #tpu.memory_space<hbm>> -> memref<128x64xf32, #tpu.memory_space<hbm>>
      %dma_start3A_75 = arith.constant 128 : i32
      %dma_start3A_76 = arith.constant 0 : i32
      %dma_start3A_77 = tpu.memref_slice %arg6[%dma_start3A_75, %dma_start3A_76] : memref<512x64xf32, #tpu.memory_space<vmem>> -> memref<128x64xf32, #tpu.memory_space<vmem>>
      tpu.enqueue_dma source(%dma_start3A_77 : memref<128x64xf32, #tpu.memory_space<vmem>>) target(%dma_start3A_74 : memref<128x64xf32, #tpu.memory_space<hbm>>) target_semaphore(%run_scoped3A : memref<!tpu.dma_semaphore, #tpu.memory_space<semaphore_mem>>)
      %dma_wait3A_78 = arith.constant 128 : i32
      %dma_wait3A_79 = arith.constant 0 : i32
      %dma_wait3A_80 = tpu.memref_slice %arg6[%dma_wait3A_78, %dma_wait3A_79] : memref<512x64xf32, #tpu.memory_space<vmem>> -> memref<128x64xf32, #tpu.memory_space<vmem>>
      %dma_wait3A_81 = arith.constant 0 : i32
      %dma_wait3A_82 = tpu.memref_slice %arg4[%add3A_34, %dma_wait3A_81] : memref<16384x64xf32, #tpu.memory_space<hbm>> -> memref<128x64xf32, #tpu.memory_space<hbm>>
      %dma_wait3A_83 = arith.constant 0 : i32
      %dma_wait3A_84 = tpu.memref_slice %arg4[%add3A_34, %dma_wait3A_83] : memref<16384x64xf32, #tpu.memory_space<hbm>> -> memref<128x64xf32, #tpu.memory_space<hbm>>
      %dma_wait3A_85 = arith.constant 128 : i32
      %dma_wait3A_86 = arith.constant 0 : i32
      %dma_wait3A_87 = tpu.memref_slice %arg6[%dma_wait3A_85, %dma_wait3A_86] : memref<512x64xf32, #tpu.memory_space<vmem>> -> memref<128x64xf32, #tpu.memory_space<vmem>>
      tpu.wait_dma2 semaphore(%run_scoped3A : memref<!tpu.dma_semaphore, #tpu.memory_space<semaphore_mem>>) src(%dma_wait3A_87 : memref<128x64xf32, #tpu.memory_space<vmem>>) dst(%dma_wait3A_84 : memref<128x64xf32, #tpu.memory_space<hbm>>)
      tpu.yield
    }) : () -> ()
    %add3A_45 = arith.constant 256 : i32
    %add3A_46 = arith.addi %mul3A_2, %add3A_45 : i32
    %dma_wait3A_47 = arith.constant 256 : i32
    %dma_wait3A_48 = arith.constant 0 : i32
    %dma_wait3A_49 = tpu.memref_slice %arg6[%dma_wait3A_47, %dma_wait3A_48] : memref<512x64xf32, #tpu.memory_space<vmem>> -> memref<128x64xf32, #tpu.memory_space<vmem>>
    %dma_wait3A_50 = arith.constant 0 : i32
    %dma_wait3A_51 = tpu.memref_slice %arg4[%add3A_46, %dma_wait3A_50] : memref<16384x64xf32, #tpu.memory_space<hbm>> -> memref<128x64xf32, #tpu.memory_space<hbm>>
    %dma_wait3A_52 = arith.constant 256 : i32
    %dma_wait3A_53 = arith.constant 0 : i32
    %dma_wait3A_54 = tpu.memref_slice %arg6[%dma_wait3A_52, %dma_wait3A_53] : memref<512x64xf32, #tpu.memory_space<vmem>> -> memref<128x64xf32, #tpu.memory_space<vmem>>
    %dma_wait3A_55 = arith.constant 0 : i32
    %dma_wait3A_56 = tpu.memref_slice %arg4[%add3A_46, %dma_wait3A_55] : memref<16384x64xf32, #tpu.memory_space<hbm>> -> memref<128x64xf32, #tpu.memory_space<hbm>>
    tpu.wait_dma2 semaphore(%arg9 : memref<!tpu.dma_semaphore, #tpu.memory_space<semaphore_mem>>) src(%dma_wait3A_56 : memref<128x64xf32, #tpu.memory_space<hbm>>) dst(%dma_wait3A_54 : memref<128x64xf32, #tpu.memory_space<vmem>>)
    "tpu.region"() ({
      %run_scoped3A = tpu.sem_alloc : memref<!tpu.dma_semaphore, #tpu.memory_space<semaphore_mem>>
      %dma_start3A = arith.constant 256 : i32
      %dma_start3A_69 = arith.constant 0 : i32
      %dma_start3A_70 = tpu.memref_slice %arg6[%dma_start3A, %dma_start3A_69] : memref<512x64xf32, #tpu.memory_space<vmem>> -> memref<128x64xf32, #tpu.memory_space<vmem>>
      %dma_start3A_71 = arith.constant 0 : i32
      %dma_start3A_72 = tpu.memref_slice %arg4[%add3A_46, %dma_start3A_71] : memref<16384x64xf32, #tpu.memory_space<hbm>> -> memref<128x64xf32, #tpu.memory_space<hbm>>
      %dma_start3A_73 = arith.constant 0 : i32
      %dma_start3A_74 = tpu.memref_slice %arg4[%add3A_46, %dma_start3A_73] : memref<16384x64xf32, #tpu.memory_space<hbm>> -> memref<128x64xf32, #tpu.memory_space<hbm>>
      %dma_start3A_75 = arith.constant 256 : i32
      %dma_start3A_76 = arith.constant 0 : i32
      %dma_start3A_77 = tpu.memref_slice %arg6[%dma_start3A_75, %dma_start3A_76] : memref<512x64xf32, #tpu.memory_space<vmem>> -> memref<128x64xf32, #tpu.memory_space<vmem>>
      tpu.enqueue_dma source(%dma_start3A_77 : memref<128x64xf32, #tpu.memory_space<vmem>>) target(%dma_start3A_74 : memref<128x64xf32, #tpu.memory_space<hbm>>) target_semaphore(%run_scoped3A : memref<!tpu.dma_semaphore, #tpu.memory_space<semaphore_mem>>)
      %dma_wait3A_78 = arith.constant 256 : i32
      %dma_wait3A_79 = arith.constant 0 : i32
      %dma_wait3A_80 = tpu.memref_slice %arg6[%dma_wait3A_78, %dma_wait3A_79] : memref<512x64xf32, #tpu.memory_space<vmem>> -> memref<128x64xf32, #tpu.memory_space<vmem>>
      %dma_wait3A_81 = arith.constant 0 : i32
      %dma_wait3A_82 = tpu.memref_slice %arg4[%add3A_46, %dma_wait3A_81] : memref<16384x64xf32, #tpu.memory_space<hbm>> -> memref<128x64xf32, #tpu.memory_space<hbm>>
      %dma_wait3A_83 = arith.constant 0 : i32
      %dma_wait3A_84 = tpu.memref_slice %arg4[%add3A_46, %dma_wait3A_83] : memref<16384x64xf32, #tpu.memory_space<hbm>> -> memref<128x64xf32, #tpu.memory_space<hbm>>
      %dma_wait3A_85 = arith.constant 256 : i32
      %dma_wait3A_86 = arith.constant 0 : i32
      %dma_wait3A_87 = tpu.memref_slice %arg6[%dma_wait3A_85, %dma_wait3A_86] : memref<512x64xf32, #tpu.memory_space<vmem>> -> memref<128x64xf32, #tpu.memory_space<vmem>>
      tpu.wait_dma2 semaphore(%run_scoped3A : memref<!tpu.dma_semaphore, #tpu.memory_space<semaphore_mem>>) src(%dma_wait3A_87 : memref<128x64xf32, #tpu.memory_space<vmem>>) dst(%dma_wait3A_84 : memref<128x64xf32, #tpu.memory_space<hbm>>)
      tpu.yield
    }) : () -> ()
    %add3A_57 = arith.constant 384 : i32
    %add3A_58 = arith.addi %mul3A_2, %add3A_57 : i32
    %dma_wait3A_59 = arith.constant 384 : i32
    %dma_wait3A_60 = arith.constant 0 : i32
    %dma_wait3A_61 = tpu.memref_slice %arg6[%dma_wait3A_59, %dma_wait3A_60] : memref<512x64xf32, #tpu.memory_space<vmem>> -> memref<128x64xf32, #tpu.memory_space<vmem>>
    %dma_wait3A_62 = arith.constant 0 : i32
    %dma_wait3A_63 = tpu.memref_slice %arg4[%add3A_58, %dma_wait3A_62] : memref<16384x64xf32, #tpu.memory_space<hbm>> -> memref<128x64xf32, #tpu.memory_space<hbm>>
    %dma_wait3A_64 = arith.constant 384 : i32
    %dma_wait3A_65 = arith.constant 0 : i32
    %dma_wait3A_66 = tpu.memref_slice %arg6[%dma_wait3A_64, %dma_wait3A_65] : memref<512x64xf32, #tpu.memory_space<vmem>> -> memref<128x64xf32, #tpu.memory_space<vmem>>
    %dma_wait3A_67 = arith.constant 0 : i32
    %dma_wait3A_68 = tpu.memref_slice %arg4[%add3A_58, %dma_wait3A_67] : memref<16384x64xf32, #tpu.memory_space<hbm>> -> memref<128x64xf32, #tpu.memory_space<hbm>>
    tpu.wait_dma2 semaphore(%arg10 : memref<!tpu.dma_semaphore, #tpu.memory_space<semaphore_mem>>) src(%dma_wait3A_68 : memref<128x64xf32, #tpu.memory_space<hbm>>) dst(%dma_wait3A_66 : memref<128x64xf32, #tpu.memory_space<vmem>>)
    "tpu.region"() ({
      %run_scoped3A = tpu.sem_alloc : memref<!tpu.dma_semaphore, #tpu.memory_space<semaphore_mem>>
      %dma_start3A = arith.constant 384 : i32
      %dma_start3A_69 = arith.constant 0 : i32
      %dma_start3A_70 = tpu.memref_slice %arg6[%dma_start3A, %dma_start3A_69] : memref<512x64xf32, #tpu.memory_space<vmem>> -> memref<128x64xf32, #tpu.memory_space<vmem>>
      %dma_start3A_71 = arith.constant 0 : i32
      %dma_start3A_72 = tpu.memref_slice %arg4[%add3A_58, %dma_start3A_71] : memref<16384x64xf32, #tpu.memory_space<hbm>> -> memref<128x64xf32, #tpu.memory_space<hbm>>
      %dma_start3A_73 = arith.constant 0 : i32
      %dma_start3A_74 = tpu.memref_slice %arg4[%add3A_58, %dma_start3A_73] : memref<16384x64xf32, #tpu.memory_space<hbm>> -> memref<128x64xf32, #tpu.memory_space<hbm>>
      %dma_start3A_75 = arith.constant 384 : i32
      %dma_start3A_76 = arith.constant 0 : i32
      %dma_start3A_77 = tpu.memref_slice %arg6[%dma_start3A_75, %dma_start3A_76] : memref<512x64xf32, #tpu.memory_space<vmem>> -> memref<128x64xf32, #tpu.memory_space<vmem>>
      tpu.enqueue_dma source(%dma_start3A_77 : memref<128x64xf32, #tpu.memory_space<vmem>>) target(%dma_start3A_74 : memref<128x64xf32, #tpu.memory_space<hbm>>) target_semaphore(%run_scoped3A : memref<!tpu.dma_semaphore, #tpu.memory_space<semaphore_mem>>)
      %dma_wait3A_78 = arith.constant 384 : i32
      %dma_wait3A_79 = arith.constant 0 : i32
      %dma_wait3A_80 = tpu.memref_slice %arg6[%dma_wait3A_78, %dma_wait3A_79] : memref<512x64xf32, #tpu.memory_space<vmem>> -> memref<128x64xf32, #tpu.memory_space<vmem>>
      %dma_wait3A_81 = arith.constant 0 : i32
      %dma_wait3A_82 = tpu.memref_slice %arg4[%add3A_58, %dma_wait3A_81] : memref<16384x64xf32, #tpu.memory_space<hbm>> -> memref<128x64xf32, #tpu.memory_space<hbm>>
      %dma_wait3A_83 = arith.constant 0 : i32
      %dma_wait3A_84 = tpu.memref_slice %arg4[%add3A_58, %dma_wait3A_83] : memref<16384x64xf32, #tpu.memory_space<hbm>> -> memref<128x64xf32, #tpu.memory_space<hbm>>
      %dma_wait3A_85 = arith.constant 384 : i32
      %dma_wait3A_86 = arith.constant 0 : i32
      %dma_wait3A_87 = tpu.memref_slice %arg6[%dma_wait3A_85, %dma_wait3A_86] : memref<512x64xf32, #tpu.memory_space<vmem>> -> memref<128x64xf32, #tpu.memory_space<vmem>>
      tpu.wait_dma2 semaphore(%run_scoped3A : memref<!tpu.dma_semaphore, #tpu.memory_space<semaphore_mem>>) src(%dma_wait3A_87 : memref<128x64xf32, #tpu.memory_space<vmem>>) dst(%dma_wait3A_84 : memref<128x64xf32, #tpu.memory_space<hbm>>)
      tpu.yield
    }) : () -> ()
    return
  }
}

</mosaic_0001>

<sc_bundles>
// kernel: kernel.3.cloned.1.call-start
scs
__scs_entry_jumppad:
0x0: {  	(pc) =	sbr.rel $0x88, $3  }
0x1: {  	(tag) =	ssettag $0x0;
	lr =	simm.s32 $0x1  }
0x2: {  	[smem:$0x3F9F] =	sst lr;
	_ =	strace $0xD0000000  }
0x3: {  	_ = 	snop  }
0x4: {  	_ = 	snop  }
0x5: {  	_ = 	snop  }
0x6: {  	_ = 	snop  }
0x7: {  	_ = 	snop  }
__scs_overlays_trampoline_lowered:
0x8: {  	[smem:$0x3FAE] =	sst s0  }
0x9: {  	[smem:$0x3FAF] =	sst s1  }
0xa: {  	[smem:$0x3FB0] =	sst s2  }
0xb: {  	[smem:$0x3FB1] =	sst s3  }
0xc: {  	[smem:$0x3FB2] =	sst s4  }
0xd: {  	[smem:$0x3FB3] =	sst s5  }
0xe: {  	[smem:$0x3FB4] =	sst s6  }
0xf: {  	[smem:$0x3FB5] =	sst s7  }
0x10: {  	[smem:$0x3FB6] =	sst s8  }
0x11: {  	[smem:$0x3FB7] =	sst s9;
	s0 =	simm.s32 @!p0 $0x0  }
0x12: {  	s1 =	sld [smem:$0x3F9D];
	s0 =	simm.s32 @p0 $0x1  }
0x13: {  	[smem:$0x3FB8] =	sst s0;
	s0 =	simm.s32 @!p1 $0x0  }
0x14: {  	s2 =	sld [smem:$0x3F9C];
	s0 =	simm.s32 @p1 $0x1  }
0x15: {  	[smem:$0x3FB9] =	sst s0;
	s0 =	simm.s32 @!p2 $0x0  }
0x16: {  	s3 =	sld [smem:$0x3FDB];
	s0 =	simm.s32 @p2 $0x1  }
0x17: {  	s4 =	simm.s32 $0x1BF5;
	[smem:$0x3FBB] =	sst s0  }
0x18: {  	s0 =	sld [smem:$0x3F9E];
	_ =	swait.ge [sflag:s4], $0x0  }
0x19: {  	s7 =	sld [smem:$0x3F9F]  }
0x1a: {  	s8 =	sadd.s32 $0xFFFFE003, lr  }
0x1b: {  	s9 =	sadd.s32 $0xFFFFFEF7, lr;
	s5 =	simm.s32 $0xFFFFFFFF;
	p2 =	slt.u32 s8, $0xFFFFF086  }
0x1c: {  	p1 =	slt.u32 s9, $0xF7A;
	s5 =	simm.s32 @!p2 $0x0  }
0x1d: {  	s5 =	simm.s32 @p1 $0x1;
	p0 =	seq.s32 s7, s2  }
0x1e: {  	s7 =	smul.u32 @!p0 $0xF7A, s2;
	p2 =	seq.s32 @!p0 s5, $0x0  }
0x1f: {  	s9 =	smul.u32 $0xF7A, s1;
	s8 =	simm.s32 @!p0 $0x1BF5;
	p2 =	por !p2, p0  }
0x20: {  	[sflag:s8] =	ssyncset.s32 @!p0 $0xFFFFF086;
	s6 =	sadd.s32 @!p0 s3, s7;
	s7 =	simm.s32 @!p0 $0x108  }
0x21: {  	s3 =	sadd.s32 s3, s9;
	s6 =	sadd.s32 @!p0 $0x88, s6;
	s7 =	simm.s32 @p2 $0x1082  }
0x22: {  	[simem:s7], [sflag:s8] =	dma.local @!p0 [hbm:s6], $0xF7A  }
0x23: {  	s9 =	sor.u32 $0xD0000000, s2;
	s6 =	simm.s32 $0x108;
	_ =	swait.ge @!p0 [sflag:s8], $0x0  }
0x24: {  	s3 =	sadd.s32 $0x88, s3;
	s6 =	simm.s32 @!p1 $0x1082;
	[sflag:s4] =	ssyncset.s32 $0xFFFFF086  }
0x25: {  	[simem:s6], [sflag:s4] =	dma.local [hbm:s3], $0xF7A  }
0x26: {  	[smem:$0x3F9F] =	sst s1;
	(tag) =	ssettag s2;
	_ =	strace s9  }
0x27: {  	s1 =	sld [smem:$0x3FAF]  }
0x28: {  	s2 =	sld [smem:$0x3FB0]  }
0x29: {  	s4 =	sld [smem:$0x3FB2]  }
0x2a: {  	p0 =	seq.s32 s5, $0x0;
	s5 =	sld [smem:$0x3FB3]  }
0x2b: {  	s6 =	sld [smem:$0x3FB4]  }
0x2c: {  	s7 =	sld [smem:$0x3FB5]  }
0x2d: {  	s3 =	simm.s32 $0x108;
	s8 =	sld [smem:$0x3FB6]  }
0x2e: {  	s3 =	simm.s32 @!p0 $0x1082;
	s9 =	sld [smem:$0x3FB7]  }
0x2f: {  	lr =	sadd.s32 s0, s3;
	s0 =	sld [smem:$0x3FAE]  }
0x30: {  	s3 =	sld [smem:$0x3FB1]  }
0x31: {  	[smem:$0x3FBA] =	sst s10  }
0x32: {  	s10 =	sld [smem:$0x3FB8];
	_ =	sdelay $0x3  }
0x33: {  	p0 =	seq.s32 s10, $0x1;
	s10 =	sld [smem:$0x3FBA];
	_ =	sdelay $0x3  }
0x34: {  	[smem:$0x3FBA] =	sst s10  }
0x35: {  	s10 =	sld [smem:$0x3FB9];
	_ =	sdelay $0x3  }
0x36: {  	p1 =	seq.s32 s10, $0x1;
	s10 =	sld [smem:$0x3FBA];
	_ =	sdelay $0x3  }
0x37: {  	[smem:$0x3FBA] =	sst s10  }
0x38: {  	s10 =	sld [smem:$0x3FBB]  }
0x39: {  	_ = 	snop;
	(pc) =	sbr.ind lr, $3  }
0x3a: {  	_ = 	snop  }
0x3b: {  	_ = 	snop  }
0x3c: {  	p2 =	seq.s32 s10, $0x1;
	s10 =	sld [smem:$0x3FBA]  }
0x3d: {  	_ =	shalt  }
0x3e: {  	_ =	shalt  }
0x3f: {  	_ =	shalt  }
0x40: {  	_ =	shalt  }
0x41: {  	_ =	shalt  }
0x42: {  	_ =	shalt  }
0x43: {  	_ =	shalt  }
0x44: {  	_ =	shalt  }
0x45: {  	_ =	shalt  }
0x46: {  	_ =	shalt  }
0x47: {  	_ =	shalt  }
0x48: {  	_ =	shalt  }
0x49: {  	_ =	shalt  }
0x4a: {  	_ =	shalt  }
0x4b: {  	_ =	shalt  }
0x4c: {  	_ =	shalt  }
0x4d: {  	_ =	shalt  }
0x4e: {  	_ =	shalt  }
0x4f: {  	_ =	shalt  }
0x50: {  	_ =	shalt  }
0x51: {  	_ =	shalt  }
0x52: {  	_ =	shalt  }
0x53: {  	_ =	shalt  }
0x54: {  	_ =	shalt  }
0x55: {  	_ =	shalt  }
0x56: {  	_ =	shalt  }
0x57: {  	_ =	shalt  }
0x58: {  	_ =	shalt  }
0x59: {  	_ =	shalt  }
0x5a: {  	_ =	shalt  }
0x5b: {  	_ =	shalt  }
0x5c: {  	_ =	shalt  }
0x5d: {  	_ =	shalt  }
0x5e: {  	_ =	shalt  }
0x5f: {  	_ =	shalt  }
0x60: {  	_ =	shalt  }
0x61: {  	_ =	shalt  }
0x62: {  	_ =	shalt  }
0x63: {  	_ =	shalt  }
0x64: {  	_ =	shalt  }
0x65: {  	_ =	shalt  }
0x66: {  	_ =	shalt  }
0x67: {  	_ =	shalt  }
0x68: {  	_ =	shalt  }
0x69: {  	_ =	shalt  }
0x6a: {  	_ =	shalt  }
0x6b: {  	_ =	shalt  }
0x6c: {  	_ =	shalt  }
0x6d: {  	_ =	shalt  }
0x6e: {  	_ =	shalt  }
0x6f: {  	_ =	shalt  }
0x70: {  	_ =	shalt  }
0x71: {  	_ =	shalt  }
0x72: {  	_ =	shalt  }
0x73: {  	_ =	shalt  }
0x74: {  	_ =	shalt  }
0x75: {  	_ =	shalt  }
0x76: {  	_ =	shalt  }
0x77: {  	_ =	shalt  }
0x78: {  	_ =	shalt  }
0x79: {  	_ =	shalt  }
0x7a: {  	_ =	shalt  }
0x7b: {  	_ =	shalt  }
0x7c: {  	_ =	shalt  }
0x7d: {  	_ =	shalt  }
0x7e: {  	_ =	shalt  }
0x7f: {  	_ =	shalt  }
0x80: {  	_ =	shalt  }
0x81: {  	_ =	shalt  }
0x82: {  	_ =	shalt  }
0x83: {  	_ =	shalt  }
0x84: {  	_ =	shalt  }
0x85: {  	_ =	shalt  }
0x86: {  	_ =	shalt  }
0x87: {  	_ =	shalt  }
.Lfunc_end0:
.L_simem_size_0:
called_computation_lowered:
.L_overlay_start_0:
0x88: {  	s2 =	sld [smem:$0x3FD9]  }
0x89: {  	s3 =	sld [smem:$0x3FFE];
	_ =	sdelay $0x1  }
0x8a: {  	s1 =	srdreg.scid  }
0x8b: {  	s0 =	sand.u32 $0x1, s1  }
0x8c: {  	s17 =	sshll.u32 s0, $0xA;
	s2 =	sadd.s32 s3, s2  }
0x8d: {  	s2 =	sadd.s32 s2, s17  }
0x8e: {  	[smem:$0x3FC6] =	sst s2  }
0x8f: {  	_ = 	snop  }
0x90: {  	s2 =	sld [smem:$0x3FC9];
	(tm) =	ssettm $0x1  }
0x91: {  	s18 =	sld [smem:$0x3FFB];
	_ =	sdelay $0x3  }
0x92: {  	_ =	strace s18  }
0x93: {  	s3 =	sld [smem:$0x3FFC];
	_ =	sdelay $0x3  }
0x94: {  	_ =	strace s3  }
0x95: {  	s3 =	sld [smem:$0x3FFD];
	_ =	sdelay $0x3  }
0x96: {  	_ =	strace s3  }
0x97: {  	_ =	strace $0x8FFFFFFF  }
0x98: {  	s19 =	sld [smem:$0x3FDB];
	_ =	sdelay $0x1  }
0x99: {  	s4 =	simm.s32 $_scs_section_size  }
0x9a: {  	s5 =	simm.s32 $_size__tile_overlayer_lowered;
	s6 =	simm.s32 $_tile_overlayer_lowered  }
0x9b: {  	s22 =	simm.s32 $0x1BFF;
	s21 =	sshll.u32 s6, $0x1;
	s3 =	sadd.s32 s4, s19  }
0x9c: {  	s7 =	simm.s32 $0x0;
	s20 =	sshll.u32 s5, $0x1;
	s5 =	sadd.s32 s21, s3  }
0x9d: {  	[timem:s7], [sflag:s22] =	dma.local [hbm:s5], s20  }
0x9e: {  	_ =	swait.ge [sflag:s22], s20  }
0x9f: {  	s4 =	ssub.s32 $0x0, s20;
	[sflag:s22] =	ssyncset.done $0x0  }
0xa0: {  	[sflag:s22] =	ssyncadd.s32 s4;
	_ =	sdelay $0x1  }
0xa1: {  	s23 =	simm.s32 $0x1B8B  }
0xa2: {  	_ =	swait.ge [sflag:s23], $0x1  }
0xa3: {  	[sflag:s23] =	ssyncset.done $0x0  }
0xa4: {  	s25 =	simm.s32 $0x1B8E;
	s24 =	sld [smem:$0x3FFE];
	[sflag:s23] =	ssyncadd.s32 $0xFFFFFFFF  }
0xa5: {  	s26 =	simm.s32 $execute0_lowered;
	[smem:$0x3FD2] =	sst s25  }
0xa6: {  	s5 =	sshll.u32 s26, $0x1;
	_ =	strace $0x80000046;
	[dreg:$0x1] =	wrdreg $0xFFFFFFFF  }
0xa7: {  	s28 =	simm.s32 $_size_execute0_lowered;
	s3 =	sadd.s32 s3, s5;
	[dreg:$0x0] =	wrdreg $0x0  }
0xa8: {  	s5 =	sshll.u32 s28, $0x1;
	[dreg:$0x2] =	wrdreg s3  }
0xa9: {  	[dreg:$0x3] =	wrdreg s5  }
0xaa: {  	[dreg:$0x4] =	wrdreg $0xC0  }
0xab: {  	_ =	task [dreg:s7], $0x5FFFF  }
0xac: {  	[dreg:$0x1] =	wrdreg $0xFFFFFFFF  }
0xad: {  	[dreg:$0x0] =	wrdreg $0x60  }
0xae: {  	[dreg:$0x2] =	wrdreg s2  }
0xaf: {  	[dreg:$0x3] =	wrdreg s24  }
0xb0: {  	[dreg:$0x4] =	wrdreg $0x9  }
0xb1: {  	_ =	task.clear_ibuf [dreg:s7], $0x5FFFF;
	_ =	strace $0x90000046  }
0xb2: {  	s29 =	simm.s32 $0x9;
	_ =	strace $0x80000048  }
0xb3: {  	_ =	swait.ge [sflag:s29], $0x1  }
0xb4: {  	[sflag:s29] =	ssyncadd.s32 $0xFFFFFFFF  }
0xb5: {  	_ =	strace $0x90000048  }
0xb6: {  	_ =	sfence  }
0xb7: {  	s30 =	sld [smem:$0x0];
	_ =	sdelay $0x2  }
0xb8: {  	s31 =	sshll.u32 s1, $0xD;
	s1 =	sshrl.u32 s1, $0x2  }
0xb9: {  	s3 =	sand.u32 $0x4000, s31;
	s1 =	sadd.s32 s1, s30  }
0xba: {  	s0 =	sor.u32 s3, s0;
	s1 =	sshll.u32 s1, $0x11  }
0xbb: {  	s0 =	sor.u32 s1, s0  }
0xbc: {  	s0 =	sadd.s32 $0x8F2B, s0  }
0xbd: {  	[sflag:s0] =	ssyncadd.remote.s32 $0x1  }
0xbe: {  	_ =	sfence.sel $0xFFFF  }
0xbf: {  	[dreg:$0x0] =	wrdreg $0xFFFFFFFF;
	(pc) =	sbr.abs _section_cstart, $3  }
0xc0: {  	[dreg:$0x1] =	wrdreg $0xFFFFFFFF  }
0xc1: {  	_ =	task.clear_ibuf [dreg:s7], $0x2FFFF;
	_ =	strace $0x9FFFFFFF  }
0xc2: {  	(tm) =	ssettm $0x7FFFFFFF  }
0xc3: {  	_ =	shalt  }
tec
execute0_lowered:
.L_overlay_start_1:
0x0: {  	(tag) =	ssettag $0x1  }
0x1: {  	s5 =	rddreg [dreg:$0x0]  }
0x2: {  	s4 =	rddreg [dreg:$0x1];
	s2 =	srdreg.scid  }
0x3: {  	s0 =	rddreg [dreg:$0x2];
	s1 =	stileid.u32  }
0x4: {  	s11 =	simm.s32 $0x1;
	s12 =	simm.s32 $0x200;
	s13 =	simm.s32 $0x2  }
0x5: {  	s14 =	simm.s32 $0x4200;
	s15 =	simm.s32 $0x3;
	s16 =	simm.s32 $0x8200  }
0x6: {  	s17 =	simm.s32 $0x4;
	s18 =	simm.s32 $0xC200;
	s3 =	sand.u32 $0x1, s2  }
0x7: {  	s2 =	simm.s32 $0x0;
	s6 =	sshll.u32 s1, $0xA;
	s7 =	sshll.u32 s3, $0x9  }
0x8: {  	s19 =	simm.s32 $0x0;
	[smem:$0x7FF] =	sst s2;
	s6 =	sor.u32 s7, s6  }
0x9: {  	s8 =	ssub.s32 $0x2, s3;
	s3 =	sadd.s32 $0x400, s4;
	s7 =	sshll.u32 s6, $0x4  }
0xa: {  	_ =	strace $0x80000047;
	s31 =	sshrl.u32 s8, $0x1;
	s9 =	sadd.s32 s7, s4  }
0xb: {  	s10 =	ssub.s32 s8, s31;
	s6 =	sshrl.u32 s6, $0x3;
	s4 =	sadd.s32 $0xF42800, s9  }
0xc: {  	s5 =	sadd.s32 s5, s6;
	s6 =	sadd.s32 $0xF43000, s9;
	s7 =	sadd.s32 $0xF43800, s9  }
0xd: {  	s8 =	sadd.s32 $0xF44000, s9;
	s9 =	smax.u32 s10, $0x1;
	s10 =	simm.s32 $0x5  }
.LBB2_1:
0xe: {  	[tilespmem:s2], [sflag:$0x5] =	stream.linear.gather [hbm4b:s5+s2], $0x200, $0x38;
	[tilespmem:$0x10200] =	vst v63  }
0xf: {  	_ =	swait.ge [sflag:s10], $0x200  }
0x10: {  	s20 =	simm.s32 $0xFFFFFFFE;
	s21 =	simm.s32 $0xA00;
	[sflag:s10] =	ssyncset.done $0x0  }
0x11: {  	s23 =	simm.s32 $0x10;
	s25 =	simm.s32 $0xFFFFFFFE;
	[sflag:s10] =	ssyncadd.s32 $0xFFFFFE00  }
.LBB2_2:
0x12: {  	v0 =	vld [tilespmem:s23+$0xFFFFFFF0];
	_ =	sdelay $0x4  }
0x13: {  	v1 =	vshrl.u32 v0, $0x3  }
0x14: {  	v0 =	vand.u32 $0x7, v0;
	v1 =	vshll.u32 v1, $0xA  }
0x15: {  	v0 =	vshll.u32 v0, $0x7;
	(v2sf) =	vpush v1, $0x0  }
0x16: {  	(v2sf) =	vpush v0, $0x0;
	_ =	sdelay $0x2  }
0x17: {  	(v2sf) =	vpush v1, $0x1  }
0x18: {  	(v2sf) =	vpush v0, $0x1;
	_ =	sdelay $0x1  }
0x19: {  	(v2sf) =	vpush v1, $0x2;
	_ =	sdelay $0x1  }
0x1a: {  	(v2sf) =	vpush v0, $0x2;
	_ =	sdelay $0x5  }
0x1b: {  	s22 =	spop (v2sf);
	(v2sf) =	vpush v1, $0x3  }
0x1c: {  	s24 =	spop (v2sf);
	(v2sf) =	vpush v0, $0x3;
	_ =	sdelay $0x2  }
0x1d: {  	s29 =	spop (v2sf);
	(v2sf) =	vpush v1, $0x4  }
0x1e: {  	s30 =	spop (v2sf);
	(v2sf) =	vpush v0, $0x4;
	_ =	sdelay $0x1  }
0x1f: {  	s22 =	sor.u32 s24, s22;
	s24 =	spop (v2sf);
	(v2sf) =	vpush v1, $0x5;
	_ =	sdelay $0x1  }
0x20: {  	s26 =	spop (v2sf);
	(v2sf) =	vpush v0, $0x5;
	_ =	sdelay $0x1  }
0x21: {  	s22 =	sshrl.u32 s22, $0x3  }
0x22: {  	s28 =	sadd.s32 $0xFFFFF800, s21;
	s22 =	sadd.s32 s3, s22  }
0x23: {  	[tilespmem:s28], [sflag:$0x1] =	stream.linear.gather [hbm4b:s22+s2], $0x80, $0x38;
	[tilespmem:$0x10200] =	vst v63  }
0x24: {  	s22 =	sor.u32 s30, s29  }
0x25: {  	s22 =	sshrl.u32 s22, $0x3;
	s29 =	spop (v2sf);
	(v2sf) =	vpush v1, $0x6  }
0x26: {  	s31 =	sadd.s32 $0xFFFFF880, s21;
	s22 =	sadd.s32 s3, s22;
	s30 =	spop (v2sf);
	(v2sf) =	vpush v0, $0x6  }
0x27: {  	[tilespmem:s31], [sflag:$0x1] =	stream.linear.gather [hbm4b:s22+s2], $0x80, $0x38;
	[tilespmem:$0x10200] =	vst v63  }
0x28: {  	s22 =	sor.u32 s26, s24  }
0x29: {  	s22 =	sshrl.u32 s22, $0x3;
	s24 =	spop (v2sf);
	(v2sf) =	vpush v1, $0x7  }
0x2a: {  	s28 =	sadd.s32 $0xFFFFF900, s21;
	s22 =	sadd.s32 s3, s22;
	s26 =	spop (v2sf);
	(v2sf) =	vpush v0, $0x7  }
0x2b: {  	[tilespmem:s28], [sflag:$0x1] =	stream.linear.gather [hbm4b:s22+s2], $0x80, $0x38;
	[tilespmem:$0x10200] =	vst v63  }
0x2c: {  	s22 =	sor.u32 s30, s29;
	s29 =	spop (v2sf);
	(v2sf) =	vpush v1, $0x8;
	_ =	sdelay $0x1  }
0x2d: {  	s30 =	spop (v2sf);
	(v2sf) =	vpush v0, $0x8;
	_ =	sdelay $0x1  }
0x2e: {  	s22 =	sshrl.u32 s22, $0x3  }
0x2f: {  	s31 =	sadd.s32 $0xFFFFF980, s21;
	s22 =	sadd.s32 s3, s22  }
0x30: {  	[tilespmem:s31], [sflag:$0x1] =	stream.linear.gather [hbm4b:s22+s2], $0x80, $0x38;
	[tilespmem:$0x10200] =	vst v63  }
0x31: {  	s22 =	sor.u32 s26, s24  }
0x32: {  	s22 =	sshrl.u32 s22, $0x3;
	s24 =	spop (v2sf);
	(v2sf) =	vpush v1, $0x9  }
0x33: {  	s28 =	sadd.s32 $0xFFFFFA00, s21;
	s22 =	sadd.s32 s3, s22;
	s26 =	spop (v2sf);
	(v2sf) =	vpush v0, $0x9  }
0x34: {  	[tilespmem:s28], [sflag:$0x1] =	stream.linear.gather [hbm4b:s22+s2], $0x80, $0x38;
	[tilespmem:$0x10200] =	vst v63  }
0x35: {  	s22 =	sor.u32 s30, s29  }
0x36: {  	s22 =	sshrl.u32 s22, $0x3;
	s29 =	spop (v2sf);
	(v2sf) =	vpush v1, $0xA  }
0x37: {  	s31 =	sadd.s32 $0xFFFFFA80, s21;
	s22 =	sadd.s32 s3, s22;
	s30 =	spop (v2sf);
	(v2sf) =	vpush v0, $0xA  }
0x38: {  	[tilespmem:s31], [sflag:$0x1] =	stream.linear.gather [hbm4b:s22+s2], $0x80, $0x38;
	[tilespmem:$0x10200] =	vst v63  }
0x39: {  	s22 =	sor.u32 s26, s24;
	s24 =	spop (v2sf);
	(v2sf) =	vpush v1, $0xB  }
0x3a: {  	s22 =	sshrl.u32 s22, $0x3  }
0x3b: {  	s28 =	sadd.s32 $0xFFFFFB00, s21;
	s22 =	sadd.s32 s3, s22;
	s26 =	spop (v2sf);
	(v2sf) =	vpush v0, $0xB  }
0x3c: {  	[tilespmem:s28], [sflag:$0x1] =	stream.linear.gather [hbm4b:s22+s2], $0x80, $0x38;
	[tilespmem:$0x10200] =	vst v63  }
0x3d: {  	s22 =	sor.u32 s30, s29  }
0x3e: {  	s22 =	sshrl.u32 s22, $0x3  }
0x3f: {  	s31 =	sadd.s32 $0xFFFFFB80, s21;
	s22 =	sadd.s32 s3, s22  }
0x40: {  	[tilespmem:s31], [sflag:$0x1] =	stream.linear.gather [hbm4b:s22+s2], $0x80, $0x38;
	[tilespmem:$0x10200] =	vst v63  }
0x41: {  	s22 =	sor.u32 s26, s24;
	s29 =	spop (v2sf);
	(v2sf) =	vpush v1, $0xC  }
0x42: {  	s22 =	sshrl.u32 s22, $0x3;
	s30 =	spop (v2sf);
	(v2sf) =	vpush v0, $0xC  }
0x43: {  	s28 =	sadd.s32 $0xFFFFFC00, s21;
	s22 =	sadd.s32 s3, s22  }
0x44: {  	[tilespmem:s28], [sflag:$0x1] =	stream.linear.gather [hbm4b:s22+s2], $0x80, $0x38;
	[tilespmem:$0x10200] =	vst v63  }
0x45: {  	s24 =	spop (v2sf);
	(v2sf) =	vpush v1, $0xD  }
0x46: {  	s22 =	sor.u32 s30, s29;
	s26 =	spop (v2sf);
	(v2sf) =	vpush v0, $0xD  }
0x47: {  	s22 =	sshrl.u32 s22, $0x3  }
0x48: {  	s31 =	sadd.s32 $0xFFFFFC80, s21;
	s22 =	sadd.s32 s3, s22;
	s29 =	spop (v2sf)  }
0x49: {  	(v2sf) =	vpush v1, $0xE;
	[tilespmem:s31], [sflag:$0x1] =	stream.linear.gather [hbm4b:s22+s2], $0x80, $0x38;
	[tilespmem:$0x10200] =	vst v63  }
0x4a: {  	s30 =	spop (v2sf);
	(v2sf) =	vpush v0, $0xE  }
0x4b: {  	s22 =	sor.u32 s26, s24  }
0x4c: {  	s22 =	sshrl.u32 s22, $0x3  }
0x4d: {  	s28 =	sadd.s32 $0xFFFFFD00, s21;
	s22 =	sadd.s32 s3, s22  }
0x4e: {  	[tilespmem:s28], [sflag:$0x1] =	stream.linear.gather [hbm4b:s22+s2], $0x80, $0x38;
	[tilespmem:$0x10200] =	vst v63  }
0x4f: {  	s22 =	sor.u32 s30, s29  }
0x50: {  	s22 =	sshrl.u32 s22, $0x3;
	s24 =	spop (v2sf);
	(v2sf) =	vpush v1, $0xF  }
0x51: {  	s31 =	sadd.s32 $0xFFFFFD80, s21;
	s22 =	sadd.s32 s3, s22;
	s26 =	spop (v2sf);
	(v2sf) =	vpush v0, $0xF  }
0x52: {  	[tilespmem:s31], [sflag:$0x1] =	stream.linear.gather [hbm4b:s22+s2], $0x80, $0x38;
	[tilespmem:$0x10200] =	vst v63  }
0x53: {  	s22 =	sor.u32 s26, s24  }
0x54: {  	s29 =	spop (v2sf);
	s22 =	sshrl.u32 s22, $0x3  }
0x55: {  	s28 =	sadd.s32 $0xFFFFFE00, s21;
	s30 =	spop (v2sf);
	s22 =	sadd.s32 s3, s22  }
0x56: {  	[tilespmem:s28], [sflag:$0x1] =	stream.linear.gather [hbm4b:s22+s2], $0x80, $0x38;
	[tilespmem:$0x10200] =	vst v63  }
0x57: {  	s22 =	sor.u32 s30, s29  }
0x58: {  	s24 =	spop (v2sf);
	s22 =	sshrl.u32 s22, $0x3  }
0x59: {  	s31 =	sadd.s32 $0xFFFFFE80, s21;
	s26 =	spop (v2sf);
	s22 =	sadd.s32 s3, s22  }
0x5a: {  	[tilespmem:s31], [sflag:$0x1] =	stream.linear.gather [hbm4b:s22+s2], $0x80, $0x38;
	[tilespmem:$0x10200] =	vst v63  }
0x5b: {  	s22 =	sor.u32 s26, s24  }
0x5c: {  	s22 =	sshrl.u32 s22, $0x3  }
0x5d: {  	s28 =	sadd.s32 $0xFFFFFF00, s21;
	s22 =	sadd.s32 s3, s22  }
0x5e: {  	[tilespmem:s28], [sflag:$0x1] =	stream.linear.gather [hbm4b:s22+s2], $0x80, $0x38;
	[tilespmem:$0x10200] =	vst v63  }
0x5f: {  	s29 =	spop (v2sf)  }
0x60: {  	s30 =	spop (v2sf)  }
0x61: {  	s22 =	sor.u32 s30, s29  }
0x62: {  	s22 =	sshrl.u32 s22, $0x3  }
0x63: {  	s31 =	sadd.s32 $0xFFFFFF80, s21;
	s22 =	sadd.s32 s3, s22  }
0x64: {  	[tilespmem:s31], [sflag:$0x1] =	stream.linear.gather [hbm4b:s22+s2], $0x80, $0x38;
	[tilespmem:$0x10200] =	vst v63  }
0x65: {  	v62 =	vld [tilespmem:s23+$0x0];
	_ =	sdelay $0x4  }
0x66: {  	v63 =	vshrl.u32 v62, $0x3  }
0x67: {  	v0 =	vand.u32 $0x7, v62;
	v1 =	vshll.u32 v63, $0xA  }
0x68: {  	v0 =	vshll.u32 v0, $0x7;
	(v2sf) =	vpush v1, $0x0  }
0x69: {  	(v2sf) =	vpush v0, $0x0;
	_ =	sdelay $0x2  }
0x6a: {  	(v2sf) =	vpush v1, $0x1  }
0x6b: {  	(v2sf) =	vpush v0, $0x1;
	_ =	sdelay $0x1  }
0x6c: {  	(v2sf) =	vpush v1, $0x2;
	_ =	sdelay $0x1  }
0x6d: {  	(v2sf) =	vpush v0, $0x2;
	_ =	sdelay $0x5  }
0x6e: {  	s26 =	spop (v2sf);
	(v2sf) =	vpush v1, $0x3  }
0x6f: {  	s28 =	spop (v2sf);
	(v2sf) =	vpush v0, $0x3;
	_ =	sdelay $0x2  }
0x70: {  	s29 =	spop (v2sf);
	(v2sf) =	vpush v1, $0x4  }
0x71: {  	s30 =	spop (v2sf);
	(v2sf) =	vpush v0, $0x4;
	_ =	sdelay $0x1  }
0x72: {  	s24 =	spop (v2sf);
	(v2sf) =	vpush v1, $0x5;
	_ =	sdelay $0x1  }
0x73: {  	s22 =	sor.u32 s28, s26;
	s26 =	spop (v2sf);
	(v2sf) =	vpush v0, $0x5;
	_ =	sdelay $0x1  }
0x74: {  	s22 =	sshrl.u32 s22, $0x3  }
0x75: {  	s22 =	sadd.s32 s3, s22  }
0x76: {  	[tilespmem:s21], [sflag:$0x1] =	stream.linear.gather [hbm4b:s22+s2], $0x80, $0x38;
	[tilespmem:$0x10200] =	vst v63  }
0x77: {  	s22 =	sor.u32 s30, s29  }
0x78: {  	s22 =	sshrl.u32 s22, $0x3;
	s29 =	spop (v2sf);
	(v2sf) =	vpush v1, $0x6  }
0x79: {  	s31 =	sadd.s32 $0x80, s21;
	s22 =	sadd.s32 s3, s22;
	s30 =	spop (v2sf);
	(v2sf) =	vpush v0, $0x6  }
0x7a: {  	[tilespmem:s31], [sflag:$0x1] =	stream.linear.gather [hbm4b:s22+s2], $0x80, $0x38;
	[tilespmem:$0x10200] =	vst v63  }
0x7b: {  	s22 =	sor.u32 s26, s24  }
0x7c: {  	s22 =	sshrl.u32 s22, $0x3;
	s24 =	spop (v2sf);
	(v2sf) =	vpush v1, $0x7  }
0x7d: {  	s28 =	sadd.s32 $0x100, s21;
	s22 =	sadd.s32 s3, s22;
	s26 =	spop (v2sf);
	(v2sf) =	vpush v0, $0x7  }
0x7e: {  	[tilespmem:s28], [sflag:$0x1] =	stream.linear.gather [hbm4b:s22+s2], $0x80, $0x38;
	[tilespmem:$0x10200] =	vst v63  }
0x7f: {  	s22 =	sor.u32 s30, s29;
	s29 =	spop (v2sf);
	(v2sf) =	vpush v1, $0x8;
	_ =	sdelay $0x1  }
0x80: {  	s30 =	spop (v2sf);
	(v2sf) =	vpush v0, $0x8;
	_ =	sdelay $0x1  }
0x81: {  	s22 =	sshrl.u32 s22, $0x3  }
0x82: {  	s31 =	sadd.s32 $0x180, s21;
	s22 =	sadd.s32 s3, s22  }
0x83: {  	[tilespmem:s31], [sflag:$0x1] =	stream.linear.gather [hbm4b:s22+s2], $0x80, $0x38;
	[tilespmem:$0x10200] =	vst v63  }
0x84: {  	s22 =	sor.u32 s26, s24  }
0x85: {  	s22 =	sshrl.u32 s22, $0x3;
	s24 =	spop (v2sf);
	(v2sf) =	vpush v1, $0x9  }
0x86: {  	s28 =	sadd.s32 $0x200, s21;
	s22 =	sadd.s32 s3, s22;
	s26 =	spop (v2sf);
	(v2sf) =	vpush v0, $0x9  }
0x87: {  	[tilespmem:s28], [sflag:$0x1] =	stream.linear.gather [hbm4b:s22+s2], $0x80, $0x38;
	[tilespmem:$0x10200] =	vst v63  }
0x88: {  	s22 =	sor.u32 s30, s29  }
0x89: {  	s22 =	sshrl.u32 s22, $0x3;
	s29 =	spop (v2sf);
	(v2sf) =	vpush v1, $0xA  }
0x8a: {  	s31 =	sadd.s32 $0x280, s21;
	s22 =	sadd.s32 s3, s22;
	s30 =	spop (v2sf);
	(v2sf) =	vpush v0, $0xA  }
0x8b: {  	[tilespmem:s31], [sflag:$0x1] =	stream.linear.gather [hbm4b:s22+s2], $0x80, $0x38;
	[tilespmem:$0x10200] =	vst v63  }
0x8c: {  	s22 =	sor.u32 s26, s24;
	s24 =	spop (v2sf);
	(v2sf) =	vpush v1, $0xB  }
0x8d: {  	s22 =	sshrl.u32 s22, $0x3  }
0x8e: {  	s28 =	sadd.s32 $0x300, s21;
	s22 =	sadd.s32 s3, s22;
	s26 =	spop (v2sf);
	(v2sf) =	vpush v0, $0xB  }
0x8f: {  	[tilespmem:s28], [sflag:$0x1] =	stream.linear.gather [hbm4b:s22+s2], $0x80, $0x38;
	[tilespmem:$0x10200] =	vst v63  }
0x90: {  	s22 =	sor.u32 s30, s29  }
0x91: {  	s22 =	sshrl.u32 s22, $0x3  }
0x92: {  	s31 =	sadd.s32 $0x380, s21;
	s22 =	sadd.s32 s3, s22  }
0x93: {  	[tilespmem:s31], [sflag:$0x1] =	stream.linear.gather [hbm4b:s22+s2], $0x80, $0x38;
	[tilespmem:$0x10200] =	vst v63  }
0x94: {  	s22 =	sor.u32 s26, s24;
	s29 =	spop (v2sf);
	(v2sf) =	vpush v1, $0xC  }
0x95: {  	s22 =	sshrl.u32 s22, $0x3;
	s30 =	spop (v2sf);
	(v2sf) =	vpush v0, $0xC  }
0x96: {  	s28 =	sadd.s32 $0x400, s21;
	s22 =	sadd.s32 s3, s22  }
0x97: {  	[tilespmem:s28], [sflag:$0x1] =	stream.linear.gather [hbm4b:s22+s2], $0x80, $0x38;
	[tilespmem:$0x10200] =	vst v63  }
0x98: {  	s24 =	spop (v2sf);
	(v2sf) =	vpush v1, $0xD  }
0x99: {  	s22 =	sor.u32 s30, s29;
	s26 =	spop (v2sf);
	(v2sf) =	vpush v0, $0xD  }
0x9a: {  	s22 =	sshrl.u32 s22, $0x3  }
0x9b: {  	s31 =	sadd.s32 $0x480, s21;
	s22 =	sadd.s32 s3, s22;
	s29 =	spop (v2sf)  }
0x9c: {  	(v2sf) =	vpush v1, $0xE;
	[tilespmem:s31], [sflag:$0x1] =	stream.linear.gather [hbm4b:s22+s2], $0x80, $0x38;
	[tilespmem:$0x10200] =	vst v63  }
0x9d: {  	s30 =	spop (v2sf);
	(v2sf) =	vpush v0, $0xE  }
0x9e: {  	s22 =	sor.u32 s26, s24  }
0x9f: {  	s22 =	sshrl.u32 s22, $0x3  }
0xa0: {  	s28 =	sadd.s32 $0x500, s21;
	s22 =	sadd.s32 s3, s22  }
0xa1: {  	[tilespmem:s28], [sflag:$0x1] =	stream.linear.gather [hbm4b:s22+s2], $0x80, $0x38;
	[tilespmem:$0x10200] =	vst v63  }
0xa2: {  	s22 =	sor.u32 s30, s29  }
0xa3: {  	s22 =	sshrl.u32 s22, $0x3;
	s24 =	spop (v2sf);
	(v2sf) =	vpush v1, $0xF  }
0xa4: {  	s31 =	sadd.s32 $0x580, s21;
	s22 =	sadd.s32 s3, s22;
	s26 =	spop (v2sf);
	(v2sf) =	vpush v0, $0xF  }
0xa5: {  	[tilespmem:s31], [sflag:$0x1] =	stream.linear.gather [hbm4b:s22+s2], $0x80, $0x38;
	[tilespmem:$0x10200] =	vst v63  }
0xa6: {  	s22 =	sor.u32 s26, s24  }
0xa7: {  	s29 =	spop (v2sf);
	s22 =	sshrl.u32 s22, $0x3  }
0xa8: {  	s28 =	sadd.s32 $0x600, s21;
	s30 =	spop (v2sf);
	s22 =	sadd.s32 s3, s22  }
0xa9: {  	[tilespmem:s28], [sflag:$0x1] =	stream.linear.gather [hbm4b:s22+s2], $0x80, $0x38;
	[tilespmem:$0x10200] =	vst v63  }
0xaa: {  	s22 =	sor.u32 s30, s29  }
0xab: {  	s24 =	spop (v2sf);
	s22 =	sshrl.u32 s22, $0x3  }
0xac: {  	s31 =	sadd.s32 $0x680, s21;
	s26 =	spop (v2sf);
	s22 =	sadd.s32 s3, s22  }
0xad: {  	[tilespmem:s31], [sflag:$0x1] =	stream.linear.gather [hbm4b:s22+s2], $0x80, $0x38;
	[tilespmem:$0x10200] =	vst v63  }
0xae: {  	s22 =	sor.u32 s26, s24  }
0xaf: {  	s22 =	sshrl.u32 s22, $0x3  }
0xb0: {  	s28 =	sadd.s32 $0x700, s21;
	s22 =	sadd.s32 s3, s22  }
0xb1: {  	[tilespmem:s28], [sflag:$0x1] =	stream.linear.gather [hbm4b:s22+s2], $0x80, $0x38;
	[tilespmem:$0x10200] =	vst v63  }
0xb2: {  	s25 =	sadd.s32 $0x2, s25;
	s29 =	spop (v2sf)  }
0xb3: {  	p0 =	slt.u32 s25, $0x6;
	s30 =	spop (v2sf)  }
.Ltmp0:
0xb4: {  	s22 =	sor.u32 s30, s29;
	(pc) =	sbr.rel @p0 .LBB2_2-.Ltmp0, $4  }
0xb5: {  	s22 =	sshrl.u32 s22, $0x3  }
0xb6: {  	s23 =	sadd.s32 $0x20, s23;
	s31 =	sadd.s32 $0x780, s21;
	s22 =	sadd.s32 s3, s22  }
0xb7: {  	[tilespmem:s31], [sflag:$0x1] =	stream.linear.gather [hbm4b:s22+s2], $0x80, $0x38;
	[tilespmem:$0x10200] =	vst v63  }
0xb8: {  	s21 =	sadd.s32 $0x1000, s21;
	s24 =	simm.s32 $0x90;
	s22 =	simm.s32 $0x5180  }
.LBB2_3:
0xb9: {  	v0 =	vld [tilespmem:s24+$0xFFFFFFF0];
	_ =	sdelay $0x4  }
0xba: {  	v1 =	vshrl.u32 v0, $0x3  }
0xbb: {  	v0 =	vand.u32 $0x7, v0;
	v1 =	vshll.u32 v1, $0xA  }
0xbc: {  	v0 =	vshll.u32 v0, $0x7;
	(v2sf) =	vpush v1, $0x0  }
0xbd: {  	(v2sf) =	vpush v0, $0x0;
	_ =	sdelay $0x3  }
0xbe: {  	(v2sf) =	vpush v1, $0x1  }
0xbf: {  	(v2sf) =	vpush v0, $0x1;
	_ =	sdelay $0x1  }
0xc0: {  	(v2sf) =	vpush v1, $0x2;
	_ =	sdelay $0x1  }
0xc1: {  	(v2sf) =	vpush v0, $0x2;
	_ =	sdelay $0x4  }
0xc2: {  	s21 =	spop (v2sf)  }
0xc3: {  	s23 =	spop (v2sf);
	(v2sf) =	vpush v1, $0x3  }
0xc4: {  	(v2sf) =	vpush v0, $0x3;
	_ =	sdelay $0x2  }
0xc5: {  	s29 =	spop (v2sf);
	(v2sf) =	vpush v1, $0x4  }
0xc6: {  	s30 =	spop (v2sf);
	(v2sf) =	vpush v0, $0x4;
	_ =	sdelay $0x1  }
0xc7: {  	s25 =	spop (v2sf);
	(v2sf) =	vpush v1, $0x5;
	_ =	sdelay $0x1  }
0xc8: {  	s26 =	spop (v2sf);
	(v2sf) =	vpush v0, $0x5  }
0xc9: {  	s21 =	sor.u32 s23, s21  }
0xca: {  	s21 =	sshrl.u32 s21, $0x3  }
0xcb: {  	s28 =	sadd.s32 $0xFFFFF080, s22;
	s21 =	sadd.s32 s3, s21  }
0xcc: {  	[tilespmem:s28], [sflag:$0x2] =	stream.linear.gather [hbm4b:s21+s2], $0x80, $0x38;
	[tilespmem:$0x10200] =	vst v63  }
0xcd: {  	s21 =	sor.u32 s30, s29  }
0xce: {  	s21 =	sshrl.u32 s21, $0x3;
	s29 =	spop (v2sf);
	(v2sf) =	vpush v1, $0x6  }
0xcf: {  	s31 =	sadd.s32 $0xFFFFF100, s22;
	s21 =	sadd.s32 s3, s21;
	s30 =	spop (v2sf);
	(v2sf) =	vpush v0, $0x6  }
0xd0: {  	[tilespmem:s31], [sflag:$0x2] =	stream.linear.gather [hbm4b:s21+s2], $0x80, $0x38;
	[tilespmem:$0x10200] =	vst v63  }
0xd1: {  	s21 =	sor.u32 s26, s25  }
0xd2: {  	s21 =	sshrl.u32 s21, $0x3;
	s25 =	spop (v2sf);
	(v2sf) =	vpush v1, $0x7  }
0xd3: {  	s28 =	sadd.s32 $0xFFFFF180, s22;
	s21 =	sadd.s32 s3, s21;
	s26 =	spop (v2sf);
	(v2sf) =	vpush v0, $0x7  }
0xd4: {  	[tilespmem:s28], [sflag:$0x2] =	stream.linear.gather [hbm4b:s21+s2], $0x80, $0x38;
	[tilespmem:$0x10200] =	vst v63  }
0xd5: {  	s21 =	sor.u32 s30, s29;
	s29 =	spop (v2sf);
	(v2sf) =	vpush v1, $0x8;
	_ =	sdelay $0x1  }
0xd6: {  	s30 =	spop (v2sf);
	(v2sf) =	vpush v0, $0x8;
	_ =	sdelay $0x1  }
0xd7: {  	s21 =	sshrl.u32 s21, $0x3  }
0xd8: {  	s31 =	sadd.s32 $0xFFFFF200, s22;
	s21 =	sadd.s32 s3, s21  }
0xd9: {  	[tilespmem:s31], [sflag:$0x2] =	stream.linear.gather [hbm4b:s21+s2], $0x80, $0x38;
	[tilespmem:$0x10200] =	vst v63  }
0xda: {  	s21 =	sor.u32 s26, s25  }
0xdb: {  	s21 =	sshrl.u32 s21, $0x3;
	s25 =	spop (v2sf);
	(v2sf) =	vpush v1, $0x9  }
0xdc: {  	s28 =	sadd.s32 $0xFFFFF280, s22;
	s21 =	sadd.s32 s3, s21;
	s26 =	spop (v2sf);
	(v2sf) =	vpush v0, $0x9  }
0xdd: {  	[tilespmem:s28], [sflag:$0x2] =	stream.linear.gather [hbm4b:s21+s2], $0x80, $0x38;
	[tilespmem:$0x10200] =	vst v63  }
0xde: {  	s21 =	sor.u32 s30, s29  }
0xdf: {  	s21 =	sshrl.u32 s21, $0x3;
	s29 =	spop (v2sf);
	(v2sf) =	vpush v1, $0xA  }
0xe0: {  	s31 =	sadd.s32 $0xFFFFF300, s22;
	s21 =	sadd.s32 s3, s21;
	s30 =	spop (v2sf);
	(v2sf) =	vpush v0, $0xA  }
0xe1: {  	[tilespmem:s31], [sflag:$0x2] =	stream.linear.gather [hbm4b:s21+s2], $0x80, $0x38;
	[tilespmem:$0x10200] =	vst v63  }
0xe2: {  	s21 =	sor.u32 s26, s25;
	s25 =	spop (v2sf);
	(v2sf) =	vpush v1, $0xB  }
0xe3: {  	s21 =	sshrl.u32 s21, $0x3  }
0xe4: {  	s28 =	sadd.s32 $0xFFFFF380, s22;
	s21 =	sadd.s32 s3, s21;
	s26 =	spop (v2sf);
	(v2sf) =	vpush v0, $0xB  }
0xe5: {  	[tilespmem:s28], [sflag:$0x2] =	stream.linear.gather [hbm4b:s21+s2], $0x80, $0x38;
	[tilespmem:$0x10200] =	vst v63  }
0xe6: {  	s21 =	sor.u32 s30, s29  }
0xe7: {  	s21 =	sshrl.u32 s21, $0x3  }
0xe8: {  	s31 =	sadd.s32 $0xFFFFF400, s22;
	s21 =	sadd.s32 s3, s21  }
0xe9: {  	[tilespmem:s31], [sflag:$0x2] =	stream.linear.gather [hbm4b:s21+s2], $0x80, $0x38;
	[tilespmem:$0x10200] =	vst v63  }
0xea: {  	s21 =	sor.u32 s26, s25;
	s29 =	spop (v2sf);
	(v2sf) =	vpush v1, $0xC  }
0xeb: {  	s21 =	sshrl.u32 s21, $0x3;
	s30 =	spop (v2sf);
	(v2sf) =	vpush v0, $0xC  }
0xec: {  	s28 =	sadd.s32 $0xFFFFF480, s22;
	s21 =	sadd.s32 s3, s21  }
0xed: {  	[tilespmem:s28], [sflag:$0x2] =	stream.linear.gather [hbm4b:s21+s2], $0x80, $0x38;
	[tilespmem:$0x10200] =	vst v63  }
0xee: {  	s25 =	spop (v2sf);
	(v2sf) =	vpush v1, $0xD  }
0xef: {  	s21 =	sor.u32 s30, s29;
	s26 =	spop (v2sf);
	(v2sf) =	vpush v0, $0xD  }
0xf0: {  	s21 =	sshrl.u32 s21, $0x3  }
0xf1: {  	s31 =	sadd.s32 $0xFFFFF500, s22;
	s21 =	sadd.s32 s3, s21;
	s29 =	spop (v2sf)  }
0xf2: {  	(v2sf) =	vpush v1, $0xE;
	[tilespmem:s31], [sflag:$0x2] =	stream.linear.gather [hbm4b:s21+s2], $0x80, $0x38;
	[tilespmem:$0x10200] =	vst v63  }
0xf3: {  	s30 =	spop (v2sf);
	(v2sf) =	vpush v0, $0xE  }
0xf4: {  	s21 =	sor.u32 s26, s25  }
0xf5: {  	s21 =	sshrl.u32 s21, $0x3  }
0xf6: {  	s28 =	sadd.s32 $0xFFFFF580, s22;
	s21 =	sadd.s32 s3, s21  }
0xf7: {  	[tilespmem:s28], [sflag:$0x2] =	stream.linear.gather [hbm4b:s21+s2], $0x80, $0x38;
	[tilespmem:$0x10200] =	vst v63  }
0xf8: {  	s21 =	sor.u32 s30, s29  }
0xf9: {  	s21 =	sshrl.u32 s21, $0x3;
	s25 =	spop (v2sf);
	(v2sf) =	vpush v1, $0xF  }
0xfa: {  	s31 =	sadd.s32 $0xFFFFF600, s22;
	s21 =	sadd.s32 s3, s21;
	s26 =	spop (v2sf);
	(v2sf) =	vpush v0, $0xF  }
0xfb: {  	[tilespmem:s31], [sflag:$0x2] =	stream.linear.gather [hbm4b:s21+s2], $0x80, $0x38;
	[tilespmem:$0x10200] =	vst v63  }
0xfc: {  	s21 =	sor.u32 s26, s25  }
0xfd: {  	s29 =	spop (v2sf);
	s21 =	sshrl.u32 s21, $0x3  }
0xfe: {  	s28 =	sadd.s32 $0xFFFFF680, s22;
	s30 =	spop (v2sf);
	s21 =	sadd.s32 s3, s21  }
0xff: {  	[tilespmem:s28], [sflag:$0x2] =	stream.linear.gather [hbm4b:s21+s2], $0x80, $0x38;
	[tilespmem:$0x10200] =	vst v63  }
0x100: {  	s21 =	sor.u32 s30, s29  }
0x101: {  	s25 =	spop (v2sf);
	s21 =	sshrl.u32 s21, $0x3  }
0x102: {  	s31 =	sadd.s32 $0xFFFFF700, s22;
	s26 =	spop (v2sf);
	s21 =	sadd.s32 s3, s21  }
0x103: {  	[tilespmem:s31], [sflag:$0x2] =	stream.linear.gather [hbm4b:s21+s2], $0x80, $0x38;
	[tilespmem:$0x10200] =	vst v63  }
0x104: {  	s21 =	sor.u32 s26, s25  }
0x105: {  	s21 =	sshrl.u32 s21, $0x3  }
0x106: {  	s28 =	sadd.s32 $0xFFFFF780, s22;
	s21 =	sadd.s32 s3, s21  }
0x107: {  	[tilespmem:s28], [sflag:$0x2] =	stream.linear.gather [hbm4b:s21+s2], $0x80, $0x38;
	[tilespmem:$0x10200] =	vst v63  }
0x108: {  	s29 =	spop (v2sf)  }
0x109: {  	s30 =	spop (v2sf)  }
0x10a: {  	s21 =	sor.u32 s30, s29  }
0x10b: {  	s21 =	sshrl.u32 s21, $0x3  }
0x10c: {  	s31 =	sadd.s32 $0xFFFFF800, s22;
	s21 =	sadd.s32 s3, s21  }
0x10d: {  	[tilespmem:s31], [sflag:$0x2] =	stream.linear.gather [hbm4b:s21+s2], $0x80, $0x38;
	[tilespmem:$0x10200] =	vst v63  }
0x10e: {  	v62 =	vld [tilespmem:s24+$0x0];
	_ =	sdelay $0x4  }
0x10f: {  	v63 =	vshrl.u32 v62, $0x3  }
0x110: {  	v1 =	vshll.u32 v63, $0xA  }
0x111: {  	(v2sf) =	vpush v1, $0x0;
	_ =	sdelay $0x1  }
0x112: {  	v0 =	vand.u32 $0x7, v62  }
0x113: {  	v0 =	vshll.u32 v0, $0x7  }
0x114: {  	(v2sf) =	vpush v0, $0x0  }
0x115: {  	(v2sf) =	vpush v1, $0x1;
	_ =	sdelay $0x1  }
0x116: {  	(v2sf) =	vpush v0, $0x1;
	_ =	sdelay $0x1  }
0x117: {  	(v2sf) =	vpush v1, $0x2;
	_ =	sdelay $0x2  }
0x118: {  	(v2sf) =	vpush v0, $0x2;
	_ =	sdelay $0x1  }
0x119: {  	(v2sf) =	vpush v1, $0x3  }
0x11a: {  	s25 =	spop (v2sf);
	(v2sf) =	vpush v0, $0x3;
	_ =	sdelay $0x3  }
0x11b: {  	s26 =	spop (v2sf);
	(v2sf) =	vpush v1, $0x4  }
0x11c: {  	s21 =	sor.u32 s26, s25;
	s25 =	spop (v2sf);
	(v2sf) =	vpush v0, $0x4;
	_ =	sdelay $0x1  }
0x11d: {  	s29 =	spop (v2sf);
	(v2sf) =	vpush v1, $0x5;
	_ =	sdelay $0x1  }
0x11e: {  	s31 =	spop (v2sf);
	(v2sf) =	vpush v0, $0x5;
	_ =	sdelay $0x1  }
0x11f: {  	s21 =	sshrl.u32 s21, $0x3  }
0x120: {  	s28 =	sadd.s32 $0xFFFFF880, s22;
	s21 =	sadd.s32 s3, s21;
	s23 =	spop (v2sf);
	(v2sf) =	vpush v1, $0x6  }
0x121: {  	[tilespmem:s28], [sflag:$0x2] =	stream.linear.gather [hbm4b:s21+s2], $0x80, $0x38;
	[tilespmem:$0x10200] =	vst v63  }
0x122: {  	s21 =	sor.u32 s29, s25;
	s28 =	spop (v2sf)  }
0x123: {  	s21 =	sshrl.u32 s21, $0x3;
	s29 =	spop (v2sf);
	(v2sf) =	vpush v0, $0x6  }
0x124: {  	s30 =	sadd.s32 $0xFFFFF900, s22;
	s21 =	sadd.s32 s3, s21  }
0x125: {  	[tilespmem:s30], [sflag:$0x2] =	stream.linear.gather [hbm4b:s21+s2], $0x80, $0x38;
	[tilespmem:$0x10200] =	vst v63  }
0x126: {  	s21 =	sor.u32 s23, s31  }
0x127: {  	s21 =	sshrl.u32 s21, $0x3;
	s31 =	spop (v2sf);
	(v2sf) =	vpush v1, $0x7  }
0x128: {  	s26 =	sadd.s32 $0xFFFFF980, s22;
	s21 =	sadd.s32 s3, s21;
	s23 =	spop (v2sf);
	(v2sf) =	vpush v0, $0x7  }
0x129: {  	[tilespmem:s26], [sflag:$0x2] =	stream.linear.gather [hbm4b:s21+s2], $0x80, $0x38;
	[tilespmem:$0x10200] =	vst v63  }
0x12a: {  	s21 =	sor.u32 s29, s28;
	s28 =	spop (v2sf);
	(v2sf) =	vpush v1, $0x8;
	_ =	sdelay $0x1  }
0x12b: {  	s21 =	sshrl.u32 s21, $0x3;
	s29 =	spop (v2sf);
	(v2sf) =	vpush v0, $0x8  }
0x12c: {  	s30 =	sadd.s32 $0xFFFFFA00, s22;
	s21 =	sadd.s32 s3, s21  }
0x12d: {  	[tilespmem:s30], [sflag:$0x2] =	stream.linear.gather [hbm4b:s21+s2], $0x80, $0x38;
	[tilespmem:$0x10200] =	vst v63  }
0x12e: {  	s21 =	sor.u32 s23, s31;
	s31 =	spop (v2sf);
	(v2sf) =	vpush v1, $0x9;
	_ =	sdelay $0x2  }
0x12f: {  	s21 =	sshrl.u32 s21, $0x3;
	s23 =	spop (v2sf);
	(v2sf) =	vpush v0, $0x9  }
0x130: {  	s26 =	sadd.s32 $0xFFFFFA80, s22;
	s21 =	sadd.s32 s3, s21  }
0x131: {  	[tilespmem:s26], [sflag:$0x2] =	stream.linear.gather [hbm4b:s21+s2], $0x80, $0x38;
	[tilespmem:$0x10200] =	vst v63  }
0x132: {  	s21 =	sor.u32 s29, s28  }
0x133: {  	s21 =	sshrl.u32 s21, $0x3;
	s28 =	spop (v2sf);
	(v2sf) =	vpush v1, $0xA  }
0x134: {  	s30 =	sadd.s32 $0xFFFFFB00, s22;
	s21 =	sadd.s32 s3, s21;
	s29 =	spop (v2sf);
	(v2sf) =	vpush v0, $0xA  }
0x135: {  	[tilespmem:s30], [sflag:$0x2] =	stream.linear.gather [hbm4b:s21+s2], $0x80, $0x38;
	[tilespmem:$0x10200] =	vst v63  }
0x136: {  	s21 =	sor.u32 s23, s31;
	s31 =	spop (v2sf);
	(v2sf) =	vpush v1, $0xB  }
0x137: {  	s21 =	sshrl.u32 s21, $0x3  }
0x138: {  	s26 =	sadd.s32 $0xFFFFFB80, s22;
	s21 =	sadd.s32 s3, s21;
	s23 =	spop (v2sf);
	(v2sf) =	vpush v0, $0xB  }
0x139: {  	[tilespmem:s26], [sflag:$0x2] =	stream.linear.gather [hbm4b:s21+s2], $0x80, $0x38;
	[tilespmem:$0x10200] =	vst v63  }
0x13a: {  	s21 =	sor.u32 s29, s28  }
0x13b: {  	s21 =	sshrl.u32 s21, $0x3;
	s28 =	spop (v2sf);
	(v2sf) =	vpush v1, $0xC  }
0x13c: {  	s30 =	sadd.s32 $0xFFFFFC00, s22;
	s21 =	sadd.s32 s3, s21  }
0x13d: {  	[tilespmem:s30], [sflag:$0x2] =	stream.linear.gather [hbm4b:s21+s2], $0x80, $0x38;
	[tilespmem:$0x10200] =	vst v63  }
0x13e: {  	s21 =	sor.u32 s23, s31;
	s29 =	spop (v2sf);
	(v2sf) =	vpush v0, $0xC  }
0x13f: {  	s21 =	sshrl.u32 s21, $0x3  }
0x140: {  	s26 =	sadd.s32 $0xFFFFFC80, s22;
	s21 =	sadd.s32 s3, s21  }
0x141: {  	[tilespmem:s26], [sflag:$0x2] =	stream.linear.gather [hbm4b:s21+s2], $0x80, $0x38;
	[tilespmem:$0x10200] =	vst v63  }
0x142: {  	s31 =	spop (v2sf);
	(v2sf) =	vpush v1, $0xD  }
0x143: {  	s21 =	sor.u32 s29, s28;
	s23 =	spop (v2sf);
	(v2sf) =	vpush v0, $0xD  }
0x144: {  	s21 =	sshrl.u32 s21, $0x3  }
0x145: {  	s30 =	sadd.s32 $0xFFFFFD00, s22;
	s21 =	sadd.s32 s3, s21;
	s28 =	spop (v2sf)  }
0x146: {  	(v2sf) =	vpush v1, $0xE;
	[tilespmem:s30], [sflag:$0x2] =	stream.linear.gather [hbm4b:s21+s2], $0x80, $0x38;
	[tilespmem:$0x10200] =	vst v63  }
0x147: {  	s29 =	spop (v2sf);
	(v2sf) =	vpush v0, $0xE  }
0x148: {  	s21 =	sor.u32 s23, s31  }
0x149: {  	s21 =	sshrl.u32 s21, $0x3  }
0x14a: {  	s26 =	sadd.s32 $0xFFFFFD80, s22;
	s31 =	spop (v2sf);
	s21 =	sadd.s32 s3, s21  }
0x14b: {  	(v2sf) =	vpush v1, $0xF;
	[tilespmem:s26], [sflag:$0x2] =	stream.linear.gather [hbm4b:s21+s2], $0x80, $0x38;
	[tilespmem:$0x10200] =	vst v63  }
0x14c: {  	s21 =	sor.u32 s29, s28  }
0x14d: {  	s21 =	sshrl.u32 s21, $0x3;
	s26 =	spop (v2sf);
	(v2sf) =	vpush v0, $0xF  }
0x14e: {  	s30 =	sadd.s32 $0xFFFFFE00, s22;
	s21 =	sadd.s32 s3, s21  }
0x14f: {  	[tilespmem:s30], [sflag:$0x2] =	stream.linear.gather [hbm4b:s21+s2], $0x80, $0x38;
	[tilespmem:$0x10200] =	vst v63  }
0x150: {  	s21 =	sor.u32 s26, s31  }
0x151: {  	s28 =	spop (v2sf);
	s21 =	sshrl.u32 s21, $0x3  }
0x152: {  	s29 =	sadd.s32 $0xFFFFFE80, s22;
	s30 =	spop (v2sf);
	s21 =	sadd.s32 s3, s21  }
0x153: {  	[tilespmem:s29], [sflag:$0x2] =	stream.linear.gather [hbm4b:s21+s2], $0x80, $0x38;
	[tilespmem:$0x10200] =	vst v63  }
0x154: {  	s21 =	sor.u32 s30, s28  }
0x155: {  	s31 =	spop (v2sf);
	s21 =	sshrl.u32 s21, $0x3  }
0x156: {  	s26 =	sadd.s32 $0xFFFFFF00, s22;
	s28 =	spop (v2sf);
	s21 =	sadd.s32 s3, s21  }
0x157: {  	[tilespmem:s26], [sflag:$0x2] =	stream.linear.gather [hbm4b:s21+s2], $0x80, $0x38;
	[tilespmem:$0x10200] =	vst v63  }
0x158: {  	s21 =	sor.u32 s28, s31  }
0x159: {  	s20 =	sadd.s32 $0x2, s20;
	s21 =	sshrl.u32 s21, $0x3  }
0x15a: {  	s30 =	sadd.s32 $0xFFFFFF80, s22;
	s29 =	spop (v2sf);
	s21 =	sadd.s32 s3, s21  }
0x15b: {  	[tilespmem:s30], [sflag:$0x2] =	stream.linear.gather [hbm4b:s21+s2], $0x80, $0x38;
	[tilespmem:$0x10200] =	vst v63  }
0x15c: {  	p0 =	slt.u32 s20, $0x6;
	s31 =	spop (v2sf)  }
.Ltmp1:
0x15d: {  	s21 =	sor.u32 s31, s29;
	(pc) =	sbr.rel @p0 .LBB2_3-.Ltmp1, $4  }
0x15e: {  	s21 =	sshrl.u32 s21, $0x3  }
0x15f: {  	s24 =	sadd.s32 $0x20, s24;
	s25 =	simm.s32 $0x110;
	s21 =	sadd.s32 s3, s21  }
0x160: {  	[tilespmem:s22], [sflag:$0x2] =	stream.linear.gather [hbm4b:s21+s2], $0x80, $0x38;
	[tilespmem:$0x10200] =	vst v63  }
0x161: {  	s23 =	simm.s32 $0x9180;
	s22 =	sadd.s32 $0x1000, s22;
	s21 =	simm.s32 $0xFFFFFFFE  }
0x162: {  	s24 =	simm.s32 $0xFFFFFFFE  }
.LBB2_5:
0x163: {  	v0 =	vld [tilespmem:s25+$0xFFFFFFF0];
	_ =	sdelay $0x4  }
0x164: {  	v1 =	vshrl.u32 v0, $0x3  }
0x165: {  	v0 =	vand.u32 $0x7, v0;
	v1 =	vshll.u32 v1, $0xA  }
0x166: {  	v0 =	vshll.u32 v0, $0x7;
	(v2sf) =	vpush v1, $0x0  }
0x167: {  	(v2sf) =	vpush v0, $0x0;
	_ =	sdelay $0x2  }
0x168: {  	(v2sf) =	vpush v1, $0x1  }
0x169: {  	(v2sf) =	vpush v0, $0x1;
	_ =	sdelay $0x1  }
0x16a: {  	(v2sf) =	vpush v1, $0x2;
	_ =	sdelay $0x1  }
0x16b: {  	(v2sf) =	vpush v0, $0x2;
	_ =	sdelay $0x5  }
0x16c: {  	s20 =	spop (v2sf);
	(v2sf) =	vpush v1, $0x3  }
0x16d: {  	s22 =	spop (v2sf);
	(v2sf) =	vpush v0, $0x3;
	_ =	sdelay $0x2  }
0x16e: {  	s29 =	spop (v2sf);
	(v2sf) =	vpush v1, $0x4  }
0x16f: {  	s30 =	spop (v2sf);
	(v2sf) =	vpush v0, $0x4;
	_ =	sdelay $0x1  }
0x170: {  	s20 =	sor.u32 s22, s20;
	s22 =	spop (v2sf);
	(v2sf) =	vpush v1, $0x5;
	_ =	sdelay $0x1  }
0x171: {  	s26 =	spop (v2sf);
	(v2sf) =	vpush v0, $0x5;
	_ =	sdelay $0x1  }
0x172: {  	s20 =	sshrl.u32 s20, $0x3  }
0x173: {  	s28 =	sadd.s32 $0xFFFFF080, s23;
	s20 =	sadd.s32 s3, s20  }
0x174: {  	[tilespmem:s28], [sflag:$0x3] =	stream.linear.gather [hbm4b:s20+s2], $0x80, $0x38;
	[tilespmem:$0x10200] =	vst v63  }
0x175: {  	s20 =	sor.u32 s30, s29  }
0x176: {  	s20 =	sshrl.u32 s20, $0x3;
	s29 =	spop (v2sf);
	(v2sf) =	vpush v1, $0x6  }
0x177: {  	s31 =	sadd.s32 $0xFFFFF100, s23;
	s20 =	sadd.s32 s3, s20;
	s30 =	spop (v2sf);
	(v2sf) =	vpush v0, $0x6  }
0x178: {  	[tilespmem:s31], [sflag:$0x3] =	stream.linear.gather [hbm4b:s20+s2], $0x80, $0x38;
	[tilespmem:$0x10200] =	vst v63  }
0x179: {  	s20 =	sor.u32 s26, s22  }
0x17a: {  	s20 =	sshrl.u32 s20, $0x3;
	s22 =	spop (v2sf);
	(v2sf) =	vpush v1, $0x7  }
0x17b: {  	s28 =	sadd.s32 $0xFFFFF180, s23;
	s20 =	sadd.s32 s3, s20;
	s26 =	spop (v2sf);
	(v2sf) =	vpush v0, $0x7  }
0x17c: {  	[tilespmem:s28], [sflag:$0x3] =	stream.linear.gather [hbm4b:s20+s2], $0x80, $0x38;
	[tilespmem:$0x10200] =	vst v63  }
0x17d: {  	s20 =	sor.u32 s30, s29;
	s29 =	spop (v2sf);
	(v2sf) =	vpush v1, $0x8;
	_ =	sdelay $0x1  }
0x17e: {  	s30 =	spop (v2sf);
	(v2sf) =	vpush v0, $0x8;
	_ =	sdelay $0x1  }
0x17f: {  	s20 =	sshrl.u32 s20, $0x3  }
0x180: {  	s31 =	sadd.s32 $0xFFFFF200, s23;
	s20 =	sadd.s32 s3, s20  }
0x181: {  	[tilespmem:s31], [sflag:$0x3] =	stream.linear.gather [hbm4b:s20+s2], $0x80, $0x38;
	[tilespmem:$0x10200] =	vst v63  }
0x182: {  	s20 =	sor.u32 s26, s22  }
0x183: {  	s20 =	sshrl.u32 s20, $0x3;
	s22 =	spop (v2sf);
	(v2sf) =	vpush v1, $0x9  }
0x184: {  	s28 =	sadd.s32 $0xFFFFF280, s23;
	s20 =	sadd.s32 s3, s20;
	s26 =	spop (v2sf);
	(v2sf) =	vpush v0, $0x9  }
0x185: {  	[tilespmem:s28], [sflag:$0x3] =	stream.linear.gather [hbm4b:s20+s2], $0x80, $0x38;
	[tilespmem:$0x10200] =	vst v63  }
0x186: {  	s20 =	sor.u32 s30, s29  }
0x187: {  	s20 =	sshrl.u32 s20, $0x3;
	s29 =	spop (v2sf);
	(v2sf) =	vpush v1, $0xA  }
0x188: {  	s31 =	sadd.s32 $0xFFFFF300, s23;
	s20 =	sadd.s32 s3, s20;
	s30 =	spop (v2sf);
	(v2sf) =	vpush v0, $0xA  }
0x189: {  	[tilespmem:s31], [sflag:$0x3] =	stream.linear.gather [hbm4b:s20+s2], $0x80, $0x38;
	[tilespmem:$0x10200] =	vst v63  }
0x18a: {  	s20 =	sor.u32 s26, s22;
	s22 =	spop (v2sf);
	(v2sf) =	vpush v1, $0xB  }
0x18b: {  	s20 =	sshrl.u32 s20, $0x3  }
0x18c: {  	s28 =	sadd.s32 $0xFFFFF380, s23;
	s20 =	sadd.s32 s3, s20;
	s26 =	spop (v2sf);
	(v2sf) =	vpush v0, $0xB  }
0x18d: {  	[tilespmem:s28], [sflag:$0x3] =	stream.linear.gather [hbm4b:s20+s2], $0x80, $0x38;
	[tilespmem:$0x10200] =	vst v63  }
0x18e: {  	s20 =	sor.u32 s30, s29  }
0x18f: {  	s20 =	sshrl.u32 s20, $0x3  }
0x190: {  	s31 =	sadd.s32 $0xFFFFF400, s23;
	s20 =	sadd.s32 s3, s20  }
0x191: {  	[tilespmem:s31], [sflag:$0x3] =	stream.linear.gather [hbm4b:s20+s2], $0x80, $0x38;
	[tilespmem:$0x10200] =	vst v63  }
0x192: {  	s20 =	sor.u32 s26, s22;
	s29 =	spop (v2sf);
	(v2sf) =	vpush v1, $0xC  }
0x193: {  	s20 =	sshrl.u32 s20, $0x3;
	s30 =	spop (v2sf);
	(v2sf) =	vpush v0, $0xC  }
0x194: {  	s28 =	sadd.s32 $0xFFFFF480, s23;
	s20 =	sadd.s32 s3, s20  }
0x195: {  	[tilespmem:s28], [sflag:$0x3] =	stream.linear.gather [hbm4b:s20+s2], $0x80, $0x38;
	[tilespmem:$0x10200] =	vst v63  }
0x196: {  	s22 =	spop (v2sf);
	(v2sf) =	vpush v1, $0xD  }
0x197: {  	s20 =	sor.u32 s30, s29;
	s26 =	spop (v2sf);
	(v2sf) =	vpush v0, $0xD  }
0x198: {  	s20 =	sshrl.u32 s20, $0x3  }
0x199: {  	s31 =	sadd.s32 $0xFFFFF500, s23;
	s20 =	sadd.s32 s3, s20;
	s29 =	spop (v2sf)  }
0x19a: {  	(v2sf) =	vpush v1, $0xE;
	[tilespmem:s31], [sflag:$0x3] =	stream.linear.gather [hbm4b:s20+s2], $0x80, $0x38;
	[tilespmem:$0x10200] =	vst v63  }
0x19b: {  	s30 =	spop (v2sf);
	(v2sf) =	vpush v0, $0xE  }
0x19c: {  	s20 =	sor.u32 s26, s22  }
0x19d: {  	s20 =	sshrl.u32 s20, $0x3  }
0x19e: {  	s28 =	sadd.s32 $0xFFFFF580, s23;
	s20 =	sadd.s32 s3, s20  }
0x19f: {  	[tilespmem:s28], [sflag:$0x3] =	stream.linear.gather [hbm4b:s20+s2], $0x80, $0x38;
	[tilespmem:$0x10200] =	vst v63  }
0x1a0: {  	s20 =	sor.u32 s30, s29  }
0x1a1: {  	s20 =	sshrl.u32 s20, $0x3;
	s22 =	spop (v2sf);
	(v2sf) =	vpush v1, $0xF  }
0x1a2: {  	s31 =	sadd.s32 $0xFFFFF600, s23;
	s20 =	sadd.s32 s3, s20;
	s26 =	spop (v2sf);
	(v2sf) =	vpush v0, $0xF  }
0x1a3: {  	[tilespmem:s31], [sflag:$0x3] =	stream.linear.gather [hbm4b:s20+s2], $0x80, $0x38;
	[tilespmem:$0x10200] =	vst v63  }
0x1a4: {  	s20 =	sor.u32 s26, s22  }
0x1a5: {  	s29 =	spop (v2sf);
	s20 =	sshrl.u32 s20, $0x3  }
0x1a6: {  	s28 =	sadd.s32 $0xFFFFF680, s23;
	s30 =	spop (v2sf);
	s20 =	sadd.s32 s3, s20  }
0x1a7: {  	[tilespmem:s28], [sflag:$0x3] =	stream.linear.gather [hbm4b:s20+s2], $0x80, $0x38;
	[tilespmem:$0x10200] =	vst v63  }
0x1a8: {  	s20 =	sor.u32 s30, s29  }
0x1a9: {  	s22 =	spop (v2sf);
	s20 =	sshrl.u32 s20, $0x3  }
0x1aa: {  	s31 =	sadd.s32 $0xFFFFF700, s23;
	s26 =	spop (v2sf);
	s20 =	sadd.s32 s3, s20  }
0x1ab: {  	[tilespmem:s31], [sflag:$0x3] =	stream.linear.gather [hbm4b:s20+s2], $0x80, $0x38;
	[tilespmem:$0x10200] =	vst v63  }
0x1ac: {  	s20 =	sor.u32 s26, s22  }
0x1ad: {  	s20 =	sshrl.u32 s20, $0x3  }
0x1ae: {  	s28 =	sadd.s32 $0xFFFFF780, s23;
	s20 =	sadd.s32 s3, s20  }
0x1af: {  	[tilespmem:s28], [sflag:$0x3] =	stream.linear.gather [hbm4b:s20+s2], $0x80, $0x38;
	[tilespmem:$0x10200] =	vst v63  }
0x1b0: {  	s29 =	spop (v2sf)  }
0x1b1: {  	s30 =	spop (v2sf)  }
0x1b2: {  	s20 =	sor.u32 s30, s29  }
0x1b3: {  	s20 =	sshrl.u32 s20, $0x3  }
0x1b4: {  	s31 =	sadd.s32 $0xFFFFF800, s23;
	s20 =	sadd.s32 s3, s20  }
0x1b5: {  	[tilespmem:s31], [sflag:$0x3] =	stream.linear.gather [hbm4b:s20+s2], $0x80, $0x38;
	[tilespmem:$0x10200] =	vst v63  }
0x1b6: {  	v62 =	vld [tilespmem:s25+$0x0];
	_ =	sdelay $0x4  }
0x1b7: {  	v63 =	vshrl.u32 v62, $0x3  }
0x1b8: {  	v0 =	vand.u32 $0x7, v62;
	v1 =	vshll.u32 v63, $0xA  }
0x1b9: {  	v0 =	vshll.u32 v0, $0x7;
	(v2sf) =	vpush v1, $0x0  }
0x1ba: {  	(v2sf) =	vpush v0, $0x0;
	_ =	sdelay $0x2  }
0x1bb: {  	(v2sf) =	vpush v1, $0x1  }
0x1bc: {  	(v2sf) =	vpush v0, $0x1;
	_ =	sdelay $0x1  }
0x1bd: {  	(v2sf) =	vpush v1, $0x2;
	_ =	sdelay $0x1  }
0x1be: {  	(v2sf) =	vpush v0, $0x2;
	_ =	sdelay $0x5  }
0x1bf: {  	s22 =	spop (v2sf);
	(v2sf) =	vpush v1, $0x3  }
0x1c0: {  	s26 =	spop (v2sf);
	(v2sf) =	vpush v0, $0x3;
	_ =	sdelay $0x2  }
0x1c1: {  	s29 =	spop (v2sf);
	(v2sf) =	vpush v1, $0x4  }
0x1c2: {  	s30 =	spop (v2sf);
	(v2sf) =	vpush v0, $0x4;
	_ =	sdelay $0x1  }
0x1c3: {  	s20 =	sor.u32 s26, s22;
	s22 =	spop (v2sf);
	(v2sf) =	vpush v1, $0x5;
	_ =	sdelay $0x1  }
0x1c4: {  	s26 =	spop (v2sf);
	(v2sf) =	vpush v0, $0x5;
	_ =	sdelay $0x1  }
0x1c5: {  	s20 =	sshrl.u32 s20, $0x3  }
0x1c6: {  	s28 =	sadd.s32 $0xFFFFF880, s23;
	s20 =	sadd.s32 s3, s20  }
0x1c7: {  	[tilespmem:s28], [sflag:$0x3] =	stream.linear.gather [hbm4b:s20+s2], $0x80, $0x38;
	[tilespmem:$0x10200] =	vst v63  }
0x1c8: {  	s20 =	sor.u32 s30, s29  }
0x1c9: {  	s20 =	sshrl.u32 s20, $0x3;
	s29 =	spop (v2sf);
	(v2sf) =	vpush v1, $0x6  }
0x1ca: {  	s31 =	sadd.s32 $0xFFFFF900, s23;
	s20 =	sadd.s32 s3, s20;
	s30 =	spop (v2sf);
	(v2sf) =	vpush v0, $0x6  }
0x1cb: {  	[tilespmem:s31], [sflag:$0x3] =	stream.linear.gather [hbm4b:s20+s2], $0x80, $0x38;
	[tilespmem:$0x10200] =	vst v63  }
0x1cc: {  	s20 =	sor.u32 s26, s22  }
0x1cd: {  	s20 =	sshrl.u32 s20, $0x3;
	s22 =	spop (v2sf);
	(v2sf) =	vpush v1, $0x7  }
0x1ce: {  	s28 =	sadd.s32 $0xFFFFF980, s23;
	s20 =	sadd.s32 s3, s20;
	s26 =	spop (v2sf);
	(v2sf) =	vpush v0, $0x7  }
0x1cf: {  	[tilespmem:s28], [sflag:$0x3] =	stream.linear.gather [hbm4b:s20+s2], $0x80, $0x38;
	[tilespmem:$0x10200] =	vst v63  }
0x1d0: {  	s20 =	sor.u32 s30, s29;
	s29 =	spop (v2sf);
	(v2sf) =	vpush v1, $0x8;
	_ =	sdelay $0x1  }
0x1d1: {  	s30 =	spop (v2sf);
	(v2sf) =	vpush v0, $0x8;
	_ =	sdelay $0x1  }
0x1d2: {  	s20 =	sshrl.u32 s20, $0x3  }
0x1d3: {  	s31 =	sadd.s32 $0xFFFFFA00, s23;
	s20 =	sadd.s32 s3, s20  }
0x1d4: {  	[tilespmem:s31], [sflag:$0x3] =	stream.linear.gather [hbm4b:s20+s2], $0x80, $0x38;
	[tilespmem:$0x10200] =	vst v63  }
0x1d5: {  	s20 =	sor.u32 s26, s22  }
0x1d6: {  	s20 =	sshrl.u32 s20, $0x3;
	s22 =	spop (v2sf);
	(v2sf) =	vpush v1, $0x9  }
0x1d7: {  	s28 =	sadd.s32 $0xFFFFFA80, s23;
	s20 =	sadd.s32 s3, s20;
	s26 =	spop (v2sf);
	(v2sf) =	vpush v0, $0x9  }
0x1d8: {  	[tilespmem:s28], [sflag:$0x3] =	stream.linear.gather [hbm4b:s20+s2], $0x80, $0x38;
	[tilespmem:$0x10200] =	vst v63  }
0x1d9: {  	s20 =	sor.u32 s30, s29  }
0x1da: {  	s20 =	sshrl.u32 s20, $0x3;
	s29 =	spop (v2sf);
	(v2sf) =	vpush v1, $0xA  }
0x1db: {  	s31 =	sadd.s32 $0xFFFFFB00, s23;
	s20 =	sadd.s32 s3, s20;
	s30 =	spop (v2sf);
	(v2sf) =	vpush v0, $0xA  }
0x1dc: {  	[tilespmem:s31], [sflag:$0x3] =	stream.linear.gather [hbm4b:s20+s2], $0x80, $0x38;
	[tilespmem:$0x10200] =	vst v63  }
0x1dd: {  	s20 =	sor.u32 s26, s22;
	s22 =	spop (v2sf);
	(v2sf) =	vpush v1, $0xB  }
0x1de: {  	s20 =	sshrl.u32 s20, $0x3  }
0x1df: {  	s28 =	sadd.s32 $0xFFFFFB80, s23;
	s20 =	sadd.s32 s3, s20;
	s26 =	spop (v2sf);
	(v2sf) =	vpush v0, $0xB  }
0x1e0: {  	[tilespmem:s28], [sflag:$0x3] =	stream.linear.gather [hbm4b:s20+s2], $0x80, $0x38;
	[tilespmem:$0x10200] =	vst v63  }
0x1e1: {  	s20 =	sor.u32 s30, s29  }
0x1e2: {  	s20 =	sshrl.u32 s20, $0x3  }
0x1e3: {  	s31 =	sadd.s32 $0xFFFFFC00, s23;
	s20 =	sadd.s32 s3, s20  }
0x1e4: {  	[tilespmem:s31], [sflag:$0x3] =	stream.linear.gather [hbm4b:s20+s2], $0x80, $0x38;
	[tilespmem:$0x10200] =	vst v63  }
0x1e5: {  	s20 =	sor.u32 s26, s22;
	s29 =	spop (v2sf);
	(v2sf) =	vpush v1, $0xC  }
0x1e6: {  	s20 =	sshrl.u32 s20, $0x3;
	s30 =	spop (v2sf);
	(v2sf) =	vpush v0, $0xC  }
0x1e7: {  	s28 =	sadd.s32 $0xFFFFFC80, s23;
	s20 =	sadd.s32 s3, s20  }
0x1e8: {  	[tilespmem:s28], [sflag:$0x3] =	stream.linear.gather [hbm4b:s20+s2], $0x80, $0x38;
	[tilespmem:$0x10200] =	vst v63  }
0x1e9: {  	s22 =	spop (v2sf);
	(v2sf) =	vpush v1, $0xD  }
0x1ea: {  	s20 =	sor.u32 s30, s29;
	s26 =	spop (v2sf);
	(v2sf) =	vpush v0, $0xD  }
0x1eb: {  	s20 =	sshrl.u32 s20, $0x3  }
0x1ec: {  	s31 =	sadd.s32 $0xFFFFFD00, s23;
	s20 =	sadd.s32 s3, s20;
	s29 =	spop (v2sf)  }
0x1ed: {  	(v2sf) =	vpush v1, $0xE;
	[tilespmem:s31], [sflag:$0x3] =	stream.linear.gather [hbm4b:s20+s2], $0x80, $0x38;
	[tilespmem:$0x10200] =	vst v63  }
0x1ee: {  	s30 =	spop (v2sf);
	(v2sf) =	vpush v0, $0xE  }
0x1ef: {  	s20 =	sor.u32 s26, s22  }
0x1f0: {  	s20 =	sshrl.u32 s20, $0x3  }
0x1f1: {  	s28 =	sadd.s32 $0xFFFFFD80, s23;
	s20 =	sadd.s32 s3, s20  }
0x1f2: {  	[tilespmem:s28], [sflag:$0x3] =	stream.linear.gather [hbm4b:s20+s2], $0x80, $0x38;
	[tilespmem:$0x10200] =	vst v63  }
0x1f3: {  	s20 =	sor.u32 s30, s29  }
0x1f4: {  	s20 =	sshrl.u32 s20, $0x3;
	s22 =	spop (v2sf);
	(v2sf) =	vpush v1, $0xF  }
0x1f5: {  	s31 =	sadd.s32 $0xFFFFFE00, s23;
	s20 =	sadd.s32 s3, s20;
	s26 =	spop (v2sf);
	(v2sf) =	vpush v0, $0xF  }
0x1f6: {  	[tilespmem:s31], [sflag:$0x3] =	stream.linear.gather [hbm4b:s20+s2], $0x80, $0x38;
	[tilespmem:$0x10200] =	vst v63  }
0x1f7: {  	s20 =	sor.u32 s26, s22  }
0x1f8: {  	s29 =	spop (v2sf);
	s20 =	sshrl.u32 s20, $0x3  }
0x1f9: {  	s28 =	sadd.s32 $0xFFFFFE80, s23;
	s30 =	spop (v2sf);
	s20 =	sadd.s32 s3, s20  }
0x1fa: {  	[tilespmem:s28], [sflag:$0x3] =	stream.linear.gather [hbm4b:s20+s2], $0x80, $0x38;
	[tilespmem:$0x10200] =	vst v63  }
0x1fb: {  	s20 =	sor.u32 s30, s29  }
0x1fc: {  	s26 =	spop (v2sf);
	s20 =	sshrl.u32 s20, $0x3  }
0x1fd: {  	s31 =	sadd.s32 $0xFFFFFF00, s23;
	s28 =	spop (v2sf);
	s20 =	sadd.s32 s3, s20  }
0x1fe: {  	[tilespmem:s31], [sflag:$0x3] =	stream.linear.gather [hbm4b:s20+s2], $0x80, $0x38;
	[tilespmem:$0x10200] =	vst v63  }
0x1ff: {  	s20 =	sor.u32 s28, s26  }
0x200: {  	s20 =	sshrl.u32 s20, $0x3  }
0x201: {  	s29 =	sadd.s32 $0xFFFFFF80, s23;
	s20 =	sadd.s32 s3, s20  }
0x202: {  	[tilespmem:s29], [sflag:$0x3] =	stream.linear.gather [hbm4b:s20+s2], $0x80, $0x38;
	[tilespmem:$0x10200] =	vst v63  }
0x203: {  	s24 =	sadd.s32 $0x2, s24;
	s30 =	spop (v2sf)  }
0x204: {  	p0 =	slt.u32 s24, $0x6;
	s31 =	spop (v2sf)  }
.Ltmp2:
0x205: {  	s20 =	sor.u32 s31, s30;
	(pc) =	sbr.rel @p0 .LBB2_5-.Ltmp2, $4  }
0x206: {  	s20 =	sshrl.u32 s20, $0x3  }
0x207: {  	s25 =	sadd.s32 $0x20, s25;
	s20 =	sadd.s32 s3, s20  }
0x208: {  	[tilespmem:s23], [sflag:$0x3] =	stream.linear.gather [hbm4b:s20+s2], $0x80, $0x38;
	[tilespmem:$0x10200] =	vst v63  }
0x209: {  	s22 =	simm.s32 $0x190;
	s23 =	sadd.s32 $0x1000, s23;
	s20 =	simm.s32 $0xD180  }
.LBB2_6:
0x20a: {  	v0 =	vld [tilespmem:s22+$0xFFFFFFF0];
	_ =	sdelay $0x4  }
0x20b: {  	v1 =	vshrl.u32 v0, $0x3  }
0x20c: {  	v0 =	vand.u32 $0x7, v0;
	v1 =	vshll.u32 v1, $0xA  }
0x20d: {  	v0 =	vshll.u32 v0, $0x7;
	(v2sf) =	vpush v1, $0x0  }
0x20e: {  	(v2sf) =	vpush v0, $0x0;
	_ =	sdelay $0x2  }
0x20f: {  	(v2sf) =	vpush v1, $0x1  }
0x210: {  	(v2sf) =	vpush v0, $0x1;
	_ =	sdelay $0x1  }
0x211: {  	(v2sf) =	vpush v1, $0x2;
	_ =	sdelay $0x1  }
0x212: {  	(v2sf) =	vpush v0, $0x2;
	_ =	sdelay $0x5  }
0x213: {  	s23 =	spop (v2sf);
	(v2sf) =	vpush v1, $0x3  }
0x214: {  	s24 =	spop (v2sf);
	(v2sf) =	vpush v0, $0x3;
	_ =	sdelay $0x2  }
0x215: {  	s30 =	spop (v2sf);
	(v2sf) =	vpush v1, $0x4  }
0x216: {  	s31 =	spop (v2sf);
	(v2sf) =	vpush v0, $0x4;
	_ =	sdelay $0x1  }
0x217: {  	s26 =	spop (v2sf);
	(v2sf) =	vpush v1, $0x5;
	_ =	sdelay $0x1  }
0x218: {  	s28 =	spop (v2sf);
	(v2sf) =	vpush v0, $0x5  }
0x219: {  	s23 =	sor.u32 s24, s23  }
0x21a: {  	s23 =	sshrl.u32 s23, $0x3  }
0x21b: {  	s29 =	sadd.s32 $0xFFFFF080, s20;
	s23 =	sadd.s32 s3, s23  }
0x21c: {  	[tilespmem:s29], [sflag:$0x4] =	stream.linear.gather [hbm4b:s23+s2], $0x80, $0x38;
	[tilespmem:$0x10200] =	vst v63  }
0x21d: {  	s23 =	sor.u32 s31, s30  }
0x21e: {  	s23 =	sshrl.u32 s23, $0x3;
	s30 =	spop (v2sf);
	(v2sf) =	vpush v1, $0x6  }
0x21f: {  	s25 =	sadd.s32 $0xFFFFF100, s20;
	s23 =	sadd.s32 s3, s23;
	s31 =	spop (v2sf);
	(v2sf) =	vpush v0, $0x6  }
0x220: {  	[tilespmem:s25], [sflag:$0x4] =	stream.linear.gather [hbm4b:s23+s2], $0x80, $0x38;
	[tilespmem:$0x10200] =	vst v63  }
0x221: {  	s23 =	sor.u32 s28, s26  }
0x222: {  	s23 =	sshrl.u32 s23, $0x3;
	s26 =	spop (v2sf);
	(v2sf) =	vpush v1, $0x7  }
0x223: {  	s29 =	sadd.s32 $0xFFFFF180, s20;
	s23 =	sadd.s32 s3, s23;
	s28 =	spop (v2sf);
	(v2sf) =	vpush v0, $0x7  }
0x224: {  	[tilespmem:s29], [sflag:$0x4] =	stream.linear.gather [hbm4b:s23+s2], $0x80, $0x38;
	[tilespmem:$0x10200] =	vst v63  }
0x225: {  	s23 =	sor.u32 s31, s30;
	s30 =	spop (v2sf);
	(v2sf) =	vpush v1, $0x8;
	_ =	sdelay $0x1  }
0x226: {  	s31 =	spop (v2sf);
	(v2sf) =	vpush v0, $0x8;
	_ =	sdelay $0x1  }
0x227: {  	s23 =	sshrl.u32 s23, $0x3  }
0x228: {  	s25 =	sadd.s32 $0xFFFFF200, s20;
	s23 =	sadd.s32 s3, s23  }
0x229: {  	[tilespmem:s25], [sflag:$0x4] =	stream.linear.gather [hbm4b:s23+s2], $0x80, $0x38;
	[tilespmem:$0x10200] =	vst v63  }
0x22a: {  	s23 =	sor.u32 s28, s26  }
0x22b: {  	s23 =	sshrl.u32 s23, $0x3;
	s26 =	spop (v2sf);
	(v2sf) =	vpush v1, $0x9  }
0x22c: {  	s29 =	sadd.s32 $0xFFFFF280, s20;
	s23 =	sadd.s32 s3, s23;
	s28 =	spop (v2sf);
	(v2sf) =	vpush v0, $0x9  }
0x22d: {  	[tilespmem:s29], [sflag:$0x4] =	stream.linear.gather [hbm4b:s23+s2], $0x80, $0x38;
	[tilespmem:$0x10200] =	vst v63  }
0x22e: {  	s23 =	sor.u32 s31, s30  }
0x22f: {  	s23 =	sshrl.u32 s23, $0x3;
	s30 =	spop (v2sf);
	(v2sf) =	vpush v1, $0xA  }
0x230: {  	s25 =	sadd.s32 $0xFFFFF300, s20;
	s23 =	sadd.s32 s3, s23;
	s31 =	spop (v2sf);
	(v2sf) =	vpush v0, $0xA  }
0x231: {  	[tilespmem:s25], [sflag:$0x4] =	stream.linear.gather [hbm4b:s23+s2], $0x80, $0x38;
	[tilespmem:$0x10200] =	vst v63  }
0x232: {  	s23 =	sor.u32 s28, s26;
	s26 =	spop (v2sf);
	(v2sf) =	vpush v1, $0xB  }
0x233: {  	s23 =	sshrl.u32 s23, $0x3  }
0x234: {  	s29 =	sadd.s32 $0xFFFFF380, s20;
	s23 =	sadd.s32 s3, s23;
	s28 =	spop (v2sf);
	(v2sf) =	vpush v0, $0xB  }
0x235: {  	[tilespmem:s29], [sflag:$0x4] =	stream.linear.gather [hbm4b:s23+s2], $0x80, $0x38;
	[tilespmem:$0x10200] =	vst v63  }
0x236: {  	s23 =	sor.u32 s31, s30  }
0x237: {  	s23 =	sshrl.u32 s23, $0x3  }
0x238: {  	s25 =	sadd.s32 $0xFFFFF400, s20;
	s23 =	sadd.s32 s3, s23  }
0x239: {  	[tilespmem:s25], [sflag:$0x4] =	stream.linear.gather [hbm4b:s23+s2], $0x80, $0x38;
	[tilespmem:$0x10200] =	vst v63  }
0x23a: {  	s23 =	sor.u32 s28, s26;
	s30 =	spop (v2sf);
	(v2sf) =	vpush v1, $0xC  }
0x23b: {  	s23 =	sshrl.u32 s23, $0x3;
	s31 =	spop (v2sf);
	(v2sf) =	vpush v0, $0xC  }
0x23c: {  	s29 =	sadd.s32 $0xFFFFF480, s20;
	s23 =	sadd.s32 s3, s23  }
0x23d: {  	[tilespmem:s29], [sflag:$0x4] =	stream.linear.gather [hbm4b:s23+s2], $0x80, $0x38;
	[tilespmem:$0x10200] =	vst v63  }
0x23e: {  	s26 =	spop (v2sf);
	(v2sf) =	vpush v1, $0xD  }
0x23f: {  	s23 =	sor.u32 s31, s30;
	s28 =	spop (v2sf);
	(v2sf) =	vpush v0, $0xD  }
0x240: {  	s23 =	sshrl.u32 s23, $0x3  }
0x241: {  	s25 =	sadd.s32 $0xFFFFF500, s20;
	s23 =	sadd.s32 s3, s23;
	s30 =	spop (v2sf)  }
0x242: {  	(v2sf) =	vpush v1, $0xE;
	[tilespmem:s25], [sflag:$0x4] =	stream.linear.gather [hbm4b:s23+s2], $0x80, $0x38;
	[tilespmem:$0x10200] =	vst v63  }
0x243: {  	s31 =	spop (v2sf);
	(v2sf) =	vpush v0, $0xE  }
0x244: {  	s23 =	sor.u32 s28, s26  }
0x245: {  	s23 =	sshrl.u32 s23, $0x3  }
0x246: {  	s29 =	sadd.s32 $0xFFFFF580, s20;
	s23 =	sadd.s32 s3, s23  }
0x247: {  	[tilespmem:s29], [sflag:$0x4] =	stream.linear.gather [hbm4b:s23+s2], $0x80, $0x38;
	[tilespmem:$0x10200] =	vst v63  }
0x248: {  	s23 =	sor.u32 s31, s30  }
0x249: {  	s23 =	sshrl.u32 s23, $0x3;
	s26 =	spop (v2sf);
	(v2sf) =	vpush v1, $0xF  }
0x24a: {  	s25 =	sadd.s32 $0xFFFFF600, s20;
	s23 =	sadd.s32 s3, s23;
	s28 =	spop (v2sf);
	(v2sf) =	vpush v0, $0xF  }
0x24b: {  	[tilespmem:s25], [sflag:$0x4] =	stream.linear.gather [hbm4b:s23+s2], $0x80, $0x38;
	[tilespmem:$0x10200] =	vst v63  }
0x24c: {  	s23 =	sor.u32 s28, s26  }
0x24d: {  	s30 =	spop (v2sf);
	s23 =	sshrl.u32 s23, $0x3  }
0x24e: {  	s29 =	sadd.s32 $0xFFFFF680, s20;
	s31 =	spop (v2sf);
	s23 =	sadd.s32 s3, s23  }
0x24f: {  	[tilespmem:s29], [sflag:$0x4] =	stream.linear.gather [hbm4b:s23+s2], $0x80, $0x38;
	[tilespmem:$0x10200] =	vst v63  }
0x250: {  	s23 =	sor.u32 s31, s30  }
0x251: {  	s26 =	spop (v2sf);
	s23 =	sshrl.u32 s23, $0x3  }
0x252: {  	s25 =	sadd.s32 $0xFFFFF700, s20;
	s28 =	spop (v2sf);
	s23 =	sadd.s32 s3, s23  }
0x253: {  	[tilespmem:s25], [sflag:$0x4] =	stream.linear.gather [hbm4b:s23+s2], $0x80, $0x38;
	[tilespmem:$0x10200] =	vst v63  }
0x254: {  	s23 =	sor.u32 s28, s26  }
0x255: {  	s23 =	sshrl.u32 s23, $0x3  }
0x256: {  	s29 =	sadd.s32 $0xFFFFF780, s20;
	s23 =	sadd.s32 s3, s23  }
0x257: {  	[tilespmem:s29], [sflag:$0x4] =	stream.linear.gather [hbm4b:s23+s2], $0x80, $0x38;
	[tilespmem:$0x10200] =	vst v63  }
0x258: {  	s30 =	spop (v2sf)  }
0x259: {  	s31 =	spop (v2sf)  }
0x25a: {  	s23 =	sor.u32 s31, s30  }
0x25b: {  	s23 =	sshrl.u32 s23, $0x3  }
0x25c: {  	s25 =	sadd.s32 $0xFFFFF800, s20;
	s23 =	sadd.s32 s3, s23  }
0x25d: {  	[tilespmem:s25], [sflag:$0x4] =	stream.linear.gather [hbm4b:s23+s2], $0x80, $0x38;
	[tilespmem:$0x10200] =	vst v63  }
0x25e: {  	v62 =	vld [tilespmem:s22+$0x0];
	_ =	sdelay $0x4  }
0x25f: {  	v63 =	vshrl.u32 v62, $0x3  }
0x260: {  	v0 =	vand.u32 $0x7, v62;
	v1 =	vshll.u32 v63, $0xA  }
0x261: {  	v0 =	vshll.u32 v0, $0x7;
	(v2sf) =	vpush v1, $0x0  }
0x262: {  	(v2sf) =	vpush v0, $0x0;
	_ =	sdelay $0x2  }
0x263: {  	(v2sf) =	vpush v1, $0x1  }
0x264: {  	(v2sf) =	vpush v0, $0x1;
	_ =	sdelay $0x1  }
0x265: {  	(v2sf) =	vpush v1, $0x2;
	_ =	sdelay $0x1  }
0x266: {  	(v2sf) =	vpush v0, $0x2;
	_ =	sdelay $0x5  }
0x267: {  	s26 =	spop (v2sf);
	(v2sf) =	vpush v1, $0x3  }
0x268: {  	s28 =	spop (v2sf);
	(v2sf) =	vpush v0, $0x3;
	_ =	sdelay $0x2  }
0x269: {  	s30 =	spop (v2sf);
	(v2sf) =	vpush v1, $0x4  }
0x26a: {  	s31 =	spop (v2sf);
	(v2sf) =	vpush v0, $0x4;
	_ =	sdelay $0x1  }
0x26b: {  	s23 =	sor.u32 s28, s26;
	s26 =	spop (v2sf);
	(v2sf) =	vpush v1, $0x5;
	_ =	sdelay $0x1  }
0x26c: {  	s28 =	spop (v2sf);
	(v2sf) =	vpush v0, $0x5;
	_ =	sdelay $0x1  }
0x26d: {  	s23 =	sshrl.u32 s23, $0x3  }
0x26e: {  	s29 =	sadd.s32 $0xFFFFF880, s20;
	s23 =	sadd.s32 s3, s23  }
0x26f: {  	[tilespmem:s29], [sflag:$0x4] =	stream.linear.gather [hbm4b:s23+s2], $0x80, $0x38;
	[tilespmem:$0x10200] =	vst v63  }
0x270: {  	s23 =	sor.u32 s31, s30  }
0x271: {  	s23 =	sshrl.u32 s23, $0x3;
	s30 =	spop (v2sf);
	(v2sf) =	vpush v1, $0x6  }
0x272: {  	s25 =	sadd.s32 $0xFFFFF900, s20;
	s23 =	sadd.s32 s3, s23;
	s31 =	spop (v2sf);
	(v2sf) =	vpush v0, $0x6  }
0x273: {  	[tilespmem:s25], [sflag:$0x4] =	stream.linear.gather [hbm4b:s23+s2], $0x80, $0x38;
	[tilespmem:$0x10200] =	vst v63  }
0x274: {  	s23 =	sor.u32 s28, s26  }
0x275: {  	s23 =	sshrl.u32 s23, $0x3;
	s26 =	spop (v2sf);
	(v2sf) =	vpush v1, $0x7  }
0x276: {  	s29 =	sadd.s32 $0xFFFFF980, s20;
	s23 =	sadd.s32 s3, s23;
	s28 =	spop (v2sf);
	(v2sf) =	vpush v0, $0x7  }
0x277: {  	[tilespmem:s29], [sflag:$0x4] =	stream.linear.gather [hbm4b:s23+s2], $0x80, $0x38;
	[tilespmem:$0x10200] =	vst v63  }
0x278: {  	s23 =	sor.u32 s31, s30;
	s30 =	spop (v2sf);
	(v2sf) =	vpush v1, $0x8;
	_ =	sdelay $0x1  }
0x279: {  	s31 =	spop (v2sf);
	(v2sf) =	vpush v0, $0x8;
	_ =	sdelay $0x1  }
0x27a: {  	s23 =	sshrl.u32 s23, $0x3  }
0x27b: {  	s25 =	sadd.s32 $0xFFFFFA00, s20;
	s23 =	sadd.s32 s3, s23  }
0x27c: {  	[tilespmem:s25], [sflag:$0x4] =	stream.linear.gather [hbm4b:s23+s2], $0x80, $0x38;
	[tilespmem:$0x10200] =	vst v63  }
0x27d: {  	s23 =	sor.u32 s28, s26  }
0x27e: {  	s23 =	sshrl.u32 s23, $0x3;
	s26 =	spop (v2sf);
	(v2sf) =	vpush v1, $0x9  }
0x27f: {  	s29 =	sadd.s32 $0xFFFFFA80, s20;
	s23 =	sadd.s32 s3, s23;
	s28 =	spop (v2sf);
	(v2sf) =	vpush v0, $0x9  }
0x280: {  	[tilespmem:s29], [sflag:$0x4] =	stream.linear.gather [hbm4b:s23+s2], $0x80, $0x38;
	[tilespmem:$0x10200] =	vst v63  }
0x281: {  	s23 =	sor.u32 s31, s30  }
0x282: {  	s23 =	sshrl.u32 s23, $0x3;
	s30 =	spop (v2sf);
	(v2sf) =	vpush v1, $0xA  }
0x283: {  	s25 =	sadd.s32 $0xFFFFFB00, s20;
	s23 =	sadd.s32 s3, s23;
	s31 =	spop (v2sf);
	(v2sf) =	vpush v0, $0xA  }
0x284: {  	[tilespmem:s25], [sflag:$0x4] =	stream.linear.gather [hbm4b:s23+s2], $0x80, $0x38;
	[tilespmem:$0x10200] =	vst v63  }
0x285: {  	s23 =	sor.u32 s28, s26;
	s26 =	spop (v2sf);
	(v2sf) =	vpush v1, $0xB  }
0x286: {  	s23 =	sshrl.u32 s23, $0x3  }
0x287: {  	s29 =	sadd.s32 $0xFFFFFB80, s20;
	s23 =	sadd.s32 s3, s23;
	s28 =	spop (v2sf);
	(v2sf) =	vpush v0, $0xB  }
0x288: {  	[tilespmem:s29], [sflag:$0x4] =	stream.linear.gather [hbm4b:s23+s2], $0x80, $0x38;
	[tilespmem:$0x10200] =	vst v63  }
0x289: {  	s23 =	sor.u32 s31, s30  }
0x28a: {  	s23 =	sshrl.u32 s23, $0x3  }
0x28b: {  	s25 =	sadd.s32 $0xFFFFFC00, s20;
	s23 =	sadd.s32 s3, s23  }
0x28c: {  	[tilespmem:s25], [sflag:$0x4] =	stream.linear.gather [hbm4b:s23+s2], $0x80, $0x38;
	[tilespmem:$0x10200] =	vst v63  }
0x28d: {  	s23 =	sor.u32 s28, s26;
	s30 =	spop (v2sf);
	(v2sf) =	vpush v1, $0xC  }
0x28e: {  	s23 =	sshrl.u32 s23, $0x3;
	s31 =	spop (v2sf);
	(v2sf) =	vpush v0, $0xC  }
0x28f: {  	s29 =	sadd.s32 $0xFFFFFC80, s20;
	s23 =	sadd.s32 s3, s23  }
0x290: {  	[tilespmem:s29], [sflag:$0x4] =	stream.linear.gather [hbm4b:s23+s2], $0x80, $0x38;
	[tilespmem:$0x10200] =	vst v63  }
0x291: {  	s26 =	spop (v2sf);
	(v2sf) =	vpush v1, $0xD  }
0x292: {  	s23 =	sor.u32 s31, s30;
	s28 =	spop (v2sf);
	(v2sf) =	vpush v0, $0xD  }
0x293: {  	s23 =	sshrl.u32 s23, $0x3  }
0x294: {  	s25 =	sadd.s32 $0xFFFFFD00, s20;
	s23 =	sadd.s32 s3, s23;
	s30 =	spop (v2sf)  }
0x295: {  	(v2sf) =	vpush v1, $0xE;
	[tilespmem:s25], [sflag:$0x4] =	stream.linear.gather [hbm4b:s23+s2], $0x80, $0x38;
	[tilespmem:$0x10200] =	vst v63  }
0x296: {  	s31 =	spop (v2sf);
	(v2sf) =	vpush v0, $0xE  }
0x297: {  	s23 =	sor.u32 s28, s26  }
0x298: {  	s23 =	sshrl.u32 s23, $0x3  }
0x299: {  	s29 =	sadd.s32 $0xFFFFFD80, s20;
	s23 =	sadd.s32 s3, s23  }
0x29a: {  	[tilespmem:s29], [sflag:$0x4] =	stream.linear.gather [hbm4b:s23+s2], $0x80, $0x38;
	[tilespmem:$0x10200] =	vst v63  }
0x29b: {  	s23 =	sor.u32 s31, s30  }
0x29c: {  	s23 =	sshrl.u32 s23, $0x3;
	s26 =	spop (v2sf);
	(v2sf) =	vpush v1, $0xF  }
0x29d: {  	s25 =	sadd.s32 $0xFFFFFE00, s20;
	s23 =	sadd.s32 s3, s23;
	s28 =	spop (v2sf);
	(v2sf) =	vpush v0, $0xF  }
0x29e: {  	[tilespmem:s25], [sflag:$0x4] =	stream.linear.gather [hbm4b:s23+s2], $0x80, $0x38;
	[tilespmem:$0x10200] =	vst v63  }
0x29f: {  	s23 =	sor.u32 s28, s26  }
0x2a0: {  	s30 =	spop (v2sf);
	s23 =	sshrl.u32 s23, $0x3  }
0x2a1: {  	s29 =	sadd.s32 $0xFFFFFE80, s20;
	s31 =	spop (v2sf);
	s23 =	sadd.s32 s3, s23  }
0x2a2: {  	[tilespmem:s29], [sflag:$0x4] =	stream.linear.gather [hbm4b:s23+s2], $0x80, $0x38;
	[tilespmem:$0x10200] =	vst v63  }
0x2a3: {  	s23 =	sor.u32 s31, s30  }
0x2a4: {  	s26 =	spop (v2sf);
	s23 =	sshrl.u32 s23, $0x3  }
0x2a5: {  	s25 =	sadd.s32 $0xFFFFFF00, s20;
	s28 =	spop (v2sf);
	s23 =	sadd.s32 s3, s23  }
0x2a6: {  	[tilespmem:s25], [sflag:$0x4] =	stream.linear.gather [hbm4b:s23+s2], $0x80, $0x38;
	[tilespmem:$0x10200] =	vst v63  }
0x2a7: {  	s23 =	sor.u32 s28, s26  }
0x2a8: {  	s23 =	sshrl.u32 s23, $0x3  }
0x2a9: {  	s29 =	sadd.s32 $0xFFFFFF80, s20;
	s23 =	sadd.s32 s3, s23  }
0x2aa: {  	[tilespmem:s29], [sflag:$0x4] =	stream.linear.gather [hbm4b:s23+s2], $0x80, $0x38;
	[tilespmem:$0x10200] =	vst v63  }
0x2ab: {  	s21 =	sadd.s32 $0x2, s21;
	s30 =	spop (v2sf)  }
0x2ac: {  	p0 =	slt.u32 s21, $0x6;
	s31 =	spop (v2sf)  }
.Ltmp3:
0x2ad: {  	s23 =	sor.u32 s31, s30;
	(pc) =	sbr.rel @p0 .LBB2_6-.Ltmp3, $4  }
0x2ae: {  	s23 =	sshrl.u32 s23, $0x3  }
0x2af: {  	s23 =	sadd.s32 s3, s23  }
0x2b0: {  	[tilespmem:s20], [sflag:$0x4] =	stream.linear.gather [hbm4b:s23+s2], $0x80, $0x38;
	[tilespmem:$0x10200] =	vst v63  }
0x2b1: {  	s22 =	sadd.s32 $0x20, s22;
	s20 =	sadd.s32 $0x1000, s20  }
0x2b2: {  	_ =	swait.ge [sflag:s11], $0x4000  }
0x2b3: {  	[sflag:s11] =	ssyncset.done $0x0  }
0x2b4: {  	[sflag:s11] =	ssyncadd.s32 $0xFFFFC000  }
0x2b5: {  	[hbm4b:s4+s2] =	stream.linear.scatter [tilespmem:s12], [sflag:$0x5], $0x4000, $0x38;
	[tilespmem:$0x10200] =	vst v63  }
0x2b6: {  	_ =	swait.ge [sflag:s10], $0x4000  }
0x2b7: {  	[sflag:s10] =	ssyncset.done $0x0  }
0x2b8: {  	[sflag:s10] =	ssyncadd.s32 $0xFFFFC000  }
0x2b9: {  	_ =	swait.ge [sflag:s13], $0x4000  }
0x2ba: {  	[sflag:s13] =	ssyncset.done $0x0  }
0x2bb: {  	[sflag:s13] =	ssyncadd.s32 $0xFFFFC000  }
0x2bc: {  	[hbm4b:s6+s2] =	stream.linear.scatter [tilespmem:s14], [sflag:$0x5], $0x4000, $0x38;
	[tilespmem:$0x10200] =	vst v63  }
0x2bd: {  	_ =	swait.ge [sflag:s10], $0x4000  }
0x2be: {  	[sflag:s10] =	ssyncset.done $0x0  }
0x2bf: {  	[sflag:s10] =	ssyncadd.s32 $0xFFFFC000  }
0x2c0: {  	_ =	swait.ge [sflag:s15], $0x4000  }
0x2c1: {  	[sflag:s15] =	ssyncset.done $0x0  }
0x2c2: {  	[sflag:s15] =	ssyncadd.s32 $0xFFFFC000  }
0x2c3: {  	[hbm4b:s7+s2] =	stream.linear.scatter [tilespmem:s16], [sflag:$0x5], $0x4000, $0x38;
	[tilespmem:$0x10200] =	vst v63  }
0x2c4: {  	_ =	swait.ge [sflag:s10], $0x4000  }
0x2c5: {  	[sflag:s10] =	ssyncset.done $0x0  }
0x2c6: {  	[sflag:s10] =	ssyncadd.s32 $0xFFFFC000  }
0x2c7: {  	s19 =	sadd.s32 $0x1, s19;
	_ =	swait.ge [sflag:s17], $0x4000  }
0x2c8: {  	p0 =	sne.s32 s19, s9;
	[sflag:s17] =	ssyncset.done $0x0  }
.Ltmp4:
0x2c9: {  	[sflag:s17] =	ssyncadd.s32 $0xFFFFC000;
	(pc) =	sbr.rel @p0 .LBB2_1-.Ltmp4, $4  }
0x2ca: {  	[hbm4b:s8+s2] =	stream.linear.scatter [tilespmem:s18], [sflag:$0x5], $0x4000, $0x38;
	[tilespmem:$0x10200] =	vst v63  }
0x2cb: {  	_ =	swait.ge [sflag:s10], $0x4000  }
0x2cc: {  	[sflag:s10] =	ssyncset.done $0x0  }
0x2cd: {  	[sflag:s10] =	ssyncadd.s32 $0xFFFFC000  }
0x2ce: {  	_ =	sfence.sel $0x180000  }
0x2cf: {  	[bflag:$0x0] =	sbarrier.arrive $0xFFFF  }
0x2d0: {  	p0 =	sne.s32 s1, $0x0;
	_ =	strace $0x90000047  }
0x2d1: {  	s0 =	sadd.s32 @!p0 $0x100000, s0;
	[bflag:$0x2] =	sbarrier.arrive $0xFFFF  }
0x2d2: {  	[sflag:s0] =	ssyncadd.tile.s32 @!p0 $0x1;
	_ =	shalt  }
.Lfunc_end2:
_tile_overlayer_lowered:
.L_overlay_start_2:
0x2d3: {  	(tag) =	ssettag $0x2  }
0x2d4: {  	s0 =	rddreg [dreg:$0x0];
	s2 =	stileid.u32  }
0x2d5: {  	s1 =	rddreg [dreg:$0x1];
	p0 =	sne.s32 s2, $0x0  }
0x2d6: {  	s3 =	rddreg [dreg:$0x2];
	[bflag:$0x3] =	sbarrier.arrive $0xFFFF;
	s2 =	simm.s32 @!p0 $0x1C05  }
0x2d7: {  	[timem:s3], [sflag:s2] =	dma.local @!p0 [hbm:s0], s1  }
0x2d8: {  	s0 =	simm.s32 @!p0 $0x5  }
0x2d9: {  	_ =	swait.ge @!p0 [sflag:s0], s1  }
0x2da: {  	s1 =	ssub.s32 @!p0 $0x0, s1;
	[sflag:s0] =	ssyncset.done @!p0 $0x0  }
0x2db: {  	[sflag:s0] =	ssyncadd.s32 @!p0 s1  }
0x2dc: {  	[bflag:$0x3] =	sbarrier.arrive $0xFFFF  }
0x2dd: {  	_ =	shalt  }

</sc_bundles>
